<compile_context>
chip_gen: v7x
topology: tpu7x:2x2x1
jax: 0.10.2.dev20260603
libtpu: 0.0.44.dev20260713+nightly
codegen_flags: <defaults>
</compile_context>

<pallas_src>
import jax
import jax.numpy as jnp
from jax import lax
from jax.experimental import pallas as pl
from jax.experimental.pallas import tpu as pltpu
from jax.experimental.pallas import tpu_sc as plsc

N_COLS = 1600000
N_ROWS = 16
CHUNK = 32768
GRID = 49
N_PAD = GRID * CHUNK
PAD = N_PAD - N_COLS
NBINS = 256
TOP_K = 80000.0

NWORKERS = 32
WSPAN = N_PAD // NWORKERS
NCHUNKS = 2
WCHUNK = WSPAN // NCHUNKS
WSTRIDE = NWORKERS * WCHUNK


def _k1_body(att_ref, alpha_ref, stat_ref, s_ref, e_ref, m_ref):
    i = pl.program_id(0)

    @pl.when(i == 0)
    def _init():
        s_ref[...] = jnp.zeros_like(s_ref)
        e_ref[...] = jnp.zeros_like(e_ref)
        m_ref[...] = jnp.zeros_like(m_ref)

    a = att_ref[...]
    ones16 = jnp.full((1, N_ROWS), 1.0 / N_ROWS, jnp.float32)
    alpha = jax.lax.dot_general(
        ones16, a, (((1,), (0,)), ((), ())),
        preferred_element_type=jnp.float32)
    last = i == GRID - 1
    col = jax.lax.broadcasted_iota(jnp.int32, (1, CHUNK), 1)
    valid = jnp.logical_or(jnp.logical_not(last), col < N_COLS - (GRID - 1) * CHUNK)
    alpha_m = jnp.where(valid, alpha, 0.0)
    alpha_ref[...] = jnp.where(valid, alpha, -1.0).reshape(CHUNK)

    s_ref[...] += jnp.sum(alpha_m, axis=1, keepdims=True)
    e_ref[...] += jnp.sum(alpha_m * jnp.log(alpha_m + 1e-20), axis=1,
                          keepdims=True)
    m_ref[...] = jnp.maximum(m_ref[...], jnp.max(alpha_m, axis=1,
                                                 keepdims=True))

    @pl.when(i == GRID - 1)
    def _fin():
        c = jax.lax.broadcasted_iota(jnp.int32, (1, 128), 1)
        stat_ref[...] = (jnp.where(c == 0, s_ref[0, 0], 0.0)
                         + jnp.where(c == 1, e_ref[0, 0], 0.0)
                         + jnp.where(c == 2, m_ref[0, 0], 0.0))


def _k1(attention):
    return pl.pallas_call(
        _k1_body,
        grid=(GRID,),
        in_specs=[pl.BlockSpec((N_ROWS, CHUNK), lambda i: (0, i))],
        out_specs=[
            pl.BlockSpec((CHUNK,), lambda i: (i,)),
            pl.BlockSpec((1, 128), lambda i: (0, 0)),
        ],
        out_shape=[
            jax.ShapeDtypeStruct((N_PAD,), jnp.float32),
            jax.ShapeDtypeStruct((1, 128), jnp.float32),
        ],
        scratch_shapes=[
            pltpu.VMEM((1, 1), jnp.float32),
            pltpu.VMEM((1, 1), jnp.float32),
            pltpu.VMEM((1, 1), jnp.float32),
        ],
    )(attention)


def _k2_body(alpha_hbm, out_hbm, buf0, buf1, hist_ref, sem0, sem1):
    wid = lax.axis_index("s") * 2 + lax.axis_index("c")
    ones = jnp.ones((16,), jnp.float32)
    zeros = jnp.zeros((16,), jnp.float32)
    lane = jax.lax.broadcasted_iota(jnp.int32, (16,), 0)
    for z in range(16 * 2 * NBINS // 16):
        hist_ref[pl.ds(z * 16, 16)] = zeros

    bufs = [buf0, buf1]
    sems = [sem0, sem1]
    cp = pltpu.async_copy(alpha_hbm.at[pl.ds(wid * WCHUNK, WCHUNK)],
                          buf0, sem0)

    for g in range(NCHUNKS):
        if g + 1 < NCHUNKS:
            base = wid * WCHUNK + (g + 1) * WSTRIDE
            nxt = pltpu.async_copy(
                alpha_hbm.at[pl.ds(base, WCHUNK)],
                bufs[(g + 1) % 2], sems[(g + 1) % 2])
        cp.wait()
        buf = bufs[g % 2]

        def body(j, carry):
            off = pl.multiple_of(j * 16, 16)
            v = buf[pl.ds(off, 16)]
            idx = jnp.clip((v * float(NBINS)).astype(jnp.int32),
                           0, NBINS - 1) * 16 + lane
            plsc.addupdate_scatter(hist_ref, [idx], ones)
            plsc.addupdate_scatter(hist_ref, [idx + 16 * NBINS], v)
            return carry

        lax.fori_loop(0, WCHUNK // 16, body, 0, unroll=16)
        if g + 1 < NCHUNKS:
            cp = nxt

    pltpu.sync_copy(hist_ref, out_hbm.at[wid])


def _k2(alpha_flat):
    mesh = plsc.VectorSubcoreMesh(core_axis_name="c", subcore_axis_name="s")
    run = pl.kernel(
        _k2_body,
        mesh=mesh,
        out_type=jax.ShapeDtypeStruct((NWORKERS, 16 * 2 * NBINS),
                                      jnp.float32),
        scratch_types=[
            pltpu.VMEM((WCHUNK,), jnp.float32),
            pltpu.VMEM((WCHUNK,), jnp.float32),
            pltpu.VMEM((16 * 2 * NBINS,), jnp.float32),
            pltpu.SemaphoreType.DMA,
            pltpu.SemaphoreType.DMA,
        ],
        compiler_params=pltpu.CompilerParams(needs_layout_passes=False),
    )
    return run(alpha_flat)


def _k3_body(hist_ref, stat_ref, wt_ref, b_ref, out_ref):
    h = hist_ref[...]
    hsum = jnp.sum(h, axis=0, keepdims=True)
    cnt_raw = hsum[:, 0:16 * NBINS]
    sm_raw = hsum[:, 16 * NBINS:2 * 16 * NBINS]
    jr = jax.lax.broadcasted_iota(jnp.int32, (16 * NBINS, NBINS), 0)
    jb = jax.lax.shift_right_logical(jr, 4)
    jc = jax.lax.broadcasted_iota(jnp.int32, (16 * NBINS, NBINS), 1)
    fold = (jb == jc).astype(jnp.float32)
    lin = jax.lax.broadcasted_iota(jnp.int32, (1, NBINS), 1).astype(
        jnp.float32)
    cnt = (jax.lax.dot_general(cnt_raw, fold, (((1,), (0,)), ((), ())),
                               preferred_element_type=jnp.float32)
           - jnp.where(lin == 0.0, float(PAD), 0.0))
    sm = (jax.lax.dot_general(sm_raw, fold, (((1,), (0,)), ((), ())),
                              preferred_element_type=jnp.float32)
          + jnp.where(lin == 0.0, float(PAD), 0.0))

    rr = jax.lax.broadcasted_iota(jnp.int32, (NBINS, NBINS), 0).astype(
        jnp.float32)
    cc = jax.lax.broadcasted_iota(jnp.int32, (NBINS, NBINS), 1).astype(
        jnp.float32)
    lower_strict = (rr < cc).astype(jnp.float32)
    prefix_excl = jax.lax.dot_general(
        cnt, lower_strict, (((1,), (0,)), ((), ())),
        preferred_element_type=jnp.float32)
    count_ge = float(N_COLS) - prefix_excl
    bsel = jnp.max(jnp.where(count_ge >= TOP_K, lin, -1.0))
    selmask = (lin == bsel).astype(jnp.float32)
    cnt_b = jnp.sum(selmask * cnt)
    sum_b = jnp.sum(selmask * sm)
    above = (lin > bsel).astype(jnp.float32)
    cnt_above = jnp.sum(above * cnt)
    sum_above = jnp.sum(above * sm)
    mean_b = sum_b / jnp.maximum(cnt_b, 1.0)
    topk_alpha = sum_above + (TOP_K - cnt_above) * mean_b

    s = stat_ref[0, 0]
    sp = s + 1e-12
    entropy = jnp.log(sp) * (s / sp) - stat_ref[0, 1] / sp
    top_mass = topk_alpha / sp
    mean_alpha = s / float(N_COLS)
    max_alpha = stat_ref[0, 2]

    wt = wt_ref[...]
    logits = (entropy * wt[0:1, :]
              + top_mass * wt[1:2, :]
              + mean_alpha * wt[2:3, :]
              + max_alpha * wt[3:4, :]
              + float(N_COLS) * wt[4:5, :]
              + b_ref[...])
    out_ref[...] = logits


def _k3(hist, stats, wt, b2):
    return pl.pallas_call(
        _k3_body,
        out_shape=jax.ShapeDtypeStruct((1, 16), jnp.float32),
    )(hist, stats, wt, b2)


@jax.jit
def kernel(attention, W, b):
    wt = jnp.zeros((8, 16), jnp.float32).at[:5, :14].set(W.T)
    b2 = jnp.zeros((1, 16), jnp.float32).at[0, :14].set(b)
    alpha, stats = _k1(attention)
    hist = _k2(alpha)
    out = _k3(hist, stats, wt, b2)
    return out[0, :14]

# --- scband reference (transcript-rebuilt; emitter-appended) ---
"""Pipeline reference for scband-mitreattack-mapper-953482740301 (READ-ONLY COPY).

The authoritative reference and input builder live on the scoring server;
editing this copy changes nothing except your own understanding.
"""

import jax, jax.numpy as jnp
import numpy as np

SUMMARY_DIM = 5
NUM_STAGES = 14


def setup_inputs(seed: int = 0) -> dict:
    key = jax.random.key(seed)
    k1, k2, k3 = jax.random.split(key, 3)
    attention = jax.random.uniform(k1, (16, 1600000), dtype=jnp.float32)
    # Learned parameters of the nn.Linear(5, 14) head
    W = jax.random.normal(k2, (NUM_STAGES, SUMMARY_DIM), dtype=jnp.float32) * 0.1
    b = jax.random.normal(k3, (NUM_STAGES,), dtype=jnp.float32) * 0.01
    return {"attention": attention, "W": W, "b": b}


def reference(attention, W, b):
    # summarize()
    if attention.ndim == 2:
        alpha = attention.mean(0)
    else:
        alpha = attention.reshape(-1)
    p = alpha / (alpha.sum() + 1e-12)
    entropy = -(p * jnp.log(p + 1e-12)).sum()
    n = alpha.shape[0]
    top_k = max(1, int(0.05 * n))
    top_vals, _ = jax.lax.top_k(p, top_k)
    top_mass = top_vals.sum()
    summary = jnp.stack([
        entropy,
        top_mass,
        alpha.mean(),
        alpha.max(),
        jnp.asarray(float(n), dtype=jnp.float32),
    ])
    # head: logits = W @ summary + b
    logits = W @ summary + b
    return logits

if __name__ == "__main__":
    import jax
    _d = setup_inputs()
    print(jax.jit(kernel)(*tuple(_d.values())))

</pallas_src>

<mosaic_0001>
#map = affine_map<(d0, d1) -> (0)>
#map1 = affine_map<(d0, d1) -> (0, 0)>
module attributes {stable_mosaic.version = 14 : i64} {
  func.func @_k2_body(%arg0: i32, %arg1: i32, %arg2: memref<1605632xf32, #tpu.memory_space<hbm>>, %arg3: memref<32x8192xf32, #tpu.memory_space<hbm>>, %arg4: memref<25088xf32, #tpu.memory_space<vmem>>, %arg5: memref<25088xf32, #tpu.memory_space<vmem>>, %arg6: memref<8192xf32, #tpu.memory_space<vmem>>, %arg7: memref<!tpu.dma_semaphore, #tpu.memory_space<semaphore_mem>>, %arg8: memref<!tpu.dma_semaphore, #tpu.memory_space<semaphore_mem>>) attributes {dimension_semantics = [#tpu.dimension_semantics<core_parallel>, #tpu.dimension_semantics<subcore_parallel>], iteration_bounds = array<i64: 2, 16>, scalar_prefetch = 0 : i64, scratch_operands = 5 : i64, tpu.core_type = #tpu.core_type<sc_vector_subcore>, window_params = [{transform_indices = #map}, {transform_indices = #map1}]} {
    %mul3A = arith.constant 2 : i32
    %mul3A_0 = arith.muli %arg1, %mul3A : i32
    %add3A = arith.addi %mul3A_0, %arg0 : i32
    %broadcast_in_dim3A = arith.constant 1.000000e+00 : f32
    %broadcast_in_dim3A_1 = vector.broadcast %broadcast_in_dim3A : f32 to vector<16xf32>
    %broadcast_in_dim3A_2 = arith.constant 0.000000e+00 : f32
    %broadcast_in_dim3A_3 = vector.broadcast %broadcast_in_dim3A_2 : f32 to vector<16xf32>
    %iota3A = tpu.iota {dimensions = array<i32: 0>} : vector<16xi32>
    %swap3A = arith.constant 0 : index
    %swap3A_4 = tpu.vector_load %arg6[%swap3A] {strides = array<i32>} : memref<8192xf32, #tpu.memory_space<vmem>>, vector<16xf32>,
    tpu.vector_store %arg6[%swap3A], %broadcast_in_dim3A_3 {strides = array<i32>} : memref<8192xf32, #tpu.memory_space<vmem>>, vector<16xf32>,
    %swap3A_5 = arith.constant 16 : index
    %swap3A_6 = tpu.vector_load %arg6[%swap3A_5] {strides = array<i32>} : memref<8192xf32, #tpu.memory_space<vmem>>, vector<16xf32>,
    tpu.vector_store %arg6[%swap3A_5], %broadcast_in_dim3A_3 {strides = array<i32>} : memref<8192xf32, #tpu.memory_space<vmem>>, vector<16xf32>,
    %swap3A_7 = arith.constant 32 : index
    %swap3A_8 = tpu.vector_load %arg6[%swap3A_7] {strides = array<i32>} : memref<8192xf32, #tpu.memory_space<vmem>>, vector<16xf32>,
    tpu.vector_store %arg6[%swap3A_7], %broadcast_in_dim3A_3 {strides = array<i32>} : memref<8192xf32, #tpu.memory_space<vmem>>, vector<16xf32>,
    %swap3A_9 = arith.constant 48 : index
    %swap3A_10 = tpu.vector_load %arg6[%swap3A_9] {strides = array<i32>} : memref<8192xf32, #tpu.memory_space<vmem>>, vector<16xf32>,
    tpu.vector_store %arg6[%swap3A_9], %broadcast_in_dim3A_3 {strides = array<i32>} : memref<8192xf32, #tpu.memory_space<vmem>>, vector<16xf32>,
    %swap3A_11 = arith.constant 64 : index
    %swap3A_12 = tpu.vector_load %arg6[%swap3A_11] {strides = array<i32>} : memref<8192xf32, #tpu.memory_space<vmem>>, vector<16xf32>,
    tpu.vector_store %arg6[%swap3A_11], %broadcast_in_dim3A_3 {strides = array<i32>} : memref<8192xf32, #tpu.memory_space<vmem>>, vector<16xf32>,
    %swap3A_13 = arith.constant 80 : index
    %swap3A_14 = tpu.vector_load %arg6[%swap3A_13] {strides = array<i32>} : memref<8192xf32, #tpu.memory_space<vmem>>, vector<16xf32>,
    tpu.vector_store %arg6[%swap3A_13], %broadcast_in_dim3A_3 {strides = array<i32>} : memref<8192xf32, #tpu.memory_space<vmem>>, vector<16xf32>,
    %swap3A_15 = arith.constant 96 : index
    %swap3A_16 = tpu.vector_load %arg6[%swap3A_15] {strides = array<i32>} : memref<8192xf32, #tpu.memory_space<vmem>>, vector<16xf32>,
    tpu.vector_store %arg6[%swap3A_15], %broadcast_in_dim3A_3 {strides = array<i32>} : memref<8192xf32, #tpu.memory_space<vmem>>, vector<16xf32>,
    %swap3A_17 = arith.constant 112 : index
    %swap3A_18 = tpu.vector_load %arg6[%swap3A_17] {strides = array<i32>} : memref<8192xf32, #tpu.memory_space<vmem>>, vector<16xf32>,
    tpu.vector_store %arg6[%swap3A_17], %broadcast_in_dim3A_3 {strides = array<i32>} : memref<8192xf32, #tpu.memory_space<vmem>>, vector<16xf32>,
    %swap3A_19 = arith.constant 128 : index
    %swap3A_20 = tpu.vector_load %arg6[%swap3A_19] {strides = array<i32>} : memref<8192xf32, #tpu.memory_space<vmem>>, vector<16xf32>,
    tpu.vector_store %arg6[%swap3A_19], %broadcast_in_dim3A_3 {strides = array<i32>} : memref<8192xf32, #tpu.memory_space<vmem>>, vector<16xf32>,
    %swap3A_21 = arith.constant 144 : index
    %swap3A_22 = tpu.vector_load %arg6[%swap3A_21] {strides = array<i32>} : memref<8192xf32, #tpu.memory_space<vmem>>, vector<16xf32>,
    tpu.vector_store %arg6[%swap3A_21], %broadcast_in_dim3A_3 {strides = array<i32>} : memref<8192xf32, #tpu.memory_space<vmem>>, vector<16xf32>,
    %swap3A_23 = arith.constant 160 : index
    %swap3A_24 = tpu.vector_load %arg6[%swap3A_23] {strides = array<i32>} : memref<8192xf32, #tpu.memory_space<vmem>>, vector<16xf32>,
    tpu.vector_store %arg6[%swap3A_23], %broadcast_in_dim3A_3 {strides = array<i32>} : memref<8192xf32, #tpu.memory_space<vmem>>, vector<16xf32>,
    %swap3A_25 = arith.constant 176 : index
    %swap3A_26 = tpu.vector_load %arg6[%swap3A_25] {strides = array<i32>} : memref<8192xf32, #tpu.memory_space<vmem>>, vector<16xf32>,
    tpu.vector_store %arg6[%swap3A_25], %broadcast_in_dim3A_3 {strides = array<i32>} : memref<8192xf32, #tpu.memory_space<vmem>>, vector<16xf32>,
    %swap3A_27 = arith.constant 192 : index
    %swap3A_28 = tpu.vector_load %arg6[%swap3A_27] {strides = array<i32>} : memref<8192xf32, #tpu.memory_space<vmem>>, vector<16xf32>,
    tpu.vector_store %arg6[%swap3A_27], %broadcast_in_dim3A_3 {strides = array<i32>} : memref<8192xf32, #tpu.memory_space<vmem>>, vector<16xf32>,
    %swap3A_29 = arith.constant 208 : index
    %swap3A_30 = tpu.vector_load %arg6[%swap3A_29] {strides = array<i32>} : memref<8192xf32, #tpu.memory_space<vmem>>, vector<16xf32>,
    tpu.vector_store %arg6[%swap3A_29], %broadcast_in_dim3A_3 {strides = array<i32>} : memref<8192xf32, #tpu.memory_space<vmem>>, vector<16xf32>,
    %swap3A_31 = arith.constant 224 : index
    %swap3A_32 = tpu.vector_load %arg6[%swap3A_31] {strides = array<i32>} : memref<8192xf32, #tpu.memory_space<vmem>>, vector<16xf32>,
    tpu.vector_store %arg6[%swap3A_31], %broadcast_in_dim3A_3 {strides = array<i32>} : memref<8192xf32, #tpu.memory_space<vmem>>, vector<16xf32>,
    %swap3A_33 = arith.constant 240 : index
    %swap3A_34 = tpu.vector_load %arg6[%swap3A_33] {strides = array<i32>} : memref<8192xf32, #tpu.memory_space<vmem>>, vector<16xf32>,
    tpu.vector_store %arg6[%swap3A_33], %broadcast_in_dim3A_3 {strides = array<i32>} : memref<8192xf32, #tpu.memory_space<vmem>>, vector<16xf32>,
    %swap3A_35 = arith.constant 256 : index
    %swap3A_36 = tpu.vector_load %arg6[%swap3A_35] {strides = array<i32>} : memref<8192xf32, #tpu.memory_space<vmem>>, vector<16xf32>,
    tpu.vector_store %arg6[%swap3A_35], %broadcast_in_dim3A_3 {strides = array<i32>} : memref<8192xf32, #tpu.memory_space<vmem>>, vector<16xf32>,
    %swap3A_37 = arith.constant 272 : index
    %swap3A_38 = tpu.vector_load %arg6[%swap3A_37] {strides = array<i32>} : memref<8192xf32, #tpu.memory_space<vmem>>, vector<16xf32>,
    tpu.vector_store %arg6[%swap3A_37], %broadcast_in_dim3A_3 {strides = array<i32>} : memref<8192xf32, #tpu.memory_space<vmem>>, vector<16xf32>,
    %swap3A_39 = arith.constant 288 : index
    %swap3A_40 = tpu.vector_load %arg6[%swap3A_39] {strides = array<i32>} : memref<8192xf32, #tpu.memory_space<vmem>>, vector<16xf32>,
    tpu.vector_store %arg6[%swap3A_39], %broadcast_in_dim3A_3 {strides = array<i32>} : memref<8192xf32, #tpu.memory_space<vmem>>, vector<16xf32>,
    %swap3A_41 = arith.constant 304 : index
    %swap3A_42 = tpu.vector_load %arg6[%swap3A_41] {strides = array<i32>} : memref<8192xf32, #tpu.memory_space<vmem>>, vector<16xf32>,
    tpu.vector_store %arg6[%swap3A_41], %broadcast_in_dim3A_3 {strides = array<i32>} : memref<8192xf32, #tpu.memory_space<vmem>>, vector<16xf32>,
    %swap3A_43 = arith.constant 320 : index
    %swap3A_44 = tpu.vector_load %arg6[%swap3A_43] {strides = array<i32>} : memref<8192xf32, #tpu.memory_space<vmem>>, vector<16xf32>,
    tpu.vector_store %arg6[%swap3A_43], %broadcast_in_dim3A_3 {strides = array<i32>} : memref<8192xf32, #tpu.memory_space<vmem>>, vector<16xf32>,
    %swap3A_45 = arith.constant 336 : index
    %swap3A_46 = tpu.vector_load %arg6[%swap3A_45] {strides = array<i32>} : memref<8192xf32, #tpu.memory_space<vmem>>, vector<16xf32>,
    tpu.vector_store %arg6[%swap3A_45], %broadcast_in_dim3A_3 {strides = array<i32>} : memref<8192xf32, #tpu.memory_space<vmem>>, vector<16xf32>,
    %swap3A_47 = arith.constant 352 : index
    %swap3A_48 = tpu.vector_load %arg6[%swap3A_47] {strides = array<i32>} : memref<8192xf32, #tpu.memory_space<vmem>>, vector<16xf32>,
    tpu.vector_store %arg6[%swap3A_47], %broadcast_in_dim3A_3 {strides = array<i32>} : memref<8192xf32, #tpu.memory_space<vmem>>, vector<16xf32>,
    %swap3A_49 = arith.constant 368 : index
    %swap3A_50 = tpu.vector_load %arg6[%swap3A_49] {strides = array<i32>} : memref<8192xf32, #tpu.memory_space<vmem>>, vector<16xf32>,
    tpu.vector_store %arg6[%swap3A_49], %broadcast_in_dim3A_3 {strides = array<i32>} : memref<8192xf32, #tpu.memory_space<vmem>>, vector<16xf32>,
    %swap3A_51 = arith.constant 384 : index
    %swap3A_52 = tpu.vector_load %arg6[%swap3A_51] {strides = array<i32>} : memref<8192xf32, #tpu.memory_space<vmem>>, vector<16xf32>,
    tpu.vector_store %arg6[%swap3A_51], %broadcast_in_dim3A_3 {strides = array<i32>} : memref<8192xf32, #tpu.memory_space<vmem>>, vector<16xf32>,
    %swap3A_53 = arith.constant 400 : index
    %swap3A_54 = tpu.vector_load %arg6[%swap3A_53] {strides = array<i32>} : memref<8192xf32, #tpu.memory_space<vmem>>, vector<16xf32>,
    tpu.vector_store %arg6[%swap3A_53], %broadcast_in_dim3A_3 {strides = array<i32>} : memref<8192xf32, #tpu.memory_space<vmem>>, vector<16xf32>,
    %swap3A_55 = arith.constant 416 : index
    %swap3A_56 = tpu.vector_load %arg6[%swap3A_55] {strides = array<i32>} : memref<8192xf32, #tpu.memory_space<vmem>>, vector<16xf32>,
    tpu.vector_store %arg6[%swap3A_55], %broadcast_in_dim3A_3 {strides = array<i32>} : memref<8192xf32, #tpu.memory_space<vmem>>, vector<16xf32>,
    %swap3A_57 = arith.constant 432 : index
    %swap3A_58 = tpu.vector_load %arg6[%swap3A_57] {strides = array<i32>} : memref<8192xf32, #tpu.memory_space<vmem>>, vector<16xf32>,
    tpu.vector_store %arg6[%swap3A_57], %broadcast_in_dim3A_3 {strides = array<i32>} : memref<8192xf32, #tpu.memory_space<vmem>>, vector<16xf32>,
    %swap3A_59 = arith.constant 448 : index
    %swap3A_60 = tpu.vector_load %arg6[%swap3A_59] {strides = array<i32>} : memref<8192xf32, #tpu.memory_space<vmem>>, vector<16xf32>,
    tpu.vector_store %arg6[%swap3A_59], %broadcast_in_dim3A_3 {strides = array<i32>} : memref<8192xf32, #tpu.memory_space<vmem>>, vector<16xf32>,
    %swap3A_61 = arith.constant 464 : index
    %swap3A_62 = tpu.vector_load %arg6[%swap3A_61] {strides = array<i32>} : memref<8192xf32, #tpu.memory_space<vmem>>, vector<16xf32>,
    tpu.vector_store %arg6[%swap3A_61], %broadcast_in_dim3A_3 {strides = array<i32>} : memref<8192xf32, #tpu.memory_space<vmem>>, vector<16xf32>,
    %swap3A_63 = arith.constant 480 : index
    %swap3A_64 = tpu.vector_load %arg6[%swap3A_63] {strides = array<i32>} : memref<8192xf32, #tpu.memory_space<vmem>>, vector<16xf32>,
    tpu.vector_store %arg6[%swap3A_63], %broadcast_in_dim3A_3 {strides = array<i32>} : memref<8192xf32, #tpu.memory_space<vmem>>, vector<16xf32>,
    %swap3A_65 = arith.constant 496 : index
    %swap3A_66 = tpu.vector_load %arg6[%swap3A_65] {strides = array<i32>} : memref<8192xf32, #tpu.memory_space<vmem>>, vector<16xf32>,
    tpu.vector_store %arg6[%swap3A_65], %broadcast_in_dim3A_3 {strides = array<i32>} : memref<8192xf32, #tpu.memory_space<vmem>>, vector<16xf32>,
    %swap3A_67 = arith.constant 512 : index
    %swap3A_68 = tpu.vector_load %arg6[%swap3A_67] {strides = array<i32>} : memref<8192xf32, #tpu.memory_space<vmem>>, vector<16xf32>,
    tpu.vector_store %arg6[%swap3A_67], %broadcast_in_dim3A_3 {strides = array<i32>} : memref<8192xf32, #tpu.memory_space<vmem>>, vector<16xf32>,
    %swap3A_69 = arith.constant 528 : index
    %swap3A_70 = tpu.vector_load %arg6[%swap3A_69] {strides = array<i32>} : memref<8192xf32, #tpu.memory_space<vmem>>, vector<16xf32>,
    tpu.vector_store %arg6[%swap3A_69], %broadcast_in_dim3A_3 {strides = array<i32>} : memref<8192xf32, #tpu.memory_space<vmem>>, vector<16xf32>,
    %swap3A_71 = arith.constant 544 : index
    %swap3A_72 = tpu.vector_load %arg6[%swap3A_71] {strides = array<i32>} : memref<8192xf32, #tpu.memory_space<vmem>>, vector<16xf32>,
    tpu.vector_store %arg6[%swap3A_71], %broadcast_in_dim3A_3 {strides = array<i32>} : memref<8192xf32, #tpu.memory_space<vmem>>, vector<16xf32>,
    %swap3A_73 = arith.constant 560 : index
    %swap3A_74 = tpu.vector_load %arg6[%swap3A_73] {strides = array<i32>} : memref<8192xf32, #tpu.memory_space<vmem>>, vector<16xf32>,
    tpu.vector_store %arg6[%swap3A_73], %broadcast_in_dim3A_3 {strides = array<i32>} : memref<8192xf32, #tpu.memory_space<vmem>>, vector<16xf32>,
    %swap3A_75 = arith.constant 576 : index
    %swap3A_76 = tpu.vector_load %arg6[%swap3A_75] {strides = array<i32>} : memref<8192xf32, #tpu.memory_space<vmem>>, vector<16xf32>,
    tpu.vector_store %arg6[%swap3A_75], %broadcast_in_dim3A_3 {strides = array<i32>} : memref<8192xf32, #tpu.memory_space<vmem>>, vector<16xf32>,
    %swap3A_77 = arith.constant 592 : index
    %swap3A_78 = tpu.vector_load %arg6[%swap3A_77] {strides = array<i32>} : memref<8192xf32, #tpu.memory_space<vmem>>, vector<16xf32>,
    tpu.vector_store %arg6[%swap3A_77], %broadcast_in_dim3A_3 {strides = array<i32>} : memref<8192xf32, #tpu.memory_space<vmem>>, vector<16xf32>,
    %swap3A_79 = arith.constant 608 : index
    %swap3A_80 = tpu.vector_load %arg6[%swap3A_79] {strides = array<i32>} : memref<8192xf32, #tpu.memory_space<vmem>>, vector<16xf32>,
    tpu.vector_store %arg6[%swap3A_79], %broadcast_in_dim3A_3 {strides = array<i32>} : memref<8192xf32, #tpu.memory_space<vmem>>, vector<16xf32>,
    %swap3A_81 = arith.constant 624 : index
    %swap3A_82 = tpu.vector_load %arg6[%swap3A_81] {strides = array<i32>} : memref<8192xf32, #tpu.memory_space<vmem>>, vector<16xf32>,
    tpu.vector_store %arg6[%swap3A_81], %broadcast_in_dim3A_3 {strides = array<i32>} : memref<8192xf32, #tpu.memory_space<vmem>>, vector<16xf32>,
    %swap3A_83 = arith.constant 640 : index
    %swap3A_84 = tpu.vector_load %arg6[%swap3A_83] {strides = array<i32>} : memref<8192xf32, #tpu.memory_space<vmem>>, vector<16xf32>,
    tpu.vector_store %arg6[%swap3A_83], %broadcast_in_dim3A_3 {strides = array<i32>} : memref<8192xf32, #tpu.memory_space<vmem>>, vector<16xf32>,
    %swap3A_85 = arith.constant 656 : index
    %swap3A_86 = tpu.vector_load %arg6[%swap3A_85] {strides = array<i32>} : memref<8192xf32, #tpu.memory_space<vmem>>, vector<16xf32>,
    tpu.vector_store %arg6[%swap3A_85], %broadcast_in_dim3A_3 {strides = array<i32>} : memref<8192xf32, #tpu.memory_space<vmem>>, vector<16xf32>,
    %swap3A_87 = arith.constant 672 : index
    %swap3A_88 = tpu.vector_load %arg6[%swap3A_87] {strides = array<i32>} : memref<8192xf32, #tpu.memory_space<vmem>>, vector<16xf32>,
    tpu.vector_store %arg6[%swap3A_87], %broadcast_in_dim3A_3 {strides = array<i32>} : memref<8192xf32, #tpu.memory_space<vmem>>, vector<16xf32>,
    %swap3A_89 = arith.constant 688 : index
    %swap3A_90 = tpu.vector_load %arg6[%swap3A_89] {strides = array<i32>} : memref<8192xf32, #tpu.memory_space<vmem>>, vector<16xf32>,
    tpu.vector_store %arg6[%swap3A_89], %broadcast_in_dim3A_3 {strides = array<i32>} : memref<8192xf32, #tpu.memory_space<vmem>>, vector<16xf32>,
    %swap3A_91 = arith.constant 704 : index
    %swap3A_92 = tpu.vector_load %arg6[%swap3A_91] {strides = array<i32>} : memref<8192xf32, #tpu.memory_space<vmem>>, vector<16xf32>,
    tpu.vector_store %arg6[%swap3A_91], %broadcast_in_dim3A_3 {strides = array<i32>} : memref<8192xf32, #tpu.memory_space<vmem>>, vector<16xf32>,
    %swap3A_93 = arith.constant 720 : index
    %swap3A_94 = tpu.vector_load %arg6[%swap3A_93] {strides = array<i32>} : memref<8192xf32, #tpu.memory_space<vmem>>, vector<16xf32>,
    tpu.vector_store %arg6[%swap3A_93], %broadcast_in_dim3A_3 {strides = array<i32>} : memref<8192xf32, #tpu.memory_space<vmem>>, vector<16xf32>,
    %swap3A_95 = arith.constant 736 : index
    %swap3A_96 = tpu.vector_load %arg6[%swap3A_95] {strides = array<i32>} : memref<8192xf32, #tpu.memory_space<vmem>>, vector<16xf32>,
    tpu.vector_store %arg6[%swap3A_95], %broadcast_in_dim3A_3 {strides = array<i32>} : memref<8192xf32, #tpu.memory_space<vmem>>, vector<16xf32>,
    %swap3A_97 = arith.constant 752 : index
    %swap3A_98 = tpu.vector_load %arg6[%swap3A_97] {strides = array<i32>} : memref<8192xf32, #tpu.memory_space<vmem>>, vector<16xf32>,
    tpu.vector_store %arg6[%swap3A_97], %broadcast_in_dim3A_3 {strides = array<i32>} : memref<8192xf32, #tpu.memory_space<vmem>>, vector<16xf32>,
    %swap3A_99 = arith.constant 768 : index
    %swap3A_100 = tpu.vector_load %arg6[%swap3A_99] {strides = array<i32>} : memref<8192xf32, #tpu.memory_space<vmem>>, vector<16xf32>,
    tpu.vector_store %arg6[%swap3A_99], %broadcast_in_dim3A_3 {strides = array<i32>} : memref<8192xf32, #tpu.memory_space<vmem>>, vector<16xf32>,
    %swap3A_101 = arith.constant 784 : index
    %swap3A_102 = tpu.vector_load %arg6[%swap3A_101] {strides = array<i32>} : memref<8192xf32, #tpu.memory_space<vmem>>, vector<16xf32>,
    tpu.vector_store %arg6[%swap3A_101], %broadcast_in_dim3A_3 {strides = array<i32>} : memref<8192xf32, #tpu.memory_space<vmem>>, vector<16xf32>,
    %swap3A_103 = arith.constant 800 : index
    %swap3A_104 = tpu.vector_load %arg6[%swap3A_103] {strides = array<i32>} : memref<8192xf32, #tpu.memory_space<vmem>>, vector<16xf32>,
    tpu.vector_store %arg6[%swap3A_103], %broadcast_in_dim3A_3 {strides = array<i32>} : memref<8192xf32, #tpu.memory_space<vmem>>, vector<16xf32>,
    %swap3A_105 = arith.constant 816 : index
    %swap3A_106 = tpu.vector_load %arg6[%swap3A_105] {strides = array<i32>} : memref<8192xf32, #tpu.memory_space<vmem>>, vector<16xf32>,
    tpu.vector_store %arg6[%swap3A_105], %broadcast_in_dim3A_3 {strides = array<i32>} : memref<8192xf32, #tpu.memory_space<vmem>>, vector<16xf32>,
    %swap3A_107 = arith.constant 832 : index
    %swap3A_108 = tpu.vector_load %arg6[%swap3A_107] {strides = array<i32>} : memref<8192xf32, #tpu.memory_space<vmem>>, vector<16xf32>,
    tpu.vector_store %arg6[%swap3A_107], %broadcast_in_dim3A_3 {strides = array<i32>} : memref<8192xf32, #tpu.memory_space<vmem>>, vector<16xf32>,
    %swap3A_109 = arith.constant 848 : index
    %swap3A_110 = tpu.vector_load %arg6[%swap3A_109] {strides = array<i32>} : memref<8192xf32, #tpu.memory_space<vmem>>, vector<16xf32>,
    tpu.vector_store %arg6[%swap3A_109], %broadcast_in_dim3A_3 {strides = array<i32>} : memref<8192xf32, #tpu.memory_space<vmem>>, vector<16xf32>,
    %swap3A_111 = arith.constant 864 : index
    %swap3A_112 = tpu.vector_load %arg6[%swap3A_111] {strides = array<i32>} : memref<8192xf32, #tpu.memory_space<vmem>>, vector<16xf32>,
    tpu.vector_store %arg6[%swap3A_111], %broadcast_in_dim3A_3 {strides = array<i32>} : memref<8192xf32, #tpu.memory_space<vmem>>, vector<16xf32>,
    %swap3A_113 = arith.constant 880 : index
    %swap3A_114 = tpu.vector_load %arg6[%swap3A_113] {strides = array<i32>} : memref<8192xf32, #tpu.memory_space<vmem>>, vector<16xf32>,
    tpu.vector_store %arg6[%swap3A_113], %broadcast_in_dim3A_3 {strides = array<i32>} : memref<8192xf32, #tpu.memory_space<vmem>>, vector<16xf32>,
    %swap3A_115 = arith.constant 896 : index
    %swap3A_116 = tpu.vector_load %arg6[%swap3A_115] {strides = array<i32>} : memref<8192xf32, #tpu.memory_space<vmem>>, vector<16xf32>,
    tpu.vector_store %arg6[%swap3A_115], %broadcast_in_dim3A_3 {strides = array<i32>} : memref<8192xf32, #tpu.memory_space<vmem>>, vector<16xf32>,
    %swap3A_117 = arith.constant 912 : index
    %swap3A_118 = tpu.vector_load %arg6[%swap3A_117] {strides = array<i32>} : memref<8192xf32, #tpu.memory_space<vmem>>, vector<16xf32>,
    tpu.vector_store %arg6[%swap3A_117], %broadcast_in_dim3A_3 {strides = array<i32>} : memref<8192xf32, #tpu.memory_space<vmem>>, vector<16xf32>,
    %swap3A_119 = arith.constant 928 : index
    %swap3A_120 = tpu.vector_load %arg6[%swap3A_119] {strides = array<i32>} : memref<8192xf32, #tpu.memory_space<vmem>>, vector<16xf32>,
    tpu.vector_store %arg6[%swap3A_119], %broadcast_in_dim3A_3 {strides = array<i32>} : memref<8192xf32, #tpu.memory_space<vmem>>, vector<16xf32>,
    %swap3A_121 = arith.constant 944 : index
    %swap3A_122 = tpu.vector_load %arg6[%swap3A_121] {strides = array<i32>} : memref<8192xf32, #tpu.memory_space<vmem>>, vector<16xf32>,
    tpu.vector_store %arg6[%swap3A_121], %broadcast_in_dim3A_3 {strides = array<i32>} : memref<8192xf32, #tpu.memory_space<vmem>>, vector<16xf32>,
    %swap3A_123 = arith.constant 960 : index
    %swap3A_124 = tpu.vector_load %arg6[%swap3A_123] {strides = array<i32>} : memref<8192xf32, #tpu.memory_space<vmem>>, vector<16xf32>,
    tpu.vector_store %arg6[%swap3A_123], %broadcast_in_dim3A_3 {strides = array<i32>} : memref<8192xf32, #tpu.memory_space<vmem>>, vector<16xf32>,
    %swap3A_125 = arith.constant 976 : index
    %swap3A_126 = tpu.vector_load %arg6[%swap3A_125] {strides = array<i32>} : memref<8192xf32, #tpu.memory_space<vmem>>, vector<16xf32>,
    tpu.vector_store %arg6[%swap3A_125], %broadcast_in_dim3A_3 {strides = array<i32>} : memref<8192xf32, #tpu.memory_space<vmem>>, vector<16xf32>,
    %swap3A_127 = arith.constant 992 : index
    %swap3A_128 = tpu.vector_load %arg6[%swap3A_127] {strides = array<i32>} : memref<8192xf32, #tpu.memory_space<vmem>>, vector<16xf32>,
    tpu.vector_store %arg6[%swap3A_127], %broadcast_in_dim3A_3 {strides = array<i32>} : memref<8192xf32, #tpu.memory_space<vmem>>, vector<16xf32>,
    %swap3A_129 = arith.constant 1008 : index
    %swap3A_130 = tpu.vector_load %arg6[%swap3A_129] {strides = array<i32>} : memref<8192xf32, #tpu.memory_space<vmem>>, vector<16xf32>,
    tpu.vector_store %arg6[%swap3A_129], %broadcast_in_dim3A_3 {strides = array<i32>} : memref<8192xf32, #tpu.memory_space<vmem>>, vector<16xf32>,
    %swap3A_131 = arith.constant 1024 : index
    %swap3A_132 = tpu.vector_load %arg6[%swap3A_131] {strides = array<i32>} : memref<8192xf32, #tpu.memory_space<vmem>>, vector<16xf32>,
    tpu.vector_store %arg6[%swap3A_131], %broadcast_in_dim3A_3 {strides = array<i32>} : memref<8192xf32, #tpu.memory_space<vmem>>, vector<16xf32>,
    %swap3A_133 = arith.constant 1040 : index
    %swap3A_134 = tpu.vector_load %arg6[%swap3A_133] {strides = array<i32>} : memref<8192xf32, #tpu.memory_space<vmem>>, vector<16xf32>,
    tpu.vector_store %arg6[%swap3A_133], %broadcast_in_dim3A_3 {strides = array<i32>} : memref<8192xf32, #tpu.memory_space<vmem>>, vector<16xf32>,
    %swap3A_135 = arith.constant 1056 : index
    %swap3A_136 = tpu.vector_load %arg6[%swap3A_135] {strides = array<i32>} : memref<8192xf32, #tpu.memory_space<vmem>>, vector<16xf32>,
    tpu.vector_store %arg6[%swap3A_135], %broadcast_in_dim3A_3 {strides = array<i32>} : memref<8192xf32, #tpu.memory_space<vmem>>, vector<16xf32>,
    %swap3A_137 = arith.constant 1072 : index
    %swap3A_138 = tpu.vector_load %arg6[%swap3A_137] {strides = array<i32>} : memref<8192xf32, #tpu.memory_space<vmem>>, vector<16xf32>,
    tpu.vector_store %arg6[%swap3A_137], %broadcast_in_dim3A_3 {strides = array<i32>} : memref<8192xf32, #tpu.memory_space<vmem>>, vector<16xf32>,
    %swap3A_139 = arith.constant 1088 : index
    %swap3A_140 = tpu.vector_load %arg6[%swap3A_139] {strides = array<i32>} : memref<8192xf32, #tpu.memory_space<vmem>>, vector<16xf32>,
    tpu.vector_store %arg6[%swap3A_139], %broadcast_in_dim3A_3 {strides = array<i32>} : memref<8192xf32, #tpu.memory_space<vmem>>, vector<16xf32>,
    %swap3A_141 = arith.constant 1104 : index
    %swap3A_142 = tpu.vector_load %arg6[%swap3A_141] {strides = array<i32>} : memref<8192xf32, #tpu.memory_space<vmem>>, vector<16xf32>,
    tpu.vector_store %arg6[%swap3A_141], %broadcast_in_dim3A_3 {strides = array<i32>} : memref<8192xf32, #tpu.memory_space<vmem>>, vector<16xf32>,
    %swap3A_143 = arith.constant 1120 : index
    %swap3A_144 = tpu.vector_load %arg6[%swap3A_143] {strides = array<i32>} : memref<8192xf32, #tpu.memory_space<vmem>>, vector<16xf32>,
    tpu.vector_store %arg6[%swap3A_143], %broadcast_in_dim3A_3 {strides = array<i32>} : memref<8192xf32, #tpu.memory_space<vmem>>, vector<16xf32>,
    %swap3A_145 = arith.constant 1136 : index
    %swap3A_146 = tpu.vector_load %arg6[%swap3A_145] {strides = array<i32>} : memref<8192xf32, #tpu.memory_space<vmem>>, vector<16xf32>,
    tpu.vector_store %arg6[%swap3A_145], %broadcast_in_dim3A_3 {strides = array<i32>} : memref<8192xf32, #tpu.memory_space<vmem>>, vector<16xf32>,
    %swap3A_147 = arith.constant 1152 : index
    %swap3A_148 = tpu.vector_load %arg6[%swap3A_147] {strides = array<i32>} : memref<8192xf32, #tpu.memory_space<vmem>>, vector<16xf32>,
    tpu.vector_store %arg6[%swap3A_147], %broadcast_in_dim3A_3 {strides = array<i32>} : memref<8192xf32, #tpu.memory_space<vmem>>, vector<16xf32>,
    %swap3A_149 = arith.constant 1168 : index
    %swap3A_150 = tpu.vector_load %arg6[%swap3A_149] {strides = array<i32>} : memref<8192xf32, #tpu.memory_space<vmem>>, vector<16xf32>,
    tpu.vector_store %arg6[%swap3A_149], %broadcast_in_dim3A_3 {strides = array<i32>} : memref<8192xf32, #tpu.memory_space<vmem>>, vector<16xf32>,
    %swap3A_151 = arith.constant 1184 : index
    %swap3A_152 = tpu.vector_load %arg6[%swap3A_151] {strides = array<i32>} : memref<8192xf32, #tpu.memory_space<vmem>>, vector<16xf32>,
    tpu.vector_store %arg6[%swap3A_151], %broadcast_in_dim3A_3 {strides = array<i32>} : memref<8192xf32, #tpu.memory_space<vmem>>, vector<16xf32>,
    %swap3A_153 = arith.constant 1200 : index
    %swap3A_154 = tpu.vector_load %arg6[%swap3A_153] {strides = array<i32>} : memref<8192xf32, #tpu.memory_space<vmem>>, vector<16xf32>,
    tpu.vector_store %arg6[%swap3A_153], %broadcast_in_dim3A_3 {strides = array<i32>} : memref<8192xf32, #tpu.memory_space<vmem>>, vector<16xf32>,
    %swap3A_155 = arith.constant 1216 : index
    %swap3A_156 = tpu.vector_load %arg6[%swap3A_155] {strides = array<i32>} : memref<8192xf32, #tpu.memory_space<vmem>>, vector<16xf32>,
    tpu.vector_store %arg6[%swap3A_155], %broadcast_in_dim3A_3 {strides = array<i32>} : memref<8192xf32, #tpu.memory_space<vmem>>, vector<16xf32>,
    %swap3A_157 = arith.constant 1232 : index
    %swap3A_158 = tpu.vector_load %arg6[%swap3A_157] {strides = array<i32>} : memref<8192xf32, #tpu.memory_space<vmem>>, vector<16xf32>,
    tpu.vector_store %arg6[%swap3A_157], %broadcast_in_dim3A_3 {strides = array<i32>} : memref<8192xf32, #tpu.memory_space<vmem>>, vector<16xf32>,
    %swap3A_159 = arith.constant 1248 : index
    %swap3A_160 = tpu.vector_load %arg6[%swap3A_159] {strides = array<i32>} : memref<8192xf32, #tpu.memory_space<vmem>>, vector<16xf32>,
    tpu.vector_store %arg6[%swap3A_159], %broadcast_in_dim3A_3 {strides = array<i32>} : memref<8192xf32, #tpu.memory_space<vmem>>, vector<16xf32>,
    %swap3A_161 = arith.constant 1264 : index
    %swap3A_162 = tpu.vector_load %arg6[%swap3A_161] {strides = array<i32>} : memref<8192xf32, #tpu.memory_space<vmem>>, vector<16xf32>,
    tpu.vector_store %arg6[%swap3A_161], %broadcast_in_dim3A_3 {strides = array<i32>} : memref<8192xf32, #tpu.memory_space<vmem>>, vector<16xf32>,
    %swap3A_163 = arith.constant 1280 : index
    %swap3A_164 = tpu.vector_load %arg6[%swap3A_163] {strides = array<i32>} : memref<8192xf32, #tpu.memory_space<vmem>>, vector<16xf32>,
    tpu.vector_store %arg6[%swap3A_163], %broadcast_in_dim3A_3 {strides = array<i32>} : memref<8192xf32, #tpu.memory_space<vmem>>, vector<16xf32>,
    %swap3A_165 = arith.constant 1296 : index
    %swap3A_166 = tpu.vector_load %arg6[%swap3A_165] {strides = array<i32>} : memref<8192xf32, #tpu.memory_space<vmem>>, vector<16xf32>,
    tpu.vector_store %arg6[%swap3A_165], %broadcast_in_dim3A_3 {strides = array<i32>} : memref<8192xf32, #tpu.memory_space<vmem>>, vector<16xf32>,
    %swap3A_167 = arith.constant 1312 : index
    %swap3A_168 = tpu.vector_load %arg6[%swap3A_167] {strides = array<i32>} : memref<8192xf32, #tpu.memory_space<vmem>>, vector<16xf32>,
    tpu.vector_store %arg6[%swap3A_167], %broadcast_in_dim3A_3 {strides = array<i32>} : memref<8192xf32, #tpu.memory_space<vmem>>, vector<16xf32>,
    %swap3A_169 = arith.constant 1328 : index
    %swap3A_170 = tpu.vector_load %arg6[%swap3A_169] {strides = array<i32>} : memref<8192xf32, #tpu.memory_space<vmem>>, vector<16xf32>,
    tpu.vector_store %arg6[%swap3A_169], %broadcast_in_dim3A_3 {strides = array<i32>} : memref<8192xf32, #tpu.memory_space<vmem>>, vector<16xf32>,
    %swap3A_171 = arith.constant 1344 : index
    %swap3A_172 = tpu.vector_load %arg6[%swap3A_171] {strides = array<i32>} : memref<8192xf32, #tpu.memory_space<vmem>>, vector<16xf32>,
    tpu.vector_store %arg6[%swap3A_171], %broadcast_in_dim3A_3 {strides = array<i32>} : memref<8192xf32, #tpu.memory_space<vmem>>, vector<16xf32>,
    %swap3A_173 = arith.constant 1360 : index
    %swap3A_174 = tpu.vector_load %arg6[%swap3A_173] {strides = array<i32>} : memref<8192xf32, #tpu.memory_space<vmem>>, vector<16xf32>,
    tpu.vector_store %arg6[%swap3A_173], %broadcast_in_dim3A_3 {strides = array<i32>} : memref<8192xf32, #tpu.memory_space<vmem>>, vector<16xf32>,
    %swap3A_175 = arith.constant 1376 : index
    %swap3A_176 = tpu.vector_load %arg6[%swap3A_175] {strides = array<i32>} : memref<8192xf32, #tpu.memory_space<vmem>>, vector<16xf32>,
    tpu.vector_store %arg6[%swap3A_175], %broadcast_in_dim3A_3 {strides = array<i32>} : memref<8192xf32, #tpu.memory_space<vmem>>, vector<16xf32>,
    %swap3A_177 = arith.constant 1392 : index
    %swap3A_178 = tpu.vector_load %arg6[%swap3A_177] {strides = array<i32>} : memref<8192xf32, #tpu.memory_space<vmem>>, vector<16xf32>,
    tpu.vector_store %arg6[%swap3A_177], %broadcast_in_dim3A_3 {strides = array<i32>} : memref<8192xf32, #tpu.memory_space<vmem>>, vector<16xf32>,
    %swap3A_179 = arith.constant 1408 : index
    %swap3A_180 = tpu.vector_load %arg6[%swap3A_179] {strides = array<i32>} : memref<8192xf32, #tpu.memory_space<vmem>>, vector<16xf32>,
    tpu.vector_store %arg6[%swap3A_179], %broadcast_in_dim3A_3 {strides = array<i32>} : memref<8192xf32, #tpu.memory_space<vmem>>, vector<16xf32>,
    %swap3A_181 = arith.constant 1424 : index
    %swap3A_182 = tpu.vector_load %arg6[%swap3A_181] {strides = array<i32>} : memref<8192xf32, #tpu.memory_space<vmem>>, vector<16xf32>,
    tpu.vector_store %arg6[%swap3A_181], %broadcast_in_dim3A_3 {strides = array<i32>} : memref<8192xf32, #tpu.memory_space<vmem>>, vector<16xf32>,
    %swap3A_183 = arith.constant 1440 : index
    %swap3A_184 = tpu.vector_load %arg6[%swap3A_183] {strides = array<i32>} : memref<8192xf32, #tpu.memory_space<vmem>>, vector<16xf32>,
    tpu.vector_store %arg6[%swap3A_183], %broadcast_in_dim3A_3 {strides = array<i32>} : memref<8192xf32, #tpu.memory_space<vmem>>, vector<16xf32>,
    %swap3A_185 = arith.constant 1456 : index
    %swap3A_186 = tpu.vector_load %arg6[%swap3A_185] {strides = array<i32>} : memref<8192xf32, #tpu.memory_space<vmem>>, vector<16xf32>,
    tpu.vector_store %arg6[%swap3A_185], %broadcast_in_dim3A_3 {strides = array<i32>} : memref<8192xf32, #tpu.memory_space<vmem>>, vector<16xf32>,
    %swap3A_187 = arith.constant 1472 : index
    %swap3A_188 = tpu.vector_load %arg6[%swap3A_187] {strides = array<i32>} : memref<8192xf32, #tpu.memory_space<vmem>>, vector<16xf32>,
    tpu.vector_store %arg6[%swap3A_187], %broadcast_in_dim3A_3 {strides = array<i32>} : memref<8192xf32, #tpu.memory_space<vmem>>, vector<16xf32>,
    %swap3A_189 = arith.constant 1488 : index
    %swap3A_190 = tpu.vector_load %arg6[%swap3A_189] {strides = array<i32>} : memref<8192xf32, #tpu.memory_space<vmem>>, vector<16xf32>,
    tpu.vector_store %arg6[%swap3A_189], %broadcast_in_dim3A_3 {strides = array<i32>} : memref<8192xf32, #tpu.memory_space<vmem>>, vector<16xf32>,
    %swap3A_191 = arith.constant 1504 : index
    %swap3A_192 = tpu.vector_load %arg6[%swap3A_191] {strides = array<i32>} : memref<8192xf32, #tpu.memory_space<vmem>>, vector<16xf32>,
    tpu.vector_store %arg6[%swap3A_191], %broadcast_in_dim3A_3 {strides = array<i32>} : memref<8192xf32, #tpu.memory_space<vmem>>, vector<16xf32>,
    %swap3A_193 = arith.constant 1520 : index
    %swap3A_194 = tpu.vector_load %arg6[%swap3A_193] {strides = array<i32>} : memref<8192xf32, #tpu.memory_space<vmem>>, vector<16xf32>,
    tpu.vector_store %arg6[%swap3A_193], %broadcast_in_dim3A_3 {strides = array<i32>} : memref<8192xf32, #tpu.memory_space<vmem>>, vector<16xf32>,
    %swap3A_195 = arith.constant 1536 : index
    %swap3A_196 = tpu.vector_load %arg6[%swap3A_195] {strides = array<i32>} : memref<8192xf32, #tpu.memory_space<vmem>>, vector<16xf32>,
    tpu.vector_store %arg6[%swap3A_195], %broadcast_in_dim3A_3 {strides = array<i32>} : memref<8192xf32, #tpu.memory_space<vmem>>, vector<16xf32>,
    %swap3A_197 = arith.constant 1552 : index
    %swap3A_198 = tpu.vector_load %arg6[%swap3A_197] {strides = array<i32>} : memref<8192xf32, #tpu.memory_space<vmem>>, vector<16xf32>,
    tpu.vector_store %arg6[%swap3A_197], %broadcast_in_dim3A_3 {strides = array<i32>} : memref<8192xf32, #tpu.memory_space<vmem>>, vector<16xf32>,
    %swap3A_199 = arith.constant 1568 : index
    %swap3A_200 = tpu.vector_load %arg6[%swap3A_199] {strides = array<i32>} : memref<8192xf32, #tpu.memory_space<vmem>>, vector<16xf32>,
    tpu.vector_store %arg6[%swap3A_199], %broadcast_in_dim3A_3 {strides = array<i32>} : memref<8192xf32, #tpu.memory_space<vmem>>, vector<16xf32>,
    %swap3A_201 = arith.constant 1584 : index
    %swap3A_202 = tpu.vector_load %arg6[%swap3A_201] {strides = array<i32>} : memref<8192xf32, #tpu.memory_space<vmem>>, vector<16xf32>,
    tpu.vector_store %arg6[%swap3A_201], %broadcast_in_dim3A_3 {strides = array<i32>} : memref<8192xf32, #tpu.memory_space<vmem>>, vector<16xf32>,
    %swap3A_203 = arith.constant 1600 : index
    %swap3A_204 = tpu.vector_load %arg6[%swap3A_203] {strides = array<i32>} : memref<8192xf32, #tpu.memory_space<vmem>>, vector<16xf32>,
    tpu.vector_store %arg6[%swap3A_203], %broadcast_in_dim3A_3 {strides = array<i32>} : memref<8192xf32, #tpu.memory_space<vmem>>, vector<16xf32>,
    %swap3A_205 = arith.constant 1616 : index
    %swap3A_206 = tpu.vector_load %arg6[%swap3A_205] {strides = array<i32>} : memref<8192xf32, #tpu.memory_space<vmem>>, vector<16xf32>,
    tpu.vector_store %arg6[%swap3A_205], %broadcast_in_dim3A_3 {strides = array<i32>} : memref<8192xf32, #tpu.memory_space<vmem>>, vector<16xf32>,
    %swap3A_207 = arith.constant 1632 : index
    %swap3A_208 = tpu.vector_load %arg6[%swap3A_207] {strides = array<i32>} : memref<8192xf32, #tpu.memory_space<vmem>>, vector<16xf32>,
    tpu.vector_store %arg6[%swap3A_207], %broadcast_in_dim3A_3 {strides = array<i32>} : memref<8192xf32, #tpu.memory_space<vmem>>, vector<16xf32>,
    %swap3A_209 = arith.constant 1648 : index
    %swap3A_210 = tpu.vector_load %arg6[%swap3A_209] {strides = array<i32>} : memref<8192xf32, #tpu.memory_space<vmem>>, vector<16xf32>,
    tpu.vector_store %arg6[%swap3A_209], %broadcast_in_dim3A_3 {strides = array<i32>} : memref<8192xf32, #tpu.memory_space<vmem>>, vector<16xf32>,
    %swap3A_211 = arith.constant 1664 : index
    %swap3A_212 = tpu.vector_load %arg6[%swap3A_211] {strides = array<i32>} : memref<8192xf32, #tpu.memory_space<vmem>>, vector<16xf32>,
    tpu.vector_store %arg6[%swap3A_211], %broadcast_in_dim3A_3 {strides = array<i32>} : memref<8192xf32, #tpu.memory_space<vmem>>, vector<16xf32>,
    %swap3A_213 = arith.constant 1680 : index
    %swap3A_214 = tpu.vector_load %arg6[%swap3A_213] {strides = array<i32>} : memref<8192xf32, #tpu.memory_space<vmem>>, vector<16xf32>,
    tpu.vector_store %arg6[%swap3A_213], %broadcast_in_dim3A_3 {strides = array<i32>} : memref<8192xf32, #tpu.memory_space<vmem>>, vector<16xf32>,
    %swap3A_215 = arith.constant 1696 : index
    %swap3A_216 = tpu.vector_load %arg6[%swap3A_215] {strides = array<i32>} : memref<8192xf32, #tpu.memory_space<vmem>>, vector<16xf32>,
    tpu.vector_store %arg6[%swap3A_215], %broadcast_in_dim3A_3 {strides = array<i32>} : memref<8192xf32, #tpu.memory_space<vmem>>, vector<16xf32>,
    %swap3A_217 = arith.constant 1712 : index
    %swap3A_218 = tpu.vector_load %arg6[%swap3A_217] {strides = array<i32>} : memref<8192xf32, #tpu.memory_space<vmem>>, vector<16xf32>,
    tpu.vector_store %arg6[%swap3A_217], %broadcast_in_dim3A_3 {strides = array<i32>} : memref<8192xf32, #tpu.memory_space<vmem>>, vector<16xf32>,
    %swap3A_219 = arith.constant 1728 : index
    %swap3A_220 = tpu.vector_load %arg6[%swap3A_219] {strides = array<i32>} : memref<8192xf32, #tpu.memory_space<vmem>>, vector<16xf32>,
    tpu.vector_store %arg6[%swap3A_219], %broadcast_in_dim3A_3 {strides = array<i32>} : memref<8192xf32, #tpu.memory_space<vmem>>, vector<16xf32>,
    %swap3A_221 = arith.constant 1744 : index
    %swap3A_222 = tpu.vector_load %arg6[%swap3A_221] {strides = array<i32>} : memref<8192xf32, #tpu.memory_space<vmem>>, vector<16xf32>,
    tpu.vector_store %arg6[%swap3A_221], %broadcast_in_dim3A_3 {strides = array<i32>} : memref<8192xf32, #tpu.memory_space<vmem>>, vector<16xf32>,
    %swap3A_223 = arith.constant 1760 : index
    %swap3A_224 = tpu.vector_load %arg6[%swap3A_223] {strides = array<i32>} : memref<8192xf32, #tpu.memory_space<vmem>>, vector<16xf32>,
    tpu.vector_store %arg6[%swap3A_223], %broadcast_in_dim3A_3 {strides = array<i32>} : memref<8192xf32, #tpu.memory_space<vmem>>, vector<16xf32>,
    %swap3A_225 = arith.constant 1776 : index
    %swap3A_226 = tpu.vector_load %arg6[%swap3A_225] {strides = array<i32>} : memref<8192xf32, #tpu.memory_space<vmem>>, vector<16xf32>,
    tpu.vector_store %arg6[%swap3A_225], %broadcast_in_dim3A_3 {strides = array<i32>} : memref<8192xf32, #tpu.memory_space<vmem>>, vector<16xf32>,
    %swap3A_227 = arith.constant 1792 : index
    %swap3A_228 = tpu.vector_load %arg6[%swap3A_227] {strides = array<i32>} : memref<8192xf32, #tpu.memory_space<vmem>>, vector<16xf32>,
    tpu.vector_store %arg6[%swap3A_227], %broadcast_in_dim3A_3 {strides = array<i32>} : memref<8192xf32, #tpu.memory_space<vmem>>, vector<16xf32>,
    %swap3A_229 = arith.constant 1808 : index
    %swap3A_230 = tpu.vector_load %arg6[%swap3A_229] {strides = array<i32>} : memref<8192xf32, #tpu.memory_space<vmem>>, vector<16xf32>,
    tpu.vector_store %arg6[%swap3A_229], %broadcast_in_dim3A_3 {strides = array<i32>} : memref<8192xf32, #tpu.memory_space<vmem>>, vector<16xf32>,
    %swap3A_231 = arith.constant 1824 : index
    %swap3A_232 = tpu.vector_load %arg6[%swap3A_231] {strides = array<i32>} : memref<8192xf32, #tpu.memory_space<vmem>>, vector<16xf32>,
    tpu.vector_store %arg6[%swap3A_231], %broadcast_in_dim3A_3 {strides = array<i32>} : memref<8192xf32, #tpu.memory_space<vmem>>, vector<16xf32>,
    %swap3A_233 = arith.constant 1840 : index
    %swap3A_234 = tpu.vector_load %arg6[%swap3A_233] {strides = array<i32>} : memref<8192xf32, #tpu.memory_space<vmem>>, vector<16xf32>,
    tpu.vector_store %arg6[%swap3A_233], %broadcast_in_dim3A_3 {strides = array<i32>} : memref<8192xf32, #tpu.memory_space<vmem>>, vector<16xf32>,
    %swap3A_235 = arith.constant 1856 : index
    %swap3A_236 = tpu.vector_load %arg6[%swap3A_235] {strides = array<i32>} : memref<8192xf32, #tpu.memory_space<vmem>>, vector<16xf32>,
    tpu.vector_store %arg6[%swap3A_235], %broadcast_in_dim3A_3 {strides = array<i32>} : memref<8192xf32, #tpu.memory_space<vmem>>, vector<16xf32>,
    %swap3A_237 = arith.constant 1872 : index
    %swap3A_238 = tpu.vector_load %arg6[%swap3A_237] {strides = array<i32>} : memref<8192xf32, #tpu.memory_space<vmem>>, vector<16xf32>,
    tpu.vector_store %arg6[%swap3A_237], %broadcast_in_dim3A_3 {strides = array<i32>} : memref<8192xf32, #tpu.memory_space<vmem>>, vector<16xf32>,
    %swap3A_239 = arith.constant 1888 : index
    %swap3A_240 = tpu.vector_load %arg6[%swap3A_239] {strides = array<i32>} : memref<8192xf32, #tpu.memory_space<vmem>>, vector<16xf32>,
    tpu.vector_store %arg6[%swap3A_239], %broadcast_in_dim3A_3 {strides = array<i32>} : memref<8192xf32, #tpu.memory_space<vmem>>, vector<16xf32>,
    %swap3A_241 = arith.constant 1904 : index
    %swap3A_242 = tpu.vector_load %arg6[%swap3A_241] {strides = array<i32>} : memref<8192xf32, #tpu.memory_space<vmem>>, vector<16xf32>,
    tpu.vector_store %arg6[%swap3A_241], %broadcast_in_dim3A_3 {strides = array<i32>} : memref<8192xf32, #tpu.memory_space<vmem>>, vector<16xf32>,
    %swap3A_243 = arith.constant 1920 : index
    %swap3A_244 = tpu.vector_load %arg6[%swap3A_243] {strides = array<i32>} : memref<8192xf32, #tpu.memory_space<vmem>>, vector<16xf32>,
    tpu.vector_store %arg6[%swap3A_243], %broadcast_in_dim3A_3 {strides = array<i32>} : memref<8192xf32, #tpu.memory_space<vmem>>, vector<16xf32>,
    %swap3A_245 = arith.constant 1936 : index
    %swap3A_246 = tpu.vector_load %arg6[%swap3A_245] {strides = array<i32>} : memref<8192xf32, #tpu.memory_space<vmem>>, vector<16xf32>,
    tpu.vector_store %arg6[%swap3A_245], %broadcast_in_dim3A_3 {strides = array<i32>} : memref<8192xf32, #tpu.memory_space<vmem>>, vector<16xf32>,
    %swap3A_247 = arith.constant 1952 : index
    %swap3A_248 = tpu.vector_load %arg6[%swap3A_247] {strides = array<i32>} : memref<8192xf32, #tpu.memory_space<vmem>>, vector<16xf32>,
    tpu.vector_store %arg6[%swap3A_247], %broadcast_in_dim3A_3 {strides = array<i32>} : memref<8192xf32, #tpu.memory_space<vmem>>, vector<16xf32>,
    %swap3A_249 = arith.constant 1968 : index
    %swap3A_250 = tpu.vector_load %arg6[%swap3A_249] {strides = array<i32>} : memref<8192xf32, #tpu.memory_space<vmem>>, vector<16xf32>,
    tpu.vector_store %arg6[%swap3A_249], %broadcast_in_dim3A_3 {strides = array<i32>} : memref<8192xf32, #tpu.memory_space<vmem>>, vector<16xf32>,
    %swap3A_251 = arith.constant 1984 : index
    %swap3A_252 = tpu.vector_load %arg6[%swap3A_251] {strides = array<i32>} : memref<8192xf32, #tpu.memory_space<vmem>>, vector<16xf32>,
    tpu.vector_store %arg6[%swap3A_251], %broadcast_in_dim3A_3 {strides = array<i32>} : memref<8192xf32, #tpu.memory_space<vmem>>, vector<16xf32>,
    %swap3A_253 = arith.constant 2000 : index
    %swap3A_254 = tpu.vector_load %arg6[%swap3A_253] {strides = array<i32>} : memref<8192xf32, #tpu.memory_space<vmem>>, vector<16xf32>,
    tpu.vector_store %arg6[%swap3A_253], %broadcast_in_dim3A_3 {strides = array<i32>} : memref<8192xf32, #tpu.memory_space<vmem>>, vector<16xf32>,
    %swap3A_255 = arith.constant 2016 : index
    %swap3A_256 = tpu.vector_load %arg6[%swap3A_255] {strides = array<i32>} : memref<8192xf32, #tpu.memory_space<vmem>>, vector<16xf32>,
    tpu.vector_store %arg6[%swap3A_255], %broadcast_in_dim3A_3 {strides = array<i32>} : memref<8192xf32, #tpu.memory_space<vmem>>, vector<16xf32>,
    %swap3A_257 = arith.constant 2032 : index
    %swap3A_258 = tpu.vector_load %arg6[%swap3A_257] {strides = array<i32>} : memref<8192xf32, #tpu.memory_space<vmem>>, vector<16xf32>,
    tpu.vector_store %arg6[%swap3A_257], %broadcast_in_dim3A_3 {strides = array<i32>} : memref<8192xf32, #tpu.memory_space<vmem>>, vector<16xf32>,
    %swap3A_259 = arith.constant 2048 : index
    %swap3A_260 = tpu.vector_load %arg6[%swap3A_259] {strides = array<i32>} : memref<8192xf32, #tpu.memory_space<vmem>>, vector<16xf32>,
    tpu.vector_store %arg6[%swap3A_259], %broadcast_in_dim3A_3 {strides = array<i32>} : memref<8192xf32, #tpu.memory_space<vmem>>, vector<16xf32>,
    %swap3A_261 = arith.constant 2064 : index
    %swap3A_262 = tpu.vector_load %arg6[%swap3A_261] {strides = array<i32>} : memref<8192xf32, #tpu.memory_space<vmem>>, vector<16xf32>,
    tpu.vector_store %arg6[%swap3A_261], %broadcast_in_dim3A_3 {strides = array<i32>} : memref<8192xf32, #tpu.memory_space<vmem>>, vector<16xf32>,
    %swap3A_263 = arith.constant 2080 : index
    %swap3A_264 = tpu.vector_load %arg6[%swap3A_263] {strides = array<i32>} : memref<8192xf32, #tpu.memory_space<vmem>>, vector<16xf32>,
    tpu.vector_store %arg6[%swap3A_263], %broadcast_in_dim3A_3 {strides = array<i32>} : memref<8192xf32, #tpu.memory_space<vmem>>, vector<16xf32>,
    %swap3A_265 = arith.constant 2096 : index
    %swap3A_266 = tpu.vector_load %arg6[%swap3A_265] {strides = array<i32>} : memref<8192xf32, #tpu.memory_space<vmem>>, vector<16xf32>,
    tpu.vector_store %arg6[%swap3A_265], %broadcast_in_dim3A_3 {strides = array<i32>} : memref<8192xf32, #tpu.memory_space<vmem>>, vector<16xf32>,
    %swap3A_267 = arith.constant 2112 : index
    %swap3A_268 = tpu.vector_load %arg6[%swap3A_267] {strides = array<i32>} : memref<8192xf32, #tpu.memory_space<vmem>>, vector<16xf32>,
    tpu.vector_store %arg6[%swap3A_267], %broadcast_in_dim3A_3 {strides = array<i32>} : memref<8192xf32, #tpu.memory_space<vmem>>, vector<16xf32>,
    %swap3A_269 = arith.constant 2128 : index
    %swap3A_270 = tpu.vector_load %arg6[%swap3A_269] {strides = array<i32>} : memref<8192xf32, #tpu.memory_space<vmem>>, vector<16xf32>,
    tpu.vector_store %arg6[%swap3A_269], %broadcast_in_dim3A_3 {strides = array<i32>} : memref<8192xf32, #tpu.memory_space<vmem>>, vector<16xf32>,
    %swap3A_271 = arith.constant 2144 : index
    %swap3A_272 = tpu.vector_load %arg6[%swap3A_271] {strides = array<i32>} : memref<8192xf32, #tpu.memory_space<vmem>>, vector<16xf32>,
    tpu.vector_store %arg6[%swap3A_271], %broadcast_in_dim3A_3 {strides = array<i32>} : memref<8192xf32, #tpu.memory_space<vmem>>, vector<16xf32>,
    %swap3A_273 = arith.constant 2160 : index
    %swap3A_274 = tpu.vector_load %arg6[%swap3A_273] {strides = array<i32>} : memref<8192xf32, #tpu.memory_space<vmem>>, vector<16xf32>,
    tpu.vector_store %arg6[%swap3A_273], %broadcast_in_dim3A_3 {strides = array<i32>} : memref<8192xf32, #tpu.memory_space<vmem>>, vector<16xf32>,
    %swap3A_275 = arith.constant 2176 : index
    %swap3A_276 = tpu.vector_load %arg6[%swap3A_275] {strides = array<i32>} : memref<8192xf32, #tpu.memory_space<vmem>>, vector<16xf32>,
    tpu.vector_store %arg6[%swap3A_275], %broadcast_in_dim3A_3 {strides = array<i32>} : memref<8192xf32, #tpu.memory_space<vmem>>, vector<16xf32>,
    %swap3A_277 = arith.constant 2192 : index
    %swap3A_278 = tpu.vector_load %arg6[%swap3A_277] {strides = array<i32>} : memref<8192xf32, #tpu.memory_space<vmem>>, vector<16xf32>,
    tpu.vector_store %arg6[%swap3A_277], %broadcast_in_dim3A_3 {strides = array<i32>} : memref<8192xf32, #tpu.memory_space<vmem>>, vector<16xf32>,
    %swap3A_279 = arith.constant 2208 : index
    %swap3A_280 = tpu.vector_load %arg6[%swap3A_279] {strides = array<i32>} : memref<8192xf32, #tpu.memory_space<vmem>>, vector<16xf32>,
    tpu.vector_store %arg6[%swap3A_279], %broadcast_in_dim3A_3 {strides = array<i32>} : memref<8192xf32, #tpu.memory_space<vmem>>, vector<16xf32>,
    %swap3A_281 = arith.constant 2224 : index
    %swap3A_282 = tpu.vector_load %arg6[%swap3A_281] {strides = array<i32>} : memref<8192xf32, #tpu.memory_space<vmem>>, vector<16xf32>,
    tpu.vector_store %arg6[%swap3A_281], %broadcast_in_dim3A_3 {strides = array<i32>} : memref<8192xf32, #tpu.memory_space<vmem>>, vector<16xf32>,
    %swap3A_283 = arith.constant 2240 : index
    %swap3A_284 = tpu.vector_load %arg6[%swap3A_283] {strides = array<i32>} : memref<8192xf32, #tpu.memory_space<vmem>>, vector<16xf32>,
    tpu.vector_store %arg6[%swap3A_283], %broadcast_in_dim3A_3 {strides = array<i32>} : memref<8192xf32, #tpu.memory_space<vmem>>, vector<16xf32>,
    %swap3A_285 = arith.constant 2256 : index
    %swap3A_286 = tpu.vector_load %arg6[%swap3A_285] {strides = array<i32>} : memref<8192xf32, #tpu.memory_space<vmem>>, vector<16xf32>,
    tpu.vector_store %arg6[%swap3A_285], %broadcast_in_dim3A_3 {strides = array<i32>} : memref<8192xf32, #tpu.memory_space<vmem>>, vector<16xf32>,
    %swap3A_287 = arith.constant 2272 : index
    %swap3A_288 = tpu.vector_load %arg6[%swap3A_287] {strides = array<i32>} : memref<8192xf32, #tpu.memory_space<vmem>>, vector<16xf32>,
    tpu.vector_store %arg6[%swap3A_287], %broadcast_in_dim3A_3 {strides = array<i32>} : memref<8192xf32, #tpu.memory_space<vmem>>, vector<16xf32>,
    %swap3A_289 = arith.constant 2288 : index
    %swap3A_290 = tpu.vector_load %arg6[%swap3A_289] {strides = array<i32>} : memref<8192xf32, #tpu.memory_space<vmem>>, vector<16xf32>,
    tpu.vector_store %arg6[%swap3A_289], %broadcast_in_dim3A_3 {strides = array<i32>} : memref<8192xf32, #tpu.memory_space<vmem>>, vector<16xf32>,
    %swap3A_291 = arith.constant 2304 : index
    %swap3A_292 = tpu.vector_load %arg6[%swap3A_291] {strides = array<i32>} : memref<8192xf32, #tpu.memory_space<vmem>>, vector<16xf32>,
    tpu.vector_store %arg6[%swap3A_291], %broadcast_in_dim3A_3 {strides = array<i32>} : memref<8192xf32, #tpu.memory_space<vmem>>, vector<16xf32>,
    %swap3A_293 = arith.constant 2320 : index
    %swap3A_294 = tpu.vector_load %arg6[%swap3A_293] {strides = array<i32>} : memref<8192xf32, #tpu.memory_space<vmem>>, vector<16xf32>,
    tpu.vector_store %arg6[%swap3A_293], %broadcast_in_dim3A_3 {strides = array<i32>} : memref<8192xf32, #tpu.memory_space<vmem>>, vector<16xf32>,
    %swap3A_295 = arith.constant 2336 : index
    %swap3A_296 = tpu.vector_load %arg6[%swap3A_295] {strides = array<i32>} : memref<8192xf32, #tpu.memory_space<vmem>>, vector<16xf32>,
    tpu.vector_store %arg6[%swap3A_295], %broadcast_in_dim3A_3 {strides = array<i32>} : memref<8192xf32, #tpu.memory_space<vmem>>, vector<16xf32>,
    %swap3A_297 = arith.constant 2352 : index
    %swap3A_298 = tpu.vector_load %arg6[%swap3A_297] {strides = array<i32>} : memref<8192xf32, #tpu.memory_space<vmem>>, vector<16xf32>,
    tpu.vector_store %arg6[%swap3A_297], %broadcast_in_dim3A_3 {strides = array<i32>} : memref<8192xf32, #tpu.memory_space<vmem>>, vector<16xf32>,
    %swap3A_299 = arith.constant 2368 : index
    %swap3A_300 = tpu.vector_load %arg6[%swap3A_299] {strides = array<i32>} : memref<8192xf32, #tpu.memory_space<vmem>>, vector<16xf32>,
    tpu.vector_store %arg6[%swap3A_299], %broadcast_in_dim3A_3 {strides = array<i32>} : memref<8192xf32, #tpu.memory_space<vmem>>, vector<16xf32>,
    %swap3A_301 = arith.constant 2384 : index
    %swap3A_302 = tpu.vector_load %arg6[%swap3A_301] {strides = array<i32>} : memref<8192xf32, #tpu.memory_space<vmem>>, vector<16xf32>,
    tpu.vector_store %arg6[%swap3A_301], %broadcast_in_dim3A_3 {strides = array<i32>} : memref<8192xf32, #tpu.memory_space<vmem>>, vector<16xf32>,
    %swap3A_303 = arith.constant 2400 : index
    %swap3A_304 = tpu.vector_load %arg6[%swap3A_303] {strides = array<i32>} : memref<8192xf32, #tpu.memory_space<vmem>>, vector<16xf32>,
    tpu.vector_store %arg6[%swap3A_303], %broadcast_in_dim3A_3 {strides = array<i32>} : memref<8192xf32, #tpu.memory_space<vmem>>, vector<16xf32>,
    %swap3A_305 = arith.constant 2416 : index
    %swap3A_306 = tpu.vector_load %arg6[%swap3A_305] {strides = array<i32>} : memref<8192xf32, #tpu.memory_space<vmem>>, vector<16xf32>,
    tpu.vector_store %arg6[%swap3A_305], %broadcast_in_dim3A_3 {strides = array<i32>} : memref<8192xf32, #tpu.memory_space<vmem>>, vector<16xf32>,
    %swap3A_307 = arith.constant 2432 : index
    %swap3A_308 = tpu.vector_load %arg6[%swap3A_307] {strides = array<i32>} : memref<8192xf32, #tpu.memory_space<vmem>>, vector<16xf32>,
    tpu.vector_store %arg6[%swap3A_307], %broadcast_in_dim3A_3 {strides = array<i32>} : memref<8192xf32, #tpu.memory_space<vmem>>, vector<16xf32>,
    %swap3A_309 = arith.constant 2448 : index
    %swap3A_310 = tpu.vector_load %arg6[%swap3A_309] {strides = array<i32>} : memref<8192xf32, #tpu.memory_space<vmem>>, vector<16xf32>,
    tpu.vector_store %arg6[%swap3A_309], %broadcast_in_dim3A_3 {strides = array<i32>} : memref<8192xf32, #tpu.memory_space<vmem>>, vector<16xf32>,
    %swap3A_311 = arith.constant 2464 : index
    %swap3A_312 = tpu.vector_load %arg6[%swap3A_311] {strides = array<i32>} : memref<8192xf32, #tpu.memory_space<vmem>>, vector<16xf32>,
    tpu.vector_store %arg6[%swap3A_311], %broadcast_in_dim3A_3 {strides = array<i32>} : memref<8192xf32, #tpu.memory_space<vmem>>, vector<16xf32>,
    %swap3A_313 = arith.constant 2480 : index
    %swap3A_314 = tpu.vector_load %arg6[%swap3A_313] {strides = array<i32>} : memref<8192xf32, #tpu.memory_space<vmem>>, vector<16xf32>,
    tpu.vector_store %arg6[%swap3A_313], %broadcast_in_dim3A_3 {strides = array<i32>} : memref<8192xf32, #tpu.memory_space<vmem>>, vector<16xf32>,
    %swap3A_315 = arith.constant 2496 : index
    %swap3A_316 = tpu.vector_load %arg6[%swap3A_315] {strides = array<i32>} : memref<8192xf32, #tpu.memory_space<vmem>>, vector<16xf32>,
    tpu.vector_store %arg6[%swap3A_315], %broadcast_in_dim3A_3 {strides = array<i32>} : memref<8192xf32, #tpu.memory_space<vmem>>, vector<16xf32>,
    %swap3A_317 = arith.constant 2512 : index
    %swap3A_318 = tpu.vector_load %arg6[%swap3A_317] {strides = array<i32>} : memref<8192xf32, #tpu.memory_space<vmem>>, vector<16xf32>,
    tpu.vector_store %arg6[%swap3A_317], %broadcast_in_dim3A_3 {strides = array<i32>} : memref<8192xf32, #tpu.memory_space<vmem>>, vector<16xf32>,
    %swap3A_319 = arith.constant 2528 : index
    %swap3A_320 = tpu.vector_load %arg6[%swap3A_319] {strides = array<i32>} : memref<8192xf32, #tpu.memory_space<vmem>>, vector<16xf32>,
    tpu.vector_store %arg6[%swap3A_319], %broadcast_in_dim3A_3 {strides = array<i32>} : memref<8192xf32, #tpu.memory_space<vmem>>, vector<16xf32>,
    %swap3A_321 = arith.constant 2544 : index
    %swap3A_322 = tpu.vector_load %arg6[%swap3A_321] {strides = array<i32>} : memref<8192xf32, #tpu.memory_space<vmem>>, vector<16xf32>,
    tpu.vector_store %arg6[%swap3A_321], %broadcast_in_dim3A_3 {strides = array<i32>} : memref<8192xf32, #tpu.memory_space<vmem>>, vector<16xf32>,
    %swap3A_323 = arith.constant 2560 : index
    %swap3A_324 = tpu.vector_load %arg6[%swap3A_323] {strides = array<i32>} : memref<8192xf32, #tpu.memory_space<vmem>>, vector<16xf32>,
    tpu.vector_store %arg6[%swap3A_323], %broadcast_in_dim3A_3 {strides = array<i32>} : memref<8192xf32, #tpu.memory_space<vmem>>, vector<16xf32>,
    %swap3A_325 = arith.constant 2576 : index
    %swap3A_326 = tpu.vector_load %arg6[%swap3A_325] {strides = array<i32>} : memref<8192xf32, #tpu.memory_space<vmem>>, vector<16xf32>,
    tpu.vector_store %arg6[%swap3A_325], %broadcast_in_dim3A_3 {strides = array<i32>} : memref<8192xf32, #tpu.memory_space<vmem>>, vector<16xf32>,
    %swap3A_327 = arith.constant 2592 : index
    %swap3A_328 = tpu.vector_load %arg6[%swap3A_327] {strides = array<i32>} : memref<8192xf32, #tpu.memory_space<vmem>>, vector<16xf32>,
    tpu.vector_store %arg6[%swap3A_327], %broadcast_in_dim3A_3 {strides = array<i32>} : memref<8192xf32, #tpu.memory_space<vmem>>, vector<16xf32>,
    %swap3A_329 = arith.constant 2608 : index
    %swap3A_330 = tpu.vector_load %arg6[%swap3A_329] {strides = array<i32>} : memref<8192xf32, #tpu.memory_space<vmem>>, vector<16xf32>,
    tpu.vector_store %arg6[%swap3A_329], %broadcast_in_dim3A_3 {strides = array<i32>} : memref<8192xf32, #tpu.memory_space<vmem>>, vector<16xf32>,
    %swap3A_331 = arith.constant 2624 : index
    %swap3A_332 = tpu.vector_load %arg6[%swap3A_331] {strides = array<i32>} : memref<8192xf32, #tpu.memory_space<vmem>>, vector<16xf32>,
    tpu.vector_store %arg6[%swap3A_331], %broadcast_in_dim3A_3 {strides = array<i32>} : memref<8192xf32, #tpu.memory_space<vmem>>, vector<16xf32>,
    %swap3A_333 = arith.constant 2640 : index
    %swap3A_334 = tpu.vector_load %arg6[%swap3A_333] {strides = array<i32>} : memref<8192xf32, #tpu.memory_space<vmem>>, vector<16xf32>,
    tpu.vector_store %arg6[%swap3A_333], %broadcast_in_dim3A_3 {strides = array<i32>} : memref<8192xf32, #tpu.memory_space<vmem>>, vector<16xf32>,
    %swap3A_335 = arith.constant 2656 : index
    %swap3A_336 = tpu.vector_load %arg6[%swap3A_335] {strides = array<i32>} : memref<8192xf32, #tpu.memory_space<vmem>>, vector<16xf32>,
    tpu.vector_store %arg6[%swap3A_335], %broadcast_in_dim3A_3 {strides = array<i32>} : memref<8192xf32, #tpu.memory_space<vmem>>, vector<16xf32>,
    %swap3A_337 = arith.constant 2672 : index
    %swap3A_338 = tpu.vector_load %arg6[%swap3A_337] {strides = array<i32>} : memref<8192xf32, #tpu.memory_space<vmem>>, vector<16xf32>,
    tpu.vector_store %arg6[%swap3A_337], %broadcast_in_dim3A_3 {strides = array<i32>} : memref<8192xf32, #tpu.memory_space<vmem>>, vector<16xf32>,
    %swap3A_339 = arith.constant 2688 : index
    %swap3A_340 = tpu.vector_load %arg6[%swap3A_339] {strides = array<i32>} : memref<8192xf32, #tpu.memory_space<vmem>>, vector<16xf32>,
    tpu.vector_store %arg6[%swap3A_339], %broadcast_in_dim3A_3 {strides = array<i32>} : memref<8192xf32, #tpu.memory_space<vmem>>, vector<16xf32>,
    %swap3A_341 = arith.constant 2704 : index
    %swap3A_342 = tpu.vector_load %arg6[%swap3A_341] {strides = array<i32>} : memref<8192xf32, #tpu.memory_space<vmem>>, vector<16xf32>,
    tpu.vector_store %arg6[%swap3A_341], %broadcast_in_dim3A_3 {strides = array<i32>} : memref<8192xf32, #tpu.memory_space<vmem>>, vector<16xf32>,
    %swap3A_343 = arith.constant 2720 : index
    %swap3A_344 = tpu.vector_load %arg6[%swap3A_343] {strides = array<i32>} : memref<8192xf32, #tpu.memory_space<vmem>>, vector<16xf32>,
    tpu.vector_store %arg6[%swap3A_343], %broadcast_in_dim3A_3 {strides = array<i32>} : memref<8192xf32, #tpu.memory_space<vmem>>, vector<16xf32>,
    %swap3A_345 = arith.constant 2736 : index
    %swap3A_346 = tpu.vector_load %arg6[%swap3A_345] {strides = array<i32>} : memref<8192xf32, #tpu.memory_space<vmem>>, vector<16xf32>,
    tpu.vector_store %arg6[%swap3A_345], %broadcast_in_dim3A_3 {strides = array<i32>} : memref<8192xf32, #tpu.memory_space<vmem>>, vector<16xf32>,
    %swap3A_347 = arith.constant 2752 : index
    %swap3A_348 = tpu.vector_load %arg6[%swap3A_347] {strides = array<i32>} : memref<8192xf32, #tpu.memory_space<vmem>>, vector<16xf32>,
    tpu.vector_store %arg6[%swap3A_347], %broadcast_in_dim3A_3 {strides = array<i32>} : memref<8192xf32, #tpu.memory_space<vmem>>, vector<16xf32>,
    %swap3A_349 = arith.constant 2768 : index
    %swap3A_350 = tpu.vector_load %arg6[%swap3A_349] {strides = array<i32>} : memref<8192xf32, #tpu.memory_space<vmem>>, vector<16xf32>,
    tpu.vector_store %arg6[%swap3A_349], %broadcast_in_dim3A_3 {strides = array<i32>} : memref<8192xf32, #tpu.memory_space<vmem>>, vector<16xf32>,
    %swap3A_351 = arith.constant 2784 : index
    %swap3A_352 = tpu.vector_load %arg6[%swap3A_351] {strides = array<i32>} : memref<8192xf32, #tpu.memory_space<vmem>>, vector<16xf32>,
    tpu.vector_store %arg6[%swap3A_351], %broadcast_in_dim3A_3 {strides = array<i32>} : memref<8192xf32, #tpu.memory_space<vmem>>, vector<16xf32>,
    %swap3A_353 = arith.constant 2800 : index
    %swap3A_354 = tpu.vector_load %arg6[%swap3A_353] {strides = array<i32>} : memref<8192xf32, #tpu.memory_space<vmem>>, vector<16xf32>,
    tpu.vector_store %arg6[%swap3A_353], %broadcast_in_dim3A_3 {strides = array<i32>} : memref<8192xf32, #tpu.memory_space<vmem>>, vector<16xf32>,
    %swap3A_355 = arith.constant 2816 : index
    %swap3A_356 = tpu.vector_load %arg6[%swap3A_355] {strides = array<i32>} : memref<8192xf32, #tpu.memory_space<vmem>>, vector<16xf32>,
    tpu.vector_store %arg6[%swap3A_355], %broadcast_in_dim3A_3 {strides = array<i32>} : memref<8192xf32, #tpu.memory_space<vmem>>, vector<16xf32>,
    %swap3A_357 = arith.constant 2832 : index
    %swap3A_358 = tpu.vector_load %arg6[%swap3A_357] {strides = array<i32>} : memref<8192xf32, #tpu.memory_space<vmem>>, vector<16xf32>,
    tpu.vector_store %arg6[%swap3A_357], %broadcast_in_dim3A_3 {strides = array<i32>} : memref<8192xf32, #tpu.memory_space<vmem>>, vector<16xf32>,
    %swap3A_359 = arith.constant 2848 : index
    %swap3A_360 = tpu.vector_load %arg6[%swap3A_359] {strides = array<i32>} : memref<8192xf32, #tpu.memory_space<vmem>>, vector<16xf32>,
    tpu.vector_store %arg6[%swap3A_359], %broadcast_in_dim3A_3 {strides = array<i32>} : memref<8192xf32, #tpu.memory_space<vmem>>, vector<16xf32>,
    %swap3A_361 = arith.constant 2864 : index
    %swap3A_362 = tpu.vector_load %arg6[%swap3A_361] {strides = array<i32>} : memref<8192xf32, #tpu.memory_space<vmem>>, vector<16xf32>,
    tpu.vector_store %arg6[%swap3A_361], %broadcast_in_dim3A_3 {strides = array<i32>} : memref<8192xf32, #tpu.memory_space<vmem>>, vector<16xf32>,
    %swap3A_363 = arith.constant 2880 : index
    %swap3A_364 = tpu.vector_load %arg6[%swap3A_363] {strides = array<i32>} : memref<8192xf32, #tpu.memory_space<vmem>>, vector<16xf32>,
    tpu.vector_store %arg6[%swap3A_363], %broadcast_in_dim3A_3 {strides = array<i32>} : memref<8192xf32, #tpu.memory_space<vmem>>, vector<16xf32>,
    %swap3A_365 = arith.constant 2896 : index
    %swap3A_366 = tpu.vector_load %arg6[%swap3A_365] {strides = array<i32>} : memref<8192xf32, #tpu.memory_space<vmem>>, vector<16xf32>,
    tpu.vector_store %arg6[%swap3A_365], %broadcast_in_dim3A_3 {strides = array<i32>} : memref<8192xf32, #tpu.memory_space<vmem>>, vector<16xf32>,
    %swap3A_367 = arith.constant 2912 : index
    %swap3A_368 = tpu.vector_load %arg6[%swap3A_367] {strides = array<i32>} : memref<8192xf32, #tpu.memory_space<vmem>>, vector<16xf32>,
    tpu.vector_store %arg6[%swap3A_367], %broadcast_in_dim3A_3 {strides = array<i32>} : memref<8192xf32, #tpu.memory_space<vmem>>, vector<16xf32>,
    %swap3A_369 = arith.constant 2928 : index
    %swap3A_370 = tpu.vector_load %arg6[%swap3A_369] {strides = array<i32>} : memref<8192xf32, #tpu.memory_space<vmem>>, vector<16xf32>,
    tpu.vector_store %arg6[%swap3A_369], %broadcast_in_dim3A_3 {strides = array<i32>} : memref<8192xf32, #tpu.memory_space<vmem>>, vector<16xf32>,
    %swap3A_371 = arith.constant 2944 : index
    %swap3A_372 = tpu.vector_load %arg6[%swap3A_371] {strides = array<i32>} : memref<8192xf32, #tpu.memory_space<vmem>>, vector<16xf32>,
    tpu.vector_store %arg6[%swap3A_371], %broadcast_in_dim3A_3 {strides = array<i32>} : memref<8192xf32, #tpu.memory_space<vmem>>, vector<16xf32>,
    %swap3A_373 = arith.constant 2960 : index
    %swap3A_374 = tpu.vector_load %arg6[%swap3A_373] {strides = array<i32>} : memref<8192xf32, #tpu.memory_space<vmem>>, vector<16xf32>,
    tpu.vector_store %arg6[%swap3A_373], %broadcast_in_dim3A_3 {strides = array<i32>} : memref<8192xf32, #tpu.memory_space<vmem>>, vector<16xf32>,
    %swap3A_375 = arith.constant 2976 : index
    %swap3A_376 = tpu.vector_load %arg6[%swap3A_375] {strides = array<i32>} : memref<8192xf32, #tpu.memory_space<vmem>>, vector<16xf32>,
    tpu.vector_store %arg6[%swap3A_375], %broadcast_in_dim3A_3 {strides = array<i32>} : memref<8192xf32, #tpu.memory_space<vmem>>, vector<16xf32>,
    %swap3A_377 = arith.constant 2992 : index
    %swap3A_378 = tpu.vector_load %arg6[%swap3A_377] {strides = array<i32>} : memref<8192xf32, #tpu.memory_space<vmem>>, vector<16xf32>,
    tpu.vector_store %arg6[%swap3A_377], %broadcast_in_dim3A_3 {strides = array<i32>} : memref<8192xf32, #tpu.memory_space<vmem>>, vector<16xf32>,
    %swap3A_379 = arith.constant 3008 : index
    %swap3A_380 = tpu.vector_load %arg6[%swap3A_379] {strides = array<i32>} : memref<8192xf32, #tpu.memory_space<vmem>>, vector<16xf32>,
    tpu.vector_store %arg6[%swap3A_379], %broadcast_in_dim3A_3 {strides = array<i32>} : memref<8192xf32, #tpu.memory_space<vmem>>, vector<16xf32>,
    %swap3A_381 = arith.constant 3024 : index
    %swap3A_382 = tpu.vector_load %arg6[%swap3A_381] {strides = array<i32>} : memref<8192xf32, #tpu.memory_space<vmem>>, vector<16xf32>,
    tpu.vector_store %arg6[%swap3A_381], %broadcast_in_dim3A_3 {strides = array<i32>} : memref<8192xf32, #tpu.memory_space<vmem>>, vector<16xf32>,
    %swap3A_383 = arith.constant 3040 : index
    %swap3A_384 = tpu.vector_load %arg6[%swap3A_383] {strides = array<i32>} : memref<8192xf32, #tpu.memory_space<vmem>>, vector<16xf32>,
    tpu.vector_store %arg6[%swap3A_383], %broadcast_in_dim3A_3 {strides = array<i32>} : memref<8192xf32, #tpu.memory_space<vmem>>, vector<16xf32>,
    %swap3A_385 = arith.constant 3056 : index
    %swap3A_386 = tpu.vector_load %arg6[%swap3A_385] {strides = array<i32>} : memref<8192xf32, #tpu.memory_space<vmem>>, vector<16xf32>,
    tpu.vector_store %arg6[%swap3A_385], %broadcast_in_dim3A_3 {strides = array<i32>} : memref<8192xf32, #tpu.memory_space<vmem>>, vector<16xf32>,
    %swap3A_387 = arith.constant 3072 : index
    %swap3A_388 = tpu.vector_load %arg6[%swap3A_387] {strides = array<i32>} : memref<8192xf32, #tpu.memory_space<vmem>>, vector<16xf32>,
    tpu.vector_store %arg6[%swap3A_387], %broadcast_in_dim3A_3 {strides = array<i32>} : memref<8192xf32, #tpu.memory_space<vmem>>, vector<16xf32>,
    %swap3A_389 = arith.constant 3088 : index
    %swap3A_390 = tpu.vector_load %arg6[%swap3A_389] {strides = array<i32>} : memref<8192xf32, #tpu.memory_space<vmem>>, vector<16xf32>,
    tpu.vector_store %arg6[%swap3A_389], %broadcast_in_dim3A_3 {strides = array<i32>} : memref<8192xf32, #tpu.memory_space<vmem>>, vector<16xf32>,
    %swap3A_391 = arith.constant 3104 : index
    %swap3A_392 = tpu.vector_load %arg6[%swap3A_391] {strides = array<i32>} : memref<8192xf32, #tpu.memory_space<vmem>>, vector<16xf32>,
    tpu.vector_store %arg6[%swap3A_391], %broadcast_in_dim3A_3 {strides = array<i32>} : memref<8192xf32, #tpu.memory_space<vmem>>, vector<16xf32>,
    %swap3A_393 = arith.constant 3120 : index
    %swap3A_394 = tpu.vector_load %arg6[%swap3A_393] {strides = array<i32>} : memref<8192xf32, #tpu.memory_space<vmem>>, vector<16xf32>,
    tpu.vector_store %arg6[%swap3A_393], %broadcast_in_dim3A_3 {strides = array<i32>} : memref<8192xf32, #tpu.memory_space<vmem>>, vector<16xf32>,
    %swap3A_395 = arith.constant 3136 : index
    %swap3A_396 = tpu.vector_load %arg6[%swap3A_395] {strides = array<i32>} : memref<8192xf32, #tpu.memory_space<vmem>>, vector<16xf32>,
    tpu.vector_store %arg6[%swap3A_395], %broadcast_in_dim3A_3 {strides = array<i32>} : memref<8192xf32, #tpu.memory_space<vmem>>, vector<16xf32>,
    %swap3A_397 = arith.constant 3152 : index
    %swap3A_398 = tpu.vector_load %arg6[%swap3A_397] {strides = array<i32>} : memref<8192xf32, #tpu.memory_space<vmem>>, vector<16xf32>,
    tpu.vector_store %arg6[%swap3A_397], %broadcast_in_dim3A_3 {strides = array<i32>} : memref<8192xf32, #tpu.memory_space<vmem>>, vector<16xf32>,
    %swap3A_399 = arith.constant 3168 : index
    %swap3A_400 = tpu.vector_load %arg6[%swap3A_399] {strides = array<i32>} : memref<8192xf32, #tpu.memory_space<vmem>>, vector<16xf32>,
    tpu.vector_store %arg6[%swap3A_399], %broadcast_in_dim3A_3 {strides = array<i32>} : memref<8192xf32, #tpu.memory_space<vmem>>, vector<16xf32>,
    %swap3A_401 = arith.constant 3184 : index
    %swap3A_402 = tpu.vector_load %arg6[%swap3A_401] {strides = array<i32>} : memref<8192xf32, #tpu.memory_space<vmem>>, vector<16xf32>,
    tpu.vector_store %arg6[%swap3A_401], %broadcast_in_dim3A_3 {strides = array<i32>} : memref<8192xf32, #tpu.memory_space<vmem>>, vector<16xf32>,
    %swap3A_403 = arith.constant 3200 : index
    %swap3A_404 = tpu.vector_load %arg6[%swap3A_403] {strides = array<i32>} : memref<8192xf32, #tpu.memory_space<vmem>>, vector<16xf32>,
    tpu.vector_store %arg6[%swap3A_403], %broadcast_in_dim3A_3 {strides = array<i32>} : memref<8192xf32, #tpu.memory_space<vmem>>, vector<16xf32>,
    %swap3A_405 = arith.constant 3216 : index
    %swap3A_406 = tpu.vector_load %arg6[%swap3A_405] {strides = array<i32>} : memref<8192xf32, #tpu.memory_space<vmem>>, vector<16xf32>,
    tpu.vector_store %arg6[%swap3A_405], %broadcast_in_dim3A_3 {strides = array<i32>} : memref<8192xf32, #tpu.memory_space<vmem>>, vector<16xf32>,
    %swap3A_407 = arith.constant 3232 : index
    %swap3A_408 = tpu.vector_load %arg6[%swap3A_407] {strides = array<i32>} : memref<8192xf32, #tpu.memory_space<vmem>>, vector<16xf32>,
    tpu.vector_store %arg6[%swap3A_407], %broadcast_in_dim3A_3 {strides = array<i32>} : memref<8192xf32, #tpu.memory_space<vmem>>, vector<16xf32>,
    %swap3A_409 = arith.constant 3248 : index
    %swap3A_410 = tpu.vector_load %arg6[%swap3A_409] {strides = array<i32>} : memref<8192xf32, #tpu.memory_space<vmem>>, vector<16xf32>,
    tpu.vector_store %arg6[%swap3A_409], %broadcast_in_dim3A_3 {strides = array<i32>} : memref<8192xf32, #tpu.memory_space<vmem>>, vector<16xf32>,
    %swap3A_411 = arith.constant 3264 : index
    %swap3A_412 = tpu.vector_load %arg6[%swap3A_411] {strides = array<i32>} : memref<8192xf32, #tpu.memory_space<vmem>>, vector<16xf32>,
    tpu.vector_store %arg6[%swap3A_411], %broadcast_in_dim3A_3 {strides = array<i32>} : memref<8192xf32, #tpu.memory_space<vmem>>, vector<16xf32>,
    %swap3A_413 = arith.constant 3280 : index
    %swap3A_414 = tpu.vector_load %arg6[%swap3A_413] {strides = array<i32>} : memref<8192xf32, #tpu.memory_space<vmem>>, vector<16xf32>,
    tpu.vector_store %arg6[%swap3A_413], %broadcast_in_dim3A_3 {strides = array<i32>} : memref<8192xf32, #tpu.memory_space<vmem>>, vector<16xf32>,
    %swap3A_415 = arith.constant 3296 : index
    %swap3A_416 = tpu.vector_load %arg6[%swap3A_415] {strides = array<i32>} : memref<8192xf32, #tpu.memory_space<vmem>>, vector<16xf32>,
    tpu.vector_store %arg6[%swap3A_415], %broadcast_in_dim3A_3 {strides = array<i32>} : memref<8192xf32, #tpu.memory_space<vmem>>, vector<16xf32>,
    %swap3A_417 = arith.constant 3312 : index
    %swap3A_418 = tpu.vector_load %arg6[%swap3A_417] {strides = array<i32>} : memref<8192xf32, #tpu.memory_space<vmem>>, vector<16xf32>,
    tpu.vector_store %arg6[%swap3A_417], %broadcast_in_dim3A_3 {strides = array<i32>} : memref<8192xf32, #tpu.memory_space<vmem>>, vector<16xf32>,
    %swap3A_419 = arith.constant 3328 : index
    %swap3A_420 = tpu.vector_load %arg6[%swap3A_419] {strides = array<i32>} : memref<8192xf32, #tpu.memory_space<vmem>>, vector<16xf32>,
    tpu.vector_store %arg6[%swap3A_419], %broadcast_in_dim3A_3 {strides = array<i32>} : memref<8192xf32, #tpu.memory_space<vmem>>, vector<16xf32>,
    %swap3A_421 = arith.constant 3344 : index
    %swap3A_422 = tpu.vector_load %arg6[%swap3A_421] {strides = array<i32>} : memref<8192xf32, #tpu.memory_space<vmem>>, vector<16xf32>,
    tpu.vector_store %arg6[%swap3A_421], %broadcast_in_dim3A_3 {strides = array<i32>} : memref<8192xf32, #tpu.memory_space<vmem>>, vector<16xf32>,
    %swap3A_423 = arith.constant 3360 : index
    %swap3A_424 = tpu.vector_load %arg6[%swap3A_423] {strides = array<i32>} : memref<8192xf32, #tpu.memory_space<vmem>>, vector<16xf32>,
    tpu.vector_store %arg6[%swap3A_423], %broadcast_in_dim3A_3 {strides = array<i32>} : memref<8192xf32, #tpu.memory_space<vmem>>, vector<16xf32>,
    %swap3A_425 = arith.constant 3376 : index
    %swap3A_426 = tpu.vector_load %arg6[%swap3A_425] {strides = array<i32>} : memref<8192xf32, #tpu.memory_space<vmem>>, vector<16xf32>,
    tpu.vector_store %arg6[%swap3A_425], %broadcast_in_dim3A_3 {strides = array<i32>} : memref<8192xf32, #tpu.memory_space<vmem>>, vector<16xf32>,
    %swap3A_427 = arith.constant 3392 : index
    %swap3A_428 = tpu.vector_load %arg6[%swap3A_427] {strides = array<i32>} : memref<8192xf32, #tpu.memory_space<vmem>>, vector<16xf32>,
    tpu.vector_store %arg6[%swap3A_427], %broadcast_in_dim3A_3 {strides = array<i32>} : memref<8192xf32, #tpu.memory_space<vmem>>, vector<16xf32>,
    %swap3A_429 = arith.constant 3408 : index
    %swap3A_430 = tpu.vector_load %arg6[%swap3A_429] {strides = array<i32>} : memref<8192xf32, #tpu.memory_space<vmem>>, vector<16xf32>,
    tpu.vector_store %arg6[%swap3A_429], %broadcast_in_dim3A_3 {strides = array<i32>} : memref<8192xf32, #tpu.memory_space<vmem>>, vector<16xf32>,
    %swap3A_431 = arith.constant 3424 : index
    %swap3A_432 = tpu.vector_load %arg6[%swap3A_431] {strides = array<i32>} : memref<8192xf32, #tpu.memory_space<vmem>>, vector<16xf32>,
    tpu.vector_store %arg6[%swap3A_431], %broadcast_in_dim3A_3 {strides = array<i32>} : memref<8192xf32, #tpu.memory_space<vmem>>, vector<16xf32>,
    %swap3A_433 = arith.constant 3440 : index
    %swap3A_434 = tpu.vector_load %arg6[%swap3A_433] {strides = array<i32>} : memref<8192xf32, #tpu.memory_space<vmem>>, vector<16xf32>,
    tpu.vector_store %arg6[%swap3A_433], %broadcast_in_dim3A_3 {strides = array<i32>} : memref<8192xf32, #tpu.memory_space<vmem>>, vector<16xf32>,
    %swap3A_435 = arith.constant 3456 : index
    %swap3A_436 = tpu.vector_load %arg6[%swap3A_435] {strides = array<i32>} : memref<8192xf32, #tpu.memory_space<vmem>>, vector<16xf32>,
    tpu.vector_store %arg6[%swap3A_435], %broadcast_in_dim3A_3 {strides = array<i32>} : memref<8192xf32, #tpu.memory_space<vmem>>, vector<16xf32>,
    %swap3A_437 = arith.constant 3472 : index
    %swap3A_438 = tpu.vector_load %arg6[%swap3A_437] {strides = array<i32>} : memref<8192xf32, #tpu.memory_space<vmem>>, vector<16xf32>,
    tpu.vector_store %arg6[%swap3A_437], %broadcast_in_dim3A_3 {strides = array<i32>} : memref<8192xf32, #tpu.memory_space<vmem>>, vector<16xf32>,
    %swap3A_439 = arith.constant 3488 : index
    %swap3A_440 = tpu.vector_load %arg6[%swap3A_439] {strides = array<i32>} : memref<8192xf32, #tpu.memory_space<vmem>>, vector<16xf32>,
    tpu.vector_store %arg6[%swap3A_439], %broadcast_in_dim3A_3 {strides = array<i32>} : memref<8192xf32, #tpu.memory_space<vmem>>, vector<16xf32>,
    %swap3A_441 = arith.constant 3504 : index
    %swap3A_442 = tpu.vector_load %arg6[%swap3A_441] {strides = array<i32>} : memref<8192xf32, #tpu.memory_space<vmem>>, vector<16xf32>,
    tpu.vector_store %arg6[%swap3A_441], %broadcast_in_dim3A_3 {strides = array<i32>} : memref<8192xf32, #tpu.memory_space<vmem>>, vector<16xf32>,
    %swap3A_443 = arith.constant 3520 : index
    %swap3A_444 = tpu.vector_load %arg6[%swap3A_443] {strides = array<i32>} : memref<8192xf32, #tpu.memory_space<vmem>>, vector<16xf32>,
    tpu.vector_store %arg6[%swap3A_443], %broadcast_in_dim3A_3 {strides = array<i32>} : memref<8192xf32, #tpu.memory_space<vmem>>, vector<16xf32>,
    %swap3A_445 = arith.constant 3536 : index
    %swap3A_446 = tpu.vector_load %arg6[%swap3A_445] {strides = array<i32>} : memref<8192xf32, #tpu.memory_space<vmem>>, vector<16xf32>,
    tpu.vector_store %arg6[%swap3A_445], %broadcast_in_dim3A_3 {strides = array<i32>} : memref<8192xf32, #tpu.memory_space<vmem>>, vector<16xf32>,
    %swap3A_447 = arith.constant 3552 : index
    %swap3A_448 = tpu.vector_load %arg6[%swap3A_447] {strides = array<i32>} : memref<8192xf32, #tpu.memory_space<vmem>>, vector<16xf32>,
    tpu.vector_store %arg6[%swap3A_447], %broadcast_in_dim3A_3 {strides = array<i32>} : memref<8192xf32, #tpu.memory_space<vmem>>, vector<16xf32>,
    %swap3A_449 = arith.constant 3568 : index
    %swap3A_450 = tpu.vector_load %arg6[%swap3A_449] {strides = array<i32>} : memref<8192xf32, #tpu.memory_space<vmem>>, vector<16xf32>,
    tpu.vector_store %arg6[%swap3A_449], %broadcast_in_dim3A_3 {strides = array<i32>} : memref<8192xf32, #tpu.memory_space<vmem>>, vector<16xf32>,
    %swap3A_451 = arith.constant 3584 : index
    %swap3A_452 = tpu.vector_load %arg6[%swap3A_451] {strides = array<i32>} : memref<8192xf32, #tpu.memory_space<vmem>>, vector<16xf32>,
    tpu.vector_store %arg6[%swap3A_451], %broadcast_in_dim3A_3 {strides = array<i32>} : memref<8192xf32, #tpu.memory_space<vmem>>, vector<16xf32>,
    %swap3A_453 = arith.constant 3600 : index
    %swap3A_454 = tpu.vector_load %arg6[%swap3A_453] {strides = array<i32>} : memref<8192xf32, #tpu.memory_space<vmem>>, vector<16xf32>,
    tpu.vector_store %arg6[%swap3A_453], %broadcast_in_dim3A_3 {strides = array<i32>} : memref<8192xf32, #tpu.memory_space<vmem>>, vector<16xf32>,
    %swap3A_455 = arith.constant 3616 : index
    %swap3A_456 = tpu.vector_load %arg6[%swap3A_455] {strides = array<i32>} : memref<8192xf32, #tpu.memory_space<vmem>>, vector<16xf32>,
    tpu.vector_store %arg6[%swap3A_455], %broadcast_in_dim3A_3 {strides = array<i32>} : memref<8192xf32, #tpu.memory_space<vmem>>, vector<16xf32>,
    %swap3A_457 = arith.constant 3632 : index
    %swap3A_458 = tpu.vector_load %arg6[%swap3A_457] {strides = array<i32>} : memref<8192xf32, #tpu.memory_space<vmem>>, vector<16xf32>,
    tpu.vector_store %arg6[%swap3A_457], %broadcast_in_dim3A_3 {strides = array<i32>} : memref<8192xf32, #tpu.memory_space<vmem>>, vector<16xf32>,
    %swap3A_459 = arith.constant 3648 : index
    %swap3A_460 = tpu.vector_load %arg6[%swap3A_459] {strides = array<i32>} : memref<8192xf32, #tpu.memory_space<vmem>>, vector<16xf32>,
    tpu.vector_store %arg6[%swap3A_459], %broadcast_in_dim3A_3 {strides = array<i32>} : memref<8192xf32, #tpu.memory_space<vmem>>, vector<16xf32>,
    %swap3A_461 = arith.constant 3664 : index
    %swap3A_462 = tpu.vector_load %arg6[%swap3A_461] {strides = array<i32>} : memref<8192xf32, #tpu.memory_space<vmem>>, vector<16xf32>,
    tpu.vector_store %arg6[%swap3A_461], %broadcast_in_dim3A_3 {strides = array<i32>} : memref<8192xf32, #tpu.memory_space<vmem>>, vector<16xf32>,
    %swap3A_463 = arith.constant 3680 : index
    %swap3A_464 = tpu.vector_load %arg6[%swap3A_463] {strides = array<i32>} : memref<8192xf32, #tpu.memory_space<vmem>>, vector<16xf32>,
    tpu.vector_store %arg6[%swap3A_463], %broadcast_in_dim3A_3 {strides = array<i32>} : memref<8192xf32, #tpu.memory_space<vmem>>, vector<16xf32>,
    %swap3A_465 = arith.constant 3696 : index
    %swap3A_466 = tpu.vector_load %arg6[%swap3A_465] {strides = array<i32>} : memref<8192xf32, #tpu.memory_space<vmem>>, vector<16xf32>,
    tpu.vector_store %arg6[%swap3A_465], %broadcast_in_dim3A_3 {strides = array<i32>} : memref<8192xf32, #tpu.memory_space<vmem>>, vector<16xf32>,
    %swap3A_467 = arith.constant 3712 : index
    %swap3A_468 = tpu.vector_load %arg6[%swap3A_467] {strides = array<i32>} : memref<8192xf32, #tpu.memory_space<vmem>>, vector<16xf32>,
    tpu.vector_store %arg6[%swap3A_467], %broadcast_in_dim3A_3 {strides = array<i32>} : memref<8192xf32, #tpu.memory_space<vmem>>, vector<16xf32>,
    %swap3A_469 = arith.constant 3728 : index
    %swap3A_470 = tpu.vector_load %arg6[%swap3A_469] {strides = array<i32>} : memref<8192xf32, #tpu.memory_space<vmem>>, vector<16xf32>,
    tpu.vector_store %arg6[%swap3A_469], %broadcast_in_dim3A_3 {strides = array<i32>} : memref<8192xf32, #tpu.memory_space<vmem>>, vector<16xf32>,
    %swap3A_471 = arith.constant 3744 : index
    %swap3A_472 = tpu.vector_load %arg6[%swap3A_471] {strides = array<i32>} : memref<8192xf32, #tpu.memory_space<vmem>>, vector<16xf32>,
    tpu.vector_store %arg6[%swap3A_471], %broadcast_in_dim3A_3 {strides = array<i32>} : memref<8192xf32, #tpu.memory_space<vmem>>, vector<16xf32>,
    %swap3A_473 = arith.constant 3760 : index
    %swap3A_474 = tpu.vector_load %arg6[%swap3A_473] {strides = array<i32>} : memref<8192xf32, #tpu.memory_space<vmem>>, vector<16xf32>,
    tpu.vector_store %arg6[%swap3A_473], %broadcast_in_dim3A_3 {strides = array<i32>} : memref<8192xf32, #tpu.memory_space<vmem>>, vector<16xf32>,
    %swap3A_475 = arith.constant 3776 : index
    %swap3A_476 = tpu.vector_load %arg6[%swap3A_475] {strides = array<i32>} : memref<8192xf32, #tpu.memory_space<vmem>>, vector<16xf32>,
    tpu.vector_store %arg6[%swap3A_475], %broadcast_in_dim3A_3 {strides = array<i32>} : memref<8192xf32, #tpu.memory_space<vmem>>, vector<16xf32>,
    %swap3A_477 = arith.constant 3792 : index
    %swap3A_478 = tpu.vector_load %arg6[%swap3A_477] {strides = array<i32>} : memref<8192xf32, #tpu.memory_space<vmem>>, vector<16xf32>,
    tpu.vector_store %arg6[%swap3A_477], %broadcast_in_dim3A_3 {strides = array<i32>} : memref<8192xf32, #tpu.memory_space<vmem>>, vector<16xf32>,
    %swap3A_479 = arith.constant 3808 : index
    %swap3A_480 = tpu.vector_load %arg6[%swap3A_479] {strides = array<i32>} : memref<8192xf32, #tpu.memory_space<vmem>>, vector<16xf32>,
    tpu.vector_store %arg6[%swap3A_479], %broadcast_in_dim3A_3 {strides = array<i32>} : memref<8192xf32, #tpu.memory_space<vmem>>, vector<16xf32>,
    %swap3A_481 = arith.constant 3824 : index
    %swap3A_482 = tpu.vector_load %arg6[%swap3A_481] {strides = array<i32>} : memref<8192xf32, #tpu.memory_space<vmem>>, vector<16xf32>,
    tpu.vector_store %arg6[%swap3A_481], %broadcast_in_dim3A_3 {strides = array<i32>} : memref<8192xf32, #tpu.memory_space<vmem>>, vector<16xf32>,
    %swap3A_483 = arith.constant 3840 : index
    %swap3A_484 = tpu.vector_load %arg6[%swap3A_483] {strides = array<i32>} : memref<8192xf32, #tpu.memory_space<vmem>>, vector<16xf32>,
    tpu.vector_store %arg6[%swap3A_483], %broadcast_in_dim3A_3 {strides = array<i32>} : memref<8192xf32, #tpu.memory_space<vmem>>, vector<16xf32>,
    %swap3A_485 = arith.constant 3856 : index
    %swap3A_486 = tpu.vector_load %arg6[%swap3A_485] {strides = array<i32>} : memref<8192xf32, #tpu.memory_space<vmem>>, vector<16xf32>,
    tpu.vector_store %arg6[%swap3A_485], %broadcast_in_dim3A_3 {strides = array<i32>} : memref<8192xf32, #tpu.memory_space<vmem>>, vector<16xf32>,
    %swap3A_487 = arith.constant 3872 : index
    %swap3A_488 = tpu.vector_load %arg6[%swap3A_487] {strides = array<i32>} : memref<8192xf32, #tpu.memory_space<vmem>>, vector<16xf32>,
    tpu.vector_store %arg6[%swap3A_487], %broadcast_in_dim3A_3 {strides = array<i32>} : memref<8192xf32, #tpu.memory_space<vmem>>, vector<16xf32>,
    %swap3A_489 = arith.constant 3888 : index
    %swap3A_490 = tpu.vector_load %arg6[%swap3A_489] {strides = array<i32>} : memref<8192xf32, #tpu.memory_space<vmem>>, vector<16xf32>,
    tpu.vector_store %arg6[%swap3A_489], %broadcast_in_dim3A_3 {strides = array<i32>} : memref<8192xf32, #tpu.memory_space<vmem>>, vector<16xf32>,
    %swap3A_491 = arith.constant 3904 : index
    %swap3A_492 = tpu.vector_load %arg6[%swap3A_491] {strides = array<i32>} : memref<8192xf32, #tpu.memory_space<vmem>>, vector<16xf32>,
    tpu.vector_store %arg6[%swap3A_491], %broadcast_in_dim3A_3 {strides = array<i32>} : memref<8192xf32, #tpu.memory_space<vmem>>, vector<16xf32>,
    %swap3A_493 = arith.constant 3920 : index
    %swap3A_494 = tpu.vector_load %arg6[%swap3A_493] {strides = array<i32>} : memref<8192xf32, #tpu.memory_space<vmem>>, vector<16xf32>,
    tpu.vector_store %arg6[%swap3A_493], %broadcast_in_dim3A_3 {strides = array<i32>} : memref<8192xf32, #tpu.memory_space<vmem>>, vector<16xf32>,
    %swap3A_495 = arith.constant 3936 : index
    %swap3A_496 = tpu.vector_load %arg6[%swap3A_495] {strides = array<i32>} : memref<8192xf32, #tpu.memory_space<vmem>>, vector<16xf32>,
    tpu.vector_store %arg6[%swap3A_495], %broadcast_in_dim3A_3 {strides = array<i32>} : memref<8192xf32, #tpu.memory_space<vmem>>, vector<16xf32>,
    %swap3A_497 = arith.constant 3952 : index
    %swap3A_498 = tpu.vector_load %arg6[%swap3A_497] {strides = array<i32>} : memref<8192xf32, #tpu.memory_space<vmem>>, vector<16xf32>,
    tpu.vector_store %arg6[%swap3A_497], %broadcast_in_dim3A_3 {strides = array<i32>} : memref<8192xf32, #tpu.memory_space<vmem>>, vector<16xf32>,
    %swap3A_499 = arith.constant 3968 : index
    %swap3A_500 = tpu.vector_load %arg6[%swap3A_499] {strides = array<i32>} : memref<8192xf32, #tpu.memory_space<vmem>>, vector<16xf32>,
    tpu.vector_store %arg6[%swap3A_499], %broadcast_in_dim3A_3 {strides = array<i32>} : memref<8192xf32, #tpu.memory_space<vmem>>, vector<16xf32>,
    %swap3A_501 = arith.constant 3984 : index
    %swap3A_502 = tpu.vector_load %arg6[%swap3A_501] {strides = array<i32>} : memref<8192xf32, #tpu.memory_space<vmem>>, vector<16xf32>,
    tpu.vector_store %arg6[%swap3A_501], %broadcast_in_dim3A_3 {strides = array<i32>} : memref<8192xf32, #tpu.memory_space<vmem>>, vector<16xf32>,
    %swap3A_503 = arith.constant 4000 : index
    %swap3A_504 = tpu.vector_load %arg6[%swap3A_503] {strides = array<i32>} : memref<8192xf32, #tpu.memory_space<vmem>>, vector<16xf32>,
    tpu.vector_store %arg6[%swap3A_503], %broadcast_in_dim3A_3 {strides = array<i32>} : memref<8192xf32, #tpu.memory_space<vmem>>, vector<16xf32>,
    %swap3A_505 = arith.constant 4016 : index
    %swap3A_506 = tpu.vector_load %arg6[%swap3A_505] {strides = array<i32>} : memref<8192xf32, #tpu.memory_space<vmem>>, vector<16xf32>,
    tpu.vector_store %arg6[%swap3A_505], %broadcast_in_dim3A_3 {strides = array<i32>} : memref<8192xf32, #tpu.memory_space<vmem>>, vector<16xf32>,
    %swap3A_507 = arith.constant 4032 : index
    %swap3A_508 = tpu.vector_load %arg6[%swap3A_507] {strides = array<i32>} : memref<8192xf32, #tpu.memory_space<vmem>>, vector<16xf32>,
    tpu.vector_store %arg6[%swap3A_507], %broadcast_in_dim3A_3 {strides = array<i32>} : memref<8192xf32, #tpu.memory_space<vmem>>, vector<16xf32>,
    %swap3A_509 = arith.constant 4048 : index
    %swap3A_510 = tpu.vector_load %arg6[%swap3A_509] {strides = array<i32>} : memref<8192xf32, #tpu.memory_space<vmem>>, vector<16xf32>,
    tpu.vector_store %arg6[%swap3A_509], %broadcast_in_dim3A_3 {strides = array<i32>} : memref<8192xf32, #tpu.memory_space<vmem>>, vector<16xf32>,
    %swap3A_511 = arith.constant 4064 : index
    %swap3A_512 = tpu.vector_load %arg6[%swap3A_511] {strides = array<i32>} : memref<8192xf32, #tpu.memory_space<vmem>>, vector<16xf32>,
    tpu.vector_store %arg6[%swap3A_511], %broadcast_in_dim3A_3 {strides = array<i32>} : memref<8192xf32, #tpu.memory_space<vmem>>, vector<16xf32>,
    %swap3A_513 = arith.constant 4080 : index
    %swap3A_514 = tpu.vector_load %arg6[%swap3A_513] {strides = array<i32>} : memref<8192xf32, #tpu.memory_space<vmem>>, vector<16xf32>,
    tpu.vector_store %arg6[%swap3A_513], %broadcast_in_dim3A_3 {strides = array<i32>} : memref<8192xf32, #tpu.memory_space<vmem>>, vector<16xf32>,
    %swap3A_515 = arith.constant 4096 : index
    %swap3A_516 = tpu.vector_load %arg6[%swap3A_515] {strides = array<i32>} : memref<8192xf32, #tpu.memory_space<vmem>>, vector<16xf32>,
    tpu.vector_store %arg6[%swap3A_515], %broadcast_in_dim3A_3 {strides = array<i32>} : memref<8192xf32, #tpu.memory_space<vmem>>, vector<16xf32>,
    %swap3A_517 = arith.constant 4112 : index
    %swap3A_518 = tpu.vector_load %arg6[%swap3A_517] {strides = array<i32>} : memref<8192xf32, #tpu.memory_space<vmem>>, vector<16xf32>,
    tpu.vector_store %arg6[%swap3A_517], %broadcast_in_dim3A_3 {strides = array<i32>} : memref<8192xf32, #tpu.memory_space<vmem>>, vector<16xf32>,
    %swap3A_519 = arith.constant 4128 : index
    %swap3A_520 = tpu.vector_load %arg6[%swap3A_519] {strides = array<i32>} : memref<8192xf32, #tpu.memory_space<vmem>>, vector<16xf32>,
    tpu.vector_store %arg6[%swap3A_519], %broadcast_in_dim3A_3 {strides = array<i32>} : memref<8192xf32, #tpu.memory_space<vmem>>, vector<16xf32>,
    %swap3A_521 = arith.constant 4144 : index
    %swap3A_522 = tpu.vector_load %arg6[%swap3A_521] {strides = array<i32>} : memref<8192xf32, #tpu.memory_space<vmem>>, vector<16xf32>,
    tpu.vector_store %arg6[%swap3A_521], %broadcast_in_dim3A_3 {strides = array<i32>} : memref<8192xf32, #tpu.memory_space<vmem>>, vector<16xf32>,
    %swap3A_523 = arith.constant 4160 : index
    %swap3A_524 = tpu.vector_load %arg6[%swap3A_523] {strides = array<i32>} : memref<8192xf32, #tpu.memory_space<vmem>>, vector<16xf32>,
    tpu.vector_store %arg6[%swap3A_523], %broadcast_in_dim3A_3 {strides = array<i32>} : memref<8192xf32, #tpu.memory_space<vmem>>, vector<16xf32>,
    %swap3A_525 = arith.constant 4176 : index
    %swap3A_526 = tpu.vector_load %arg6[%swap3A_525] {strides = array<i32>} : memref<8192xf32, #tpu.memory_space<vmem>>, vector<16xf32>,
    tpu.vector_store %arg6[%swap3A_525], %broadcast_in_dim3A_3 {strides = array<i32>} : memref<8192xf32, #tpu.memory_space<vmem>>, vector<16xf32>,
    %swap3A_527 = arith.constant 4192 : index
    %swap3A_528 = tpu.vector_load %arg6[%swap3A_527] {strides = array<i32>} : memref<8192xf32, #tpu.memory_space<vmem>>, vector<16xf32>,
    tpu.vector_store %arg6[%swap3A_527], %broadcast_in_dim3A_3 {strides = array<i32>} : memref<8192xf32, #tpu.memory_space<vmem>>, vector<16xf32>,
    %swap3A_529 = arith.constant 4208 : index
    %swap3A_530 = tpu.vector_load %arg6[%swap3A_529] {strides = array<i32>} : memref<8192xf32, #tpu.memory_space<vmem>>, vector<16xf32>,
    tpu.vector_store %arg6[%swap3A_529], %broadcast_in_dim3A_3 {strides = array<i32>} : memref<8192xf32, #tpu.memory_space<vmem>>, vector<16xf32>,
    %swap3A_531 = arith.constant 4224 : index
    %swap3A_532 = tpu.vector_load %arg6[%swap3A_531] {strides = array<i32>} : memref<8192xf32, #tpu.memory_space<vmem>>, vector<16xf32>,
    tpu.vector_store %arg6[%swap3A_531], %broadcast_in_dim3A_3 {strides = array<i32>} : memref<8192xf32, #tpu.memory_space<vmem>>, vector<16xf32>,
    %swap3A_533 = arith.constant 4240 : index
    %swap3A_534 = tpu.vector_load %arg6[%swap3A_533] {strides = array<i32>} : memref<8192xf32, #tpu.memory_space<vmem>>, vector<16xf32>,
    tpu.vector_store %arg6[%swap3A_533], %broadcast_in_dim3A_3 {strides = array<i32>} : memref<8192xf32, #tpu.memory_space<vmem>>, vector<16xf32>,
    %swap3A_535 = arith.constant 4256 : index
    %swap3A_536 = tpu.vector_load %arg6[%swap3A_535] {strides = array<i32>} : memref<8192xf32, #tpu.memory_space<vmem>>, vector<16xf32>,
    tpu.vector_store %arg6[%swap3A_535], %broadcast_in_dim3A_3 {strides = array<i32>} : memref<8192xf32, #tpu.memory_space<vmem>>, vector<16xf32>,
    %swap3A_537 = arith.constant 4272 : index
    %swap3A_538 = tpu.vector_load %arg6[%swap3A_537] {strides = array<i32>} : memref<8192xf32, #tpu.memory_space<vmem>>, vector<16xf32>,
    tpu.vector_store %arg6[%swap3A_537], %broadcast_in_dim3A_3 {strides = array<i32>} : memref<8192xf32, #tpu.memory_space<vmem>>, vector<16xf32>,
    %swap3A_539 = arith.constant 4288 : index
    %swap3A_540 = tpu.vector_load %arg6[%swap3A_539] {strides = array<i32>} : memref<8192xf32, #tpu.memory_space<vmem>>, vector<16xf32>,
    tpu.vector_store %arg6[%swap3A_539], %broadcast_in_dim3A_3 {strides = array<i32>} : memref<8192xf32, #tpu.memory_space<vmem>>, vector<16xf32>,
    %swap3A_541 = arith.constant 4304 : index
    %swap3A_542 = tpu.vector_load %arg6[%swap3A_541] {strides = array<i32>} : memref<8192xf32, #tpu.memory_space<vmem>>, vector<16xf32>,
    tpu.vector_store %arg6[%swap3A_541], %broadcast_in_dim3A_3 {strides = array<i32>} : memref<8192xf32, #tpu.memory_space<vmem>>, vector<16xf32>,
    %swap3A_543 = arith.constant 4320 : index
    %swap3A_544 = tpu.vector_load %arg6[%swap3A_543] {strides = array<i32>} : memref<8192xf32, #tpu.memory_space<vmem>>, vector<16xf32>,
    tpu.vector_store %arg6[%swap3A_543], %broadcast_in_dim3A_3 {strides = array<i32>} : memref<8192xf32, #tpu.memory_space<vmem>>, vector<16xf32>,
    %swap3A_545 = arith.constant 4336 : index
    %swap3A_546 = tpu.vector_load %arg6[%swap3A_545] {strides = array<i32>} : memref<8192xf32, #tpu.memory_space<vmem>>, vector<16xf32>,
    tpu.vector_store %arg6[%swap3A_545], %broadcast_in_dim3A_3 {strides = array<i32>} : memref<8192xf32, #tpu.memory_space<vmem>>, vector<16xf32>,
    %swap3A_547 = arith.constant 4352 : index
    %swap3A_548 = tpu.vector_load %arg6[%swap3A_547] {strides = array<i32>} : memref<8192xf32, #tpu.memory_space<vmem>>, vector<16xf32>,
    tpu.vector_store %arg6[%swap3A_547], %broadcast_in_dim3A_3 {strides = array<i32>} : memref<8192xf32, #tpu.memory_space<vmem>>, vector<16xf32>,
    %swap3A_549 = arith.constant 4368 : index
    %swap3A_550 = tpu.vector_load %arg6[%swap3A_549] {strides = array<i32>} : memref<8192xf32, #tpu.memory_space<vmem>>, vector<16xf32>,
    tpu.vector_store %arg6[%swap3A_549], %broadcast_in_dim3A_3 {strides = array<i32>} : memref<8192xf32, #tpu.memory_space<vmem>>, vector<16xf32>,
    %swap3A_551 = arith.constant 4384 : index
    %swap3A_552 = tpu.vector_load %arg6[%swap3A_551] {strides = array<i32>} : memref<8192xf32, #tpu.memory_space<vmem>>, vector<16xf32>,
    tpu.vector_store %arg6[%swap3A_551], %broadcast_in_dim3A_3 {strides = array<i32>} : memref<8192xf32, #tpu.memory_space<vmem>>, vector<16xf32>,
    %swap3A_553 = arith.constant 4400 : index
    %swap3A_554 = tpu.vector_load %arg6[%swap3A_553] {strides = array<i32>} : memref<8192xf32, #tpu.memory_space<vmem>>, vector<16xf32>,
    tpu.vector_store %arg6[%swap3A_553], %broadcast_in_dim3A_3 {strides = array<i32>} : memref<8192xf32, #tpu.memory_space<vmem>>, vector<16xf32>,
    %swap3A_555 = arith.constant 4416 : index
    %swap3A_556 = tpu.vector_load %arg6[%swap3A_555] {strides = array<i32>} : memref<8192xf32, #tpu.memory_space<vmem>>, vector<16xf32>,
    tpu.vector_store %arg6[%swap3A_555], %broadcast_in_dim3A_3 {strides = array<i32>} : memref<8192xf32, #tpu.memory_space<vmem>>, vector<16xf32>,
    %swap3A_557 = arith.constant 4432 : index
    %swap3A_558 = tpu.vector_load %arg6[%swap3A_557] {strides = array<i32>} : memref<8192xf32, #tpu.memory_space<vmem>>, vector<16xf32>,
    tpu.vector_store %arg6[%swap3A_557], %broadcast_in_dim3A_3 {strides = array<i32>} : memref<8192xf32, #tpu.memory_space<vmem>>, vector<16xf32>,
    %swap3A_559 = arith.constant 4448 : index
    %swap3A_560 = tpu.vector_load %arg6[%swap3A_559] {strides = array<i32>} : memref<8192xf32, #tpu.memory_space<vmem>>, vector<16xf32>,
    tpu.vector_store %arg6[%swap3A_559], %broadcast_in_dim3A_3 {strides = array<i32>} : memref<8192xf32, #tpu.memory_space<vmem>>, vector<16xf32>,
    %swap3A_561 = arith.constant 4464 : index
    %swap3A_562 = tpu.vector_load %arg6[%swap3A_561] {strides = array<i32>} : memref<8192xf32, #tpu.memory_space<vmem>>, vector<16xf32>,
    tpu.vector_store %arg6[%swap3A_561], %broadcast_in_dim3A_3 {strides = array<i32>} : memref<8192xf32, #tpu.memory_space<vmem>>, vector<16xf32>,
    %swap3A_563 = arith.constant 4480 : index
    %swap3A_564 = tpu.vector_load %arg6[%swap3A_563] {strides = array<i32>} : memref<8192xf32, #tpu.memory_space<vmem>>, vector<16xf32>,
    tpu.vector_store %arg6[%swap3A_563], %broadcast_in_dim3A_3 {strides = array<i32>} : memref<8192xf32, #tpu.memory_space<vmem>>, vector<16xf32>,
    %swap3A_565 = arith.constant 4496 : index
    %swap3A_566 = tpu.vector_load %arg6[%swap3A_565] {strides = array<i32>} : memref<8192xf32, #tpu.memory_space<vmem>>, vector<16xf32>,
    tpu.vector_store %arg6[%swap3A_565], %broadcast_in_dim3A_3 {strides = array<i32>} : memref<8192xf32, #tpu.memory_space<vmem>>, vector<16xf32>,
    %swap3A_567 = arith.constant 4512 : index
    %swap3A_568 = tpu.vector_load %arg6[%swap3A_567] {strides = array<i32>} : memref<8192xf32, #tpu.memory_space<vmem>>, vector<16xf32>,
    tpu.vector_store %arg6[%swap3A_567], %broadcast_in_dim3A_3 {strides = array<i32>} : memref<8192xf32, #tpu.memory_space<vmem>>, vector<16xf32>,
    %swap3A_569 = arith.constant 4528 : index
    %swap3A_570 = tpu.vector_load %arg6[%swap3A_569] {strides = array<i32>} : memref<8192xf32, #tpu.memory_space<vmem>>, vector<16xf32>,
    tpu.vector_store %arg6[%swap3A_569], %broadcast_in_dim3A_3 {strides = array<i32>} : memref<8192xf32, #tpu.memory_space<vmem>>, vector<16xf32>,
    %swap3A_571 = arith.constant 4544 : index
    %swap3A_572 = tpu.vector_load %arg6[%swap3A_571] {strides = array<i32>} : memref<8192xf32, #tpu.memory_space<vmem>>, vector<16xf32>,
    tpu.vector_store %arg6[%swap3A_571], %broadcast_in_dim3A_3 {strides = array<i32>} : memref<8192xf32, #tpu.memory_space<vmem>>, vector<16xf32>,
    %swap3A_573 = arith.constant 4560 : index
    %swap3A_574 = tpu.vector_load %arg6[%swap3A_573] {strides = array<i32>} : memref<8192xf32, #tpu.memory_space<vmem>>, vector<16xf32>,
    tpu.vector_store %arg6[%swap3A_573], %broadcast_in_dim3A_3 {strides = array<i32>} : memref<8192xf32, #tpu.memory_space<vmem>>, vector<16xf32>,
    %swap3A_575 = arith.constant 4576 : index
    %swap3A_576 = tpu.vector_load %arg6[%swap3A_575] {strides = array<i32>} : memref<8192xf32, #tpu.memory_space<vmem>>, vector<16xf32>,
    tpu.vector_store %arg6[%swap3A_575], %broadcast_in_dim3A_3 {strides = array<i32>} : memref<8192xf32, #tpu.memory_space<vmem>>, vector<16xf32>,
    %swap3A_577 = arith.constant 4592 : index
    %swap3A_578 = tpu.vector_load %arg6[%swap3A_577] {strides = array<i32>} : memref<8192xf32, #tpu.memory_space<vmem>>, vector<16xf32>,
    tpu.vector_store %arg6[%swap3A_577], %broadcast_in_dim3A_3 {strides = array<i32>} : memref<8192xf32, #tpu.memory_space<vmem>>, vector<16xf32>,
    %swap3A_579 = arith.constant 4608 : index
    %swap3A_580 = tpu.vector_load %arg6[%swap3A_579] {strides = array<i32>} : memref<8192xf32, #tpu.memory_space<vmem>>, vector<16xf32>,
    tpu.vector_store %arg6[%swap3A_579], %broadcast_in_dim3A_3 {strides = array<i32>} : memref<8192xf32, #tpu.memory_space<vmem>>, vector<16xf32>,
    %swap3A_581 = arith.constant 4624 : index
    %swap3A_582 = tpu.vector_load %arg6[%swap3A_581] {strides = array<i32>} : memref<8192xf32, #tpu.memory_space<vmem>>, vector<16xf32>,
    tpu.vector_store %arg6[%swap3A_581], %broadcast_in_dim3A_3 {strides = array<i32>} : memref<8192xf32, #tpu.memory_space<vmem>>, vector<16xf32>,
    %swap3A_583 = arith.constant 4640 : index
    %swap3A_584 = tpu.vector_load %arg6[%swap3A_583] {strides = array<i32>} : memref<8192xf32, #tpu.memory_space<vmem>>, vector<16xf32>,
    tpu.vector_store %arg6[%swap3A_583], %broadcast_in_dim3A_3 {strides = array<i32>} : memref<8192xf32, #tpu.memory_space<vmem>>, vector<16xf32>,
    %swap3A_585 = arith.constant 4656 : index
    %swap3A_586 = tpu.vector_load %arg6[%swap3A_585] {strides = array<i32>} : memref<8192xf32, #tpu.memory_space<vmem>>, vector<16xf32>,
    tpu.vector_store %arg6[%swap3A_585], %broadcast_in_dim3A_3 {strides = array<i32>} : memref<8192xf32, #tpu.memory_space<vmem>>, vector<16xf32>,
    %swap3A_587 = arith.constant 4672 : index
    %swap3A_588 = tpu.vector_load %arg6[%swap3A_587] {strides = array<i32>} : memref<8192xf32, #tpu.memory_space<vmem>>, vector<16xf32>,
    tpu.vector_store %arg6[%swap3A_587], %broadcast_in_dim3A_3 {strides = array<i32>} : memref<8192xf32, #tpu.memory_space<vmem>>, vector<16xf32>,
    %swap3A_589 = arith.constant 4688 : index
    %swap3A_590 = tpu.vector_load %arg6[%swap3A_589] {strides = array<i32>} : memref<8192xf32, #tpu.memory_space<vmem>>, vector<16xf32>,
    tpu.vector_store %arg6[%swap3A_589], %broadcast_in_dim3A_3 {strides = array<i32>} : memref<8192xf32, #tpu.memory_space<vmem>>, vector<16xf32>,
    %swap3A_591 = arith.constant 4704 : index
    %swap3A_592 = tpu.vector_load %arg6[%swap3A_591] {strides = array<i32>} : memref<8192xf32, #tpu.memory_space<vmem>>, vector<16xf32>,
    tpu.vector_store %arg6[%swap3A_591], %broadcast_in_dim3A_3 {strides = array<i32>} : memref<8192xf32, #tpu.memory_space<vmem>>, vector<16xf32>,
    %swap3A_593 = arith.constant 4720 : index
    %swap3A_594 = tpu.vector_load %arg6[%swap3A_593] {strides = array<i32>} : memref<8192xf32, #tpu.memory_space<vmem>>, vector<16xf32>,
    tpu.vector_store %arg6[%swap3A_593], %broadcast_in_dim3A_3 {strides = array<i32>} : memref<8192xf32, #tpu.memory_space<vmem>>, vector<16xf32>,
    %swap3A_595 = arith.constant 4736 : index
    %swap3A_596 = tpu.vector_load %arg6[%swap3A_595] {strides = array<i32>} : memref<8192xf32, #tpu.memory_space<vmem>>, vector<16xf32>,
    tpu.vector_store %arg6[%swap3A_595], %broadcast_in_dim3A_3 {strides = array<i32>} : memref<8192xf32, #tpu.memory_space<vmem>>, vector<16xf32>,
    %swap3A_597 = arith.constant 4752 : index
    %swap3A_598 = tpu.vector_load %arg6[%swap3A_597] {strides = array<i32>} : memref<8192xf32, #tpu.memory_space<vmem>>, vector<16xf32>,
    tpu.vector_store %arg6[%swap3A_597], %broadcast_in_dim3A_3 {strides = array<i32>} : memref<8192xf32, #tpu.memory_space<vmem>>, vector<16xf32>,
    %swap3A_599 = arith.constant 4768 : index
    %swap3A_600 = tpu.vector_load %arg6[%swap3A_599] {strides = array<i32>} : memref<8192xf32, #tpu.memory_space<vmem>>, vector<16xf32>,
    tpu.vector_store %arg6[%swap3A_599], %broadcast_in_dim3A_3 {strides = array<i32>} : memref<8192xf32, #tpu.memory_space<vmem>>, vector<16xf32>,
    %swap3A_601 = arith.constant 4784 : index
    %swap3A_602 = tpu.vector_load %arg6[%swap3A_601] {strides = array<i32>} : memref<8192xf32, #tpu.memory_space<vmem>>, vector<16xf32>,
    tpu.vector_store %arg6[%swap3A_601], %broadcast_in_dim3A_3 {strides = array<i32>} : memref<8192xf32, #tpu.memory_space<vmem>>, vector<16xf32>,
    %swap3A_603 = arith.constant 4800 : index
    %swap3A_604 = tpu.vector_load %arg6[%swap3A_603] {strides = array<i32>} : memref<8192xf32, #tpu.memory_space<vmem>>, vector<16xf32>,
    tpu.vector_store %arg6[%swap3A_603], %broadcast_in_dim3A_3 {strides = array<i32>} : memref<8192xf32, #tpu.memory_space<vmem>>, vector<16xf32>,
    %swap3A_605 = arith.constant 4816 : index
    %swap3A_606 = tpu.vector_load %arg6[%swap3A_605] {strides = array<i32>} : memref<8192xf32, #tpu.memory_space<vmem>>, vector<16xf32>,
    tpu.vector_store %arg6[%swap3A_605], %broadcast_in_dim3A_3 {strides = array<i32>} : memref<8192xf32, #tpu.memory_space<vmem>>, vector<16xf32>,
    %swap3A_607 = arith.constant 4832 : index
    %swap3A_608 = tpu.vector_load %arg6[%swap3A_607] {strides = array<i32>} : memref<8192xf32, #tpu.memory_space<vmem>>, vector<16xf32>,
    tpu.vector_store %arg6[%swap3A_607], %broadcast_in_dim3A_3 {strides = array<i32>} : memref<8192xf32, #tpu.memory_space<vmem>>, vector<16xf32>,
    %swap3A_609 = arith.constant 4848 : index
    %swap3A_610 = tpu.vector_load %arg6[%swap3A_609] {strides = array<i32>} : memref<8192xf32, #tpu.memory_space<vmem>>, vector<16xf32>,
    tpu.vector_store %arg6[%swap3A_609], %broadcast_in_dim3A_3 {strides = array<i32>} : memref<8192xf32, #tpu.memory_space<vmem>>, vector<16xf32>,
    %swap3A_611 = arith.constant 4864 : index
    %swap3A_612 = tpu.vector_load %arg6[%swap3A_611] {strides = array<i32>} : memref<8192xf32, #tpu.memory_space<vmem>>, vector<16xf32>,
    tpu.vector_store %arg6[%swap3A_611], %broadcast_in_dim3A_3 {strides = array<i32>} : memref<8192xf32, #tpu.memory_space<vmem>>, vector<16xf32>,
    %swap3A_613 = arith.constant 4880 : index
    %swap3A_614 = tpu.vector_load %arg6[%swap3A_613] {strides = array<i32>} : memref<8192xf32, #tpu.memory_space<vmem>>, vector<16xf32>,
    tpu.vector_store %arg6[%swap3A_613], %broadcast_in_dim3A_3 {strides = array<i32>} : memref<8192xf32, #tpu.memory_space<vmem>>, vector<16xf32>,
    %swap3A_615 = arith.constant 4896 : index
    %swap3A_616 = tpu.vector_load %arg6[%swap3A_615] {strides = array<i32>} : memref<8192xf32, #tpu.memory_space<vmem>>, vector<16xf32>,
    tpu.vector_store %arg6[%swap3A_615], %broadcast_in_dim3A_3 {strides = array<i32>} : memref<8192xf32, #tpu.memory_space<vmem>>, vector<16xf32>,
    %swap3A_617 = arith.constant 4912 : index
    %swap3A_618 = tpu.vector_load %arg6[%swap3A_617] {strides = array<i32>} : memref<8192xf32, #tpu.memory_space<vmem>>, vector<16xf32>,
    tpu.vector_store %arg6[%swap3A_617], %broadcast_in_dim3A_3 {strides = array<i32>} : memref<8192xf32, #tpu.memory_space<vmem>>, vector<16xf32>,
    %swap3A_619 = arith.constant 4928 : index
    %swap3A_620 = tpu.vector_load %arg6[%swap3A_619] {strides = array<i32>} : memref<8192xf32, #tpu.memory_space<vmem>>, vector<16xf32>,
    tpu.vector_store %arg6[%swap3A_619], %broadcast_in_dim3A_3 {strides = array<i32>} : memref<8192xf32, #tpu.memory_space<vmem>>, vector<16xf32>,
    %swap3A_621 = arith.constant 4944 : index
    %swap3A_622 = tpu.vector_load %arg6[%swap3A_621] {strides = array<i32>} : memref<8192xf32, #tpu.memory_space<vmem>>, vector<16xf32>,
    tpu.vector_store %arg6[%swap3A_621], %broadcast_in_dim3A_3 {strides = array<i32>} : memref<8192xf32, #tpu.memory_space<vmem>>, vector<16xf32>,
    %swap3A_623 = arith.constant 4960 : index
    %swap3A_624 = tpu.vector_load %arg6[%swap3A_623] {strides = array<i32>} : memref<8192xf32, #tpu.memory_space<vmem>>, vector<16xf32>,
    tpu.vector_store %arg6[%swap3A_623], %broadcast_in_dim3A_3 {strides = array<i32>} : memref<8192xf32, #tpu.memory_space<vmem>>, vector<16xf32>,
    %swap3A_625 = arith.constant 4976 : index
    %swap3A_626 = tpu.vector_load %arg6[%swap3A_625] {strides = array<i32>} : memref<8192xf32, #tpu.memory_space<vmem>>, vector<16xf32>,
    tpu.vector_store %arg6[%swap3A_625], %broadcast_in_dim3A_3 {strides = array<i32>} : memref<8192xf32, #tpu.memory_space<vmem>>, vector<16xf32>,
    %swap3A_627 = arith.constant 4992 : index
    %swap3A_628 = tpu.vector_load %arg6[%swap3A_627] {strides = array<i32>} : memref<8192xf32, #tpu.memory_space<vmem>>, vector<16xf32>,
    tpu.vector_store %arg6[%swap3A_627], %broadcast_in_dim3A_3 {strides = array<i32>} : memref<8192xf32, #tpu.memory_space<vmem>>, vector<16xf32>,
    %swap3A_629 = arith.constant 5008 : index
    %swap3A_630 = tpu.vector_load %arg6[%swap3A_629] {strides = array<i32>} : memref<8192xf32, #tpu.memory_space<vmem>>, vector<16xf32>,
    tpu.vector_store %arg6[%swap3A_629], %broadcast_in_dim3A_3 {strides = array<i32>} : memref<8192xf32, #tpu.memory_space<vmem>>, vector<16xf32>,
    %swap3A_631 = arith.constant 5024 : index
    %swap3A_632 = tpu.vector_load %arg6[%swap3A_631] {strides = array<i32>} : memref<8192xf32, #tpu.memory_space<vmem>>, vector<16xf32>,
    tpu.vector_store %arg6[%swap3A_631], %broadcast_in_dim3A_3 {strides = array<i32>} : memref<8192xf32, #tpu.memory_space<vmem>>, vector<16xf32>,
    %swap3A_633 = arith.constant 5040 : index
    %swap3A_634 = tpu.vector_load %arg6[%swap3A_633] {strides = array<i32>} : memref<8192xf32, #tpu.memory_space<vmem>>, vector<16xf32>,
    tpu.vector_store %arg6[%swap3A_633], %broadcast_in_dim3A_3 {strides = array<i32>} : memref<8192xf32, #tpu.memory_space<vmem>>, vector<16xf32>,
    %swap3A_635 = arith.constant 5056 : index
    %swap3A_636 = tpu.vector_load %arg6[%swap3A_635] {strides = array<i32>} : memref<8192xf32, #tpu.memory_space<vmem>>, vector<16xf32>,
    tpu.vector_store %arg6[%swap3A_635], %broadcast_in_dim3A_3 {strides = array<i32>} : memref<8192xf32, #tpu.memory_space<vmem>>, vector<16xf32>,
    %swap3A_637 = arith.constant 5072 : index
    %swap3A_638 = tpu.vector_load %arg6[%swap3A_637] {strides = array<i32>} : memref<8192xf32, #tpu.memory_space<vmem>>, vector<16xf32>,
    tpu.vector_store %arg6[%swap3A_637], %broadcast_in_dim3A_3 {strides = array<i32>} : memref<8192xf32, #tpu.memory_space<vmem>>, vector<16xf32>,
    %swap3A_639 = arith.constant 5088 : index
    %swap3A_640 = tpu.vector_load %arg6[%swap3A_639] {strides = array<i32>} : memref<8192xf32, #tpu.memory_space<vmem>>, vector<16xf32>,
    tpu.vector_store %arg6[%swap3A_639], %broadcast_in_dim3A_3 {strides = array<i32>} : memref<8192xf32, #tpu.memory_space<vmem>>, vector<16xf32>,
    %swap3A_641 = arith.constant 5104 : index
    %swap3A_642 = tpu.vector_load %arg6[%swap3A_641] {strides = array<i32>} : memref<8192xf32, #tpu.memory_space<vmem>>, vector<16xf32>,
    tpu.vector_store %arg6[%swap3A_641], %broadcast_in_dim3A_3 {strides = array<i32>} : memref<8192xf32, #tpu.memory_space<vmem>>, vector<16xf32>,
    %swap3A_643 = arith.constant 5120 : index
    %swap3A_644 = tpu.vector_load %arg6[%swap3A_643] {strides = array<i32>} : memref<8192xf32, #tpu.memory_space<vmem>>, vector<16xf32>,
    tpu.vector_store %arg6[%swap3A_643], %broadcast_in_dim3A_3 {strides = array<i32>} : memref<8192xf32, #tpu.memory_space<vmem>>, vector<16xf32>,
    %swap3A_645 = arith.constant 5136 : index
    %swap3A_646 = tpu.vector_load %arg6[%swap3A_645] {strides = array<i32>} : memref<8192xf32, #tpu.memory_space<vmem>>, vector<16xf32>,
    tpu.vector_store %arg6[%swap3A_645], %broadcast_in_dim3A_3 {strides = array<i32>} : memref<8192xf32, #tpu.memory_space<vmem>>, vector<16xf32>,
    %swap3A_647 = arith.constant 5152 : index
    %swap3A_648 = tpu.vector_load %arg6[%swap3A_647] {strides = array<i32>} : memref<8192xf32, #tpu.memory_space<vmem>>, vector<16xf32>,
    tpu.vector_store %arg6[%swap3A_647], %broadcast_in_dim3A_3 {strides = array<i32>} : memref<8192xf32, #tpu.memory_space<vmem>>, vector<16xf32>,
    %swap3A_649 = arith.constant 5168 : index
    %swap3A_650 = tpu.vector_load %arg6[%swap3A_649] {strides = array<i32>} : memref<8192xf32, #tpu.memory_space<vmem>>, vector<16xf32>,
    tpu.vector_store %arg6[%swap3A_649], %broadcast_in_dim3A_3 {strides = array<i32>} : memref<8192xf32, #tpu.memory_space<vmem>>, vector<16xf32>,
    %swap3A_651 = arith.constant 5184 : index
    %swap3A_652 = tpu.vector_load %arg6[%swap3A_651] {strides = array<i32>} : memref<8192xf32, #tpu.memory_space<vmem>>, vector<16xf32>,
    tpu.vector_store %arg6[%swap3A_651], %broadcast_in_dim3A_3 {strides = array<i32>} : memref<8192xf32, #tpu.memory_space<vmem>>, vector<16xf32>,
    %swap3A_653 = arith.constant 5200 : index
    %swap3A_654 = tpu.vector_load %arg6[%swap3A_653] {strides = array<i32>} : memref<8192xf32, #tpu.memory_space<vmem>>, vector<16xf32>,
    tpu.vector_store %arg6[%swap3A_653], %broadcast_in_dim3A_3 {strides = array<i32>} : memref<8192xf32, #tpu.memory_space<vmem>>, vector<16xf32>,
    %swap3A_655 = arith.constant 5216 : index
    %swap3A_656 = tpu.vector_load %arg6[%swap3A_655] {strides = array<i32>} : memref<8192xf32, #tpu.memory_space<vmem>>, vector<16xf32>,
    tpu.vector_store %arg6[%swap3A_655], %broadcast_in_dim3A_3 {strides = array<i32>} : memref<8192xf32, #tpu.memory_space<vmem>>, vector<16xf32>,
    %swap3A_657 = arith.constant 5232 : index
    %swap3A_658 = tpu.vector_load %arg6[%swap3A_657] {strides = array<i32>} : memref<8192xf32, #tpu.memory_space<vmem>>, vector<16xf32>,
    tpu.vector_store %arg6[%swap3A_657], %broadcast_in_dim3A_3 {strides = array<i32>} : memref<8192xf32, #tpu.memory_space<vmem>>, vector<16xf32>,
    %swap3A_659 = arith.constant 5248 : index
    %swap3A_660 = tpu.vector_load %arg6[%swap3A_659] {strides = array<i32>} : memref<8192xf32, #tpu.memory_space<vmem>>, vector<16xf32>,
    tpu.vector_store %arg6[%swap3A_659], %broadcast_in_dim3A_3 {strides = array<i32>} : memref<8192xf32, #tpu.memory_space<vmem>>, vector<16xf32>,
    %swap3A_661 = arith.constant 5264 : index
    %swap3A_662 = tpu.vector_load %arg6[%swap3A_661] {strides = array<i32>} : memref<8192xf32, #tpu.memory_space<vmem>>, vector<16xf32>,
    tpu.vector_store %arg6[%swap3A_661], %broadcast_in_dim3A_3 {strides = array<i32>} : memref<8192xf32, #tpu.memory_space<vmem>>, vector<16xf32>,
    %swap3A_663 = arith.constant 5280 : index
    %swap3A_664 = tpu.vector_load %arg6[%swap3A_663] {strides = array<i32>} : memref<8192xf32, #tpu.memory_space<vmem>>, vector<16xf32>,
    tpu.vector_store %arg6[%swap3A_663], %broadcast_in_dim3A_3 {strides = array<i32>} : memref<8192xf32, #tpu.memory_space<vmem>>, vector<16xf32>,
    %swap3A_665 = arith.constant 5296 : index
    %swap3A_666 = tpu.vector_load %arg6[%swap3A_665] {strides = array<i32>} : memref<8192xf32, #tpu.memory_space<vmem>>, vector<16xf32>,
    tpu.vector_store %arg6[%swap3A_665], %broadcast_in_dim3A_3 {strides = array<i32>} : memref<8192xf32, #tpu.memory_space<vmem>>, vector<16xf32>,
    %swap3A_667 = arith.constant 5312 : index
    %swap3A_668 = tpu.vector_load %arg6[%swap3A_667] {strides = array<i32>} : memref<8192xf32, #tpu.memory_space<vmem>>, vector<16xf32>,
    tpu.vector_store %arg6[%swap3A_667], %broadcast_in_dim3A_3 {strides = array<i32>} : memref<8192xf32, #tpu.memory_space<vmem>>, vector<16xf32>,
    %swap3A_669 = arith.constant 5328 : index
    %swap3A_670 = tpu.vector_load %arg6[%swap3A_669] {strides = array<i32>} : memref<8192xf32, #tpu.memory_space<vmem>>, vector<16xf32>,
    tpu.vector_store %arg6[%swap3A_669], %broadcast_in_dim3A_3 {strides = array<i32>} : memref<8192xf32, #tpu.memory_space<vmem>>, vector<16xf32>,
    %swap3A_671 = arith.constant 5344 : index
    %swap3A_672 = tpu.vector_load %arg6[%swap3A_671] {strides = array<i32>} : memref<8192xf32, #tpu.memory_space<vmem>>, vector<16xf32>,
    tpu.vector_store %arg6[%swap3A_671], %broadcast_in_dim3A_3 {strides = array<i32>} : memref<8192xf32, #tpu.memory_space<vmem>>, vector<16xf32>,
    %swap3A_673 = arith.constant 5360 : index
    %swap3A_674 = tpu.vector_load %arg6[%swap3A_673] {strides = array<i32>} : memref<8192xf32, #tpu.memory_space<vmem>>, vector<16xf32>,
    tpu.vector_store %arg6[%swap3A_673], %broadcast_in_dim3A_3 {strides = array<i32>} : memref<8192xf32, #tpu.memory_space<vmem>>, vector<16xf32>,
    %swap3A_675 = arith.constant 5376 : index
    %swap3A_676 = tpu.vector_load %arg6[%swap3A_675] {strides = array<i32>} : memref<8192xf32, #tpu.memory_space<vmem>>, vector<16xf32>,
    tpu.vector_store %arg6[%swap3A_675], %broadcast_in_dim3A_3 {strides = array<i32>} : memref<8192xf32, #tpu.memory_space<vmem>>, vector<16xf32>,
    %swap3A_677 = arith.constant 5392 : index
    %swap3A_678 = tpu.vector_load %arg6[%swap3A_677] {strides = array<i32>} : memref<8192xf32, #tpu.memory_space<vmem>>, vector<16xf32>,
    tpu.vector_store %arg6[%swap3A_677], %broadcast_in_dim3A_3 {strides = array<i32>} : memref<8192xf32, #tpu.memory_space<vmem>>, vector<16xf32>,
    %swap3A_679 = arith.constant 5408 : index
    %swap3A_680 = tpu.vector_load %arg6[%swap3A_679] {strides = array<i32>} : memref<8192xf32, #tpu.memory_space<vmem>>, vector<16xf32>,
    tpu.vector_store %arg6[%swap3A_679], %broadcast_in_dim3A_3 {strides = array<i32>} : memref<8192xf32, #tpu.memory_space<vmem>>, vector<16xf32>,
    %swap3A_681 = arith.constant 5424 : index
    %swap3A_682 = tpu.vector_load %arg6[%swap3A_681] {strides = array<i32>} : memref<8192xf32, #tpu.memory_space<vmem>>, vector<16xf32>,
    tpu.vector_store %arg6[%swap3A_681], %broadcast_in_dim3A_3 {strides = array<i32>} : memref<8192xf32, #tpu.memory_space<vmem>>, vector<16xf32>,
    %swap3A_683 = arith.constant 5440 : index
    %swap3A_684 = tpu.vector_load %arg6[%swap3A_683] {strides = array<i32>} : memref<8192xf32, #tpu.memory_space<vmem>>, vector<16xf32>,
    tpu.vector_store %arg6[%swap3A_683], %broadcast_in_dim3A_3 {strides = array<i32>} : memref<8192xf32, #tpu.memory_space<vmem>>, vector<16xf32>,
    %swap3A_685 = arith.constant 5456 : index
    %swap3A_686 = tpu.vector_load %arg6[%swap3A_685] {strides = array<i32>} : memref<8192xf32, #tpu.memory_space<vmem>>, vector<16xf32>,
    tpu.vector_store %arg6[%swap3A_685], %broadcast_in_dim3A_3 {strides = array<i32>} : memref<8192xf32, #tpu.memory_space<vmem>>, vector<16xf32>,
    %swap3A_687 = arith.constant 5472 : index
    %swap3A_688 = tpu.vector_load %arg6[%swap3A_687] {strides = array<i32>} : memref<8192xf32, #tpu.memory_space<vmem>>, vector<16xf32>,
    tpu.vector_store %arg6[%swap3A_687], %broadcast_in_dim3A_3 {strides = array<i32>} : memref<8192xf32, #tpu.memory_space<vmem>>, vector<16xf32>,
    %swap3A_689 = arith.constant 5488 : index
    %swap3A_690 = tpu.vector_load %arg6[%swap3A_689] {strides = array<i32>} : memref<8192xf32, #tpu.memory_space<vmem>>, vector<16xf32>,
    tpu.vector_store %arg6[%swap3A_689], %broadcast_in_dim3A_3 {strides = array<i32>} : memref<8192xf32, #tpu.memory_space<vmem>>, vector<16xf32>,
    %swap3A_691 = arith.constant 5504 : index
    %swap3A_692 = tpu.vector_load %arg6[%swap3A_691] {strides = array<i32>} : memref<8192xf32, #tpu.memory_space<vmem>>, vector<16xf32>,
    tpu.vector_store %arg6[%swap3A_691], %broadcast_in_dim3A_3 {strides = array<i32>} : memref<8192xf32, #tpu.memory_space<vmem>>, vector<16xf32>,
    %swap3A_693 = arith.constant 5520 : index
    %swap3A_694 = tpu.vector_load %arg6[%swap3A_693] {strides = array<i32>} : memref<8192xf32, #tpu.memory_space<vmem>>, vector<16xf32>,
    tpu.vector_store %arg6[%swap3A_693], %broadcast_in_dim3A_3 {strides = array<i32>} : memref<8192xf32, #tpu.memory_space<vmem>>, vector<16xf32>,
    %swap3A_695 = arith.constant 5536 : index
    %swap3A_696 = tpu.vector_load %arg6[%swap3A_695] {strides = array<i32>} : memref<8192xf32, #tpu.memory_space<vmem>>, vector<16xf32>,
    tpu.vector_store %arg6[%swap3A_695], %broadcast_in_dim3A_3 {strides = array<i32>} : memref<8192xf32, #tpu.memory_space<vmem>>, vector<16xf32>,
    %swap3A_697 = arith.constant 5552 : index
    %swap3A_698 = tpu.vector_load %arg6[%swap3A_697] {strides = array<i32>} : memref<8192xf32, #tpu.memory_space<vmem>>, vector<16xf32>,
    tpu.vector_store %arg6[%swap3A_697], %broadcast_in_dim3A_3 {strides = array<i32>} : memref<8192xf32, #tpu.memory_space<vmem>>, vector<16xf32>,
    %swap3A_699 = arith.constant 5568 : index
    %swap3A_700 = tpu.vector_load %arg6[%swap3A_699] {strides = array<i32>} : memref<8192xf32, #tpu.memory_space<vmem>>, vector<16xf32>,
    tpu.vector_store %arg6[%swap3A_699], %broadcast_in_dim3A_3 {strides = array<i32>} : memref<8192xf32, #tpu.memory_space<vmem>>, vector<16xf32>,
    %swap3A_701 = arith.constant 5584 : index
    %swap3A_702 = tpu.vector_load %arg6[%swap3A_701] {strides = array<i32>} : memref<8192xf32, #tpu.memory_space<vmem>>, vector<16xf32>,
    tpu.vector_store %arg6[%swap3A_701], %broadcast_in_dim3A_3 {strides = array<i32>} : memref<8192xf32, #tpu.memory_space<vmem>>, vector<16xf32>,
    %swap3A_703 = arith.constant 5600 : index
    %swap3A_704 = tpu.vector_load %arg6[%swap3A_703] {strides = array<i32>} : memref<8192xf32, #tpu.memory_space<vmem>>, vector<16xf32>,
    tpu.vector_store %arg6[%swap3A_703], %broadcast_in_dim3A_3 {strides = array<i32>} : memref<8192xf32, #tpu.memory_space<vmem>>, vector<16xf32>,
    %swap3A_705 = arith.constant 5616 : index
    %swap3A_706 = tpu.vector_load %arg6[%swap3A_705] {strides = array<i32>} : memref<8192xf32, #tpu.memory_space<vmem>>, vector<16xf32>,
    tpu.vector_store %arg6[%swap3A_705], %broadcast_in_dim3A_3 {strides = array<i32>} : memref<8192xf32, #tpu.memory_space<vmem>>, vector<16xf32>,
    %swap3A_707 = arith.constant 5632 : index
    %swap3A_708 = tpu.vector_load %arg6[%swap3A_707] {strides = array<i32>} : memref<8192xf32, #tpu.memory_space<vmem>>, vector<16xf32>,
    tpu.vector_store %arg6[%swap3A_707], %broadcast_in_dim3A_3 {strides = array<i32>} : memref<8192xf32, #tpu.memory_space<vmem>>, vector<16xf32>,
    %swap3A_709 = arith.constant 5648 : index
    %swap3A_710 = tpu.vector_load %arg6[%swap3A_709] {strides = array<i32>} : memref<8192xf32, #tpu.memory_space<vmem>>, vector<16xf32>,
    tpu.vector_store %arg6[%swap3A_709], %broadcast_in_dim3A_3 {strides = array<i32>} : memref<8192xf32, #tpu.memory_space<vmem>>, vector<16xf32>,
    %swap3A_711 = arith.constant 5664 : index
    %swap3A_712 = tpu.vector_load %arg6[%swap3A_711] {strides = array<i32>} : memref<8192xf32, #tpu.memory_space<vmem>>, vector<16xf32>,
    tpu.vector_store %arg6[%swap3A_711], %broadcast_in_dim3A_3 {strides = array<i32>} : memref<8192xf32, #tpu.memory_space<vmem>>, vector<16xf32>,
    %swap3A_713 = arith.constant 5680 : index
    %swap3A_714 = tpu.vector_load %arg6[%swap3A_713] {strides = array<i32>} : memref<8192xf32, #tpu.memory_space<vmem>>, vector<16xf32>,
    tpu.vector_store %arg6[%swap3A_713], %broadcast_in_dim3A_3 {strides = array<i32>} : memref<8192xf32, #tpu.memory_space<vmem>>, vector<16xf32>,
    %swap3A_715 = arith.constant 5696 : index
    %swap3A_716 = tpu.vector_load %arg6[%swap3A_715] {strides = array<i32>} : memref<8192xf32, #tpu.memory_space<vmem>>, vector<16xf32>,
    tpu.vector_store %arg6[%swap3A_715], %broadcast_in_dim3A_3 {strides = array<i32>} : memref<8192xf32, #tpu.memory_space<vmem>>, vector<16xf32>,
    %swap3A_717 = arith.constant 5712 : index
    %swap3A_718 = tpu.vector_load %arg6[%swap3A_717] {strides = array<i32>} : memref<8192xf32, #tpu.memory_space<vmem>>, vector<16xf32>,
    tpu.vector_store %arg6[%swap3A_717], %broadcast_in_dim3A_3 {strides = array<i32>} : memref<8192xf32, #tpu.memory_space<vmem>>, vector<16xf32>,
    %swap3A_719 = arith.constant 5728 : index
    %swap3A_720 = tpu.vector_load %arg6[%swap3A_719] {strides = array<i32>} : memref<8192xf32, #tpu.memory_space<vmem>>, vector<16xf32>,
    tpu.vector_store %arg6[%swap3A_719], %broadcast_in_dim3A_3 {strides = array<i32>} : memref<8192xf32, #tpu.memory_space<vmem>>, vector<16xf32>,
    %swap3A_721 = arith.constant 5744 : index
    %swap3A_722 = tpu.vector_load %arg6[%swap3A_721] {strides = array<i32>} : memref<8192xf32, #tpu.memory_space<vmem>>, vector<16xf32>,
    tpu.vector_store %arg6[%swap3A_721], %broadcast_in_dim3A_3 {strides = array<i32>} : memref<8192xf32, #tpu.memory_space<vmem>>, vector<16xf32>,
    %swap3A_723 = arith.constant 5760 : index
    %swap3A_724 = tpu.vector_load %arg6[%swap3A_723] {strides = array<i32>} : memref<8192xf32, #tpu.memory_space<vmem>>, vector<16xf32>,
    tpu.vector_store %arg6[%swap3A_723], %broadcast_in_dim3A_3 {strides = array<i32>} : memref<8192xf32, #tpu.memory_space<vmem>>, vector<16xf32>,
    %swap3A_725 = arith.constant 5776 : index
    %swap3A_726 = tpu.vector_load %arg6[%swap3A_725] {strides = array<i32>} : memref<8192xf32, #tpu.memory_space<vmem>>, vector<16xf32>,
    tpu.vector_store %arg6[%swap3A_725], %broadcast_in_dim3A_3 {strides = array<i32>} : memref<8192xf32, #tpu.memory_space<vmem>>, vector<16xf32>,
    %swap3A_727 = arith.constant 5792 : index
    %swap3A_728 = tpu.vector_load %arg6[%swap3A_727] {strides = array<i32>} : memref<8192xf32, #tpu.memory_space<vmem>>, vector<16xf32>,
    tpu.vector_store %arg6[%swap3A_727], %broadcast_in_dim3A_3 {strides = array<i32>} : memref<8192xf32, #tpu.memory_space<vmem>>, vector<16xf32>,
    %swap3A_729 = arith.constant 5808 : index
    %swap3A_730 = tpu.vector_load %arg6[%swap3A_729] {strides = array<i32>} : memref<8192xf32, #tpu.memory_space<vmem>>, vector<16xf32>,
    tpu.vector_store %arg6[%swap3A_729], %broadcast_in_dim3A_3 {strides = array<i32>} : memref<8192xf32, #tpu.memory_space<vmem>>, vector<16xf32>,
    %swap3A_731 = arith.constant 5824 : index
    %swap3A_732 = tpu.vector_load %arg6[%swap3A_731] {strides = array<i32>} : memref<8192xf32, #tpu.memory_space<vmem>>, vector<16xf32>,
    tpu.vector_store %arg6[%swap3A_731], %broadcast_in_dim3A_3 {strides = array<i32>} : memref<8192xf32, #tpu.memory_space<vmem>>, vector<16xf32>,
    %swap3A_733 = arith.constant 5840 : index
    %swap3A_734 = tpu.vector_load %arg6[%swap3A_733] {strides = array<i32>} : memref<8192xf32, #tpu.memory_space<vmem>>, vector<16xf32>,
    tpu.vector_store %arg6[%swap3A_733], %broadcast_in_dim3A_3 {strides = array<i32>} : memref<8192xf32, #tpu.memory_space<vmem>>, vector<16xf32>,
    %swap3A_735 = arith.constant 5856 : index
    %swap3A_736 = tpu.vector_load %arg6[%swap3A_735] {strides = array<i32>} : memref<8192xf32, #tpu.memory_space<vmem>>, vector<16xf32>,
    tpu.vector_store %arg6[%swap3A_735], %broadcast_in_dim3A_3 {strides = array<i32>} : memref<8192xf32, #tpu.memory_space<vmem>>, vector<16xf32>,
    %swap3A_737 = arith.constant 5872 : index
    %swap3A_738 = tpu.vector_load %arg6[%swap3A_737] {strides = array<i32>} : memref<8192xf32, #tpu.memory_space<vmem>>, vector<16xf32>,
    tpu.vector_store %arg6[%swap3A_737], %broadcast_in_dim3A_3 {strides = array<i32>} : memref<8192xf32, #tpu.memory_space<vmem>>, vector<16xf32>,
    %swap3A_739 = arith.constant 5888 : index
    %swap3A_740 = tpu.vector_load %arg6[%swap3A_739] {strides = array<i32>} : memref<8192xf32, #tpu.memory_space<vmem>>, vector<16xf32>,
    tpu.vector_store %arg6[%swap3A_739], %broadcast_in_dim3A_3 {strides = array<i32>} : memref<8192xf32, #tpu.memory_space<vmem>>, vector<16xf32>,
    %swap3A_741 = arith.constant 5904 : index
    %swap3A_742 = tpu.vector_load %arg6[%swap3A_741] {strides = array<i32>} : memref<8192xf32, #tpu.memory_space<vmem>>, vector<16xf32>,
    tpu.vector_store %arg6[%swap3A_741], %broadcast_in_dim3A_3 {strides = array<i32>} : memref<8192xf32, #tpu.memory_space<vmem>>, vector<16xf32>,
    %swap3A_743 = arith.constant 5920 : index
    %swap3A_744 = tpu.vector_load %arg6[%swap3A_743] {strides = array<i32>} : memref<8192xf32, #tpu.memory_space<vmem>>, vector<16xf32>,
    tpu.vector_store %arg6[%swap3A_743], %broadcast_in_dim3A_3 {strides = array<i32>} : memref<8192xf32, #tpu.memory_space<vmem>>, vector<16xf32>,
    %swap3A_745 = arith.constant 5936 : index
    %swap3A_746 = tpu.vector_load %arg6[%swap3A_745] {strides = array<i32>} : memref<8192xf32, #tpu.memory_space<vmem>>, vector<16xf32>,
    tpu.vector_store %arg6[%swap3A_745], %broadcast_in_dim3A_3 {strides = array<i32>} : memref<8192xf32, #tpu.memory_space<vmem>>, vector<16xf32>,
    %swap3A_747 = arith.constant 5952 : index
    %swap3A_748 = tpu.vector_load %arg6[%swap3A_747] {strides = array<i32>} : memref<8192xf32, #tpu.memory_space<vmem>>, vector<16xf32>,
    tpu.vector_store %arg6[%swap3A_747], %broadcast_in_dim3A_3 {strides = array<i32>} : memref<8192xf32, #tpu.memory_space<vmem>>, vector<16xf32>,
    %swap3A_749 = arith.constant 5968 : index
    %swap3A_750 = tpu.vector_load %arg6[%swap3A_749] {strides = array<i32>} : memref<8192xf32, #tpu.memory_space<vmem>>, vector<16xf32>,
    tpu.vector_store %arg6[%swap3A_749], %broadcast_in_dim3A_3 {strides = array<i32>} : memref<8192xf32, #tpu.memory_space<vmem>>, vector<16xf32>,
    %swap3A_751 = arith.constant 5984 : index
    %swap3A_752 = tpu.vector_load %arg6[%swap3A_751] {strides = array<i32>} : memref<8192xf32, #tpu.memory_space<vmem>>, vector<16xf32>,
    tpu.vector_store %arg6[%swap3A_751], %broadcast_in_dim3A_3 {strides = array<i32>} : memref<8192xf32, #tpu.memory_space<vmem>>, vector<16xf32>,
    %swap3A_753 = arith.constant 6000 : index
    %swap3A_754 = tpu.vector_load %arg6[%swap3A_753] {strides = array<i32>} : memref<8192xf32, #tpu.memory_space<vmem>>, vector<16xf32>,
    tpu.vector_store %arg6[%swap3A_753], %broadcast_in_dim3A_3 {strides = array<i32>} : memref<8192xf32, #tpu.memory_space<vmem>>, vector<16xf32>,
    %swap3A_755 = arith.constant 6016 : index
    %swap3A_756 = tpu.vector_load %arg6[%swap3A_755] {strides = array<i32>} : memref<8192xf32, #tpu.memory_space<vmem>>, vector<16xf32>,
    tpu.vector_store %arg6[%swap3A_755], %broadcast_in_dim3A_3 {strides = array<i32>} : memref<8192xf32, #tpu.memory_space<vmem>>, vector<16xf32>,
    %swap3A_757 = arith.constant 6032 : index
    %swap3A_758 = tpu.vector_load %arg6[%swap3A_757] {strides = array<i32>} : memref<8192xf32, #tpu.memory_space<vmem>>, vector<16xf32>,
    tpu.vector_store %arg6[%swap3A_757], %broadcast_in_dim3A_3 {strides = array<i32>} : memref<8192xf32, #tpu.memory_space<vmem>>, vector<16xf32>,
    %swap3A_759 = arith.constant 6048 : index
    %swap3A_760 = tpu.vector_load %arg6[%swap3A_759] {strides = array<i32>} : memref<8192xf32, #tpu.memory_space<vmem>>, vector<16xf32>,
    tpu.vector_store %arg6[%swap3A_759], %broadcast_in_dim3A_3 {strides = array<i32>} : memref<8192xf32, #tpu.memory_space<vmem>>, vector<16xf32>,
    %swap3A_761 = arith.constant 6064 : index
    %swap3A_762 = tpu.vector_load %arg6[%swap3A_761] {strides = array<i32>} : memref<8192xf32, #tpu.memory_space<vmem>>, vector<16xf32>,
    tpu.vector_store %arg6[%swap3A_761], %broadcast_in_dim3A_3 {strides = array<i32>} : memref<8192xf32, #tpu.memory_space<vmem>>, vector<16xf32>,
    %swap3A_763 = arith.constant 6080 : index
    %swap3A_764 = tpu.vector_load %arg6[%swap3A_763] {strides = array<i32>} : memref<8192xf32, #tpu.memory_space<vmem>>, vector<16xf32>,
    tpu.vector_store %arg6[%swap3A_763], %broadcast_in_dim3A_3 {strides = array<i32>} : memref<8192xf32, #tpu.memory_space<vmem>>, vector<16xf32>,
    %swap3A_765 = arith.constant 6096 : index
    %swap3A_766 = tpu.vector_load %arg6[%swap3A_765] {strides = array<i32>} : memref<8192xf32, #tpu.memory_space<vmem>>, vector<16xf32>,
    tpu.vector_store %arg6[%swap3A_765], %broadcast_in_dim3A_3 {strides = array<i32>} : memref<8192xf32, #tpu.memory_space<vmem>>, vector<16xf32>,
    %swap3A_767 = arith.constant 6112 : index
    %swap3A_768 = tpu.vector_load %arg6[%swap3A_767] {strides = array<i32>} : memref<8192xf32, #tpu.memory_space<vmem>>, vector<16xf32>,
    tpu.vector_store %arg6[%swap3A_767], %broadcast_in_dim3A_3 {strides = array<i32>} : memref<8192xf32, #tpu.memory_space<vmem>>, vector<16xf32>,
    %swap3A_769 = arith.constant 6128 : index
    %swap3A_770 = tpu.vector_load %arg6[%swap3A_769] {strides = array<i32>} : memref<8192xf32, #tpu.memory_space<vmem>>, vector<16xf32>,
    tpu.vector_store %arg6[%swap3A_769], %broadcast_in_dim3A_3 {strides = array<i32>} : memref<8192xf32, #tpu.memory_space<vmem>>, vector<16xf32>,
    %swap3A_771 = arith.constant 6144 : index
    %swap3A_772 = tpu.vector_load %arg6[%swap3A_771] {strides = array<i32>} : memref<8192xf32, #tpu.memory_space<vmem>>, vector<16xf32>,
    tpu.vector_store %arg6[%swap3A_771], %broadcast_in_dim3A_3 {strides = array<i32>} : memref<8192xf32, #tpu.memory_space<vmem>>, vector<16xf32>,
    %swap3A_773 = arith.constant 6160 : index
    %swap3A_774 = tpu.vector_load %arg6[%swap3A_773] {strides = array<i32>} : memref<8192xf32, #tpu.memory_space<vmem>>, vector<16xf32>,
    tpu.vector_store %arg6[%swap3A_773], %broadcast_in_dim3A_3 {strides = array<i32>} : memref<8192xf32, #tpu.memory_space<vmem>>, vector<16xf32>,
    %swap3A_775 = arith.constant 6176 : index
    %swap3A_776 = tpu.vector_load %arg6[%swap3A_775] {strides = array<i32>} : memref<8192xf32, #tpu.memory_space<vmem>>, vector<16xf32>,
    tpu.vector_store %arg6[%swap3A_775], %broadcast_in_dim3A_3 {strides = array<i32>} : memref<8192xf32, #tpu.memory_space<vmem>>, vector<16xf32>,
    %swap3A_777 = arith.constant 6192 : index
    %swap3A_778 = tpu.vector_load %arg6[%swap3A_777] {strides = array<i32>} : memref<8192xf32, #tpu.memory_space<vmem>>, vector<16xf32>,
    tpu.vector_store %arg6[%swap3A_777], %broadcast_in_dim3A_3 {strides = array<i32>} : memref<8192xf32, #tpu.memory_space<vmem>>, vector<16xf32>,
    %swap3A_779 = arith.constant 6208 : index
    %swap3A_780 = tpu.vector_load %arg6[%swap3A_779] {strides = array<i32>} : memref<8192xf32, #tpu.memory_space<vmem>>, vector<16xf32>,
    tpu.vector_store %arg6[%swap3A_779], %broadcast_in_dim3A_3 {strides = array<i32>} : memref<8192xf32, #tpu.memory_space<vmem>>, vector<16xf32>,
    %swap3A_781 = arith.constant 6224 : index
    %swap3A_782 = tpu.vector_load %arg6[%swap3A_781] {strides = array<i32>} : memref<8192xf32, #tpu.memory_space<vmem>>, vector<16xf32>,
    tpu.vector_store %arg6[%swap3A_781], %broadcast_in_dim3A_3 {strides = array<i32>} : memref<8192xf32, #tpu.memory_space<vmem>>, vector<16xf32>,
    %swap3A_783 = arith.constant 6240 : index
    %swap3A_784 = tpu.vector_load %arg6[%swap3A_783] {strides = array<i32>} : memref<8192xf32, #tpu.memory_space<vmem>>, vector<16xf32>,
    tpu.vector_store %arg6[%swap3A_783], %broadcast_in_dim3A_3 {strides = array<i32>} : memref<8192xf32, #tpu.memory_space<vmem>>, vector<16xf32>,
    %swap3A_785 = arith.constant 6256 : index
    %swap3A_786 = tpu.vector_load %arg6[%swap3A_785] {strides = array<i32>} : memref<8192xf32, #tpu.memory_space<vmem>>, vector<16xf32>,
    tpu.vector_store %arg6[%swap3A_785], %broadcast_in_dim3A_3 {strides = array<i32>} : memref<8192xf32, #tpu.memory_space<vmem>>, vector<16xf32>,
    %swap3A_787 = arith.constant 6272 : index
    %swap3A_788 = tpu.vector_load %arg6[%swap3A_787] {strides = array<i32>} : memref<8192xf32, #tpu.memory_space<vmem>>, vector<16xf32>,
    tpu.vector_store %arg6[%swap3A_787], %broadcast_in_dim3A_3 {strides = array<i32>} : memref<8192xf32, #tpu.memory_space<vmem>>, vector<16xf32>,
    %swap3A_789 = arith.constant 6288 : index
    %swap3A_790 = tpu.vector_load %arg6[%swap3A_789] {strides = array<i32>} : memref<8192xf32, #tpu.memory_space<vmem>>, vector<16xf32>,
    tpu.vector_store %arg6[%swap3A_789], %broadcast_in_dim3A_3 {strides = array<i32>} : memref<8192xf32, #tpu.memory_space<vmem>>, vector<16xf32>,
    %swap3A_791 = arith.constant 6304 : index
    %swap3A_792 = tpu.vector_load %arg6[%swap3A_791] {strides = array<i32>} : memref<8192xf32, #tpu.memory_space<vmem>>, vector<16xf32>,
    tpu.vector_store %arg6[%swap3A_791], %broadcast_in_dim3A_3 {strides = array<i32>} : memref<8192xf32, #tpu.memory_space<vmem>>, vector<16xf32>,
    %swap3A_793 = arith.constant 6320 : index
    %swap3A_794 = tpu.vector_load %arg6[%swap3A_793] {strides = array<i32>} : memref<8192xf32, #tpu.memory_space<vmem>>, vector<16xf32>,
    tpu.vector_store %arg6[%swap3A_793], %broadcast_in_dim3A_3 {strides = array<i32>} : memref<8192xf32, #tpu.memory_space<vmem>>, vector<16xf32>,
    %swap3A_795 = arith.constant 6336 : index
    %swap3A_796 = tpu.vector_load %arg6[%swap3A_795] {strides = array<i32>} : memref<8192xf32, #tpu.memory_space<vmem>>, vector<16xf32>,
    tpu.vector_store %arg6[%swap3A_795], %broadcast_in_dim3A_3 {strides = array<i32>} : memref<8192xf32, #tpu.memory_space<vmem>>, vector<16xf32>,
    %swap3A_797 = arith.constant 6352 : index
    %swap3A_798 = tpu.vector_load %arg6[%swap3A_797] {strides = array<i32>} : memref<8192xf32, #tpu.memory_space<vmem>>, vector<16xf32>,
    tpu.vector_store %arg6[%swap3A_797], %broadcast_in_dim3A_3 {strides = array<i32>} : memref<8192xf32, #tpu.memory_space<vmem>>, vector<16xf32>,
    %swap3A_799 = arith.constant 6368 : index
    %swap3A_800 = tpu.vector_load %arg6[%swap3A_799] {strides = array<i32>} : memref<8192xf32, #tpu.memory_space<vmem>>, vector<16xf32>,
    tpu.vector_store %arg6[%swap3A_799], %broadcast_in_dim3A_3 {strides = array<i32>} : memref<8192xf32, #tpu.memory_space<vmem>>, vector<16xf32>,
    %swap3A_801 = arith.constant 6384 : index
    %swap3A_802 = tpu.vector_load %arg6[%swap3A_801] {strides = array<i32>} : memref<8192xf32, #tpu.memory_space<vmem>>, vector<16xf32>,
    tpu.vector_store %arg6[%swap3A_801], %broadcast_in_dim3A_3 {strides = array<i32>} : memref<8192xf32, #tpu.memory_space<vmem>>, vector<16xf32>,
    %swap3A_803 = arith.constant 6400 : index
    %swap3A_804 = tpu.vector_load %arg6[%swap3A_803] {strides = array<i32>} : memref<8192xf32, #tpu.memory_space<vmem>>, vector<16xf32>,
    tpu.vector_store %arg6[%swap3A_803], %broadcast_in_dim3A_3 {strides = array<i32>} : memref<8192xf32, #tpu.memory_space<vmem>>, vector<16xf32>,
    %swap3A_805 = arith.constant 6416 : index
    %swap3A_806 = tpu.vector_load %arg6[%swap3A_805] {strides = array<i32>} : memref<8192xf32, #tpu.memory_space<vmem>>, vector<16xf32>,
    tpu.vector_store %arg6[%swap3A_805], %broadcast_in_dim3A_3 {strides = array<i32>} : memref<8192xf32, #tpu.memory_space<vmem>>, vector<16xf32>,
    %swap3A_807 = arith.constant 6432 : index
    %swap3A_808 = tpu.vector_load %arg6[%swap3A_807] {strides = array<i32>} : memref<8192xf32, #tpu.memory_space<vmem>>, vector<16xf32>,
    tpu.vector_store %arg6[%swap3A_807], %broadcast_in_dim3A_3 {strides = array<i32>} : memref<8192xf32, #tpu.memory_space<vmem>>, vector<16xf32>,
    %swap3A_809 = arith.constant 6448 : index
    %swap3A_810 = tpu.vector_load %arg6[%swap3A_809] {strides = array<i32>} : memref<8192xf32, #tpu.memory_space<vmem>>, vector<16xf32>,
    tpu.vector_store %arg6[%swap3A_809], %broadcast_in_dim3A_3 {strides = array<i32>} : memref<8192xf32, #tpu.memory_space<vmem>>, vector<16xf32>,
    %swap3A_811 = arith.constant 6464 : index
    %swap3A_812 = tpu.vector_load %arg6[%swap3A_811] {strides = array<i32>} : memref<8192xf32, #tpu.memory_space<vmem>>, vector<16xf32>,
    tpu.vector_store %arg6[%swap3A_811], %broadcast_in_dim3A_3 {strides = array<i32>} : memref<8192xf32, #tpu.memory_space<vmem>>, vector<16xf32>,
    %swap3A_813 = arith.constant 6480 : index
    %swap3A_814 = tpu.vector_load %arg6[%swap3A_813] {strides = array<i32>} : memref<8192xf32, #tpu.memory_space<vmem>>, vector<16xf32>,
    tpu.vector_store %arg6[%swap3A_813], %broadcast_in_dim3A_3 {strides = array<i32>} : memref<8192xf32, #tpu.memory_space<vmem>>, vector<16xf32>,
    %swap3A_815 = arith.constant 6496 : index
    %swap3A_816 = tpu.vector_load %arg6[%swap3A_815] {strides = array<i32>} : memref<8192xf32, #tpu.memory_space<vmem>>, vector<16xf32>,
    tpu.vector_store %arg6[%swap3A_815], %broadcast_in_dim3A_3 {strides = array<i32>} : memref<8192xf32, #tpu.memory_space<vmem>>, vector<16xf32>,
    %swap3A_817 = arith.constant 6512 : index
    %swap3A_818 = tpu.vector_load %arg6[%swap3A_817] {strides = array<i32>} : memref<8192xf32, #tpu.memory_space<vmem>>, vector<16xf32>,
    tpu.vector_store %arg6[%swap3A_817], %broadcast_in_dim3A_3 {strides = array<i32>} : memref<8192xf32, #tpu.memory_space<vmem>>, vector<16xf32>,
    %swap3A_819 = arith.constant 6528 : index
    %swap3A_820 = tpu.vector_load %arg6[%swap3A_819] {strides = array<i32>} : memref<8192xf32, #tpu.memory_space<vmem>>, vector<16xf32>,
    tpu.vector_store %arg6[%swap3A_819], %broadcast_in_dim3A_3 {strides = array<i32>} : memref<8192xf32, #tpu.memory_space<vmem>>, vector<16xf32>,
    %swap3A_821 = arith.constant 6544 : index
    %swap3A_822 = tpu.vector_load %arg6[%swap3A_821] {strides = array<i32>} : memref<8192xf32, #tpu.memory_space<vmem>>, vector<16xf32>,
    tpu.vector_store %arg6[%swap3A_821], %broadcast_in_dim3A_3 {strides = array<i32>} : memref<8192xf32, #tpu.memory_space<vmem>>, vector<16xf32>,
    %swap3A_823 = arith.constant 6560 : index
    %swap3A_824 = tpu.vector_load %arg6[%swap3A_823] {strides = array<i32>} : memref<8192xf32, #tpu.memory_space<vmem>>, vector<16xf32>,
    tpu.vector_store %arg6[%swap3A_823], %broadcast_in_dim3A_3 {strides = array<i32>} : memref<8192xf32, #tpu.memory_space<vmem>>, vector<16xf32>,
    %swap3A_825 = arith.constant 6576 : index
    %swap3A_826 = tpu.vector_load %arg6[%swap3A_825] {strides = array<i32>} : memref<8192xf32, #tpu.memory_space<vmem>>, vector<16xf32>,
    tpu.vector_store %arg6[%swap3A_825], %broadcast_in_dim3A_3 {strides = array<i32>} : memref<8192xf32, #tpu.memory_space<vmem>>, vector<16xf32>,
    %swap3A_827 = arith.constant 6592 : index
    %swap3A_828 = tpu.vector_load %arg6[%swap3A_827] {strides = array<i32>} : memref<8192xf32, #tpu.memory_space<vmem>>, vector<16xf32>,
    tpu.vector_store %arg6[%swap3A_827], %broadcast_in_dim3A_3 {strides = array<i32>} : memref<8192xf32, #tpu.memory_space<vmem>>, vector<16xf32>,
    %swap3A_829 = arith.constant 6608 : index
    %swap3A_830 = tpu.vector_load %arg6[%swap3A_829] {strides = array<i32>} : memref<8192xf32, #tpu.memory_space<vmem>>, vector<16xf32>,
    tpu.vector_store %arg6[%swap3A_829], %broadcast_in_dim3A_3 {strides = array<i32>} : memref<8192xf32, #tpu.memory_space<vmem>>, vector<16xf32>,
    %swap3A_831 = arith.constant 6624 : index
    %swap3A_832 = tpu.vector_load %arg6[%swap3A_831] {strides = array<i32>} : memref<8192xf32, #tpu.memory_space<vmem>>, vector<16xf32>,
    tpu.vector_store %arg6[%swap3A_831], %broadcast_in_dim3A_3 {strides = array<i32>} : memref<8192xf32, #tpu.memory_space<vmem>>, vector<16xf32>,
    %swap3A_833 = arith.constant 6640 : index
    %swap3A_834 = tpu.vector_load %arg6[%swap3A_833] {strides = array<i32>} : memref<8192xf32, #tpu.memory_space<vmem>>, vector<16xf32>,
    tpu.vector_store %arg6[%swap3A_833], %broadcast_in_dim3A_3 {strides = array<i32>} : memref<8192xf32, #tpu.memory_space<vmem>>, vector<16xf32>,
    %swap3A_835 = arith.constant 6656 : index
    %swap3A_836 = tpu.vector_load %arg6[%swap3A_835] {strides = array<i32>} : memref<8192xf32, #tpu.memory_space<vmem>>, vector<16xf32>,
    tpu.vector_store %arg6[%swap3A_835], %broadcast_in_dim3A_3 {strides = array<i32>} : memref<8192xf32, #tpu.memory_space<vmem>>, vector<16xf32>,
    %swap3A_837 = arith.constant 6672 : index
    %swap3A_838 = tpu.vector_load %arg6[%swap3A_837] {strides = array<i32>} : memref<8192xf32, #tpu.memory_space<vmem>>, vector<16xf32>,
    tpu.vector_store %arg6[%swap3A_837], %broadcast_in_dim3A_3 {strides = array<i32>} : memref<8192xf32, #tpu.memory_space<vmem>>, vector<16xf32>,
    %swap3A_839 = arith.constant 6688 : index
    %swap3A_840 = tpu.vector_load %arg6[%swap3A_839] {strides = array<i32>} : memref<8192xf32, #tpu.memory_space<vmem>>, vector<16xf32>,
    tpu.vector_store %arg6[%swap3A_839], %broadcast_in_dim3A_3 {strides = array<i32>} : memref<8192xf32, #tpu.memory_space<vmem>>, vector<16xf32>,
    %swap3A_841 = arith.constant 6704 : index
    %swap3A_842 = tpu.vector_load %arg6[%swap3A_841] {strides = array<i32>} : memref<8192xf32, #tpu.memory_space<vmem>>, vector<16xf32>,
    tpu.vector_store %arg6[%swap3A_841], %broadcast_in_dim3A_3 {strides = array<i32>} : memref<8192xf32, #tpu.memory_space<vmem>>, vector<16xf32>,
    %swap3A_843 = arith.constant 6720 : index
    %swap3A_844 = tpu.vector_load %arg6[%swap3A_843] {strides = array<i32>} : memref<8192xf32, #tpu.memory_space<vmem>>, vector<16xf32>,
    tpu.vector_store %arg6[%swap3A_843], %broadcast_in_dim3A_3 {strides = array<i32>} : memref<8192xf32, #tpu.memory_space<vmem>>, vector<16xf32>,
    %swap3A_845 = arith.constant 6736 : index
    %swap3A_846 = tpu.vector_load %arg6[%swap3A_845] {strides = array<i32>} : memref<8192xf32, #tpu.memory_space<vmem>>, vector<16xf32>,
    tpu.vector_store %arg6[%swap3A_845], %broadcast_in_dim3A_3 {strides = array<i32>} : memref<8192xf32, #tpu.memory_space<vmem>>, vector<16xf32>,
    %swap3A_847 = arith.constant 6752 : index
    %swap3A_848 = tpu.vector_load %arg6[%swap3A_847] {strides = array<i32>} : memref<8192xf32, #tpu.memory_space<vmem>>, vector<16xf32>,
    tpu.vector_store %arg6[%swap3A_847], %broadcast_in_dim3A_3 {strides = array<i32>} : memref<8192xf32, #tpu.memory_space<vmem>>, vector<16xf32>,
    %swap3A_849 = arith.constant 6768 : index
    %swap3A_850 = tpu.vector_load %arg6[%swap3A_849] {strides = array<i32>} : memref<8192xf32, #tpu.memory_space<vmem>>, vector<16xf32>,
    tpu.vector_store %arg6[%swap3A_849], %broadcast_in_dim3A_3 {strides = array<i32>} : memref<8192xf32, #tpu.memory_space<vmem>>, vector<16xf32>,
    %swap3A_851 = arith.constant 6784 : index
    %swap3A_852 = tpu.vector_load %arg6[%swap3A_851] {strides = array<i32>} : memref<8192xf32, #tpu.memory_space<vmem>>, vector<16xf32>,
    tpu.vector_store %arg6[%swap3A_851], %broadcast_in_dim3A_3 {strides = array<i32>} : memref<8192xf32, #tpu.memory_space<vmem>>, vector<16xf32>,
    %swap3A_853 = arith.constant 6800 : index
    %swap3A_854 = tpu.vector_load %arg6[%swap3A_853] {strides = array<i32>} : memref<8192xf32, #tpu.memory_space<vmem>>, vector<16xf32>,
    tpu.vector_store %arg6[%swap3A_853], %broadcast_in_dim3A_3 {strides = array<i32>} : memref<8192xf32, #tpu.memory_space<vmem>>, vector<16xf32>,
    %swap3A_855 = arith.constant 6816 : index
    %swap3A_856 = tpu.vector_load %arg6[%swap3A_855] {strides = array<i32>} : memref<8192xf32, #tpu.memory_space<vmem>>, vector<16xf32>,
    tpu.vector_store %arg6[%swap3A_855], %broadcast_in_dim3A_3 {strides = array<i32>} : memref<8192xf32, #tpu.memory_space<vmem>>, vector<16xf32>,
    %swap3A_857 = arith.constant 6832 : index
    %swap3A_858 = tpu.vector_load %arg6[%swap3A_857] {strides = array<i32>} : memref<8192xf32, #tpu.memory_space<vmem>>, vector<16xf32>,
    tpu.vector_store %arg6[%swap3A_857], %broadcast_in_dim3A_3 {strides = array<i32>} : memref<8192xf32, #tpu.memory_space<vmem>>, vector<16xf32>,
    %swap3A_859 = arith.constant 6848 : index
    %swap3A_860 = tpu.vector_load %arg6[%swap3A_859] {strides = array<i32>} : memref<8192xf32, #tpu.memory_space<vmem>>, vector<16xf32>,
    tpu.vector_store %arg6[%swap3A_859], %broadcast_in_dim3A_3 {strides = array<i32>} : memref<8192xf32, #tpu.memory_space<vmem>>, vector<16xf32>,
    %swap3A_861 = arith.constant 6864 : index
    %swap3A_862 = tpu.vector_load %arg6[%swap3A_861] {strides = array<i32>} : memref<8192xf32, #tpu.memory_space<vmem>>, vector<16xf32>,
    tpu.vector_store %arg6[%swap3A_861], %broadcast_in_dim3A_3 {strides = array<i32>} : memref<8192xf32, #tpu.memory_space<vmem>>, vector<16xf32>,
    %swap3A_863 = arith.constant 6880 : index
    %swap3A_864 = tpu.vector_load %arg6[%swap3A_863] {strides = array<i32>} : memref<8192xf32, #tpu.memory_space<vmem>>, vector<16xf32>,
    tpu.vector_store %arg6[%swap3A_863], %broadcast_in_dim3A_3 {strides = array<i32>} : memref<8192xf32, #tpu.memory_space<vmem>>, vector<16xf32>,
    %swap3A_865 = arith.constant 6896 : index
    %swap3A_866 = tpu.vector_load %arg6[%swap3A_865] {strides = array<i32>} : memref<8192xf32, #tpu.memory_space<vmem>>, vector<16xf32>,
    tpu.vector_store %arg6[%swap3A_865], %broadcast_in_dim3A_3 {strides = array<i32>} : memref<8192xf32, #tpu.memory_space<vmem>>, vector<16xf32>,
    %swap3A_867 = arith.constant 6912 : index
    %swap3A_868 = tpu.vector_load %arg6[%swap3A_867] {strides = array<i32>} : memref<8192xf32, #tpu.memory_space<vmem>>, vector<16xf32>,
    tpu.vector_store %arg6[%swap3A_867], %broadcast_in_dim3A_3 {strides = array<i32>} : memref<8192xf32, #tpu.memory_space<vmem>>, vector<16xf32>,
    %swap3A_869 = arith.constant 6928 : index
    %swap3A_870 = tpu.vector_load %arg6[%swap3A_869] {strides = array<i32>} : memref<8192xf32, #tpu.memory_space<vmem>>, vector<16xf32>,
    tpu.vector_store %arg6[%swap3A_869], %broadcast_in_dim3A_3 {strides = array<i32>} : memref<8192xf32, #tpu.memory_space<vmem>>, vector<16xf32>,
    %swap3A_871 = arith.constant 6944 : index
    %swap3A_872 = tpu.vector_load %arg6[%swap3A_871] {strides = array<i32>} : memref<8192xf32, #tpu.memory_space<vmem>>, vector<16xf32>,
    tpu.vector_store %arg6[%swap3A_871], %broadcast_in_dim3A_3 {strides = array<i32>} : memref<8192xf32, #tpu.memory_space<vmem>>, vector<16xf32>,
    %swap3A_873 = arith.constant 6960 : index
    %swap3A_874 = tpu.vector_load %arg6[%swap3A_873] {strides = array<i32>} : memref<8192xf32, #tpu.memory_space<vmem>>, vector<16xf32>,
    tpu.vector_store %arg6[%swap3A_873], %broadcast_in_dim3A_3 {strides = array<i32>} : memref<8192xf32, #tpu.memory_space<vmem>>, vector<16xf32>,
    %swap3A_875 = arith.constant 6976 : index
    %swap3A_876 = tpu.vector_load %arg6[%swap3A_875] {strides = array<i32>} : memref<8192xf32, #tpu.memory_space<vmem>>, vector<16xf32>,
    tpu.vector_store %arg6[%swap3A_875], %broadcast_in_dim3A_3 {strides = array<i32>} : memref<8192xf32, #tpu.memory_space<vmem>>, vector<16xf32>,
    %swap3A_877 = arith.constant 6992 : index
    %swap3A_878 = tpu.vector_load %arg6[%swap3A_877] {strides = array<i32>} : memref<8192xf32, #tpu.memory_space<vmem>>, vector<16xf32>,
    tpu.vector_store %arg6[%swap3A_877], %broadcast_in_dim3A_3 {strides = array<i32>} : memref<8192xf32, #tpu.memory_space<vmem>>, vector<16xf32>,
    %swap3A_879 = arith.constant 7008 : index
    %swap3A_880 = tpu.vector_load %arg6[%swap3A_879] {strides = array<i32>} : memref<8192xf32, #tpu.memory_space<vmem>>, vector<16xf32>,
    tpu.vector_store %arg6[%swap3A_879], %broadcast_in_dim3A_3 {strides = array<i32>} : memref<8192xf32, #tpu.memory_space<vmem>>, vector<16xf32>,
    %swap3A_881 = arith.constant 7024 : index
    %swap3A_882 = tpu.vector_load %arg6[%swap3A_881] {strides = array<i32>} : memref<8192xf32, #tpu.memory_space<vmem>>, vector<16xf32>,
    tpu.vector_store %arg6[%swap3A_881], %broadcast_in_dim3A_3 {strides = array<i32>} : memref<8192xf32, #tpu.memory_space<vmem>>, vector<16xf32>,
    %swap3A_883 = arith.constant 7040 : index
    %swap3A_884 = tpu.vector_load %arg6[%swap3A_883] {strides = array<i32>} : memref<8192xf32, #tpu.memory_space<vmem>>, vector<16xf32>,
    tpu.vector_store %arg6[%swap3A_883], %broadcast_in_dim3A_3 {strides = array<i32>} : memref<8192xf32, #tpu.memory_space<vmem>>, vector<16xf32>,
    %swap3A_885 = arith.constant 7056 : index
    %swap3A_886 = tpu.vector_load %arg6[%swap3A_885] {strides = array<i32>} : memref<8192xf32, #tpu.memory_space<vmem>>, vector<16xf32>,
    tpu.vector_store %arg6[%swap3A_885], %broadcast_in_dim3A_3 {strides = array<i32>} : memref<8192xf32, #tpu.memory_space<vmem>>, vector<16xf32>,
    %swap3A_887 = arith.constant 7072 : index
    %swap3A_888 = tpu.vector_load %arg6[%swap3A_887] {strides = array<i32>} : memref<8192xf32, #tpu.memory_space<vmem>>, vector<16xf32>,
    tpu.vector_store %arg6[%swap3A_887], %broadcast_in_dim3A_3 {strides = array<i32>} : memref<8192xf32, #tpu.memory_space<vmem>>, vector<16xf32>,
    %swap3A_889 = arith.constant 7088 : index
    %swap3A_890 = tpu.vector_load %arg6[%swap3A_889] {strides = array<i32>} : memref<8192xf32, #tpu.memory_space<vmem>>, vector<16xf32>,
    tpu.vector_store %arg6[%swap3A_889], %broadcast_in_dim3A_3 {strides = array<i32>} : memref<8192xf32, #tpu.memory_space<vmem>>, vector<16xf32>,
    %swap3A_891 = arith.constant 7104 : index
    %swap3A_892 = tpu.vector_load %arg6[%swap3A_891] {strides = array<i32>} : memref<8192xf32, #tpu.memory_space<vmem>>, vector<16xf32>,
    tpu.vector_store %arg6[%swap3A_891], %broadcast_in_dim3A_3 {strides = array<i32>} : memref<8192xf32, #tpu.memory_space<vmem>>, vector<16xf32>,
    %swap3A_893 = arith.constant 7120 : index
    %swap3A_894 = tpu.vector_load %arg6[%swap3A_893] {strides = array<i32>} : memref<8192xf32, #tpu.memory_space<vmem>>, vector<16xf32>,
    tpu.vector_store %arg6[%swap3A_893], %broadcast_in_dim3A_3 {strides = array<i32>} : memref<8192xf32, #tpu.memory_space<vmem>>, vector<16xf32>,
    %swap3A_895 = arith.constant 7136 : index
    %swap3A_896 = tpu.vector_load %arg6[%swap3A_895] {strides = array<i32>} : memref<8192xf32, #tpu.memory_space<vmem>>, vector<16xf32>,
    tpu.vector_store %arg6[%swap3A_895], %broadcast_in_dim3A_3 {strides = array<i32>} : memref<8192xf32, #tpu.memory_space<vmem>>, vector<16xf32>,
    %swap3A_897 = arith.constant 7152 : index
    %swap3A_898 = tpu.vector_load %arg6[%swap3A_897] {strides = array<i32>} : memref<8192xf32, #tpu.memory_space<vmem>>, vector<16xf32>,
    tpu.vector_store %arg6[%swap3A_897], %broadcast_in_dim3A_3 {strides = array<i32>} : memref<8192xf32, #tpu.memory_space<vmem>>, vector<16xf32>,
    %swap3A_899 = arith.constant 7168 : index
    %swap3A_900 = tpu.vector_load %arg6[%swap3A_899] {strides = array<i32>} : memref<8192xf32, #tpu.memory_space<vmem>>, vector<16xf32>,
    tpu.vector_store %arg6[%swap3A_899], %broadcast_in_dim3A_3 {strides = array<i32>} : memref<8192xf32, #tpu.memory_space<vmem>>, vector<16xf32>,
    %swap3A_901 = arith.constant 7184 : index
    %swap3A_902 = tpu.vector_load %arg6[%swap3A_901] {strides = array<i32>} : memref<8192xf32, #tpu.memory_space<vmem>>, vector<16xf32>,
    tpu.vector_store %arg6[%swap3A_901], %broadcast_in_dim3A_3 {strides = array<i32>} : memref<8192xf32, #tpu.memory_space<vmem>>, vector<16xf32>,
    %swap3A_903 = arith.constant 7200 : index
    %swap3A_904 = tpu.vector_load %arg6[%swap3A_903] {strides = array<i32>} : memref<8192xf32, #tpu.memory_space<vmem>>, vector<16xf32>,
    tpu.vector_store %arg6[%swap3A_903], %broadcast_in_dim3A_3 {strides = array<i32>} : memref<8192xf32, #tpu.memory_space<vmem>>, vector<16xf32>,
    %swap3A_905 = arith.constant 7216 : index
    %swap3A_906 = tpu.vector_load %arg6[%swap3A_905] {strides = array<i32>} : memref<8192xf32, #tpu.memory_space<vmem>>, vector<16xf32>,
    tpu.vector_store %arg6[%swap3A_905], %broadcast_in_dim3A_3 {strides = array<i32>} : memref<8192xf32, #tpu.memory_space<vmem>>, vector<16xf32>,
    %swap3A_907 = arith.constant 7232 : index
    %swap3A_908 = tpu.vector_load %arg6[%swap3A_907] {strides = array<i32>} : memref<8192xf32, #tpu.memory_space<vmem>>, vector<16xf32>,
    tpu.vector_store %arg6[%swap3A_907], %broadcast_in_dim3A_3 {strides = array<i32>} : memref<8192xf32, #tpu.memory_space<vmem>>, vector<16xf32>,
    %swap3A_909 = arith.constant 7248 : index
    %swap3A_910 = tpu.vector_load %arg6[%swap3A_909] {strides = array<i32>} : memref<8192xf32, #tpu.memory_space<vmem>>, vector<16xf32>,
    tpu.vector_store %arg6[%swap3A_909], %broadcast_in_dim3A_3 {strides = array<i32>} : memref<8192xf32, #tpu.memory_space<vmem>>, vector<16xf32>,
    %swap3A_911 = arith.constant 7264 : index
    %swap3A_912 = tpu.vector_load %arg6[%swap3A_911] {strides = array<i32>} : memref<8192xf32, #tpu.memory_space<vmem>>, vector<16xf32>,
    tpu.vector_store %arg6[%swap3A_911], %broadcast_in_dim3A_3 {strides = array<i32>} : memref<8192xf32, #tpu.memory_space<vmem>>, vector<16xf32>,
    %swap3A_913 = arith.constant 7280 : index
    %swap3A_914 = tpu.vector_load %arg6[%swap3A_913] {strides = array<i32>} : memref<8192xf32, #tpu.memory_space<vmem>>, vector<16xf32>,
    tpu.vector_store %arg6[%swap3A_913], %broadcast_in_dim3A_3 {strides = array<i32>} : memref<8192xf32, #tpu.memory_space<vmem>>, vector<16xf32>,
    %swap3A_915 = arith.constant 7296 : index
    %swap3A_916 = tpu.vector_load %arg6[%swap3A_915] {strides = array<i32>} : memref<8192xf32, #tpu.memory_space<vmem>>, vector<16xf32>,
    tpu.vector_store %arg6[%swap3A_915], %broadcast_in_dim3A_3 {strides = array<i32>} : memref<8192xf32, #tpu.memory_space<vmem>>, vector<16xf32>,
    %swap3A_917 = arith.constant 7312 : index
    %swap3A_918 = tpu.vector_load %arg6[%swap3A_917] {strides = array<i32>} : memref<8192xf32, #tpu.memory_space<vmem>>, vector<16xf32>,
    tpu.vector_store %arg6[%swap3A_917], %broadcast_in_dim3A_3 {strides = array<i32>} : memref<8192xf32, #tpu.memory_space<vmem>>, vector<16xf32>,
    %swap3A_919 = arith.constant 7328 : index
    %swap3A_920 = tpu.vector_load %arg6[%swap3A_919] {strides = array<i32>} : memref<8192xf32, #tpu.memory_space<vmem>>, vector<16xf32>,
    tpu.vector_store %arg6[%swap3A_919], %broadcast_in_dim3A_3 {strides = array<i32>} : memref<8192xf32, #tpu.memory_space<vmem>>, vector<16xf32>,
    %swap3A_921 = arith.constant 7344 : index
    %swap3A_922 = tpu.vector_load %arg6[%swap3A_921] {strides = array<i32>} : memref<8192xf32, #tpu.memory_space<vmem>>, vector<16xf32>,
    tpu.vector_store %arg6[%swap3A_921], %broadcast_in_dim3A_3 {strides = array<i32>} : memref<8192xf32, #tpu.memory_space<vmem>>, vector<16xf32>,
    %swap3A_923 = arith.constant 7360 : index
    %swap3A_924 = tpu.vector_load %arg6[%swap3A_923] {strides = array<i32>} : memref<8192xf32, #tpu.memory_space<vmem>>, vector<16xf32>,
    tpu.vector_store %arg6[%swap3A_923], %broadcast_in_dim3A_3 {strides = array<i32>} : memref<8192xf32, #tpu.memory_space<vmem>>, vector<16xf32>,
    %swap3A_925 = arith.constant 7376 : index
    %swap3A_926 = tpu.vector_load %arg6[%swap3A_925] {strides = array<i32>} : memref<8192xf32, #tpu.memory_space<vmem>>, vector<16xf32>,
    tpu.vector_store %arg6[%swap3A_925], %broadcast_in_dim3A_3 {strides = array<i32>} : memref<8192xf32, #tpu.memory_space<vmem>>, vector<16xf32>,
    %swap3A_927 = arith.constant 7392 : index
    %swap3A_928 = tpu.vector_load %arg6[%swap3A_927] {strides = array<i32>} : memref<8192xf32, #tpu.memory_space<vmem>>, vector<16xf32>,
    tpu.vector_store %arg6[%swap3A_927], %broadcast_in_dim3A_3 {strides = array<i32>} : memref<8192xf32, #tpu.memory_space<vmem>>, vector<16xf32>,
    %swap3A_929 = arith.constant 7408 : index
    %swap3A_930 = tpu.vector_load %arg6[%swap3A_929] {strides = array<i32>} : memref<8192xf32, #tpu.memory_space<vmem>>, vector<16xf32>,
    tpu.vector_store %arg6[%swap3A_929], %broadcast_in_dim3A_3 {strides = array<i32>} : memref<8192xf32, #tpu.memory_space<vmem>>, vector<16xf32>,
    %swap3A_931 = arith.constant 7424 : index
    %swap3A_932 = tpu.vector_load %arg6[%swap3A_931] {strides = array<i32>} : memref<8192xf32, #tpu.memory_space<vmem>>, vector<16xf32>,
    tpu.vector_store %arg6[%swap3A_931], %broadcast_in_dim3A_3 {strides = array<i32>} : memref<8192xf32, #tpu.memory_space<vmem>>, vector<16xf32>,
    %swap3A_933 = arith.constant 7440 : index
    %swap3A_934 = tpu.vector_load %arg6[%swap3A_933] {strides = array<i32>} : memref<8192xf32, #tpu.memory_space<vmem>>, vector<16xf32>,
    tpu.vector_store %arg6[%swap3A_933], %broadcast_in_dim3A_3 {strides = array<i32>} : memref<8192xf32, #tpu.memory_space<vmem>>, vector<16xf32>,
    %swap3A_935 = arith.constant 7456 : index
    %swap3A_936 = tpu.vector_load %arg6[%swap3A_935] {strides = array<i32>} : memref<8192xf32, #tpu.memory_space<vmem>>, vector<16xf32>,
    tpu.vector_store %arg6[%swap3A_935], %broadcast_in_dim3A_3 {strides = array<i32>} : memref<8192xf32, #tpu.memory_space<vmem>>, vector<16xf32>,
    %swap3A_937 = arith.constant 7472 : index
    %swap3A_938 = tpu.vector_load %arg6[%swap3A_937] {strides = array<i32>} : memref<8192xf32, #tpu.memory_space<vmem>>, vector<16xf32>,
    tpu.vector_store %arg6[%swap3A_937], %broadcast_in_dim3A_3 {strides = array<i32>} : memref<8192xf32, #tpu.memory_space<vmem>>, vector<16xf32>,
    %swap3A_939 = arith.constant 7488 : index
    %swap3A_940 = tpu.vector_load %arg6[%swap3A_939] {strides = array<i32>} : memref<8192xf32, #tpu.memory_space<vmem>>, vector<16xf32>,
    tpu.vector_store %arg6[%swap3A_939], %broadcast_in_dim3A_3 {strides = array<i32>} : memref<8192xf32, #tpu.memory_space<vmem>>, vector<16xf32>,
    %swap3A_941 = arith.constant 7504 : index
    %swap3A_942 = tpu.vector_load %arg6[%swap3A_941] {strides = array<i32>} : memref<8192xf32, #tpu.memory_space<vmem>>, vector<16xf32>,
    tpu.vector_store %arg6[%swap3A_941], %broadcast_in_dim3A_3 {strides = array<i32>} : memref<8192xf32, #tpu.memory_space<vmem>>, vector<16xf32>,
    %swap3A_943 = arith.constant 7520 : index
    %swap3A_944 = tpu.vector_load %arg6[%swap3A_943] {strides = array<i32>} : memref<8192xf32, #tpu.memory_space<vmem>>, vector<16xf32>,
    tpu.vector_store %arg6[%swap3A_943], %broadcast_in_dim3A_3 {strides = array<i32>} : memref<8192xf32, #tpu.memory_space<vmem>>, vector<16xf32>,
    %swap3A_945 = arith.constant 7536 : index
    %swap3A_946 = tpu.vector_load %arg6[%swap3A_945] {strides = array<i32>} : memref<8192xf32, #tpu.memory_space<vmem>>, vector<16xf32>,
    tpu.vector_store %arg6[%swap3A_945], %broadcast_in_dim3A_3 {strides = array<i32>} : memref<8192xf32, #tpu.memory_space<vmem>>, vector<16xf32>,
    %swap3A_947 = arith.constant 7552 : index
    %swap3A_948 = tpu.vector_load %arg6[%swap3A_947] {strides = array<i32>} : memref<8192xf32, #tpu.memory_space<vmem>>, vector<16xf32>,
    tpu.vector_store %arg6[%swap3A_947], %broadcast_in_dim3A_3 {strides = array<i32>} : memref<8192xf32, #tpu.memory_space<vmem>>, vector<16xf32>,
    %swap3A_949 = arith.constant 7568 : index
    %swap3A_950 = tpu.vector_load %arg6[%swap3A_949] {strides = array<i32>} : memref<8192xf32, #tpu.memory_space<vmem>>, vector<16xf32>,
    tpu.vector_store %arg6[%swap3A_949], %broadcast_in_dim3A_3 {strides = array<i32>} : memref<8192xf32, #tpu.memory_space<vmem>>, vector<16xf32>,
    %swap3A_951 = arith.constant 7584 : index
    %swap3A_952 = tpu.vector_load %arg6[%swap3A_951] {strides = array<i32>} : memref<8192xf32, #tpu.memory_space<vmem>>, vector<16xf32>,
    tpu.vector_store %arg6[%swap3A_951], %broadcast_in_dim3A_3 {strides = array<i32>} : memref<8192xf32, #tpu.memory_space<vmem>>, vector<16xf32>,
    %swap3A_953 = arith.constant 7600 : index
    %swap3A_954 = tpu.vector_load %arg6[%swap3A_953] {strides = array<i32>} : memref<8192xf32, #tpu.memory_space<vmem>>, vector<16xf32>,
    tpu.vector_store %arg6[%swap3A_953], %broadcast_in_dim3A_3 {strides = array<i32>} : memref<8192xf32, #tpu.memory_space<vmem>>, vector<16xf32>,
    %swap3A_955 = arith.constant 7616 : index
    %swap3A_956 = tpu.vector_load %arg6[%swap3A_955] {strides = array<i32>} : memref<8192xf32, #tpu.memory_space<vmem>>, vector<16xf32>,
    tpu.vector_store %arg6[%swap3A_955], %broadcast_in_dim3A_3 {strides = array<i32>} : memref<8192xf32, #tpu.memory_space<vmem>>, vector<16xf32>,
    %swap3A_957 = arith.constant 7632 : index
    %swap3A_958 = tpu.vector_load %arg6[%swap3A_957] {strides = array<i32>} : memref<8192xf32, #tpu.memory_space<vmem>>, vector<16xf32>,
    tpu.vector_store %arg6[%swap3A_957], %broadcast_in_dim3A_3 {strides = array<i32>} : memref<8192xf32, #tpu.memory_space<vmem>>, vector<16xf32>,
    %swap3A_959 = arith.constant 7648 : index
    %swap3A_960 = tpu.vector_load %arg6[%swap3A_959] {strides = array<i32>} : memref<8192xf32, #tpu.memory_space<vmem>>, vector<16xf32>,
    tpu.vector_store %arg6[%swap3A_959], %broadcast_in_dim3A_3 {strides = array<i32>} : memref<8192xf32, #tpu.memory_space<vmem>>, vector<16xf32>,
    %swap3A_961 = arith.constant 7664 : index
    %swap3A_962 = tpu.vector_load %arg6[%swap3A_961] {strides = array<i32>} : memref<8192xf32, #tpu.memory_space<vmem>>, vector<16xf32>,
    tpu.vector_store %arg6[%swap3A_961], %broadcast_in_dim3A_3 {strides = array<i32>} : memref<8192xf32, #tpu.memory_space<vmem>>, vector<16xf32>,
    %swap3A_963 = arith.constant 7680 : index
    %swap3A_964 = tpu.vector_load %arg6[%swap3A_963] {strides = array<i32>} : memref<8192xf32, #tpu.memory_space<vmem>>, vector<16xf32>,
    tpu.vector_store %arg6[%swap3A_963], %broadcast_in_dim3A_3 {strides = array<i32>} : memref<8192xf32, #tpu.memory_space<vmem>>, vector<16xf32>,
    %swap3A_965 = arith.constant 7696 : index
    %swap3A_966 = tpu.vector_load %arg6[%swap3A_965] {strides = array<i32>} : memref<8192xf32, #tpu.memory_space<vmem>>, vector<16xf32>,
    tpu.vector_store %arg6[%swap3A_965], %broadcast_in_dim3A_3 {strides = array<i32>} : memref<8192xf32, #tpu.memory_space<vmem>>, vector<16xf32>,
    %swap3A_967 = arith.constant 7712 : index
    %swap3A_968 = tpu.vector_load %arg6[%swap3A_967] {strides = array<i32>} : memref<8192xf32, #tpu.memory_space<vmem>>, vector<16xf32>,
    tpu.vector_store %arg6[%swap3A_967], %broadcast_in_dim3A_3 {strides = array<i32>} : memref<8192xf32, #tpu.memory_space<vmem>>, vector<16xf32>,
    %swap3A_969 = arith.constant 7728 : index
    %swap3A_970 = tpu.vector_load %arg6[%swap3A_969] {strides = array<i32>} : memref<8192xf32, #tpu.memory_space<vmem>>, vector<16xf32>,
    tpu.vector_store %arg6[%swap3A_969], %broadcast_in_dim3A_3 {strides = array<i32>} : memref<8192xf32, #tpu.memory_space<vmem>>, vector<16xf32>,
    %swap3A_971 = arith.constant 7744 : index
    %swap3A_972 = tpu.vector_load %arg6[%swap3A_971] {strides = array<i32>} : memref<8192xf32, #tpu.memory_space<vmem>>, vector<16xf32>,
    tpu.vector_store %arg6[%swap3A_971], %broadcast_in_dim3A_3 {strides = array<i32>} : memref<8192xf32, #tpu.memory_space<vmem>>, vector<16xf32>,
    %swap3A_973 = arith.constant 7760 : index
    %swap3A_974 = tpu.vector_load %arg6[%swap3A_973] {strides = array<i32>} : memref<8192xf32, #tpu.memory_space<vmem>>, vector<16xf32>,
    tpu.vector_store %arg6[%swap3A_973], %broadcast_in_dim3A_3 {strides = array<i32>} : memref<8192xf32, #tpu.memory_space<vmem>>, vector<16xf32>,
    %swap3A_975 = arith.constant 7776 : index
    %swap3A_976 = tpu.vector_load %arg6[%swap3A_975] {strides = array<i32>} : memref<8192xf32, #tpu.memory_space<vmem>>, vector<16xf32>,
    tpu.vector_store %arg6[%swap3A_975], %broadcast_in_dim3A_3 {strides = array<i32>} : memref<8192xf32, #tpu.memory_space<vmem>>, vector<16xf32>,
    %swap3A_977 = arith.constant 7792 : index
    %swap3A_978 = tpu.vector_load %arg6[%swap3A_977] {strides = array<i32>} : memref<8192xf32, #tpu.memory_space<vmem>>, vector<16xf32>,
    tpu.vector_store %arg6[%swap3A_977], %broadcast_in_dim3A_3 {strides = array<i32>} : memref<8192xf32, #tpu.memory_space<vmem>>, vector<16xf32>,
    %swap3A_979 = arith.constant 7808 : index
    %swap3A_980 = tpu.vector_load %arg6[%swap3A_979] {strides = array<i32>} : memref<8192xf32, #tpu.memory_space<vmem>>, vector<16xf32>,
    tpu.vector_store %arg6[%swap3A_979], %broadcast_in_dim3A_3 {strides = array<i32>} : memref<8192xf32, #tpu.memory_space<vmem>>, vector<16xf32>,
    %swap3A_981 = arith.constant 7824 : index
    %swap3A_982 = tpu.vector_load %arg6[%swap3A_981] {strides = array<i32>} : memref<8192xf32, #tpu.memory_space<vmem>>, vector<16xf32>,
    tpu.vector_store %arg6[%swap3A_981], %broadcast_in_dim3A_3 {strides = array<i32>} : memref<8192xf32, #tpu.memory_space<vmem>>, vector<16xf32>,
    %swap3A_983 = arith.constant 7840 : index
    %swap3A_984 = tpu.vector_load %arg6[%swap3A_983] {strides = array<i32>} : memref<8192xf32, #tpu.memory_space<vmem>>, vector<16xf32>,
    tpu.vector_store %arg6[%swap3A_983], %broadcast_in_dim3A_3 {strides = array<i32>} : memref<8192xf32, #tpu.memory_space<vmem>>, vector<16xf32>,
    %swap3A_985 = arith.constant 7856 : index
    %swap3A_986 = tpu.vector_load %arg6[%swap3A_985] {strides = array<i32>} : memref<8192xf32, #tpu.memory_space<vmem>>, vector<16xf32>,
    tpu.vector_store %arg6[%swap3A_985], %broadcast_in_dim3A_3 {strides = array<i32>} : memref<8192xf32, #tpu.memory_space<vmem>>, vector<16xf32>,
    %swap3A_987 = arith.constant 7872 : index
    %swap3A_988 = tpu.vector_load %arg6[%swap3A_987] {strides = array<i32>} : memref<8192xf32, #tpu.memory_space<vmem>>, vector<16xf32>,
    tpu.vector_store %arg6[%swap3A_987], %broadcast_in_dim3A_3 {strides = array<i32>} : memref<8192xf32, #tpu.memory_space<vmem>>, vector<16xf32>,
    %swap3A_989 = arith.constant 7888 : index
    %swap3A_990 = tpu.vector_load %arg6[%swap3A_989] {strides = array<i32>} : memref<8192xf32, #tpu.memory_space<vmem>>, vector<16xf32>,
    tpu.vector_store %arg6[%swap3A_989], %broadcast_in_dim3A_3 {strides = array<i32>} : memref<8192xf32, #tpu.memory_space<vmem>>, vector<16xf32>,
    %swap3A_991 = arith.constant 7904 : index
    %swap3A_992 = tpu.vector_load %arg6[%swap3A_991] {strides = array<i32>} : memref<8192xf32, #tpu.memory_space<vmem>>, vector<16xf32>,
    tpu.vector_store %arg6[%swap3A_991], %broadcast_in_dim3A_3 {strides = array<i32>} : memref<8192xf32, #tpu.memory_space<vmem>>, vector<16xf32>,
    %swap3A_993 = arith.constant 7920 : index
    %swap3A_994 = tpu.vector_load %arg6[%swap3A_993] {strides = array<i32>} : memref<8192xf32, #tpu.memory_space<vmem>>, vector<16xf32>,
    tpu.vector_store %arg6[%swap3A_993], %broadcast_in_dim3A_3 {strides = array<i32>} : memref<8192xf32, #tpu.memory_space<vmem>>, vector<16xf32>,
    %swap3A_995 = arith.constant 7936 : index
    %swap3A_996 = tpu.vector_load %arg6[%swap3A_995] {strides = array<i32>} : memref<8192xf32, #tpu.memory_space<vmem>>, vector<16xf32>,
    tpu.vector_store %arg6[%swap3A_995], %broadcast_in_dim3A_3 {strides = array<i32>} : memref<8192xf32, #tpu.memory_space<vmem>>, vector<16xf32>,
    %swap3A_997 = arith.constant 7952 : index
    %swap3A_998 = tpu.vector_load %arg6[%swap3A_997] {strides = array<i32>} : memref<8192xf32, #tpu.memory_space<vmem>>, vector<16xf32>,
    tpu.vector_store %arg6[%swap3A_997], %broadcast_in_dim3A_3 {strides = array<i32>} : memref<8192xf32, #tpu.memory_space<vmem>>, vector<16xf32>,
    %swap3A_999 = arith.constant 7968 : index
    %swap3A_1000 = tpu.vector_load %arg6[%swap3A_999] {strides = array<i32>} : memref<8192xf32, #tpu.memory_space<vmem>>, vector<16xf32>,
    tpu.vector_store %arg6[%swap3A_999], %broadcast_in_dim3A_3 {strides = array<i32>} : memref<8192xf32, #tpu.memory_space<vmem>>, vector<16xf32>,
    %swap3A_1001 = arith.constant 7984 : index
    %swap3A_1002 = tpu.vector_load %arg6[%swap3A_1001] {strides = array<i32>} : memref<8192xf32, #tpu.memory_space<vmem>>, vector<16xf32>,
    tpu.vector_store %arg6[%swap3A_1001], %broadcast_in_dim3A_3 {strides = array<i32>} : memref<8192xf32, #tpu.memory_space<vmem>>, vector<16xf32>,
    %swap3A_1003 = arith.constant 8000 : index
    %swap3A_1004 = tpu.vector_load %arg6[%swap3A_1003] {strides = array<i32>} : memref<8192xf32, #tpu.memory_space<vmem>>, vector<16xf32>,
    tpu.vector_store %arg6[%swap3A_1003], %broadcast_in_dim3A_3 {strides = array<i32>} : memref<8192xf32, #tpu.memory_space<vmem>>, vector<16xf32>,
    %swap3A_1005 = arith.constant 8016 : index
    %swap3A_1006 = tpu.vector_load %arg6[%swap3A_1005] {strides = array<i32>} : memref<8192xf32, #tpu.memory_space<vmem>>, vector<16xf32>,
    tpu.vector_store %arg6[%swap3A_1005], %broadcast_in_dim3A_3 {strides = array<i32>} : memref<8192xf32, #tpu.memory_space<vmem>>, vector<16xf32>,
    %swap3A_1007 = arith.constant 8032 : index
    %swap3A_1008 = tpu.vector_load %arg6[%swap3A_1007] {strides = array<i32>} : memref<8192xf32, #tpu.memory_space<vmem>>, vector<16xf32>,
    tpu.vector_store %arg6[%swap3A_1007], %broadcast_in_dim3A_3 {strides = array<i32>} : memref<8192xf32, #tpu.memory_space<vmem>>, vector<16xf32>,
    %swap3A_1009 = arith.constant 8048 : index
    %swap3A_1010 = tpu.vector_load %arg6[%swap3A_1009] {strides = array<i32>} : memref<8192xf32, #tpu.memory_space<vmem>>, vector<16xf32>,
    tpu.vector_store %arg6[%swap3A_1009], %broadcast_in_dim3A_3 {strides = array<i32>} : memref<8192xf32, #tpu.memory_space<vmem>>, vector<16xf32>,
    %swap3A_1011 = arith.constant 8064 : index
    %swap3A_1012 = tpu.vector_load %arg6[%swap3A_1011] {strides = array<i32>} : memref<8192xf32, #tpu.memory_space<vmem>>, vector<16xf32>,
    tpu.vector_store %arg6[%swap3A_1011], %broadcast_in_dim3A_3 {strides = array<i32>} : memref<8192xf32, #tpu.memory_space<vmem>>, vector<16xf32>,
    %swap3A_1013 = arith.constant 8080 : index
    %swap3A_1014 = tpu.vector_load %arg6[%swap3A_1013] {strides = array<i32>} : memref<8192xf32, #tpu.memory_space<vmem>>, vector<16xf32>,
    tpu.vector_store %arg6[%swap3A_1013], %broadcast_in_dim3A_3 {strides = array<i32>} : memref<8192xf32, #tpu.memory_space<vmem>>, vector<16xf32>,
    %swap3A_1015 = arith.constant 8096 : index
    %swap3A_1016 = tpu.vector_load %arg6[%swap3A_1015] {strides = array<i32>} : memref<8192xf32, #tpu.memory_space<vmem>>, vector<16xf32>,
    tpu.vector_store %arg6[%swap3A_1015], %broadcast_in_dim3A_3 {strides = array<i32>} : memref<8192xf32, #tpu.memory_space<vmem>>, vector<16xf32>,
    %swap3A_1017 = arith.constant 8112 : index
    %swap3A_1018 = tpu.vector_load %arg6[%swap3A_1017] {strides = array<i32>} : memref<8192xf32, #tpu.memory_space<vmem>>, vector<16xf32>,
    tpu.vector_store %arg6[%swap3A_1017], %broadcast_in_dim3A_3 {strides = array<i32>} : memref<8192xf32, #tpu.memory_space<vmem>>, vector<16xf32>,
    %swap3A_1019 = arith.constant 8128 : index
    %swap3A_1020 = tpu.vector_load %arg6[%swap3A_1019] {strides = array<i32>} : memref<8192xf32, #tpu.memory_space<vmem>>, vector<16xf32>,
    tpu.vector_store %arg6[%swap3A_1019], %broadcast_in_dim3A_3 {strides = array<i32>} : memref<8192xf32, #tpu.memory_space<vmem>>, vector<16xf32>,
    %swap3A_1021 = arith.constant 8144 : index
    %swap3A_1022 = tpu.vector_load %arg6[%swap3A_1021] {strides = array<i32>} : memref<8192xf32, #tpu.memory_space<vmem>>, vector<16xf32>,
    tpu.vector_store %arg6[%swap3A_1021], %broadcast_in_dim3A_3 {strides = array<i32>} : memref<8192xf32, #tpu.memory_space<vmem>>, vector<16xf32>,
    %swap3A_1023 = arith.constant 8160 : index
    %swap3A_1024 = tpu.vector_load %arg6[%swap3A_1023] {strides = array<i32>} : memref<8192xf32, #tpu.memory_space<vmem>>, vector<16xf32>,
    tpu.vector_store %arg6[%swap3A_1023], %broadcast_in_dim3A_3 {strides = array<i32>} : memref<8192xf32, #tpu.memory_space<vmem>>, vector<16xf32>,
    %swap3A_1025 = arith.constant 8176 : index
    %swap3A_1026 = tpu.vector_load %arg6[%swap3A_1025] {strides = array<i32>} : memref<8192xf32, #tpu.memory_space<vmem>>, vector<16xf32>,
    tpu.vector_store %arg6[%swap3A_1025], %broadcast_in_dim3A_3 {strides = array<i32>} : memref<8192xf32, #tpu.memory_space<vmem>>, vector<16xf32>,
    %mul3A_1027 = arith.constant 25088 : i32
    %mul3A_1028 = arith.muli %add3A, %mul3A_1027 : i32
    %dma_start3A = tpu.memref_slice %arg2[%mul3A_1028] : memref<1605632xf32, #tpu.memory_space<hbm>> -> memref<25088xf32, #tpu.memory_space<hbm>>
    %dma_start3A_1029 = tpu.memref_slice %arg2[%mul3A_1028] : memref<1605632xf32, #tpu.memory_space<hbm>> -> memref<25088xf32, #tpu.memory_space<hbm>>
    tpu.enqueue_dma source(%dma_start3A_1029 : memref<25088xf32, #tpu.memory_space<hbm>>) target(%arg4 : memref<25088xf32, #tpu.memory_space<vmem>>) target_semaphore(%arg7 : memref<!tpu.dma_semaphore, #tpu.memory_space<semaphore_mem>>)
    %mul3A_1030 = arith.constant 25088 : i32
    %mul3A_1031 = arith.muli %add3A, %mul3A_1030 : i32
    %add3A_1032 = arith.constant 802816 : i32
    %add3A_1033 = arith.addi %mul3A_1031, %add3A_1032 : i32
    %dma_start3A_1034 = tpu.memref_slice %arg2[%add3A_1033] : memref<1605632xf32, #tpu.memory_space<hbm>> -> memref<25088xf32, #tpu.memory_space<hbm>>
    %dma_start3A_1035 = tpu.memref_slice %arg2[%add3A_1033] : memref<1605632xf32, #tpu.memory_space<hbm>> -> memref<25088xf32, #tpu.memory_space<hbm>>
    tpu.enqueue_dma source(%dma_start3A_1035 : memref<25088xf32, #tpu.memory_space<hbm>>) target(%arg5 : memref<25088xf32, #tpu.memory_space<vmem>>) target_semaphore(%arg8 : memref<!tpu.dma_semaphore, #tpu.memory_space<semaphore_mem>>)
    %dma_wait3A = tpu.memref_slice %arg2[%mul3A_1028] : memref<1605632xf32, #tpu.memory_space<hbm>> -> memref<25088xf32, #tpu.memory_space<hbm>>
    %dma_wait3A_1036 = tpu.memref_slice %arg2[%mul3A_1028] : memref<1605632xf32, #tpu.memory_space<hbm>> -> memref<25088xf32, #tpu.memory_space<hbm>>
    tpu.wait_dma2 semaphore(%arg7 : memref<!tpu.dma_semaphore, #tpu.memory_space<semaphore_mem>>) src(%dma_wait3A_1036 : memref<25088xf32, #tpu.memory_space<hbm>>) dst(%arg4 : memref<25088xf32, #tpu.memory_space<vmem>>)
    %scan3A = arith.constant 0 : i32
    %scan3A_1037 = arith.constant 0 : i32
    %scan3A_1038 = arith.constant 1568 : i32
    %scan3A_1039 = arith.addi %scan3A_1037, %scan3A_1038 : i32
    %scan3A_1040 = arith.constant 16 : i32
    scf.for %scan3A_1050 = %scan3A_1037 to %scan3A_1039 step %scan3A_1040  : i32 {
      %mul3A_1051 = arith.constant 16 : i32
      %mul3A_1052 = arith.muli %scan3A_1050, %mul3A_1051 : i32
      %multiple_of3A = tpu.assume_multiple %mul3A_1052, 16 : i32
      %get3A = arith.index_cast %multiple_of3A : i32 to index
      %get3A_1053 = tpu.vector_load %arg4[%get3A] {strides = array<i32>} : memref<25088xf32, #tpu.memory_space<vmem>>, vector<16xf32>,
      %mul3A_1054 = arith.constant 2.560000e+02 : f32
      %mul3A_1055 = vector.broadcast %mul3A_1054 : f32 to vector<16xf32>
      %mul3A_1056 = arith.mulf %get3A_1053, %mul3A_1055 : vector<16xf32>
      %convert_element_type3A = arith.fptosi %mul3A_1056 : vector<16xf32> to vector<16xi32>
      %jit3A = arith.constant 0 : i32
      %jit3A_1057 = arith.constant 255 : i32
      %max3A = vector.broadcast %jit3A : i32 to vector<16xi32>
      %max3A_1058 = arith.maxsi %max3A, %convert_element_type3A : vector<16xi32>
      %min3A = vector.broadcast %jit3A_1057 : i32 to vector<16xi32>
      %min3A_1059 = arith.minsi %min3A, %max3A_1058 : vector<16xi32>
      %mul3A_1060 = arith.constant 16 : i32
      %mul3A_1061 = vector.broadcast %mul3A_1060 : i32 to vector<16xi32>
      %mul3A_1062 = arith.muli %min3A_1059, %mul3A_1061 : vector<16xi32>
      %add3A_1063 = arith.addi %mul3A_1062, %iota3A : vector<16xi32>
      tpu.vector_store_idx %arg6[%add3A_1063], %broadcast_in_dim3A_1 {add = true} : memref<8192xf32, #tpu.memory_space<vmem>>[vector<16xi32>], vector<16xf32>,
      %add3A_1064 = arith.constant 4096 : i32
      %add3A_1065 = vector.broadcast %add3A_1064 : i32 to vector<16xi32>
      %add3A_1066 = arith.addi %add3A_1063, %add3A_1065 : vector<16xi32>
      tpu.vector_store_idx %arg6[%add3A_1066], %get3A_1053 {add = true} : memref<8192xf32, #tpu.memory_space<vmem>>[vector<16xi32>], vector<16xf32>,
      %scan3A_1067 = arith.constant 1 : i32
      %scan3A_1068 = arith.addi %scan3A_1050, %scan3A_1067 : i32
      %mul3A_1069 = arith.constant 16 : i32
      %mul3A_1070 = arith.muli %scan3A_1068, %mul3A_1069 : i32
      %multiple_of3A_1071 = tpu.assume_multiple %mul3A_1070, 16 : i32
      %get3A_1072 = arith.index_cast %multiple_of3A_1071 : i32 to index
      %get3A_1073 = tpu.vector_load %arg4[%get3A_1072] {strides = array<i32>} : memref<25088xf32, #tpu.memory_space<vmem>>, vector<16xf32>,
      %mul3A_1074 = arith.constant 2.560000e+02 : f32
      %mul3A_1075 = vector.broadcast %mul3A_1074 : f32 to vector<16xf32>
      %mul3A_1076 = arith.mulf %get3A_1073, %mul3A_1075 : vector<16xf32>
      %convert_element_type3A_1077 = arith.fptosi %mul3A_1076 : vector<16xf32> to vector<16xi32>
      %jit3A_1078 = arith.constant 0 : i32
      %jit3A_1079 = arith.constant 255 : i32
      %max3A_1080 = vector.broadcast %jit3A_1078 : i32 to vector<16xi32>
      %max3A_1081 = arith.maxsi %max3A_1080, %convert_element_type3A_1077 : vector<16xi32>
      %min3A_1082 = vector.broadcast %jit3A_1079 : i32 to vector<16xi32>
      %min3A_1083 = arith.minsi %min3A_1082, %max3A_1081 : vector<16xi32>
      %mul3A_1084 = arith.constant 16 : i32
      %mul3A_1085 = vector.broadcast %mul3A_1084 : i32 to vector<16xi32>
      %mul3A_1086 = arith.muli %min3A_1083, %mul3A_1085 : vector<16xi32>
      %add3A_1087 = arith.addi %mul3A_1086, %iota3A : vector<16xi32>
      tpu.vector_store_idx %arg6[%add3A_1087], %broadcast_in_dim3A_1 {add = true} : memref<8192xf32, #tpu.memory_space<vmem>>[vector<16xi32>], vector<16xf32>,
      %add3A_1088 = arith.constant 4096 : i32
      %add3A_1089 = vector.broadcast %add3A_1088 : i32 to vector<16xi32>
      %add3A_1090 = arith.addi %add3A_1087, %add3A_1089 : vector<16xi32>
      tpu.vector_store_idx %arg6[%add3A_1090], %get3A_1073 {add = true} : memref<8192xf32, #tpu.memory_space<vmem>>[vector<16xi32>], vector<16xf32>,
      %scan3A_1091 = arith.constant 2 : i32
      %scan3A_1092 = arith.addi %scan3A_1050, %scan3A_1091 : i32
      %mul3A_1093 = arith.constant 16 : i32
      %mul3A_1094 = arith.muli %scan3A_1092, %mul3A_1093 : i32
      %multiple_of3A_1095 = tpu.assume_multiple %mul3A_1094, 16 : i32
      %get3A_1096 = arith.index_cast %multiple_of3A_1095 : i32 to index
      %get3A_1097 = tpu.vector_load %arg4[%get3A_1096] {strides = array<i32>} : memref<25088xf32, #tpu.memory_space<vmem>>, vector<16xf32>,
      %mul3A_1098 = arith.constant 2.560000e+02 : f32
      %mul3A_1099 = vector.broadcast %mul3A_1098 : f32 to vector<16xf32>
      %mul3A_1100 = arith.mulf %get3A_1097, %mul3A_1099 : vector<16xf32>
      %convert_element_type3A_1101 = arith.fptosi %mul3A_1100 : vector<16xf32> to vector<16xi32>
      %jit3A_1102 = arith.constant 0 : i32
      %jit3A_1103 = arith.constant 255 : i32
      %max3A_1104 = vector.broadcast %jit3A_1102 : i32 to vector<16xi32>
      %max3A_1105 = arith.maxsi %max3A_1104, %convert_element_type3A_1101 : vector<16xi32>
      %min3A_1106 = vector.broadcast %jit3A_1103 : i32 to vector<16xi32>
      %min3A_1107 = arith.minsi %min3A_1106, %max3A_1105 : vector<16xi32>
      %mul3A_1108 = arith.constant 16 : i32
      %mul3A_1109 = vector.broadcast %mul3A_1108 : i32 to vector<16xi32>
      %mul3A_1110 = arith.muli %min3A_1107, %mul3A_1109 : vector<16xi32>
      %add3A_1111 = arith.addi %mul3A_1110, %iota3A : vector<16xi32>
      tpu.vector_store_idx %arg6[%add3A_1111], %broadcast_in_dim3A_1 {add = true} : memref<8192xf32, #tpu.memory_space<vmem>>[vector<16xi32>], vector<16xf32>,
      %add3A_1112 = arith.constant 4096 : i32
      %add3A_1113 = vector.broadcast %add3A_1112 : i32 to vector<16xi32>
      %add3A_1114 = arith.addi %add3A_1111, %add3A_1113 : vector<16xi32>
      tpu.vector_store_idx %arg6[%add3A_1114], %get3A_1097 {add = true} : memref<8192xf32, #tpu.memory_space<vmem>>[vector<16xi32>], vector<16xf32>,
      %scan3A_1115 = arith.constant 3 : i32
      %scan3A_1116 = arith.addi %scan3A_1050, %scan3A_1115 : i32
      %mul3A_1117 = arith.constant 16 : i32
      %mul3A_1118 = arith.muli %scan3A_1116, %mul3A_1117 : i32
      %multiple_of3A_1119 = tpu.assume_multiple %mul3A_1118, 16 : i32
      %get3A_1120 = arith.index_cast %multiple_of3A_1119 : i32 to index
      %get3A_1121 = tpu.vector_load %arg4[%get3A_1120] {strides = array<i32>} : memref<25088xf32, #tpu.memory_space<vmem>>, vector<16xf32>,
      %mul3A_1122 = arith.constant 2.560000e+02 : f32
      %mul3A_1123 = vector.broadcast %mul3A_1122 : f32 to vector<16xf32>
      %mul3A_1124 = arith.mulf %get3A_1121, %mul3A_1123 : vector<16xf32>
      %convert_element_type3A_1125 = arith.fptosi %mul3A_1124 : vector<16xf32> to vector<16xi32>
      %jit3A_1126 = arith.constant 0 : i32
      %jit3A_1127 = arith.constant 255 : i32
      %max3A_1128 = vector.broadcast %jit3A_1126 : i32 to vector<16xi32>
      %max3A_1129 = arith.maxsi %max3A_1128, %convert_element_type3A_1125 : vector<16xi32>
      %min3A_1130 = vector.broadcast %jit3A_1127 : i32 to vector<16xi32>
      %min3A_1131 = arith.minsi %min3A_1130, %max3A_1129 : vector<16xi32>
      %mul3A_1132 = arith.constant 16 : i32
      %mul3A_1133 = vector.broadcast %mul3A_1132 : i32 to vector<16xi32>
      %mul3A_1134 = arith.muli %min3A_1131, %mul3A_1133 : vector<16xi32>
      %add3A_1135 = arith.addi %mul3A_1134, %iota3A : vector<16xi32>
      tpu.vector_store_idx %arg6[%add3A_1135], %broadcast_in_dim3A_1 {add = true} : memref<8192xf32, #tpu.memory_space<vmem>>[vector<16xi32>], vector<16xf32>,
      %add3A_1136 = arith.constant 4096 : i32
      %add3A_1137 = vector.broadcast %add3A_1136 : i32 to vector<16xi32>
      %add3A_1138 = arith.addi %add3A_1135, %add3A_1137 : vector<16xi32>
      tpu.vector_store_idx %arg6[%add3A_1138], %get3A_1121 {add = true} : memref<8192xf32, #tpu.memory_space<vmem>>[vector<16xi32>], vector<16xf32>,
      %scan3A_1139 = arith.constant 4 : i32
      %scan3A_1140 = arith.addi %scan3A_1050, %scan3A_1139 : i32
      %mul3A_1141 = arith.constant 16 : i32
      %mul3A_1142 = arith.muli %scan3A_1140, %mul3A_1141 : i32
      %multiple_of3A_1143 = tpu.assume_multiple %mul3A_1142, 16 : i32
      %get3A_1144 = arith.index_cast %multiple_of3A_1143 : i32 to index
      %get3A_1145 = tpu.vector_load %arg4[%get3A_1144] {strides = array<i32>} : memref<25088xf32, #tpu.memory_space<vmem>>, vector<16xf32>,
      %mul3A_1146 = arith.constant 2.560000e+02 : f32
      %mul3A_1147 = vector.broadcast %mul3A_1146 : f32 to vector<16xf32>
      %mul3A_1148 = arith.mulf %get3A_1145, %mul3A_1147 : vector<16xf32>
      %convert_element_type3A_1149 = arith.fptosi %mul3A_1148 : vector<16xf32> to vector<16xi32>
      %jit3A_1150 = arith.constant 0 : i32
      %jit3A_1151 = arith.constant 255 : i32
      %max3A_1152 = vector.broadcast %jit3A_1150 : i32 to vector<16xi32>
      %max3A_1153 = arith.maxsi %max3A_1152, %convert_element_type3A_1149 : vector<16xi32>
      %min3A_1154 = vector.broadcast %jit3A_1151 : i32 to vector<16xi32>
      %min3A_1155 = arith.minsi %min3A_1154, %max3A_1153 : vector<16xi32>
      %mul3A_1156 = arith.constant 16 : i32
      %mul3A_1157 = vector.broadcast %mul3A_1156 : i32 to vector<16xi32>
      %mul3A_1158 = arith.muli %min3A_1155, %mul3A_1157 : vector<16xi32>
      %add3A_1159 = arith.addi %mul3A_1158, %iota3A : vector<16xi32>
      tpu.vector_store_idx %arg6[%add3A_1159], %broadcast_in_dim3A_1 {add = true} : memref<8192xf32, #tpu.memory_space<vmem>>[vector<16xi32>], vector<16xf32>,
      %add3A_1160 = arith.constant 4096 : i32
      %add3A_1161 = vector.broadcast %add3A_1160 : i32 to vector<16xi32>
      %add3A_1162 = arith.addi %add3A_1159, %add3A_1161 : vector<16xi32>
      tpu.vector_store_idx %arg6[%add3A_1162], %get3A_1145 {add = true} : memref<8192xf32, #tpu.memory_space<vmem>>[vector<16xi32>], vector<16xf32>,
      %scan3A_1163 = arith.constant 5 : i32
      %scan3A_1164 = arith.addi %scan3A_1050, %scan3A_1163 : i32
      %mul3A_1165 = arith.constant 16 : i32
      %mul3A_1166 = arith.muli %scan3A_1164, %mul3A_1165 : i32
      %multiple_of3A_1167 = tpu.assume_multiple %mul3A_1166, 16 : i32
      %get3A_1168 = arith.index_cast %multiple_of3A_1167 : i32 to index
      %get3A_1169 = tpu.vector_load %arg4[%get3A_1168] {strides = array<i32>} : memref<25088xf32, #tpu.memory_space<vmem>>, vector<16xf32>,
      %mul3A_1170 = arith.constant 2.560000e+02 : f32
      %mul3A_1171 = vector.broadcast %mul3A_1170 : f32 to vector<16xf32>
      %mul3A_1172 = arith.mulf %get3A_1169, %mul3A_1171 : vector<16xf32>
      %convert_element_type3A_1173 = arith.fptosi %mul3A_1172 : vector<16xf32> to vector<16xi32>
      %jit3A_1174 = arith.constant 0 : i32
      %jit3A_1175 = arith.constant 255 : i32
      %max3A_1176 = vector.broadcast %jit3A_1174 : i32 to vector<16xi32>
      %max3A_1177 = arith.maxsi %max3A_1176, %convert_element_type3A_1173 : vector<16xi32>
      %min3A_1178 = vector.broadcast %jit3A_1175 : i32 to vector<16xi32>
      %min3A_1179 = arith.minsi %min3A_1178, %max3A_1177 : vector<16xi32>
      %mul3A_1180 = arith.constant 16 : i32
      %mul3A_1181 = vector.broadcast %mul3A_1180 : i32 to vector<16xi32>
      %mul3A_1182 = arith.muli %min3A_1179, %mul3A_1181 : vector<16xi32>
      %add3A_1183 = arith.addi %mul3A_1182, %iota3A : vector<16xi32>
      tpu.vector_store_idx %arg6[%add3A_1183], %broadcast_in_dim3A_1 {add = true} : memref<8192xf32, #tpu.memory_space<vmem>>[vector<16xi32>], vector<16xf32>,
      %add3A_1184 = arith.constant 4096 : i32
      %add3A_1185 = vector.broadcast %add3A_1184 : i32 to vector<16xi32>
      %add3A_1186 = arith.addi %add3A_1183, %add3A_1185 : vector<16xi32>
      tpu.vector_store_idx %arg6[%add3A_1186], %get3A_1169 {add = true} : memref<8192xf32, #tpu.memory_space<vmem>>[vector<16xi32>], vector<16xf32>,
      %scan3A_1187 = arith.constant 6 : i32
      %scan3A_1188 = arith.addi %scan3A_1050, %scan3A_1187 : i32
      %mul3A_1189 = arith.constant 16 : i32
      %mul3A_1190 = arith.muli %scan3A_1188, %mul3A_1189 : i32
      %multiple_of3A_1191 = tpu.assume_multiple %mul3A_1190, 16 : i32
      %get3A_1192 = arith.index_cast %multiple_of3A_1191 : i32 to index
      %get3A_1193 = tpu.vector_load %arg4[%get3A_1192] {strides = array<i32>} : memref<25088xf32, #tpu.memory_space<vmem>>, vector<16xf32>,
      %mul3A_1194 = arith.constant 2.560000e+02 : f32
      %mul3A_1195 = vector.broadcast %mul3A_1194 : f32 to vector<16xf32>
      %mul3A_1196 = arith.mulf %get3A_1193, %mul3A_1195 : vector<16xf32>
      %convert_element_type3A_1197 = arith.fptosi %mul3A_1196 : vector<16xf32> to vector<16xi32>
      %jit3A_1198 = arith.constant 0 : i32
      %jit3A_1199 = arith.constant 255 : i32
      %max3A_1200 = vector.broadcast %jit3A_1198 : i32 to vector<16xi32>
      %max3A_1201 = arith.maxsi %max3A_1200, %convert_element_type3A_1197 : vector<16xi32>
      %min3A_1202 = vector.broadcast %jit3A_1199 : i32 to vector<16xi32>
      %min3A_1203 = arith.minsi %min3A_1202, %max3A_1201 : vector<16xi32>
      %mul3A_1204 = arith.constant 16 : i32
      %mul3A_1205 = vector.broadcast %mul3A_1204 : i32 to vector<16xi32>
      %mul3A_1206 = arith.muli %min3A_1203, %mul3A_1205 : vector<16xi32>
      %add3A_1207 = arith.addi %mul3A_1206, %iota3A : vector<16xi32>
      tpu.vector_store_idx %arg6[%add3A_1207], %broadcast_in_dim3A_1 {add = true} : memref<8192xf32, #tpu.memory_space<vmem>>[vector<16xi32>], vector<16xf32>,
      %add3A_1208 = arith.constant 4096 : i32
      %add3A_1209 = vector.broadcast %add3A_1208 : i32 to vector<16xi32>
      %add3A_1210 = arith.addi %add3A_1207, %add3A_1209 : vector<16xi32>
      tpu.vector_store_idx %arg6[%add3A_1210], %get3A_1193 {add = true} : memref<8192xf32, #tpu.memory_space<vmem>>[vector<16xi32>], vector<16xf32>,
      %scan3A_1211 = arith.constant 7 : i32
      %scan3A_1212 = arith.addi %scan3A_1050, %scan3A_1211 : i32
      %mul3A_1213 = arith.constant 16 : i32
      %mul3A_1214 = arith.muli %scan3A_1212, %mul3A_1213 : i32
      %multiple_of3A_1215 = tpu.assume_multiple %mul3A_1214, 16 : i32
      %get3A_1216 = arith.index_cast %multiple_of3A_1215 : i32 to index
      %get3A_1217 = tpu.vector_load %arg4[%get3A_1216] {strides = array<i32>} : memref<25088xf32, #tpu.memory_space<vmem>>, vector<16xf32>,
      %mul3A_1218 = arith.constant 2.560000e+02 : f32
      %mul3A_1219 = vector.broadcast %mul3A_1218 : f32 to vector<16xf32>
      %mul3A_1220 = arith.mulf %get3A_1217, %mul3A_1219 : vector<16xf32>
      %convert_element_type3A_1221 = arith.fptosi %mul3A_1220 : vector<16xf32> to vector<16xi32>
      %jit3A_1222 = arith.constant 0 : i32
      %jit3A_1223 = arith.constant 255 : i32
      %max3A_1224 = vector.broadcast %jit3A_1222 : i32 to vector<16xi32>
      %max3A_1225 = arith.maxsi %max3A_1224, %convert_element_type3A_1221 : vector<16xi32>
      %min3A_1226 = vector.broadcast %jit3A_1223 : i32 to vector<16xi32>
      %min3A_1227 = arith.minsi %min3A_1226, %max3A_1225 : vector<16xi32>
      %mul3A_1228 = arith.constant 16 : i32
      %mul3A_1229 = vector.broadcast %mul3A_1228 : i32 to vector<16xi32>
      %mul3A_1230 = arith.muli %min3A_1227, %mul3A_1229 : vector<16xi32>
      %add3A_1231 = arith.addi %mul3A_1230, %iota3A : vector<16xi32>
      tpu.vector_store_idx %arg6[%add3A_1231], %broadcast_in_dim3A_1 {add = true} : memref<8192xf32, #tpu.memory_space<vmem>>[vector<16xi32>], vector<16xf32>,
      %add3A_1232 = arith.constant 4096 : i32
      %add3A_1233 = vector.broadcast %add3A_1232 : i32 to vector<16xi32>
      %add3A_1234 = arith.addi %add3A_1231, %add3A_1233 : vector<16xi32>
      tpu.vector_store_idx %arg6[%add3A_1234], %get3A_1217 {add = true} : memref<8192xf32, #tpu.memory_space<vmem>>[vector<16xi32>], vector<16xf32>,
      %scan3A_1235 = arith.constant 8 : i32
      %scan3A_1236 = arith.addi %scan3A_1050, %scan3A_1235 : i32
      %mul3A_1237 = arith.constant 16 : i32
      %mul3A_1238 = arith.muli %scan3A_1236, %mul3A_1237 : i32
      %multiple_of3A_1239 = tpu.assume_multiple %mul3A_1238, 16 : i32
      %get3A_1240 = arith.index_cast %multiple_of3A_1239 : i32 to index
      %get3A_1241 = tpu.vector_load %arg4[%get3A_1240] {strides = array<i32>} : memref<25088xf32, #tpu.memory_space<vmem>>, vector<16xf32>,
      %mul3A_1242 = arith.constant 2.560000e+02 : f32
      %mul3A_1243 = vector.broadcast %mul3A_1242 : f32 to vector<16xf32>
      %mul3A_1244 = arith.mulf %get3A_1241, %mul3A_1243 : vector<16xf32>
      %convert_element_type3A_1245 = arith.fptosi %mul3A_1244 : vector<16xf32> to vector<16xi32>
      %jit3A_1246 = arith.constant 0 : i32
      %jit3A_1247 = arith.constant 255 : i32
      %max3A_1248 = vector.broadcast %jit3A_1246 : i32 to vector<16xi32>
      %max3A_1249 = arith.maxsi %max3A_1248, %convert_element_type3A_1245 : vector<16xi32>
      %min3A_1250 = vector.broadcast %jit3A_1247 : i32 to vector<16xi32>
      %min3A_1251 = arith.minsi %min3A_1250, %max3A_1249 : vector<16xi32>
      %mul3A_1252 = arith.constant 16 : i32
      %mul3A_1253 = vector.broadcast %mul3A_1252 : i32 to vector<16xi32>
      %mul3A_1254 = arith.muli %min3A_1251, %mul3A_1253 : vector<16xi32>
      %add3A_1255 = arith.addi %mul3A_1254, %iota3A : vector<16xi32>
      tpu.vector_store_idx %arg6[%add3A_1255], %broadcast_in_dim3A_1 {add = true} : memref<8192xf32, #tpu.memory_space<vmem>>[vector<16xi32>], vector<16xf32>,
      %add3A_1256 = arith.constant 4096 : i32
      %add3A_1257 = vector.broadcast %add3A_1256 : i32 to vector<16xi32>
      %add3A_1258 = arith.addi %add3A_1255, %add3A_1257 : vector<16xi32>
      tpu.vector_store_idx %arg6[%add3A_1258], %get3A_1241 {add = true} : memref<8192xf32, #tpu.memory_space<vmem>>[vector<16xi32>], vector<16xf32>,
      %scan3A_1259 = arith.constant 9 : i32
      %scan3A_1260 = arith.addi %scan3A_1050, %scan3A_1259 : i32
      %mul3A_1261 = arith.constant 16 : i32
      %mul3A_1262 = arith.muli %scan3A_1260, %mul3A_1261 : i32
      %multiple_of3A_1263 = tpu.assume_multiple %mul3A_1262, 16 : i32
      %get3A_1264 = arith.index_cast %multiple_of3A_1263 : i32 to index
      %get3A_1265 = tpu.vector_load %arg4[%get3A_1264] {strides = array<i32>} : memref<25088xf32, #tpu.memory_space<vmem>>, vector<16xf32>,
      %mul3A_1266 = arith.constant 2.560000e+02 : f32
      %mul3A_1267 = vector.broadcast %mul3A_1266 : f32 to vector<16xf32>
      %mul3A_1268 = arith.mulf %get3A_1265, %mul3A_1267 : vector<16xf32>
      %convert_element_type3A_1269 = arith.fptosi %mul3A_1268 : vector<16xf32> to vector<16xi32>
      %jit3A_1270 = arith.constant 0 : i32
      %jit3A_1271 = arith.constant 255 : i32
      %max3A_1272 = vector.broadcast %jit3A_1270 : i32 to vector<16xi32>
      %max3A_1273 = arith.maxsi %max3A_1272, %convert_element_type3A_1269 : vector<16xi32>
      %min3A_1274 = vector.broadcast %jit3A_1271 : i32 to vector<16xi32>
      %min3A_1275 = arith.minsi %min3A_1274, %max3A_1273 : vector<16xi32>
      %mul3A_1276 = arith.constant 16 : i32
      %mul3A_1277 = vector.broadcast %mul3A_1276 : i32 to vector<16xi32>
      %mul3A_1278 = arith.muli %min3A_1275, %mul3A_1277 : vector<16xi32>
      %add3A_1279 = arith.addi %mul3A_1278, %iota3A : vector<16xi32>
      tpu.vector_store_idx %arg6[%add3A_1279], %broadcast_in_dim3A_1 {add = true} : memref<8192xf32, #tpu.memory_space<vmem>>[vector<16xi32>], vector<16xf32>,
      %add3A_1280 = arith.constant 4096 : i32
      %add3A_1281 = vector.broadcast %add3A_1280 : i32 to vector<16xi32>
      %add3A_1282 = arith.addi %add3A_1279, %add3A_1281 : vector<16xi32>
      tpu.vector_store_idx %arg6[%add3A_1282], %get3A_1265 {add = true} : memref<8192xf32, #tpu.memory_space<vmem>>[vector<16xi32>], vector<16xf32>,
      %scan3A_1283 = arith.constant 10 : i32
      %scan3A_1284 = arith.addi %scan3A_1050, %scan3A_1283 : i32
      %mul3A_1285 = arith.constant 16 : i32
      %mul3A_1286 = arith.muli %scan3A_1284, %mul3A_1285 : i32
      %multiple_of3A_1287 = tpu.assume_multiple %mul3A_1286, 16 : i32
      %get3A_1288 = arith.index_cast %multiple_of3A_1287 : i32 to index
      %get3A_1289 = tpu.vector_load %arg4[%get3A_1288] {strides = array<i32>} : memref<25088xf32, #tpu.memory_space<vmem>>, vector<16xf32>,
      %mul3A_1290 = arith.constant 2.560000e+02 : f32
      %mul3A_1291 = vector.broadcast %mul3A_1290 : f32 to vector<16xf32>
      %mul3A_1292 = arith.mulf %get3A_1289, %mul3A_1291 : vector<16xf32>
      %convert_element_type3A_1293 = arith.fptosi %mul3A_1292 : vector<16xf32> to vector<16xi32>
      %jit3A_1294 = arith.constant 0 : i32
      %jit3A_1295 = arith.constant 255 : i32
      %max3A_1296 = vector.broadcast %jit3A_1294 : i32 to vector<16xi32>
      %max3A_1297 = arith.maxsi %max3A_1296, %convert_element_type3A_1293 : vector<16xi32>
      %min3A_1298 = vector.broadcast %jit3A_1295 : i32 to vector<16xi32>
      %min3A_1299 = arith.minsi %min3A_1298, %max3A_1297 : vector<16xi32>
      %mul3A_1300 = arith.constant 16 : i32
      %mul3A_1301 = vector.broadcast %mul3A_1300 : i32 to vector<16xi32>
      %mul3A_1302 = arith.muli %min3A_1299, %mul3A_1301 : vector<16xi32>
      %add3A_1303 = arith.addi %mul3A_1302, %iota3A : vector<16xi32>
      tpu.vector_store_idx %arg6[%add3A_1303], %broadcast_in_dim3A_1 {add = true} : memref<8192xf32, #tpu.memory_space<vmem>>[vector<16xi32>], vector<16xf32>,
      %add3A_1304 = arith.constant 4096 : i32
      %add3A_1305 = vector.broadcast %add3A_1304 : i32 to vector<16xi32>
      %add3A_1306 = arith.addi %add3A_1303, %add3A_1305 : vector<16xi32>
      tpu.vector_store_idx %arg6[%add3A_1306], %get3A_1289 {add = true} : memref<8192xf32, #tpu.memory_space<vmem>>[vector<16xi32>], vector<16xf32>,
      %scan3A_1307 = arith.constant 11 : i32
      %scan3A_1308 = arith.addi %scan3A_1050, %scan3A_1307 : i32
      %mul3A_1309 = arith.constant 16 : i32
      %mul3A_1310 = arith.muli %scan3A_1308, %mul3A_1309 : i32
      %multiple_of3A_1311 = tpu.assume_multiple %mul3A_1310, 16 : i32
      %get3A_1312 = arith.index_cast %multiple_of3A_1311 : i32 to index
      %get3A_1313 = tpu.vector_load %arg4[%get3A_1312] {strides = array<i32>} : memref<25088xf32, #tpu.memory_space<vmem>>, vector<16xf32>,
      %mul3A_1314 = arith.constant 2.560000e+02 : f32
      %mul3A_1315 = vector.broadcast %mul3A_1314 : f32 to vector<16xf32>
      %mul3A_1316 = arith.mulf %get3A_1313, %mul3A_1315 : vector<16xf32>
      %convert_element_type3A_1317 = arith.fptosi %mul3A_1316 : vector<16xf32> to vector<16xi32>
      %jit3A_1318 = arith.constant 0 : i32
      %jit3A_1319 = arith.constant 255 : i32
      %max3A_1320 = vector.broadcast %jit3A_1318 : i32 to vector<16xi32>
      %max3A_1321 = arith.maxsi %max3A_1320, %convert_element_type3A_1317 : vector<16xi32>
      %min3A_1322 = vector.broadcast %jit3A_1319 : i32 to vector<16xi32>
      %min3A_1323 = arith.minsi %min3A_1322, %max3A_1321 : vector<16xi32>
      %mul3A_1324 = arith.constant 16 : i32
      %mul3A_1325 = vector.broadcast %mul3A_1324 : i32 to vector<16xi32>
      %mul3A_1326 = arith.muli %min3A_1323, %mul3A_1325 : vector<16xi32>
      %add3A_1327 = arith.addi %mul3A_1326, %iota3A : vector<16xi32>
      tpu.vector_store_idx %arg6[%add3A_1327], %broadcast_in_dim3A_1 {add = true} : memref<8192xf32, #tpu.memory_space<vmem>>[vector<16xi32>], vector<16xf32>,
      %add3A_1328 = arith.constant 4096 : i32
      %add3A_1329 = vector.broadcast %add3A_1328 : i32 to vector<16xi32>
      %add3A_1330 = arith.addi %add3A_1327, %add3A_1329 : vector<16xi32>
      tpu.vector_store_idx %arg6[%add3A_1330], %get3A_1313 {add = true} : memref<8192xf32, #tpu.memory_space<vmem>>[vector<16xi32>], vector<16xf32>,
      %scan3A_1331 = arith.constant 12 : i32
      %scan3A_1332 = arith.addi %scan3A_1050, %scan3A_1331 : i32
      %mul3A_1333 = arith.constant 16 : i32
      %mul3A_1334 = arith.muli %scan3A_1332, %mul3A_1333 : i32
      %multiple_of3A_1335 = tpu.assume_multiple %mul3A_1334, 16 : i32
      %get3A_1336 = arith.index_cast %multiple_of3A_1335 : i32 to index
      %get3A_1337 = tpu.vector_load %arg4[%get3A_1336] {strides = array<i32>} : memref<25088xf32, #tpu.memory_space<vmem>>, vector<16xf32>,
      %mul3A_1338 = arith.constant 2.560000e+02 : f32
      %mul3A_1339 = vector.broadcast %mul3A_1338 : f32 to vector<16xf32>
      %mul3A_1340 = arith.mulf %get3A_1337, %mul3A_1339 : vector<16xf32>
      %convert_element_type3A_1341 = arith.fptosi %mul3A_1340 : vector<16xf32> to vector<16xi32>
      %jit3A_1342 = arith.constant 0 : i32
      %jit3A_1343 = arith.constant 255 : i32
      %max3A_1344 = vector.broadcast %jit3A_1342 : i32 to vector<16xi32>
      %max3A_1345 = arith.maxsi %max3A_1344, %convert_element_type3A_1341 : vector<16xi32>
      %min3A_1346 = vector.broadcast %jit3A_1343 : i32 to vector<16xi32>
      %min3A_1347 = arith.minsi %min3A_1346, %max3A_1345 : vector<16xi32>
      %mul3A_1348 = arith.constant 16 : i32
      %mul3A_1349 = vector.broadcast %mul3A_1348 : i32 to vector<16xi32>
      %mul3A_1350 = arith.muli %min3A_1347, %mul3A_1349 : vector<16xi32>
      %add3A_1351 = arith.addi %mul3A_1350, %iota3A : vector<16xi32>
      tpu.vector_store_idx %arg6[%add3A_1351], %broadcast_in_dim3A_1 {add = true} : memref<8192xf32, #tpu.memory_space<vmem>>[vector<16xi32>], vector<16xf32>,
      %add3A_1352 = arith.constant 4096 : i32
      %add3A_1353 = vector.broadcast %add3A_1352 : i32 to vector<16xi32>
      %add3A_1354 = arith.addi %add3A_1351, %add3A_1353 : vector<16xi32>
      tpu.vector_store_idx %arg6[%add3A_1354], %get3A_1337 {add = true} : memref<8192xf32, #tpu.memory_space<vmem>>[vector<16xi32>], vector<16xf32>,
      %scan3A_1355 = arith.constant 13 : i32
      %scan3A_1356 = arith.addi %scan3A_1050, %scan3A_1355 : i32
      %mul3A_1357 = arith.constant 16 : i32
      %mul3A_1358 = arith.muli %scan3A_1356, %mul3A_1357 : i32
      %multiple_of3A_1359 = tpu.assume_multiple %mul3A_1358, 16 : i32
      %get3A_1360 = arith.index_cast %multiple_of3A_1359 : i32 to index
      %get3A_1361 = tpu.vector_load %arg4[%get3A_1360] {strides = array<i32>} : memref<25088xf32, #tpu.memory_space<vmem>>, vector<16xf32>,
      %mul3A_1362 = arith.constant 2.560000e+02 : f32
      %mul3A_1363 = vector.broadcast %mul3A_1362 : f32 to vector<16xf32>
      %mul3A_1364 = arith.mulf %get3A_1361, %mul3A_1363 : vector<16xf32>
      %convert_element_type3A_1365 = arith.fptosi %mul3A_1364 : vector<16xf32> to vector<16xi32>
      %jit3A_1366 = arith.constant 0 : i32
      %jit3A_1367 = arith.constant 255 : i32
      %max3A_1368 = vector.broadcast %jit3A_1366 : i32 to vector<16xi32>
      %max3A_1369 = arith.maxsi %max3A_1368, %convert_element_type3A_1365 : vector<16xi32>
      %min3A_1370 = vector.broadcast %jit3A_1367 : i32 to vector<16xi32>
      %min3A_1371 = arith.minsi %min3A_1370, %max3A_1369 : vector<16xi32>
      %mul3A_1372 = arith.constant 16 : i32
      %mul3A_1373 = vector.broadcast %mul3A_1372 : i32 to vector<16xi32>
      %mul3A_1374 = arith.muli %min3A_1371, %mul3A_1373 : vector<16xi32>
      %add3A_1375 = arith.addi %mul3A_1374, %iota3A : vector<16xi32>
      tpu.vector_store_idx %arg6[%add3A_1375], %broadcast_in_dim3A_1 {add = true} : memref<8192xf32, #tpu.memory_space<vmem>>[vector<16xi32>], vector<16xf32>,
      %add3A_1376 = arith.constant 4096 : i32
      %add3A_1377 = vector.broadcast %add3A_1376 : i32 to vector<16xi32>
      %add3A_1378 = arith.addi %add3A_1375, %add3A_1377 : vector<16xi32>
      tpu.vector_store_idx %arg6[%add3A_1378], %get3A_1361 {add = true} : memref<8192xf32, #tpu.memory_space<vmem>>[vector<16xi32>], vector<16xf32>,
      %scan3A_1379 = arith.constant 14 : i32
      %scan3A_1380 = arith.addi %scan3A_1050, %scan3A_1379 : i32
      %mul3A_1381 = arith.constant 16 : i32
      %mul3A_1382 = arith.muli %scan3A_1380, %mul3A_1381 : i32
      %multiple_of3A_1383 = tpu.assume_multiple %mul3A_1382, 16 : i32
      %get3A_1384 = arith.index_cast %multiple_of3A_1383 : i32 to index
      %get3A_1385 = tpu.vector_load %arg4[%get3A_1384] {strides = array<i32>} : memref<25088xf32, #tpu.memory_space<vmem>>, vector<16xf32>,
      %mul3A_1386 = arith.constant 2.560000e+02 : f32
      %mul3A_1387 = vector.broadcast %mul3A_1386 : f32 to vector<16xf32>
      %mul3A_1388 = arith.mulf %get3A_1385, %mul3A_1387 : vector<16xf32>
      %convert_element_type3A_1389 = arith.fptosi %mul3A_1388 : vector<16xf32> to vector<16xi32>
      %jit3A_1390 = arith.constant 0 : i32
      %jit3A_1391 = arith.constant 255 : i32
      %max3A_1392 = vector.broadcast %jit3A_1390 : i32 to vector<16xi32>
      %max3A_1393 = arith.maxsi %max3A_1392, %convert_element_type3A_1389 : vector<16xi32>
      %min3A_1394 = vector.broadcast %jit3A_1391 : i32 to vector<16xi32>
      %min3A_1395 = arith.minsi %min3A_1394, %max3A_1393 : vector<16xi32>
      %mul3A_1396 = arith.constant 16 : i32
      %mul3A_1397 = vector.broadcast %mul3A_1396 : i32 to vector<16xi32>
      %mul3A_1398 = arith.muli %min3A_1395, %mul3A_1397 : vector<16xi32>
      %add3A_1399 = arith.addi %mul3A_1398, %iota3A : vector<16xi32>
      tpu.vector_store_idx %arg6[%add3A_1399], %broadcast_in_dim3A_1 {add = true} : memref<8192xf32, #tpu.memory_space<vmem>>[vector<16xi32>], vector<16xf32>,
      %add3A_1400 = arith.constant 4096 : i32
      %add3A_1401 = vector.broadcast %add3A_1400 : i32 to vector<16xi32>
      %add3A_1402 = arith.addi %add3A_1399, %add3A_1401 : vector<16xi32>
      tpu.vector_store_idx %arg6[%add3A_1402], %get3A_1385 {add = true} : memref<8192xf32, #tpu.memory_space<vmem>>[vector<16xi32>], vector<16xf32>,
      %scan3A_1403 = arith.constant 15 : i32
      %scan3A_1404 = arith.addi %scan3A_1050, %scan3A_1403 : i32
      %mul3A_1405 = arith.constant 16 : i32
      %mul3A_1406 = arith.muli %scan3A_1404, %mul3A_1405 : i32
      %multiple_of3A_1407 = tpu.assume_multiple %mul3A_1406, 16 : i32
      %get3A_1408 = arith.index_cast %multiple_of3A_1407 : i32 to index
      %get3A_1409 = tpu.vector_load %arg4[%get3A_1408] {strides = array<i32>} : memref<25088xf32, #tpu.memory_space<vmem>>, vector<16xf32>,
      %mul3A_1410 = arith.constant 2.560000e+02 : f32
      %mul3A_1411 = vector.broadcast %mul3A_1410 : f32 to vector<16xf32>
      %mul3A_1412 = arith.mulf %get3A_1409, %mul3A_1411 : vector<16xf32>
      %convert_element_type3A_1413 = arith.fptosi %mul3A_1412 : vector<16xf32> to vector<16xi32>
      %jit3A_1414 = arith.constant 0 : i32
      %jit3A_1415 = arith.constant 255 : i32
      %max3A_1416 = vector.broadcast %jit3A_1414 : i32 to vector<16xi32>
      %max3A_1417 = arith.maxsi %max3A_1416, %convert_element_type3A_1413 : vector<16xi32>
      %min3A_1418 = vector.broadcast %jit3A_1415 : i32 to vector<16xi32>
      %min3A_1419 = arith.minsi %min3A_1418, %max3A_1417 : vector<16xi32>
      %mul3A_1420 = arith.constant 16 : i32
      %mul3A_1421 = vector.broadcast %mul3A_1420 : i32 to vector<16xi32>
      %mul3A_1422 = arith.muli %min3A_1419, %mul3A_1421 : vector<16xi32>
      %add3A_1423 = arith.addi %mul3A_1422, %iota3A : vector<16xi32>
      tpu.vector_store_idx %arg6[%add3A_1423], %broadcast_in_dim3A_1 {add = true} : memref<8192xf32, #tpu.memory_space<vmem>>[vector<16xi32>], vector<16xf32>,
      %add3A_1424 = arith.constant 4096 : i32
      %add3A_1425 = vector.broadcast %add3A_1424 : i32 to vector<16xi32>
      %add3A_1426 = arith.addi %add3A_1423, %add3A_1425 : vector<16xi32>
      tpu.vector_store_idx %arg6[%add3A_1426], %get3A_1409 {add = true} : memref<8192xf32, #tpu.memory_space<vmem>>[vector<16xi32>], vector<16xf32>,
    }
    %scan3A_1041 = arith.constant 1568 : i32
    %dma_wait3A_1042 = tpu.memref_slice %arg2[%add3A_1033] : memref<1605632xf32, #tpu.memory_space<hbm>> -> memref<25088xf32, #tpu.memory_space<hbm>>
    %dma_wait3A_1043 = tpu.memref_slice %arg2[%add3A_1033] : memref<1605632xf32, #tpu.memory_space<hbm>> -> memref<25088xf32, #tpu.memory_space<hbm>>
    tpu.wait_dma2 semaphore(%arg8 : memref<!tpu.dma_semaphore, #tpu.memory_space<semaphore_mem>>) src(%dma_wait3A_1043 : memref<25088xf32, #tpu.memory_space<hbm>>) dst(%arg5 : memref<25088xf32, #tpu.memory_space<vmem>>)
    %scan3A_1044 = arith.constant 0 : i32
    %scan3A_1045 = arith.constant 0 : i32
    %scan3A_1046 = arith.constant 1568 : i32
    %scan3A_1047 = arith.addi %scan3A_1045, %scan3A_1046 : i32
    %scan3A_1048 = arith.constant 16 : i32
    scf.for %scan3A_1050 = %scan3A_1045 to %scan3A_1047 step %scan3A_1048  : i32 {
      %mul3A_1051 = arith.constant 16 : i32
      %mul3A_1052 = arith.muli %scan3A_1050, %mul3A_1051 : i32
      %multiple_of3A = tpu.assume_multiple %mul3A_1052, 16 : i32
      %get3A = arith.index_cast %multiple_of3A : i32 to index
      %get3A_1053 = tpu.vector_load %arg5[%get3A] {strides = array<i32>} : memref<25088xf32, #tpu.memory_space<vmem>>, vector<16xf32>,
      %mul3A_1054 = arith.constant 2.560000e+02 : f32
      %mul3A_1055 = vector.broadcast %mul3A_1054 : f32 to vector<16xf32>
      %mul3A_1056 = arith.mulf %get3A_1053, %mul3A_1055 : vector<16xf32>
      %convert_element_type3A = arith.fptosi %mul3A_1056 : vector<16xf32> to vector<16xi32>
      %jit3A = arith.constant 0 : i32
      %jit3A_1057 = arith.constant 255 : i32
      %max3A = vector.broadcast %jit3A : i32 to vector<16xi32>
      %max3A_1058 = arith.maxsi %max3A, %convert_element_type3A : vector<16xi32>
      %min3A = vector.broadcast %jit3A_1057 : i32 to vector<16xi32>
      %min3A_1059 = arith.minsi %min3A, %max3A_1058 : vector<16xi32>
      %mul3A_1060 = arith.constant 16 : i32
      %mul3A_1061 = vector.broadcast %mul3A_1060 : i32 to vector<16xi32>
      %mul3A_1062 = arith.muli %min3A_1059, %mul3A_1061 : vector<16xi32>
      %add3A_1063 = arith.addi %mul3A_1062, %iota3A : vector<16xi32>
      tpu.vector_store_idx %arg6[%add3A_1063], %broadcast_in_dim3A_1 {add = true} : memref<8192xf32, #tpu.memory_space<vmem>>[vector<16xi32>], vector<16xf32>,
      %add3A_1064 = arith.constant 4096 : i32
      %add3A_1065 = vector.broadcast %add3A_1064 : i32 to vector<16xi32>
      %add3A_1066 = arith.addi %add3A_1063, %add3A_1065 : vector<16xi32>
      tpu.vector_store_idx %arg6[%add3A_1066], %get3A_1053 {add = true} : memref<8192xf32, #tpu.memory_space<vmem>>[vector<16xi32>], vector<16xf32>,
      %scan3A_1067 = arith.constant 1 : i32
      %scan3A_1068 = arith.addi %scan3A_1050, %scan3A_1067 : i32
      %mul3A_1069 = arith.constant 16 : i32
      %mul3A_1070 = arith.muli %scan3A_1068, %mul3A_1069 : i32
      %multiple_of3A_1071 = tpu.assume_multiple %mul3A_1070, 16 : i32
      %get3A_1072 = arith.index_cast %multiple_of3A_1071 : i32 to index
      %get3A_1073 = tpu.vector_load %arg5[%get3A_1072] {strides = array<i32>} : memref<25088xf32, #tpu.memory_space<vmem>>, vector<16xf32>,
      %mul3A_1074 = arith.constant 2.560000e+02 : f32
      %mul3A_1075 = vector.broadcast %mul3A_1074 : f32 to vector<16xf32>
      %mul3A_1076 = arith.mulf %get3A_1073, %mul3A_1075 : vector<16xf32>
      %convert_element_type3A_1077 = arith.fptosi %mul3A_1076 : vector<16xf32> to vector<16xi32>
      %jit3A_1078 = arith.constant 0 : i32
      %jit3A_1079 = arith.constant 255 : i32
      %max3A_1080 = vector.broadcast %jit3A_1078 : i32 to vector<16xi32>
      %max3A_1081 = arith.maxsi %max3A_1080, %convert_element_type3A_1077 : vector<16xi32>
      %min3A_1082 = vector.broadcast %jit3A_1079 : i32 to vector<16xi32>
      %min3A_1083 = arith.minsi %min3A_1082, %max3A_1081 : vector<16xi32>
      %mul3A_1084 = arith.constant 16 : i32
      %mul3A_1085 = vector.broadcast %mul3A_1084 : i32 to vector<16xi32>
      %mul3A_1086 = arith.muli %min3A_1083, %mul3A_1085 : vector<16xi32>
      %add3A_1087 = arith.addi %mul3A_1086, %iota3A : vector<16xi32>
      tpu.vector_store_idx %arg6[%add3A_1087], %broadcast_in_dim3A_1 {add = true} : memref<8192xf32, #tpu.memory_space<vmem>>[vector<16xi32>], vector<16xf32>,
      %add3A_1088 = arith.constant 4096 : i32
      %add3A_1089 = vector.broadcast %add3A_1088 : i32 to vector<16xi32>
      %add3A_1090 = arith.addi %add3A_1087, %add3A_1089 : vector<16xi32>
      tpu.vector_store_idx %arg6[%add3A_1090], %get3A_1073 {add = true} : memref<8192xf32, #tpu.memory_space<vmem>>[vector<16xi32>], vector<16xf32>,
      %scan3A_1091 = arith.constant 2 : i32
      %scan3A_1092 = arith.addi %scan3A_1050, %scan3A_1091 : i32
      %mul3A_1093 = arith.constant 16 : i32
      %mul3A_1094 = arith.muli %scan3A_1092, %mul3A_1093 : i32
      %multiple_of3A_1095 = tpu.assume_multiple %mul3A_1094, 16 : i32
      %get3A_1096 = arith.index_cast %multiple_of3A_1095 : i32 to index
      %get3A_1097 = tpu.vector_load %arg5[%get3A_1096] {strides = array<i32>} : memref<25088xf32, #tpu.memory_space<vmem>>, vector<16xf32>,
      %mul3A_1098 = arith.constant 2.560000e+02 : f32
      %mul3A_1099 = vector.broadcast %mul3A_1098 : f32 to vector<16xf32>
      %mul3A_1100 = arith.mulf %get3A_1097, %mul3A_1099 : vector<16xf32>
      %convert_element_type3A_1101 = arith.fptosi %mul3A_1100 : vector<16xf32> to vector<16xi32>
      %jit3A_1102 = arith.constant 0 : i32
      %jit3A_1103 = arith.constant 255 : i32
      %max3A_1104 = vector.broadcast %jit3A_1102 : i32 to vector<16xi32>
      %max3A_1105 = arith.maxsi %max3A_1104, %convert_element_type3A_1101 : vector<16xi32>
      %min3A_1106 = vector.broadcast %jit3A_1103 : i32 to vector<16xi32>
      %min3A_1107 = arith.minsi %min3A_1106, %max3A_1105 : vector<16xi32>
      %mul3A_1108 = arith.constant 16 : i32
      %mul3A_1109 = vector.broadcast %mul3A_1108 : i32 to vector<16xi32>
      %mul3A_1110 = arith.muli %min3A_1107, %mul3A_1109 : vector<16xi32>
      %add3A_1111 = arith.addi %mul3A_1110, %iota3A : vector<16xi32>
      tpu.vector_store_idx %arg6[%add3A_1111], %broadcast_in_dim3A_1 {add = true} : memref<8192xf32, #tpu.memory_space<vmem>>[vector<16xi32>], vector<16xf32>,
      %add3A_1112 = arith.constant 4096 : i32
      %add3A_1113 = vector.broadcast %add3A_1112 : i32 to vector<16xi32>
      %add3A_1114 = arith.addi %add3A_1111, %add3A_1113 : vector<16xi32>
      tpu.vector_store_idx %arg6[%add3A_1114], %get3A_1097 {add = true} : memref<8192xf32, #tpu.memory_space<vmem>>[vector<16xi32>], vector<16xf32>,
      %scan3A_1115 = arith.constant 3 : i32
      %scan3A_1116 = arith.addi %scan3A_1050, %scan3A_1115 : i32
      %mul3A_1117 = arith.constant 16 : i32
      %mul3A_1118 = arith.muli %scan3A_1116, %mul3A_1117 : i32
      %multiple_of3A_1119 = tpu.assume_multiple %mul3A_1118, 16 : i32
      %get3A_1120 = arith.index_cast %multiple_of3A_1119 : i32 to index
      %get3A_1121 = tpu.vector_load %arg5[%get3A_1120] {strides = array<i32>} : memref<25088xf32, #tpu.memory_space<vmem>>, vector<16xf32>,
      %mul3A_1122 = arith.constant 2.560000e+02 : f32
      %mul3A_1123 = vector.broadcast %mul3A_1122 : f32 to vector<16xf32>
      %mul3A_1124 = arith.mulf %get3A_1121, %mul3A_1123 : vector<16xf32>
      %convert_element_type3A_1125 = arith.fptosi %mul3A_1124 : vector<16xf32> to vector<16xi32>
      %jit3A_1126 = arith.constant 0 : i32
      %jit3A_1127 = arith.constant 255 : i32
      %max3A_1128 = vector.broadcast %jit3A_1126 : i32 to vector<16xi32>
      %max3A_1129 = arith.maxsi %max3A_1128, %convert_element_type3A_1125 : vector<16xi32>
      %min3A_1130 = vector.broadcast %jit3A_1127 : i32 to vector<16xi32>
      %min3A_1131 = arith.minsi %min3A_1130, %max3A_1129 : vector<16xi32>
      %mul3A_1132 = arith.constant 16 : i32
      %mul3A_1133 = vector.broadcast %mul3A_1132 : i32 to vector<16xi32>
      %mul3A_1134 = arith.muli %min3A_1131, %mul3A_1133 : vector<16xi32>
      %add3A_1135 = arith.addi %mul3A_1134, %iota3A : vector<16xi32>
      tpu.vector_store_idx %arg6[%add3A_1135], %broadcast_in_dim3A_1 {add = true} : memref<8192xf32, #tpu.memory_space<vmem>>[vector<16xi32>], vector<16xf32>,
      %add3A_1136 = arith.constant 4096 : i32
      %add3A_1137 = vector.broadcast %add3A_1136 : i32 to vector<16xi32>
      %add3A_1138 = arith.addi %add3A_1135, %add3A_1137 : vector<16xi32>
      tpu.vector_store_idx %arg6[%add3A_1138], %get3A_1121 {add = true} : memref<8192xf32, #tpu.memory_space<vmem>>[vector<16xi32>], vector<16xf32>,
      %scan3A_1139 = arith.constant 4 : i32
      %scan3A_1140 = arith.addi %scan3A_1050, %scan3A_1139 : i32
      %mul3A_1141 = arith.constant 16 : i32
      %mul3A_1142 = arith.muli %scan3A_1140, %mul3A_1141 : i32
      %multiple_of3A_1143 = tpu.assume_multiple %mul3A_1142, 16 : i32
      %get3A_1144 = arith.index_cast %multiple_of3A_1143 : i32 to index
      %get3A_1145 = tpu.vector_load %arg5[%get3A_1144] {strides = array<i32>} : memref<25088xf32, #tpu.memory_space<vmem>>, vector<16xf32>,
      %mul3A_1146 = arith.constant 2.560000e+02 : f32
      %mul3A_1147 = vector.broadcast %mul3A_1146 : f32 to vector<16xf32>
      %mul3A_1148 = arith.mulf %get3A_1145, %mul3A_1147 : vector<16xf32>
      %convert_element_type3A_1149 = arith.fptosi %mul3A_1148 : vector<16xf32> to vector<16xi32>
      %jit3A_1150 = arith.constant 0 : i32
      %jit3A_1151 = arith.constant 255 : i32
      %max3A_1152 = vector.broadcast %jit3A_1150 : i32 to vector<16xi32>
      %max3A_1153 = arith.maxsi %max3A_1152, %convert_element_type3A_1149 : vector<16xi32>
      %min3A_1154 = vector.broadcast %jit3A_1151 : i32 to vector<16xi32>
      %min3A_1155 = arith.minsi %min3A_1154, %max3A_1153 : vector<16xi32>
      %mul3A_1156 = arith.constant 16 : i32
      %mul3A_1157 = vector.broadcast %mul3A_1156 : i32 to vector<16xi32>
      %mul3A_1158 = arith.muli %min3A_1155, %mul3A_1157 : vector<16xi32>
      %add3A_1159 = arith.addi %mul3A_1158, %iota3A : vector<16xi32>
      tpu.vector_store_idx %arg6[%add3A_1159], %broadcast_in_dim3A_1 {add = true} : memref<8192xf32, #tpu.memory_space<vmem>>[vector<16xi32>], vector<16xf32>,
      %add3A_1160 = arith.constant 4096 : i32
      %add3A_1161 = vector.broadcast %add3A_1160 : i32 to vector<16xi32>
      %add3A_1162 = arith.addi %add3A_1159, %add3A_1161 : vector<16xi32>
      tpu.vector_store_idx %arg6[%add3A_1162], %get3A_1145 {add = true} : memref<8192xf32, #tpu.memory_space<vmem>>[vector<16xi32>], vector<16xf32>,
      %scan3A_1163 = arith.constant 5 : i32
      %scan3A_1164 = arith.addi %scan3A_1050, %scan3A_1163 : i32
      %mul3A_1165 = arith.constant 16 : i32
      %mul3A_1166 = arith.muli %scan3A_1164, %mul3A_1165 : i32
      %multiple_of3A_1167 = tpu.assume_multiple %mul3A_1166, 16 : i32
      %get3A_1168 = arith.index_cast %multiple_of3A_1167 : i32 to index
      %get3A_1169 = tpu.vector_load %arg5[%get3A_1168] {strides = array<i32>} : memref<25088xf32, #tpu.memory_space<vmem>>, vector<16xf32>,
      %mul3A_1170 = arith.constant 2.560000e+02 : f32
      %mul3A_1171 = vector.broadcast %mul3A_1170 : f32 to vector<16xf32>
      %mul3A_1172 = arith.mulf %get3A_1169, %mul3A_1171 : vector<16xf32>
      %convert_element_type3A_1173 = arith.fptosi %mul3A_1172 : vector<16xf32> to vector<16xi32>
      %jit3A_1174 = arith.constant 0 : i32
      %jit3A_1175 = arith.constant 255 : i32
      %max3A_1176 = vector.broadcast %jit3A_1174 : i32 to vector<16xi32>
      %max3A_1177 = arith.maxsi %max3A_1176, %convert_element_type3A_1173 : vector<16xi32>
      %min3A_1178 = vector.broadcast %jit3A_1175 : i32 to vector<16xi32>
      %min3A_1179 = arith.minsi %min3A_1178, %max3A_1177 : vector<16xi32>
      %mul3A_1180 = arith.constant 16 : i32
      %mul3A_1181 = vector.broadcast %mul3A_1180 : i32 to vector<16xi32>
      %mul3A_1182 = arith.muli %min3A_1179, %mul3A_1181 : vector<16xi32>
      %add3A_1183 = arith.addi %mul3A_1182, %iota3A : vector<16xi32>
      tpu.vector_store_idx %arg6[%add3A_1183], %broadcast_in_dim3A_1 {add = true} : memref<8192xf32, #tpu.memory_space<vmem>>[vector<16xi32>], vector<16xf32>,
      %add3A_1184 = arith.constant 4096 : i32
      %add3A_1185 = vector.broadcast %add3A_1184 : i32 to vector<16xi32>
      %add3A_1186 = arith.addi %add3A_1183, %add3A_1185 : vector<16xi32>
      tpu.vector_store_idx %arg6[%add3A_1186], %get3A_1169 {add = true} : memref<8192xf32, #tpu.memory_space<vmem>>[vector<16xi32>], vector<16xf32>,
      %scan3A_1187 = arith.constant 6 : i32
      %scan3A_1188 = arith.addi %scan3A_1050, %scan3A_1187 : i32
      %mul3A_1189 = arith.constant 16 : i32
      %mul3A_1190 = arith.muli %scan3A_1188, %mul3A_1189 : i32
      %multiple_of3A_1191 = tpu.assume_multiple %mul3A_1190, 16 : i32
      %get3A_1192 = arith.index_cast %multiple_of3A_1191 : i32 to index
      %get3A_1193 = tpu.vector_load %arg5[%get3A_1192] {strides = array<i32>} : memref<25088xf32, #tpu.memory_space<vmem>>, vector<16xf32>,
      %mul3A_1194 = arith.constant 2.560000e+02 : f32
      %mul3A_1195 = vector.broadcast %mul3A_1194 : f32 to vector<16xf32>
      %mul3A_1196 = arith.mulf %get3A_1193, %mul3A_1195 : vector<16xf32>
      %convert_element_type3A_1197 = arith.fptosi %mul3A_1196 : vector<16xf32> to vector<16xi32>
      %jit3A_1198 = arith.constant 0 : i32
      %jit3A_1199 = arith.constant 255 : i32
      %max3A_1200 = vector.broadcast %jit3A_1198 : i32 to vector<16xi32>
      %max3A_1201 = arith.maxsi %max3A_1200, %convert_element_type3A_1197 : vector<16xi32>
      %min3A_1202 = vector.broadcast %jit3A_1199 : i32 to vector<16xi32>
      %min3A_1203 = arith.minsi %min3A_1202, %max3A_1201 : vector<16xi32>
      %mul3A_1204 = arith.constant 16 : i32
      %mul3A_1205 = vector.broadcast %mul3A_1204 : i32 to vector<16xi32>
      %mul3A_1206 = arith.muli %min3A_1203, %mul3A_1205 : vector<16xi32>
      %add3A_1207 = arith.addi %mul3A_1206, %iota3A : vector<16xi32>
      tpu.vector_store_idx %arg6[%add3A_1207], %broadcast_in_dim3A_1 {add = true} : memref<8192xf32, #tpu.memory_space<vmem>>[vector<16xi32>], vector<16xf32>,
      %add3A_1208 = arith.constant 4096 : i32
      %add3A_1209 = vector.broadcast %add3A_1208 : i32 to vector<16xi32>
      %add3A_1210 = arith.addi %add3A_1207, %add3A_1209 : vector<16xi32>
      tpu.vector_store_idx %arg6[%add3A_1210], %get3A_1193 {add = true} : memref<8192xf32, #tpu.memory_space<vmem>>[vector<16xi32>], vector<16xf32>,
      %scan3A_1211 = arith.constant 7 : i32
      %scan3A_1212 = arith.addi %scan3A_1050, %scan3A_1211 : i32
      %mul3A_1213 = arith.constant 16 : i32
      %mul3A_1214 = arith.muli %scan3A_1212, %mul3A_1213 : i32
      %multiple_of3A_1215 = tpu.assume_multiple %mul3A_1214, 16 : i32
      %get3A_1216 = arith.index_cast %multiple_of3A_1215 : i32 to index
      %get3A_1217 = tpu.vector_load %arg5[%get3A_1216] {strides = array<i32>} : memref<25088xf32, #tpu.memory_space<vmem>>, vector<16xf32>,
      %mul3A_1218 = arith.constant 2.560000e+02 : f32
      %mul3A_1219 = vector.broadcast %mul3A_1218 : f32 to vector<16xf32>
      %mul3A_1220 = arith.mulf %get3A_1217, %mul3A_1219 : vector<16xf32>
      %convert_element_type3A_1221 = arith.fptosi %mul3A_1220 : vector<16xf32> to vector<16xi32>
      %jit3A_1222 = arith.constant 0 : i32
      %jit3A_1223 = arith.constant 255 : i32
      %max3A_1224 = vector.broadcast %jit3A_1222 : i32 to vector<16xi32>
      %max3A_1225 = arith.maxsi %max3A_1224, %convert_element_type3A_1221 : vector<16xi32>
      %min3A_1226 = vector.broadcast %jit3A_1223 : i32 to vector<16xi32>
      %min3A_1227 = arith.minsi %min3A_1226, %max3A_1225 : vector<16xi32>
      %mul3A_1228 = arith.constant 16 : i32
      %mul3A_1229 = vector.broadcast %mul3A_1228 : i32 to vector<16xi32>
      %mul3A_1230 = arith.muli %min3A_1227, %mul3A_1229 : vector<16xi32>
      %add3A_1231 = arith.addi %mul3A_1230, %iota3A : vector<16xi32>
      tpu.vector_store_idx %arg6[%add3A_1231], %broadcast_in_dim3A_1 {add = true} : memref<8192xf32, #tpu.memory_space<vmem>>[vector<16xi32>], vector<16xf32>,
      %add3A_1232 = arith.constant 4096 : i32
      %add3A_1233 = vector.broadcast %add3A_1232 : i32 to vector<16xi32>
      %add3A_1234 = arith.addi %add3A_1231, %add3A_1233 : vector<16xi32>
      tpu.vector_store_idx %arg6[%add3A_1234], %get3A_1217 {add = true} : memref<8192xf32, #tpu.memory_space<vmem>>[vector<16xi32>], vector<16xf32>,
      %scan3A_1235 = arith.constant 8 : i32
      %scan3A_1236 = arith.addi %scan3A_1050, %scan3A_1235 : i32
      %mul3A_1237 = arith.constant 16 : i32
      %mul3A_1238 = arith.muli %scan3A_1236, %mul3A_1237 : i32
      %multiple_of3A_1239 = tpu.assume_multiple %mul3A_1238, 16 : i32
      %get3A_1240 = arith.index_cast %multiple_of3A_1239 : i32 to index
      %get3A_1241 = tpu.vector_load %arg5[%get3A_1240] {strides = array<i32>} : memref<25088xf32, #tpu.memory_space<vmem>>, vector<16xf32>,
      %mul3A_1242 = arith.constant 2.560000e+02 : f32
      %mul3A_1243 = vector.broadcast %mul3A_1242 : f32 to vector<16xf32>
      %mul3A_1244 = arith.mulf %get3A_1241, %mul3A_1243 : vector<16xf32>
      %convert_element_type3A_1245 = arith.fptosi %mul3A_1244 : vector<16xf32> to vector<16xi32>
      %jit3A_1246 = arith.constant 0 : i32
      %jit3A_1247 = arith.constant 255 : i32
      %max3A_1248 = vector.broadcast %jit3A_1246 : i32 to vector<16xi32>
      %max3A_1249 = arith.maxsi %max3A_1248, %convert_element_type3A_1245 : vector<16xi32>
      %min3A_1250 = vector.broadcast %jit3A_1247 : i32 to vector<16xi32>
      %min3A_1251 = arith.minsi %min3A_1250, %max3A_1249 : vector<16xi32>
      %mul3A_1252 = arith.constant 16 : i32
      %mul3A_1253 = vector.broadcast %mul3A_1252 : i32 to vector<16xi32>
      %mul3A_1254 = arith.muli %min3A_1251, %mul3A_1253 : vector<16xi32>
      %add3A_1255 = arith.addi %mul3A_1254, %iota3A : vector<16xi32>
      tpu.vector_store_idx %arg6[%add3A_1255], %broadcast_in_dim3A_1 {add = true} : memref<8192xf32, #tpu.memory_space<vmem>>[vector<16xi32>], vector<16xf32>,
      %add3A_1256 = arith.constant 4096 : i32
      %add3A_1257 = vector.broadcast %add3A_1256 : i32 to vector<16xi32>
      %add3A_1258 = arith.addi %add3A_1255, %add3A_1257 : vector<16xi32>
      tpu.vector_store_idx %arg6[%add3A_1258], %get3A_1241 {add = true} : memref<8192xf32, #tpu.memory_space<vmem>>[vector<16xi32>], vector<16xf32>,
      %scan3A_1259 = arith.constant 9 : i32
      %scan3A_1260 = arith.addi %scan3A_1050, %scan3A_1259 : i32
      %mul3A_1261 = arith.constant 16 : i32
      %mul3A_1262 = arith.muli %scan3A_1260, %mul3A_1261 : i32
      %multiple_of3A_1263 = tpu.assume_multiple %mul3A_1262, 16 : i32
      %get3A_1264 = arith.index_cast %multiple_of3A_1263 : i32 to index
      %get3A_1265 = tpu.vector_load %arg5[%get3A_1264] {strides = array<i32>} : memref<25088xf32, #tpu.memory_space<vmem>>, vector<16xf32>,
      %mul3A_1266 = arith.constant 2.560000e+02 : f32
      %mul3A_1267 = vector.broadcast %mul3A_1266 : f32 to vector<16xf32>
      %mul3A_1268 = arith.mulf %get3A_1265, %mul3A_1267 : vector<16xf32>
      %convert_element_type3A_1269 = arith.fptosi %mul3A_1268 : vector<16xf32> to vector<16xi32>
      %jit3A_1270 = arith.constant 0 : i32
      %jit3A_1271 = arith.constant 255 : i32
      %max3A_1272 = vector.broadcast %jit3A_1270 : i32 to vector<16xi32>
      %max3A_1273 = arith.maxsi %max3A_1272, %convert_element_type3A_1269 : vector<16xi32>
      %min3A_1274 = vector.broadcast %jit3A_1271 : i32 to vector<16xi32>
      %min3A_1275 = arith.minsi %min3A_1274, %max3A_1273 : vector<16xi32>
      %mul3A_1276 = arith.constant 16 : i32
      %mul3A_1277 = vector.broadcast %mul3A_1276 : i32 to vector<16xi32>
      %mul3A_1278 = arith.muli %min3A_1275, %mul3A_1277 : vector<16xi32>
      %add3A_1279 = arith.addi %mul3A_1278, %iota3A : vector<16xi32>
      tpu.vector_store_idx %arg6[%add3A_1279], %broadcast_in_dim3A_1 {add = true} : memref<8192xf32, #tpu.memory_space<vmem>>[vector<16xi32>], vector<16xf32>,
      %add3A_1280 = arith.constant 4096 : i32
      %add3A_1281 = vector.broadcast %add3A_1280 : i32 to vector<16xi32>
      %add3A_1282 = arith.addi %add3A_1279, %add3A_1281 : vector<16xi32>
      tpu.vector_store_idx %arg6[%add3A_1282], %get3A_1265 {add = true} : memref<8192xf32, #tpu.memory_space<vmem>>[vector<16xi32>], vector<16xf32>,
      %scan3A_1283 = arith.constant 10 : i32
      %scan3A_1284 = arith.addi %scan3A_1050, %scan3A_1283 : i32
      %mul3A_1285 = arith.constant 16 : i32
      %mul3A_1286 = arith.muli %scan3A_1284, %mul3A_1285 : i32
      %multiple_of3A_1287 = tpu.assume_multiple %mul3A_1286, 16 : i32
      %get3A_1288 = arith.index_cast %multiple_of3A_1287 : i32 to index
      %get3A_1289 = tpu.vector_load %arg5[%get3A_1288] {strides = array<i32>} : memref<25088xf32, #tpu.memory_space<vmem>>, vector<16xf32>,
      %mul3A_1290 = arith.constant 2.560000e+02 : f32
      %mul3A_1291 = vector.broadcast %mul3A_1290 : f32 to vector<16xf32>
      %mul3A_1292 = arith.mulf %get3A_1289, %mul3A_1291 : vector<16xf32>
      %convert_element_type3A_1293 = arith.fptosi %mul3A_1292 : vector<16xf32> to vector<16xi32>
      %jit3A_1294 = arith.constant 0 : i32
      %jit3A_1295 = arith.constant 255 : i32
      %max3A_1296 = vector.broadcast %jit3A_1294 : i32 to vector<16xi32>
      %max3A_1297 = arith.maxsi %max3A_1296, %convert_element_type3A_1293 : vector<16xi32>
      %min3A_1298 = vector.broadcast %jit3A_1295 : i32 to vector<16xi32>
      %min3A_1299 = arith.minsi %min3A_1298, %max3A_1297 : vector<16xi32>
      %mul3A_1300 = arith.constant 16 : i32
      %mul3A_1301 = vector.broadcast %mul3A_1300 : i32 to vector<16xi32>
      %mul3A_1302 = arith.muli %min3A_1299, %mul3A_1301 : vector<16xi32>
      %add3A_1303 = arith.addi %mul3A_1302, %iota3A : vector<16xi32>
      tpu.vector_store_idx %arg6[%add3A_1303], %broadcast_in_dim3A_1 {add = true} : memref<8192xf32, #tpu.memory_space<vmem>>[vector<16xi32>], vector<16xf32>,
      %add3A_1304 = arith.constant 4096 : i32
      %add3A_1305 = vector.broadcast %add3A_1304 : i32 to vector<16xi32>
      %add3A_1306 = arith.addi %add3A_1303, %add3A_1305 : vector<16xi32>
      tpu.vector_store_idx %arg6[%add3A_1306], %get3A_1289 {add = true} : memref<8192xf32, #tpu.memory_space<vmem>>[vector<16xi32>], vector<16xf32>,
      %scan3A_1307 = arith.constant 11 : i32
      %scan3A_1308 = arith.addi %scan3A_1050, %scan3A_1307 : i32
      %mul3A_1309 = arith.constant 16 : i32
      %mul3A_1310 = arith.muli %scan3A_1308, %mul3A_1309 : i32
      %multiple_of3A_1311 = tpu.assume_multiple %mul3A_1310, 16 : i32
      %get3A_1312 = arith.index_cast %multiple_of3A_1311 : i32 to index
      %get3A_1313 = tpu.vector_load %arg5[%get3A_1312] {strides = array<i32>} : memref<25088xf32, #tpu.memory_space<vmem>>, vector<16xf32>,
      %mul3A_1314 = arith.constant 2.560000e+02 : f32
      %mul3A_1315 = vector.broadcast %mul3A_1314 : f32 to vector<16xf32>
      %mul3A_1316 = arith.mulf %get3A_1313, %mul3A_1315 : vector<16xf32>
      %convert_element_type3A_1317 = arith.fptosi %mul3A_1316 : vector<16xf32> to vector<16xi32>
      %jit3A_1318 = arith.constant 0 : i32
      %jit3A_1319 = arith.constant 255 : i32
      %max3A_1320 = vector.broadcast %jit3A_1318 : i32 to vector<16xi32>
      %max3A_1321 = arith.maxsi %max3A_1320, %convert_element_type3A_1317 : vector<16xi32>
      %min3A_1322 = vector.broadcast %jit3A_1319 : i32 to vector<16xi32>
      %min3A_1323 = arith.minsi %min3A_1322, %max3A_1321 : vector<16xi32>
      %mul3A_1324 = arith.constant 16 : i32
      %mul3A_1325 = vector.broadcast %mul3A_1324 : i32 to vector<16xi32>
      %mul3A_1326 = arith.muli %min3A_1323, %mul3A_1325 : vector<16xi32>
      %add3A_1327 = arith.addi %mul3A_1326, %iota3A : vector<16xi32>
      tpu.vector_store_idx %arg6[%add3A_1327], %broadcast_in_dim3A_1 {add = true} : memref<8192xf32, #tpu.memory_space<vmem>>[vector<16xi32>], vector<16xf32>,
      %add3A_1328 = arith.constant 4096 : i32
      %add3A_1329 = vector.broadcast %add3A_1328 : i32 to vector<16xi32>
      %add3A_1330 = arith.addi %add3A_1327, %add3A_1329 : vector<16xi32>
      tpu.vector_store_idx %arg6[%add3A_1330], %get3A_1313 {add = true} : memref<8192xf32, #tpu.memory_space<vmem>>[vector<16xi32>], vector<16xf32>,
      %scan3A_1331 = arith.constant 12 : i32
      %scan3A_1332 = arith.addi %scan3A_1050, %scan3A_1331 : i32
      %mul3A_1333 = arith.constant 16 : i32
      %mul3A_1334 = arith.muli %scan3A_1332, %mul3A_1333 : i32
      %multiple_of3A_1335 = tpu.assume_multiple %mul3A_1334, 16 : i32
      %get3A_1336 = arith.index_cast %multiple_of3A_1335 : i32 to index
      %get3A_1337 = tpu.vector_load %arg5[%get3A_1336] {strides = array<i32>} : memref<25088xf32, #tpu.memory_space<vmem>>, vector<16xf32>,
      %mul3A_1338 = arith.constant 2.560000e+02 : f32
      %mul3A_1339 = vector.broadcast %mul3A_1338 : f32 to vector<16xf32>
      %mul3A_1340 = arith.mulf %get3A_1337, %mul3A_1339 : vector<16xf32>
      %convert_element_type3A_1341 = arith.fptosi %mul3A_1340 : vector<16xf32> to vector<16xi32>
      %jit3A_1342 = arith.constant 0 : i32
      %jit3A_1343 = arith.constant 255 : i32
      %max3A_1344 = vector.broadcast %jit3A_1342 : i32 to vector<16xi32>
      %max3A_1345 = arith.maxsi %max3A_1344, %convert_element_type3A_1341 : vector<16xi32>
      %min3A_1346 = vector.broadcast %jit3A_1343 : i32 to vector<16xi32>
      %min3A_1347 = arith.minsi %min3A_1346, %max3A_1345 : vector<16xi32>
      %mul3A_1348 = arith.constant 16 : i32
      %mul3A_1349 = vector.broadcast %mul3A_1348 : i32 to vector<16xi32>
      %mul3A_1350 = arith.muli %min3A_1347, %mul3A_1349 : vector<16xi32>
      %add3A_1351 = arith.addi %mul3A_1350, %iota3A : vector<16xi32>
      tpu.vector_store_idx %arg6[%add3A_1351], %broadcast_in_dim3A_1 {add = true} : memref<8192xf32, #tpu.memory_space<vmem>>[vector<16xi32>], vector<16xf32>,
      %add3A_1352 = arith.constant 4096 : i32
      %add3A_1353 = vector.broadcast %add3A_1352 : i32 to vector<16xi32>
      %add3A_1354 = arith.addi %add3A_1351, %add3A_1353 : vector<16xi32>
      tpu.vector_store_idx %arg6[%add3A_1354], %get3A_1337 {add = true} : memref<8192xf32, #tpu.memory_space<vmem>>[vector<16xi32>], vector<16xf32>,
      %scan3A_1355 = arith.constant 13 : i32
      %scan3A_1356 = arith.addi %scan3A_1050, %scan3A_1355 : i32
      %mul3A_1357 = arith.constant 16 : i32
      %mul3A_1358 = arith.muli %scan3A_1356, %mul3A_1357 : i32
      %multiple_of3A_1359 = tpu.assume_multiple %mul3A_1358, 16 : i32
      %get3A_1360 = arith.index_cast %multiple_of3A_1359 : i32 to index
      %get3A_1361 = tpu.vector_load %arg5[%get3A_1360] {strides = array<i32>} : memref<25088xf32, #tpu.memory_space<vmem>>, vector<16xf32>,
      %mul3A_1362 = arith.constant 2.560000e+02 : f32
      %mul3A_1363 = vector.broadcast %mul3A_1362 : f32 to vector<16xf32>
      %mul3A_1364 = arith.mulf %get3A_1361, %mul3A_1363 : vector<16xf32>
      %convert_element_type3A_1365 = arith.fptosi %mul3A_1364 : vector<16xf32> to vector<16xi32>
      %jit3A_1366 = arith.constant 0 : i32
      %jit3A_1367 = arith.constant 255 : i32
      %max3A_1368 = vector.broadcast %jit3A_1366 : i32 to vector<16xi32>
      %max3A_1369 = arith.maxsi %max3A_1368, %convert_element_type3A_1365 : vector<16xi32>
      %min3A_1370 = vector.broadcast %jit3A_1367 : i32 to vector<16xi32>
      %min3A_1371 = arith.minsi %min3A_1370, %max3A_1369 : vector<16xi32>
      %mul3A_1372 = arith.constant 16 : i32
      %mul3A_1373 = vector.broadcast %mul3A_1372 : i32 to vector<16xi32>
      %mul3A_1374 = arith.muli %min3A_1371, %mul3A_1373 : vector<16xi32>
      %add3A_1375 = arith.addi %mul3A_1374, %iota3A : vector<16xi32>
      tpu.vector_store_idx %arg6[%add3A_1375], %broadcast_in_dim3A_1 {add = true} : memref<8192xf32, #tpu.memory_space<vmem>>[vector<16xi32>], vector<16xf32>,
      %add3A_1376 = arith.constant 4096 : i32
      %add3A_1377 = vector.broadcast %add3A_1376 : i32 to vector<16xi32>
      %add3A_1378 = arith.addi %add3A_1375, %add3A_1377 : vector<16xi32>
      tpu.vector_store_idx %arg6[%add3A_1378], %get3A_1361 {add = true} : memref<8192xf32, #tpu.memory_space<vmem>>[vector<16xi32>], vector<16xf32>,
      %scan3A_1379 = arith.constant 14 : i32
      %scan3A_1380 = arith.addi %scan3A_1050, %scan3A_1379 : i32
      %mul3A_1381 = arith.constant 16 : i32
      %mul3A_1382 = arith.muli %scan3A_1380, %mul3A_1381 : i32
      %multiple_of3A_1383 = tpu.assume_multiple %mul3A_1382, 16 : i32
      %get3A_1384 = arith.index_cast %multiple_of3A_1383 : i32 to index
      %get3A_1385 = tpu.vector_load %arg5[%get3A_1384] {strides = array<i32>} : memref<25088xf32, #tpu.memory_space<vmem>>, vector<16xf32>,
      %mul3A_1386 = arith.constant 2.560000e+02 : f32
      %mul3A_1387 = vector.broadcast %mul3A_1386 : f32 to vector<16xf32>
      %mul3A_1388 = arith.mulf %get3A_1385, %mul3A_1387 : vector<16xf32>
      %convert_element_type3A_1389 = arith.fptosi %mul3A_1388 : vector<16xf32> to vector<16xi32>
      %jit3A_1390 = arith.constant 0 : i32
      %jit3A_1391 = arith.constant 255 : i32
      %max3A_1392 = vector.broadcast %jit3A_1390 : i32 to vector<16xi32>
      %max3A_1393 = arith.maxsi %max3A_1392, %convert_element_type3A_1389 : vector<16xi32>
      %min3A_1394 = vector.broadcast %jit3A_1391 : i32 to vector<16xi32>
      %min3A_1395 = arith.minsi %min3A_1394, %max3A_1393 : vector<16xi32>
      %mul3A_1396 = arith.constant 16 : i32
      %mul3A_1397 = vector.broadcast %mul3A_1396 : i32 to vector<16xi32>
      %mul3A_1398 = arith.muli %min3A_1395, %mul3A_1397 : vector<16xi32>
      %add3A_1399 = arith.addi %mul3A_1398, %iota3A : vector<16xi32>
      tpu.vector_store_idx %arg6[%add3A_1399], %broadcast_in_dim3A_1 {add = true} : memref<8192xf32, #tpu.memory_space<vmem>>[vector<16xi32>], vector<16xf32>,
      %add3A_1400 = arith.constant 4096 : i32
      %add3A_1401 = vector.broadcast %add3A_1400 : i32 to vector<16xi32>
      %add3A_1402 = arith.addi %add3A_1399, %add3A_1401 : vector<16xi32>
      tpu.vector_store_idx %arg6[%add3A_1402], %get3A_1385 {add = true} : memref<8192xf32, #tpu.memory_space<vmem>>[vector<16xi32>], vector<16xf32>,
      %scan3A_1403 = arith.constant 15 : i32
      %scan3A_1404 = arith.addi %scan3A_1050, %scan3A_1403 : i32
      %mul3A_1405 = arith.constant 16 : i32
      %mul3A_1406 = arith.muli %scan3A_1404, %mul3A_1405 : i32
      %multiple_of3A_1407 = tpu.assume_multiple %mul3A_1406, 16 : i32
      %get3A_1408 = arith.index_cast %multiple_of3A_1407 : i32 to index
      %get3A_1409 = tpu.vector_load %arg5[%get3A_1408] {strides = array<i32>} : memref<25088xf32, #tpu.memory_space<vmem>>, vector<16xf32>,
      %mul3A_1410 = arith.constant 2.560000e+02 : f32
      %mul3A_1411 = vector.broadcast %mul3A_1410 : f32 to vector<16xf32>
      %mul3A_1412 = arith.mulf %get3A_1409, %mul3A_1411 : vector<16xf32>
      %convert_element_type3A_1413 = arith.fptosi %mul3A_1412 : vector<16xf32> to vector<16xi32>
      %jit3A_1414 = arith.constant 0 : i32
      %jit3A_1415 = arith.constant 255 : i32
      %max3A_1416 = vector.broadcast %jit3A_1414 : i32 to vector<16xi32>
      %max3A_1417 = arith.maxsi %max3A_1416, %convert_element_type3A_1413 : vector<16xi32>
      %min3A_1418 = vector.broadcast %jit3A_1415 : i32 to vector<16xi32>
      %min3A_1419 = arith.minsi %min3A_1418, %max3A_1417 : vector<16xi32>
      %mul3A_1420 = arith.constant 16 : i32
      %mul3A_1421 = vector.broadcast %mul3A_1420 : i32 to vector<16xi32>
      %mul3A_1422 = arith.muli %min3A_1419, %mul3A_1421 : vector<16xi32>
      %add3A_1423 = arith.addi %mul3A_1422, %iota3A : vector<16xi32>
      tpu.vector_store_idx %arg6[%add3A_1423], %broadcast_in_dim3A_1 {add = true} : memref<8192xf32, #tpu.memory_space<vmem>>[vector<16xi32>], vector<16xf32>,
      %add3A_1424 = arith.constant 4096 : i32
      %add3A_1425 = vector.broadcast %add3A_1424 : i32 to vector<16xi32>
      %add3A_1426 = arith.addi %add3A_1423, %add3A_1425 : vector<16xi32>
      tpu.vector_store_idx %arg6[%add3A_1426], %get3A_1409 {add = true} : memref<8192xf32, #tpu.memory_space<vmem>>[vector<16xi32>], vector<16xf32>,
    }
    %scan3A_1049 = arith.constant 1568 : i32
    "tpu.region"() ({
      %run_scoped3A = tpu.sem_alloc : memref<!tpu.dma_semaphore, #tpu.memory_space<semaphore_mem>>
      %dma_start3A_1050 = arith.constant 0 : i32
      %dma_start3A_1051 = tpu.memref_slice %arg3[%add3A, %dma_start3A_1050] : memref<32x8192xf32, #tpu.memory_space<hbm>> -> memref<1x8192xf32, #tpu.memory_space<hbm>>
      %dma_start3A_1052 = tpu.memref_squeeze %dma_start3A_1051 : memref<1x8192xf32, #tpu.memory_space<hbm>> -> memref<8192xf32, #tpu.memory_space<hbm>>
      %dma_start3A_1053 = arith.constant 0 : i32
      %dma_start3A_1054 = tpu.memref_slice %arg3[%add3A, %dma_start3A_1053] : memref<32x8192xf32, #tpu.memory_space<hbm>> -> memref<1x8192xf32, #tpu.memory_space<hbm>>
      %dma_start3A_1055 = tpu.memref_squeeze %dma_start3A_1054 : memref<1x8192xf32, #tpu.memory_space<hbm>> -> memref<8192xf32, #tpu.memory_space<hbm>>
      tpu.enqueue_dma source(%arg6 : memref<8192xf32, #tpu.memory_space<vmem>>) target(%dma_start3A_1055 : memref<8192xf32, #tpu.memory_space<hbm>>) target_semaphore(%run_scoped3A : memref<!tpu.dma_semaphore, #tpu.memory_space<semaphore_mem>>)
      %dma_wait3A_1056 = arith.constant 0 : i32
      %dma_wait3A_1057 = tpu.memref_slice %arg3[%add3A, %dma_wait3A_1056] : memref<32x8192xf32, #tpu.memory_space<hbm>> -> memref<1x8192xf32, #tpu.memory_space<hbm>>
      %dma_wait3A_1058 = tpu.memref_squeeze %dma_wait3A_1057 : memref<1x8192xf32, #tpu.memory_space<hbm>> -> memref<8192xf32, #tpu.memory_space<hbm>>
      %dma_wait3A_1059 = arith.constant 0 : i32
      %dma_wait3A_1060 = tpu.memref_slice %arg3[%add3A, %dma_wait3A_1059] : memref<32x8192xf32, #tpu.memory_space<hbm>> -> memref<1x8192xf32, #tpu.memory_space<hbm>>
      %dma_wait3A_1061 = tpu.memref_squeeze %dma_wait3A_1060 : memref<1x8192xf32, #tpu.memory_space<hbm>> -> memref<8192xf32, #tpu.memory_space<hbm>>
      tpu.wait_dma2 semaphore(%run_scoped3A : memref<!tpu.dma_semaphore, #tpu.memory_space<semaphore_mem>>) src(%arg6 : memref<8192xf32, #tpu.memory_space<vmem>>) dst(%dma_wait3A_1061 : memref<8192xf32, #tpu.memory_space<hbm>>)
      tpu.yield
    }) : () -> ()
    return
  }
}

module attributes {stable_mosaic.version = 14 : i64} {
  func.func @_k3_body(%arg0: memref<32x8192xf32, #tpu.memory_space<vmem>>, %arg1: memref<1x128xf32, #tpu.memory_space<vmem>>, %arg2: memref<8x16xf32, #tpu.memory_space<vmem>>, %arg3: memref<1x16xf32, #tpu.memory_space<vmem>>, %arg4: memref<1x16xf32, #tpu.memory_space<vmem>>) attributes {dimension_semantics = [], scalar_prefetch = 0 : i64, scratch_operands = 0 : i64, tpu.core_type = #tpu.core_type<tc>} {
    %get3A = arith.constant 0 : index
    %get3A_0 = arith.constant 0 : index
    %get3A_1 = vector.load %arg0[%get3A, %get3A_0] : memref<32x8192xf32, #tpu.memory_space<vmem>>, vector<32x8192xf32>
    %reduce_sum3A = arith.constant dense<0.000000e+00> : vector<8192xf32>
    %reduce_sum3A_2 = vector.multi_reduction <add>, %get3A_1, %reduce_sum3A [0] : vector<32x8192xf32> to vector<8192xf32>
    %broadcast_in_dim3A = vector.shape_cast %reduce_sum3A_2 : vector<8192xf32> to vector<1x8192xf32>
    %slice3A = vector.extract_strided_slice %broadcast_in_dim3A {offsets = [0, 0], sizes = [1, 4096], strides = [1, 1]} : vector<1x8192xf32> to vector<1x4096xf32>
    %slice3A_3 = vector.extract_strided_slice %broadcast_in_dim3A {offsets = [0, 4096], sizes = [1, 4096], strides = [1, 1]} : vector<1x8192xf32> to vector<1x4096xf32>
    %iota3A = tpu.iota {dimensions = array<i32: 0>} : vector<4096x256xi32>
    %shift_right_logical3A = arith.constant 4 : i32
    %shift_right_logical3A_4 = vector.broadcast %shift_right_logical3A : i32 to vector<4096x256xi32>
    %shift_right_logical3A_5 = arith.shrui %iota3A, %shift_right_logical3A_4 : vector<4096x256xi32>
    %iota3A_6 = tpu.iota {dimensions = array<i32: 1>} : vector<4096x256xi32>
    %eq3A = arith.cmpi eq, %shift_right_logical3A_5, %iota3A_6 : vector<4096x256xi32>
    %convert_element_type3A = arith.extui %eq3A : vector<4096x256xi1> to vector<4096x256xi32>
    %convert_element_type3A_7 = arith.sitofp %convert_element_type3A : vector<4096x256xi32> to vector<4096x256xf32>
    %iota3A_8 = tpu.iota {dimensions = array<i32: 1>} : vector<1x256xi32>
    %convert_element_type3A_9 = arith.sitofp %iota3A_8 : vector<1x256xi32> to vector<1x256xf32>
    %dot_general3A = arith.constant dense<0.000000e+00> : vector<1x256xf32>
    %dot_general3A_10 = tpu.matmul %slice3A, %convert_element_type3A_7, %dot_general3A {dimension_numbers = #tpu.dot_dimension_numbers<[1], [0], [0], [1], [0, 0, 1, 1], [], []>, transpose_lhs_hint = false} : vector<1x4096xf32>, vector<4096x256xf32>, vector<1x256xf32> -> vector<1x256xf32>
    %eq3A_11 = arith.constant 0.000000e+00 : f32
    %eq3A_12 = vector.broadcast %eq3A_11 : f32 to vector<1x256xf32>
    %eq3A_13 = arith.cmpf oeq, %convert_element_type3A_9, %eq3A_12 : vector<1x256xf32>
    %jit3A = arith.constant 5.632000e+03 : f32
    %jit3A_14 = arith.constant 0.000000e+00 : f32
    %broadcast_in_dim3A_15 = vector.broadcast %jit3A : f32 to vector<1x256xf32>
    %broadcast_in_dim3A_16 = vector.broadcast %jit3A_14 : f32 to vector<1x256xf32>
    %select_n3A = arith.select %eq3A_13, %broadcast_in_dim3A_15, %broadcast_in_dim3A_16 : vector<1x256xi1>, vector<1x256xf32>
    %sub3A = arith.subf %dot_general3A_10, %select_n3A : vector<1x256xf32>
    %dot_general3A_17 = arith.constant dense<0.000000e+00> : vector<1x256xf32>
    %dot_general3A_18 = tpu.matmul %slice3A_3, %convert_element_type3A_7, %dot_general3A_17 {dimension_numbers = #tpu.dot_dimension_numbers<[1], [0], [0], [1], [0, 0, 1, 1], [], []>, transpose_lhs_hint = false} : vector<1x4096xf32>, vector<4096x256xf32>, vector<1x256xf32> -> vector<1x256xf32>
    %eq3A_19 = arith.constant 0.000000e+00 : f32
    %eq3A_20 = vector.broadcast %eq3A_19 : f32 to vector<1x256xf32>
    %eq3A_21 = arith.cmpf oeq, %convert_element_type3A_9, %eq3A_20 : vector<1x256xf32>
    %jit3A_22 = arith.constant 5.632000e+03 : f32
    %jit3A_23 = arith.constant 0.000000e+00 : f32
    %broadcast_in_dim3A_24 = vector.broadcast %jit3A_22 : f32 to vector<1x256xf32>
    %broadcast_in_dim3A_25 = vector.broadcast %jit3A_23 : f32 to vector<1x256xf32>
    %select_n3A_26 = arith.select %eq3A_21, %broadcast_in_dim3A_24, %broadcast_in_dim3A_25 : vector<1x256xi1>, vector<1x256xf32>
    %add3A = arith.addf %dot_general3A_18, %select_n3A_26 : vector<1x256xf32>
    %iota3A_27 = tpu.iota {dimensions = array<i32: 0>} : vector<256x256xi32>
    %convert_element_type3A_28 = arith.sitofp %iota3A_27 : vector<256x256xi32> to vector<256x256xf32>
    %iota3A_29 = tpu.iota {dimensions = array<i32: 1>} : vector<256x256xi32>
    %convert_element_type3A_30 = arith.sitofp %iota3A_29 : vector<256x256xi32> to vector<256x256xf32>
    %lt3A = arith.cmpf olt, %convert_element_type3A_28, %convert_element_type3A_30 : vector<256x256xf32>
    %convert_element_type3A_31 = arith.extui %lt3A : vector<256x256xi1> to vector<256x256xi32>
    %convert_element_type3A_32 = arith.sitofp %convert_element_type3A_31 : vector<256x256xi32> to vector<256x256xf32>
    %dot_general3A_33 = arith.constant dense<0.000000e+00> : vector<1x256xf32>
    %dot_general3A_34 = tpu.matmul %sub3A, %convert_element_type3A_32, %dot_general3A_33 {dimension_numbers = #tpu.dot_dimension_numbers<[1], [0], [0], [1], [0, 0, 1, 1], [], []>, transpose_lhs_hint = false} : vector<1x256xf32>, vector<256x256xf32>, vector<1x256xf32> -> vector<1x256xf32>
    %sub3A_35 = arith.constant 1.600000e+06 : f32
    %sub3A_36 = vector.broadcast %sub3A_35 : f32 to vector<1x256xf32>
    %sub3A_37 = arith.subf %sub3A_36, %dot_general3A_34 : vector<1x256xf32>
    %ge3A = arith.constant 8.000000e+04 : f32
    %ge3A_38 = vector.broadcast %ge3A : f32 to vector<1x256xf32>
    %ge3A_39 = arith.cmpf oge, %sub3A_37, %ge3A_38 : vector<1x256xf32>
    %jit3A_40 = arith.constant -1.000000e+00 : f32
    %broadcast_in_dim3A_41 = vector.broadcast %jit3A_40 : f32 to vector<1x256xf32>
    %select_n3A_42 = arith.select %ge3A_39, %convert_element_type3A_9, %broadcast_in_dim3A_41 : vector<1x256xi1>, vector<1x256xf32>
    %reduce_max3A = vector.shape_cast %select_n3A_42 : vector<1x256xf32> to vector<1x1x256xf32>
    %reduce_max3A_43 = arith.constant dense<0xFF800000> : vector<1xf32>
    %reduce_max3A_44 = vector.multi_reduction <maximumf>, %reduce_max3A, %reduce_max3A_43 [1, 2] : vector<1x1x256xf32> to vector<1xf32>
    %reduce_max3A_45 = vector.shape_cast %reduce_max3A_44 : vector<1xf32> to vector<1x1x1xf32>
    %reduce_max3A_46 = vector.extract %reduce_max3A_45[0, 0, 0] : f32 from vector<1x1x1xf32>
    %eq3A_47 = vector.broadcast %reduce_max3A_46 : f32 to vector<1x256xf32>
    %eq3A_48 = arith.cmpf oeq, %convert_element_type3A_9, %eq3A_47 : vector<1x256xf32>
    %convert_element_type3A_49 = arith.extui %eq3A_48 : vector<1x256xi1> to vector<1x256xi32>
    %convert_element_type3A_50 = arith.sitofp %convert_element_type3A_49 : vector<1x256xi32> to vector<1x256xf32>
    %mul3A = arith.mulf %convert_element_type3A_50, %sub3A : vector<1x256xf32>
    %reduce_sum3A_51 = vector.shape_cast %mul3A : vector<1x256xf32> to vector<1x1x256xf32>
    %reduce_sum3A_52 = arith.constant dense<0.000000e+00> : vector<1xf32>
    %reduce_sum3A_53 = vector.multi_reduction <add>, %reduce_sum3A_51, %reduce_sum3A_52 [1, 2] : vector<1x1x256xf32> to vector<1xf32>
    %reduce_sum3A_54 = vector.shape_cast %reduce_sum3A_53 : vector<1xf32> to vector<1x1x1xf32>
    %reduce_sum3A_55 = vector.extract %reduce_sum3A_54[0, 0, 0] : f32 from vector<1x1x1xf32>
    %mul3A_56 = arith.mulf %convert_element_type3A_50, %add3A : vector<1x256xf32>
    %reduce_sum3A_57 = vector.shape_cast %mul3A_56 : vector<1x256xf32> to vector<1x1x256xf32>
    %reduce_sum3A_58 = arith.constant dense<0.000000e+00> : vector<1xf32>
    %reduce_sum3A_59 = vector.multi_reduction <add>, %reduce_sum3A_57, %reduce_sum3A_58 [1, 2] : vector<1x1x256xf32> to vector<1xf32>
    %reduce_sum3A_60 = vector.shape_cast %reduce_sum3A_59 : vector<1xf32> to vector<1x1x1xf32>
    %reduce_sum3A_61 = vector.extract %reduce_sum3A_60[0, 0, 0] : f32 from vector<1x1x1xf32>
    %gt3A = vector.broadcast %reduce_max3A_46 : f32 to vector<1x256xf32>
    %gt3A_62 = arith.cmpf ogt, %convert_element_type3A_9, %gt3A : vector<1x256xf32>
    %convert_element_type3A_63 = arith.extui %gt3A_62 : vector<1x256xi1> to vector<1x256xi32>
    %convert_element_type3A_64 = arith.sitofp %convert_element_type3A_63 : vector<1x256xi32> to vector<1x256xf32>
    %mul3A_65 = arith.mulf %convert_element_type3A_64, %sub3A : vector<1x256xf32>
    %reduce_sum3A_66 = vector.shape_cast %mul3A_65 : vector<1x256xf32> to vector<1x1x256xf32>
    %reduce_sum3A_67 = arith.constant dense<0.000000e+00> : vector<1xf32>
    %reduce_sum3A_68 = vector.multi_reduction <add>, %reduce_sum3A_66, %reduce_sum3A_67 [1, 2] : vector<1x1x256xf32> to vector<1xf32>
    %reduce_sum3A_69 = vector.shape_cast %reduce_sum3A_68 : vector<1xf32> to vector<1x1x1xf32>
    %reduce_sum3A_70 = vector.extract %reduce_sum3A_69[0, 0, 0] : f32 from vector<1x1x1xf32>
    %mul3A_71 = arith.mulf %convert_element_type3A_64, %add3A : vector<1x256xf32>
    %reduce_sum3A_72 = vector.shape_cast %mul3A_71 : vector<1x256xf32> to vector<1x1x256xf32>
    %reduce_sum3A_73 = arith.constant dense<0.000000e+00> : vector<1xf32>
    %reduce_sum3A_74 = vector.multi_reduction <add>, %reduce_sum3A_72, %reduce_sum3A_73 [1, 2] : vector<1x1x256xf32> to vector<1xf32>
    %reduce_sum3A_75 = vector.shape_cast %reduce_sum3A_74 : vector<1xf32> to vector<1x1x1xf32>
    %reduce_sum3A_76 = vector.extract %reduce_sum3A_75[0, 0, 0] : f32 from vector<1x1x1xf32>
    %max3A = arith.constant 1.000000e+00 : f32
    %max3A_77 = arith.maximumf %reduce_sum3A_55, %max3A : f32
    %div3A = arith.divf %reduce_sum3A_61, %max3A_77 : f32
    %sub3A_78 = arith.constant 8.000000e+04 : f32
    %sub3A_79 = arith.subf %sub3A_78, %reduce_sum3A_70 : f32
    %mul3A_80 = arith.mulf %sub3A_79, %div3A : f32
    %add3A_81 = arith.addf %reduce_sum3A_76, %mul3A_80 : f32
    %get3A_82 = arith.constant 0 : index
    %get3A_83 = arith.constant 0 : index
    %get3A_84 = vector.load %arg1[%get3A_82, %get3A_83] : memref<1x128xf32, #tpu.memory_space<vmem>>, vector<1x1xf32>
    %get3A_85 = vector.extract %get3A_84[0, 0] : f32 from vector<1x1xf32>
    %add3A_86 = arith.constant 9.99999996E-13 : f32
    %add3A_87 = arith.addf %get3A_85, %add3A_86 : f32
    %log3A = math.log %add3A_87 : f32
    %div3A_88 = arith.divf %get3A_85, %add3A_87 : f32
    %mul3A_89 = arith.mulf %log3A, %div3A_88 : f32
    %get3A_90 = arith.constant 0 : index
    %get3A_91 = arith.constant 1 : index
    %get3A_92 = vector.load %arg1[%get3A_90, %get3A_91] : memref<1x128xf32, #tpu.memory_space<vmem>>, vector<1x1xf32>
    %get3A_93 = vector.extract %get3A_92[0, 0] : f32 from vector<1x1xf32>
    %div3A_94 = arith.divf %get3A_93, %add3A_87 : f32
    %sub3A_95 = arith.subf %mul3A_89, %div3A_94 : f32
    %div3A_96 = arith.divf %add3A_81, %add3A_87 : f32
    %div3A_97 = arith.constant 1.600000e+06 : f32
    %div3A_98 = arith.divf %get3A_85, %div3A_97 : f32
    %get3A_99 = arith.constant 0 : index
    %get3A_100 = arith.constant 2 : index
    %get3A_101 = vector.load %arg1[%get3A_99, %get3A_100] : memref<1x128xf32, #tpu.memory_space<vmem>>, vector<1x1xf32>
    %get3A_102 = vector.extract %get3A_101[0, 0] : f32 from vector<1x1xf32>
    %get3A_103 = arith.constant 0 : index
    %get3A_104 = arith.constant 0 : index
    %get3A_105 = vector.load %arg2[%get3A_103, %get3A_104] : memref<8x16xf32, #tpu.memory_space<vmem>>, vector<8x16xf32>
    %slice3A_106 = vector.extract_strided_slice %get3A_105 {offsets = [0, 0], sizes = [1, 16], strides = [1, 1]} : vector<8x16xf32> to vector<1x16xf32>
    %mul3A_107 = vector.broadcast %sub3A_95 : f32 to vector<1x16xf32>
    %mul3A_108 = arith.mulf %mul3A_107, %slice3A_106 : vector<1x16xf32>
    %slice3A_109 = vector.extract_strided_slice %get3A_105 {offsets = [1, 0], sizes = [1, 16], strides = [1, 1]} : vector<8x16xf32> to vector<1x16xf32>
    %mul3A_110 = vector.broadcast %div3A_96 : f32 to vector<1x16xf32>
    %mul3A_111 = arith.mulf %mul3A_110, %slice3A_109 : vector<1x16xf32>
    %add3A_112 = arith.addf %mul3A_108, %mul3A_111 : vector<1x16xf32>
    %slice3A_113 = vector.extract_strided_slice %get3A_105 {offsets = [2, 0], sizes = [1, 16], strides = [1, 1]} : vector<8x16xf32> to vector<1x16xf32>
    %mul3A_114 = vector.broadcast %div3A_98 : f32 to vector<1x16xf32>
    %mul3A_115 = arith.mulf %mul3A_114, %slice3A_113 : vector<1x16xf32>
    %add3A_116 = arith.addf %add3A_112, %mul3A_115 : vector<1x16xf32>
    %slice3A_117 = vector.extract_strided_slice %get3A_105 {offsets = [3, 0], sizes = [1, 16], strides = [1, 1]} : vector<8x16xf32> to vector<1x16xf32>
    %mul3A_118 = vector.broadcast %get3A_102 : f32 to vector<1x16xf32>
    %mul3A_119 = arith.mulf %mul3A_118, %slice3A_117 : vector<1x16xf32>
    %add3A_120 = arith.addf %add3A_116, %mul3A_119 : vector<1x16xf32>
    %slice3A_121 = vector.extract_strided_slice %get3A_105 {offsets = [4, 0], sizes = [1, 16], strides = [1, 1]} : vector<8x16xf32> to vector<1x16xf32>
    %mul3A_122 = arith.constant 1.600000e+06 : f32
    %mul3A_123 = vector.broadcast %mul3A_122 : f32 to vector<1x16xf32>
    %mul3A_124 = arith.mulf %mul3A_123, %slice3A_121 : vector<1x16xf32>
    %add3A_125 = arith.addf %add3A_120, %mul3A_124 : vector<1x16xf32>
    %get3A_126 = arith.constant 0 : index
    %get3A_127 = arith.constant 0 : index
    %get3A_128 = vector.load %arg3[%get3A_126, %get3A_127] : memref<1x16xf32, #tpu.memory_space<vmem>>, vector<1x16xf32>
    %add3A_129 = arith.addf %add3A_125, %get3A_128 : vector<1x16xf32>
    %swap3A = arith.constant 0 : index
    %swap3A_130 = arith.constant 0 : index
    %swap3A_131 = vector.load %arg4[%swap3A, %swap3A_130] : memref<1x16xf32, #tpu.memory_space<vmem>>, vector<1x16xf32>
    tpu.vector_store %arg4[%swap3A, %swap3A_130], %add3A_129 {strides = array<i32>} : memref<1x16xf32, #tpu.memory_space<vmem>>, vector<1x16xf32>,
    return
  }
}

module attributes {stable_mosaic.version = 14 : i64} {
  func.func @_k1_body(%arg0: i32, %arg1: memref<16x32768xf32, #tpu.memory_space<vmem>>, %arg2: memref<32768xf32, #tpu.memory_space<vmem>>, %arg3: memref<1x128xf32, #tpu.memory_space<vmem>>, %arg4: memref<1x1xf32, #tpu.memory_space<vmem>>, %arg5: memref<1x1xf32, #tpu.memory_space<vmem>>, %arg6: memref<1x1xf32, #tpu.memory_space<vmem>>) attributes {dimension_semantics = [#tpu.dimension_semantics<arbitrary>], iteration_bounds = array<i64: 49>, scalar_prefetch = 0 : i64, scratch_operands = 3 : i64, tpu.core_type = #tpu.core_type<tc>, window_params = [{transform_indices = @transform_0, window_bounds = array<i64: 16, 32768>}, {transform_indices = @transform_1, window_bounds = array<i64: 32768>}, {pipeline_mode = #tpu.pipeline_mode<synchronous>, transform_indices = @transform_2, window_bounds = array<i64: 1, 128>}]} {
    %eq3A = arith.constant 0 : i32
    %eq3A_0 = arith.cmpi eq, %arg0, %eq3A : i32
    %convert_element_type3A = arith.extui %eq3A_0 : i1 to i32
    %cond3A = arith.constant 0 : i32
    %cond3A_1 = arith.cmpi ne, %convert_element_type3A, %cond3A : i32
    scf.if %cond3A_1 {
      %broadcast_in_dim3A_51 = arith.constant 0.000000e+00 : f32
      %broadcast_in_dim3A_52 = vector.broadcast %broadcast_in_dim3A_51 : f32 to vector<1x1xf32>
      %swap3A_53 = arith.constant 0 : index
      %swap3A_54 = arith.constant 0 : index
      %swap3A_55 = vector.load %arg4[%swap3A_53, %swap3A_54] : memref<1x1xf32, #tpu.memory_space<vmem>>, vector<1x1xf32>
      tpu.vector_store %arg4[%swap3A_53, %swap3A_54], %broadcast_in_dim3A_52 {strides = array<i32>} : memref<1x1xf32, #tpu.memory_space<vmem>>, vector<1x1xf32>,
      %broadcast_in_dim3A_56 = arith.constant 0.000000e+00 : f32
      %broadcast_in_dim3A_57 = vector.broadcast %broadcast_in_dim3A_56 : f32 to vector<1x1xf32>
      %swap3A_58 = arith.constant 0 : index
      %swap3A_59 = arith.constant 0 : index
      %swap3A_60 = vector.load %arg5[%swap3A_58, %swap3A_59] : memref<1x1xf32, #tpu.memory_space<vmem>>, vector<1x1xf32>
      tpu.vector_store %arg5[%swap3A_58, %swap3A_59], %broadcast_in_dim3A_57 {strides = array<i32>} : memref<1x1xf32, #tpu.memory_space<vmem>>, vector<1x1xf32>,
      %broadcast_in_dim3A_61 = arith.constant 0.000000e+00 : f32
      %broadcast_in_dim3A_62 = vector.broadcast %broadcast_in_dim3A_61 : f32 to vector<1x1xf32>
      %swap3A_63 = arith.constant 0 : index
      %swap3A_64 = arith.constant 0 : index
      %swap3A_65 = vector.load %arg6[%swap3A_63, %swap3A_64] : memref<1x1xf32, #tpu.memory_space<vmem>>, vector<1x1xf32>
      tpu.vector_store %arg6[%swap3A_63, %swap3A_64], %broadcast_in_dim3A_62 {strides = array<i32>} : memref<1x1xf32, #tpu.memory_space<vmem>>, vector<1x1xf32>,
    } else {
    }
    %get3A = arith.constant 0 : index
    %get3A_2 = arith.constant 0 : index
    %get3A_3 = vector.load %arg1[%get3A, %get3A_2] : memref<16x32768xf32, #tpu.memory_space<vmem>>, vector<16x32768xf32>
    %broadcast_in_dim3A = arith.constant 6.250000e-02 : f32
    %broadcast_in_dim3A_4 = vector.broadcast %broadcast_in_dim3A : f32 to vector<1x16xf32>
    %dot_general3A = arith.constant dense<0.000000e+00> : vector<1x32768xf32>
    %dot_general3A_5 = tpu.matmul %broadcast_in_dim3A_4, %get3A_3, %dot_general3A {dimension_numbers = #tpu.dot_dimension_numbers<[1], [0], [0], [1], [0, 0, 1, 1], [], []>, transpose_lhs_hint = false} : vector<1x16xf32>, vector<16x32768xf32>, vector<1x32768xf32> -> vector<1x32768xf32>
    %eq3A_6 = arith.constant 48 : i32
    %eq3A_7 = arith.cmpi eq, %arg0, %eq3A_6 : i32
    %iota3A = tpu.iota {dimensions = array<i32: 1>} : vector<1x32768xi32>
    %not3A = arith.constant true
    %not3A_8 = arith.xori %eq3A_7, %not3A : i1
    %lt3A = arith.constant 27136 : i32
    %lt3A_9 = vector.broadcast %lt3A : i32 to vector<1x32768xi32>
    %lt3A_10 = arith.cmpi slt, %iota3A, %lt3A_9 : vector<1x32768xi32>
    %or3A = vector.broadcast %not3A_8 : i1 to vector<1x32768xi1>
    %or3A_11 = arith.ori %or3A, %lt3A_10 : vector<1x32768xi1>
    %jit3A = arith.constant 0.000000e+00 : f32
    %broadcast_in_dim3A_12 = vector.broadcast %jit3A : f32 to vector<1x32768xf32>
    %select_n3A = arith.select %or3A_11, %dot_general3A_5, %broadcast_in_dim3A_12 : vector<1x32768xi1>, vector<1x32768xf32>
    %jit3A_13 = arith.constant -1.000000e+00 : f32
    %broadcast_in_dim3A_14 = vector.broadcast %jit3A_13 : f32 to vector<1x32768xf32>
    %select_n3A_15 = arith.select %or3A_11, %dot_general3A_5, %broadcast_in_dim3A_14 : vector<1x32768xi1>, vector<1x32768xf32>
    %reshape3A = vector.shape_cast %select_n3A_15 : vector<1x32768xf32> to vector<32768xf32>
    %swap3A = arith.constant 0 : index
    %swap3A_16 = vector.load %arg2[%swap3A] : memref<32768xf32, #tpu.memory_space<vmem>>, vector<32768xf32>
    tpu.vector_store %arg2[%swap3A], %reshape3A {strides = array<i32>} : memref<32768xf32, #tpu.memory_space<vmem>>, vector<32768xf32>,
    %get3A_17 = arith.constant 0 : index
    %get3A_18 = arith.constant 0 : index
    %get3A_19 = vector.load %arg4[%get3A_17, %get3A_18] : memref<1x1xf32, #tpu.memory_space<vmem>>, vector<1x1xf32>
    %reduce_sum3A = arith.constant dense<0.000000e+00> : vector<1xf32>
    %reduce_sum3A_20 = vector.multi_reduction <add>, %select_n3A, %reduce_sum3A [1] : vector<1x32768xf32> to vector<1xf32>
    %broadcast_in_dim3A_21 = vector.shape_cast %reduce_sum3A_20 : vector<1xf32> to vector<1x1xf32>
    %add3A = arith.addf %get3A_19, %broadcast_in_dim3A_21 : vector<1x1xf32>
    %swap3A_22 = arith.constant 0 : index
    %swap3A_23 = arith.constant 0 : index
    %swap3A_24 = vector.load %arg4[%swap3A_22, %swap3A_23] : memref<1x1xf32, #tpu.memory_space<vmem>>, vector<1x1xf32>
    tpu.vector_store %arg4[%swap3A_22, %swap3A_23], %add3A {strides = array<i32>} : memref<1x1xf32, #tpu.memory_space<vmem>>, vector<1x1xf32>,
    %get3A_25 = arith.constant 0 : index
    %get3A_26 = arith.constant 0 : index
    %get3A_27 = vector.load %arg5[%get3A_25, %get3A_26] : memref<1x1xf32, #tpu.memory_space<vmem>>, vector<1x1xf32>
    %add3A_28 = arith.constant 9.99999968E-21 : f32
    %add3A_29 = vector.broadcast %add3A_28 : f32 to vector<1x32768xf32>
    %add3A_30 = arith.addf %select_n3A, %add3A_29 : vector<1x32768xf32>
    %log3A = math.log %add3A_30 : vector<1x32768xf32>
    %mul3A = arith.mulf %select_n3A, %log3A : vector<1x32768xf32>
    %reduce_sum3A_31 = arith.constant dense<0.000000e+00> : vector<1xf32>
    %reduce_sum3A_32 = vector.multi_reduction <add>, %mul3A, %reduce_sum3A_31 [1] : vector<1x32768xf32> to vector<1xf32>
    %broadcast_in_dim3A_33 = vector.shape_cast %reduce_sum3A_32 : vector<1xf32> to vector<1x1xf32>
    %add3A_34 = arith.addf %get3A_27, %broadcast_in_dim3A_33 : vector<1x1xf32>
    %swap3A_35 = arith.constant 0 : index
    %swap3A_36 = arith.constant 0 : index
    %swap3A_37 = vector.load %arg5[%swap3A_35, %swap3A_36] : memref<1x1xf32, #tpu.memory_space<vmem>>, vector<1x1xf32>
    tpu.vector_store %arg5[%swap3A_35, %swap3A_36], %add3A_34 {strides = array<i32>} : memref<1x1xf32, #tpu.memory_space<vmem>>, vector<1x1xf32>,
    %get3A_38 = arith.constant 0 : index
    %get3A_39 = arith.constant 0 : index
    %get3A_40 = vector.load %arg6[%get3A_38, %get3A_39] : memref<1x1xf32, #tpu.memory_space<vmem>>, vector<1x1xf32>
    %reduce_max3A = arith.constant dense<0xFF800000> : vector<1xf32>
    %reduce_max3A_41 = vector.multi_reduction <maximumf>, %select_n3A, %reduce_max3A [1] : vector<1x32768xf32> to vector<1xf32>
    %broadcast_in_dim3A_42 = vector.shape_cast %reduce_max3A_41 : vector<1xf32> to vector<1x1xf32>
    %max3A = arith.maximumf %get3A_40, %broadcast_in_dim3A_42 : vector<1x1xf32>
    %swap3A_43 = arith.constant 0 : index
    %swap3A_44 = arith.constant 0 : index
    %swap3A_45 = vector.load %arg6[%swap3A_43, %swap3A_44] : memref<1x1xf32, #tpu.memory_space<vmem>>, vector<1x1xf32>
    tpu.vector_store %arg6[%swap3A_43, %swap3A_44], %max3A {strides = array<i32>} : memref<1x1xf32, #tpu.memory_space<vmem>>, vector<1x1xf32>,
    %eq3A_46 = arith.constant 48 : i32
    %eq3A_47 = arith.cmpi eq, %arg0, %eq3A_46 : i32
    %convert_element_type3A_48 = arith.extui %eq3A_47 : i1 to i32
    %cond3A_49 = arith.constant 0 : i32
    %cond3A_50 = arith.cmpi ne, %convert_element_type3A_48, %cond3A_49 : i32
    scf.if %cond3A_50 {
      %iota3A_51 = tpu.iota {dimensions = array<i32: 1>} : vector<1x128xi32>
      %eq3A_52 = arith.constant 0 : i32
      %eq3A_53 = vector.broadcast %eq3A_52 : i32 to vector<1x128xi32>
      %eq3A_54 = arith.cmpi eq, %iota3A_51, %eq3A_53 : vector<1x128xi32>
      %get3A_55 = arith.constant 0 : index
      %get3A_56 = arith.constant 0 : index
      %get3A_57 = vector.load %arg4[%get3A_55, %get3A_56] : memref<1x1xf32, #tpu.memory_space<vmem>>, vector<1x1xf32>
      %get3A_58 = vector.extract %get3A_57[0, 0] : f32 from vector<1x1xf32>
      %jit3A_59 = arith.constant 0.000000e+00 : f32
      %broadcast_in_dim3A_60 = vector.broadcast %get3A_58 : f32 to vector<1x128xf32>
      %broadcast_in_dim3A_61 = vector.broadcast %jit3A_59 : f32 to vector<1x128xf32>
      %select_n3A_62 = arith.select %eq3A_54, %broadcast_in_dim3A_60, %broadcast_in_dim3A_61 : vector<1x128xi1>, vector<1x128xf32>
      %eq3A_63 = arith.constant 1 : i32
      %eq3A_64 = vector.broadcast %eq3A_63 : i32 to vector<1x128xi32>
      %eq3A_65 = arith.cmpi eq, %iota3A_51, %eq3A_64 : vector<1x128xi32>
      %get3A_66 = arith.constant 0 : index
      %get3A_67 = arith.constant 0 : index
      %get3A_68 = vector.load %arg5[%get3A_66, %get3A_67] : memref<1x1xf32, #tpu.memory_space<vmem>>, vector<1x1xf32>
      %get3A_69 = vector.extract %get3A_68[0, 0] : f32 from vector<1x1xf32>
      %jit3A_70 = arith.constant 0.000000e+00 : f32
      %broadcast_in_dim3A_71 = vector.broadcast %get3A_69 : f32 to vector<1x128xf32>
      %broadcast_in_dim3A_72 = vector.broadcast %jit3A_70 : f32 to vector<1x128xf32>
      %select_n3A_73 = arith.select %eq3A_65, %broadcast_in_dim3A_71, %broadcast_in_dim3A_72 : vector<1x128xi1>, vector<1x128xf32>
      %add3A_74 = arith.addf %select_n3A_62, %select_n3A_73 : vector<1x128xf32>
      %eq3A_75 = arith.constant 2 : i32
      %eq3A_76 = vector.broadcast %eq3A_75 : i32 to vector<1x128xi32>
      %eq3A_77 = arith.cmpi eq, %iota3A_51, %eq3A_76 : vector<1x128xi32>
      %get3A_78 = arith.constant 0 : index
      %get3A_79 = arith.constant 0 : index
      %get3A_80 = vector.load %arg6[%get3A_78, %get3A_79] : memref<1x1xf32, #tpu.memory_space<vmem>>, vector<1x1xf32>
      %get3A_81 = vector.extract %get3A_80[0, 0] : f32 from vector<1x1xf32>
      %jit3A_82 = arith.constant 0.000000e+00 : f32
      %broadcast_in_dim3A_83 = vector.broadcast %get3A_81 : f32 to vector<1x128xf32>
      %broadcast_in_dim3A_84 = vector.broadcast %jit3A_82 : f32 to vector<1x128xf32>
      %select_n3A_85 = arith.select %eq3A_77, %broadcast_in_dim3A_83, %broadcast_in_dim3A_84 : vector<1x128xi1>, vector<1x128xf32>
      %add3A_86 = arith.addf %add3A_74, %select_n3A_85 : vector<1x128xf32>
      %swap3A_87 = arith.constant 0 : index
      %swap3A_88 = arith.constant 0 : index
      %swap3A_89 = vector.load %arg3[%swap3A_87, %swap3A_88] : memref<1x128xf32, #tpu.memory_space<vmem>>, vector<1x128xf32>
      tpu.vector_store %arg3[%swap3A_87, %swap3A_88], %add3A_86 {strides = array<i32>} : memref<1x128xf32, #tpu.memory_space<vmem>>, vector<1x128xf32>,
    } else {
    }
    return
  }
  func.func @transform_0(%arg0: i32) -> (i32, i32) {
    %c0_i32 = arith.constant 0 : i32
    %c0_i32_0 = arith.constant 0 : i32
    return %c0_i32, %arg0 : i32, i32
  }
  func.func @transform_1(%arg0: i32) -> i32 {
    %c0_i32 = arith.constant 0 : i32
    return %arg0 : i32
  }
  func.func @transform_2(%arg0: i32) -> (i32, i32) {
    %c0_i32 = arith.constant 0 : i32
    %c0_i32_0 = arith.constant 0 : i32
    %c0_i32_1 = arith.constant 0 : i32
    return %c0_i32, %c0_i32_0 : i32, i32
  }
}

</mosaic_0001>

<sc_bundles>
// kernel: kernel.5.cloned.1.call-start
scs
__scs_entry_jumppad:
0x0: {  	(pc) =	sbr.rel $0x88, $3  }
0x1: {  	(tag) =	ssettag $0x0;
	lr =	simm.s32 $0x1  }
0x2: {  	[smem:$0x3F9E] =	sst lr;
	_ =	strace $0xD0000000  }
0x3: {  	_ = 	snop  }
0x4: {  	_ = 	snop  }
0x5: {  	_ = 	snop  }
0x6: {  	_ = 	snop  }
0x7: {  	_ = 	snop  }
__scs_overlays_trampoline_lowered:
0x8: {  	[smem:$0x3FAD] =	sst s0  }
0x9: {  	[smem:$0x3FAE] =	sst s1  }
0xa: {  	[smem:$0x3FAF] =	sst s2  }
0xb: {  	[smem:$0x3FB0] =	sst s3  }
0xc: {  	[smem:$0x3FB1] =	sst s4  }
0xd: {  	[smem:$0x3FB2] =	sst s5  }
0xe: {  	[smem:$0x3FB3] =	sst s6  }
0xf: {  	[smem:$0x3FB4] =	sst s7  }
0x10: {  	[smem:$0x3FB5] =	sst s8  }
0x11: {  	[smem:$0x3FB6] =	sst s9;
	s0 =	simm.s32 @!p0 $0x0  }
0x12: {  	s1 =	sld [smem:$0x3F9C];
	s0 =	simm.s32 @p0 $0x1  }
0x13: {  	[smem:$0x3FB7] =	sst s0;
	s0 =	simm.s32 @!p1 $0x0  }
0x14: {  	s2 =	sld [smem:$0x3F9B];
	s0 =	simm.s32 @p1 $0x1  }
0x15: {  	[smem:$0x3FB8] =	sst s0;
	s0 =	simm.s32 @!p2 $0x0  }
0x16: {  	s3 =	sld [smem:$0x3FDB];
	s0 =	simm.s32 @p2 $0x1  }
0x17: {  	s4 =	simm.s32 $0x1BF5;
	[smem:$0x3FBA] =	sst s0  }
0x18: {  	s0 =	sld [smem:$0x3F9D];
	_ =	swait.ge [sflag:s4], $0x0  }
0x19: {  	s7 =	sld [smem:$0x3F9E]  }
0x1a: {  	s8 =	sadd.s32 $0xFFFFE003, lr  }
0x1b: {  	s9 =	sadd.s32 $0xFFFFFEF7, lr;
	s5 =	simm.s32 $0xFFFFFFFF;
	p2 =	slt.u32 s8, $0xFFFFF086  }
0x1c: {  	p1 =	slt.u32 s9, $0xF7A;
	s5 =	simm.s32 @!p2 $0x0  }
0x1d: {  	s5 =	simm.s32 @p1 $0x1;
	p0 =	seq.s32 s7, s2  }
0x1e: {  	s7 =	smul.u32 @!p0 $0xF7A, s2;
	p2 =	seq.s32 @!p0 s5, $0x0  }
0x1f: {  	s9 =	smul.u32 $0xF7A, s1;
	s8 =	simm.s32 @!p0 $0x1BF5;
	p2 =	por !p2, p0  }
0x20: {  	[sflag:s8] =	ssyncset.s32 @!p0 $0xFFFFF086;
	s6 =	sadd.s32 @!p0 s3, s7;
	s7 =	simm.s32 @!p0 $0x108  }
0x21: {  	s3 =	sadd.s32 s3, s9;
	s6 =	sadd.s32 @!p0 $0x88, s6;
	s7 =	simm.s32 @p2 $0x1082  }
0x22: {  	[simem:s7], [sflag:s8] =	dma.local @!p0 [hbm:s6], $0xF7A  }
0x23: {  	s9 =	sor.u32 $0xD0000000, s2;
	s6 =	simm.s32 $0x108;
	_ =	swait.ge @!p0 [sflag:s8], $0x0  }
0x24: {  	s3 =	sadd.s32 $0x88, s3;
	s6 =	simm.s32 @!p1 $0x1082;
	[sflag:s4] =	ssyncset.s32 $0xFFFFF086  }
0x25: {  	[simem:s6], [sflag:s4] =	dma.local [hbm:s3], $0xF7A  }
0x26: {  	[smem:$0x3F9E] =	sst s1;
	(tag) =	ssettag s2;
	_ =	strace s9  }
0x27: {  	s1 =	sld [smem:$0x3FAE]  }
0x28: {  	s2 =	sld [smem:$0x3FAF]  }
0x29: {  	s4 =	sld [smem:$0x3FB1]  }
0x2a: {  	p0 =	seq.s32 s5, $0x0;
	s5 =	sld [smem:$0x3FB2]  }
0x2b: {  	s6 =	sld [smem:$0x3FB3]  }
0x2c: {  	s7 =	sld [smem:$0x3FB4]  }
0x2d: {  	s3 =	simm.s32 $0x108;
	s8 =	sld [smem:$0x3FB5]  }
0x2e: {  	s3 =	simm.s32 @!p0 $0x1082;
	s9 =	sld [smem:$0x3FB6]  }
0x2f: {  	lr =	sadd.s32 s0, s3;
	s0 =	sld [smem:$0x3FAD]  }
0x30: {  	s3 =	sld [smem:$0x3FB0]  }
0x31: {  	[smem:$0x3FB9] =	sst s10  }
0x32: {  	s10 =	sld [smem:$0x3FB7];
	_ =	sdelay $0x3  }
0x33: {  	p0 =	seq.s32 s10, $0x1;
	s10 =	sld [smem:$0x3FB9];
	_ =	sdelay $0x3  }
0x34: {  	[smem:$0x3FB9] =	sst s10  }
0x35: {  	s10 =	sld [smem:$0x3FB8];
	_ =	sdelay $0x3  }
0x36: {  	p1 =	seq.s32 s10, $0x1;
	s10 =	sld [smem:$0x3FB9];
	_ =	sdelay $0x3  }
0x37: {  	[smem:$0x3FB9] =	sst s10  }
0x38: {  	s10 =	sld [smem:$0x3FBA]  }
0x39: {  	_ = 	snop;
	(pc) =	sbr.ind lr, $3  }
0x3a: {  	_ = 	snop  }
0x3b: {  	_ = 	snop  }
0x3c: {  	p2 =	seq.s32 s10, $0x1;
	s10 =	sld [smem:$0x3FB9]  }
0x3d: {  	_ =	shalt  }
0x3e: {  	_ =	shalt  }
0x3f: {  	_ =	shalt  }
0x40: {  	_ =	shalt  }
0x41: {  	_ =	shalt  }
0x42: {  	_ =	shalt  }
0x43: {  	_ =	shalt  }
0x44: {  	_ =	shalt  }
0x45: {  	_ =	shalt  }
0x46: {  	_ =	shalt  }
0x47: {  	_ =	shalt  }
0x48: {  	_ =	shalt  }
0x49: {  	_ =	shalt  }
0x4a: {  	_ =	shalt  }
0x4b: {  	_ =	shalt  }
0x4c: {  	_ =	shalt  }
0x4d: {  	_ =	shalt  }
0x4e: {  	_ =	shalt  }
0x4f: {  	_ =	shalt  }
0x50: {  	_ =	shalt  }
0x51: {  	_ =	shalt  }
0x52: {  	_ =	shalt  }
0x53: {  	_ =	shalt  }
0x54: {  	_ =	shalt  }
0x55: {  	_ =	shalt  }
0x56: {  	_ =	shalt  }
0x57: {  	_ =	shalt  }
0x58: {  	_ =	shalt  }
0x59: {  	_ =	shalt  }
0x5a: {  	_ =	shalt  }
0x5b: {  	_ =	shalt  }
0x5c: {  	_ =	shalt  }
0x5d: {  	_ =	shalt  }
0x5e: {  	_ =	shalt  }
0x5f: {  	_ =	shalt  }
0x60: {  	_ =	shalt  }
0x61: {  	_ =	shalt  }
0x62: {  	_ =	shalt  }
0x63: {  	_ =	shalt  }
0x64: {  	_ =	shalt  }
0x65: {  	_ =	shalt  }
0x66: {  	_ =	shalt  }
0x67: {  	_ =	shalt  }
0x68: {  	_ =	shalt  }
0x69: {  	_ =	shalt  }
0x6a: {  	_ =	shalt  }
0x6b: {  	_ =	shalt  }
0x6c: {  	_ =	shalt  }
0x6d: {  	_ =	shalt  }
0x6e: {  	_ =	shalt  }
0x6f: {  	_ =	shalt  }
0x70: {  	_ =	shalt  }
0x71: {  	_ =	shalt  }
0x72: {  	_ =	shalt  }
0x73: {  	_ =	shalt  }
0x74: {  	_ =	shalt  }
0x75: {  	_ =	shalt  }
0x76: {  	_ =	shalt  }
0x77: {  	_ =	shalt  }
0x78: {  	_ =	shalt  }
0x79: {  	_ =	shalt  }
0x7a: {  	_ =	shalt  }
0x7b: {  	_ =	shalt  }
0x7c: {  	_ =	shalt  }
0x7d: {  	_ =	shalt  }
0x7e: {  	_ =	shalt  }
0x7f: {  	_ =	shalt  }
0x80: {  	_ =	shalt  }
0x81: {  	_ =	shalt  }
0x82: {  	_ =	shalt  }
0x83: {  	_ =	shalt  }
0x84: {  	_ =	shalt  }
0x85: {  	_ =	shalt  }
0x86: {  	_ =	shalt  }
0x87: {  	_ =	shalt  }
.Lfunc_end0:
.L_simem_size_0:
called_computation_lowered:
.L_overlay_start_0:
0x88: {  	s2 =	sld [smem:$0x3FD9]  }
0x89: {  	s3 =	sld [smem:$0x3FFE];
	_ =	sdelay $0x1  }
0x8a: {  	s1 =	srdreg.scid  }
0x8b: {  	s0 =	sand.u32 $0x1, s1  }
0x8c: {  	s16 =	sshll.u32 s0, $0xA;
	s2 =	sadd.s32 s3, s2  }
0x8d: {  	s2 =	sadd.s32 s2, s16  }
0x8e: {  	[smem:$0x3FC5] =	sst s2  }
0x8f: {  	_ = 	snop  }
0x90: {  	(tm) =	ssettm $0x1  }
0x91: {  	s17 =	sld [smem:$0x3FFB];
	_ =	sdelay $0x3  }
0x92: {  	_ =	strace s17  }
0x93: {  	s2 =	sld [smem:$0x3FFC];
	_ =	sdelay $0x3  }
0x94: {  	_ =	strace s2  }
0x95: {  	s2 =	sld [smem:$0x3FFD];
	_ =	sdelay $0x3  }
0x96: {  	_ =	strace s2  }
0x97: {  	_ =	strace $0x8FFFFFFF  }
0x98: {  	s18 =	sld [smem:$0x3FDB];
	_ =	sdelay $0x1  }
0x99: {  	s19 =	simm.s32 $_scs_section_size  }
0x9a: {  	s4 =	simm.s32 $_size__tile_overlayer_lowered;
	s5 =	simm.s32 $_tile_overlayer_lowered  }
0x9b: {  	s22 =	simm.s32 $0x1BFF;
	s21 =	sshll.u32 s5, $0x1;
	s2 =	sadd.s32 s19, s18  }
0x9c: {  	s6 =	simm.s32 $0x0;
	s20 =	sshll.u32 s4, $0x1;
	s4 =	sadd.s32 s21, s2  }
0x9d: {  	[timem:s6], [sflag:s22] =	dma.local [hbm:s4], s20  }
0x9e: {  	_ =	swait.ge [sflag:s22], s20  }
0x9f: {  	s3 =	ssub.s32 $0x0, s20;
	[sflag:s22] =	ssyncset.done $0x0  }
0xa0: {  	[sflag:s22] =	ssyncadd.s32 s3;
	_ =	sdelay $0x1  }
0xa1: {  	s23 =	simm.s32 $0x1B8B  }
0xa2: {  	_ =	swait.ge [sflag:s23], $0x1  }
0xa3: {  	[sflag:s23] =	ssyncset.done $0x0  }
0xa4: {  	s25 =	simm.s32 $0x1B8E;
	s24 =	sld [smem:$0x3FFE];
	[sflag:s23] =	ssyncadd.s32 $0xFFFFFFFF  }
0xa5: {  	s26 =	simm.s32 $execute0_lowered;
	[smem:$0x3FD2] =	sst s25  }
0xa6: {  	s4 =	sshll.u32 s26, $0x1;
	_ =	strace $0x80000046;
	[dreg:$0x1] =	wrdreg $0xFFFFFFFF  }
0xa7: {  	s28 =	simm.s32 $_size_execute0_lowered;
	s2 =	sadd.s32 s2, s4;
	[dreg:$0x0] =	wrdreg $0x0  }
0xa8: {  	s4 =	sshll.u32 s28, $0x1;
	[dreg:$0x2] =	wrdreg s2  }
0xa9: {  	[dreg:$0x3] =	wrdreg s4  }
0xaa: {  	[dreg:$0x4] =	wrdreg $0xC0  }
0xab: {  	_ =	task [dreg:s6], $0x5FFFF  }
0xac: {  	[dreg:$0x1] =	wrdreg $0xFFFFFFFF  }
0xad: {  	[dreg:$0x0] =	wrdreg $0x60  }
0xae: {  	[dreg:$0x2] =	wrdreg s24  }
0xaf: {  	[dreg:$0x3] =	wrdreg $0x9  }
0xb0: {  	_ =	task.clear_ibuf [dreg:s6], $0x4FFFF;
	_ =	strace $0x90000046  }
0xb1: {  	s29 =	simm.s32 $0x9;
	_ =	strace $0x80000048  }
0xb2: {  	_ =	swait.ge [sflag:s29], $0x1  }
0xb3: {  	[sflag:s29] =	ssyncadd.s32 $0xFFFFFFFF  }
0xb4: {  	_ =	strace $0x90000048  }
0xb5: {  	_ =	sfence  }
0xb6: {  	s30 =	sld [smem:$0x0];
	_ =	sdelay $0x2  }
0xb7: {  	s31 =	sshll.u32 s1, $0xD;
	s1 =	sshrl.u32 s1, $0x2  }
0xb8: {  	s3 =	sand.u32 $0x4000, s31;
	s1 =	sadd.s32 s1, s30  }
0xb9: {  	s0 =	sor.u32 s3, s0;
	s1 =	sshll.u32 s1, $0x11  }
0xba: {  	s0 =	sor.u32 s1, s0  }
0xbb: {  	s0 =	sadd.s32 $0x8F2B, s0  }
0xbc: {  	[sflag:s0] =	ssyncadd.remote.s32 $0x1  }
0xbd: {  	_ =	sfence.sel $0xFFFF  }
0xbe: {  	[dreg:$0x0] =	wrdreg $0xFFFFFFFF;
	(pc) =	sbr.abs _section_cstart, $3  }
0xbf: {  	[dreg:$0x1] =	wrdreg $0xFFFFFFFF  }
0xc0: {  	_ =	task.clear_ibuf [dreg:s6], $0x2FFFF;
	_ =	strace $0x9FFFFFFF  }
0xc1: {  	(tm) =	ssettm $0x7FFFFFFF  }
tec
execute0_lowered:
.L_overlay_start_1:
0x0: {  	(tag) =	ssettag $0x1  }
0x1: {  	s1 =	srdreg.scid  }
0x2: {  	s0 =	stileid.u32;
	s4 =	rddreg [dreg:$0x0];
	s2 =	simm.s32 $0x0  }
0x3: {  	s9 =	simm.s32 $0xC400;
	s10 =	simm.s32 $0x2;
	s11 =	simm.s32 $0x80  }
0x4: {  	s12 =	simm.s32 $0x400;
	s13 =	simm.s32 $0x3;
	s14 =	simm.s32 $0x0  }
0x5: {  	s3 =	sand.u32 $0x1, s1;
	s30 =	sshll.u32 s0, $0x1;
	s1 =	rddreg [dreg:$0x1]  }
0x6: {  	[smem:$0x7FF] =	sst s2;
	s7 =	sshll.u32 s0, $0xB;
	s5 =	sor.u32 s3, s30  }
0x7: {  	_ =	strace $0x80000047;
	s7 =	sand.u32 $0x6000, s7;
	s3 =	ssub.s32 $0x2, s3  }
0x8: {  	s6 =	smul.u32 $0x6200, s5;
	s5 =	sshll.u32 s5, $0x4;
	s8 =	sshrl.u32 s3, $0x1  }
0x9: {  	s7 =	sadd.s32 s7, s4;
	s5 =	sand.u32 $0x70, s5;
	s31 =	ssub.s32 s3, s8  }
0xa: {  	s8 =	simm.s32 $0x1;
	s6 =	sshrl.u32 s6, $0x3;
	s5 =	sadd.s32 s5, s7  }
0xb: {  	v0 =	vlaneseq.u32;
	s7 =	simm.s32 $0x6200;
	s4 =	sadd.s32 s6, s4;
	s5 =	sadd.s32 $0x31A00, s5  }
0xc: {  	v1 =	vimm.f32 $0.0e+00;
	v2 =	vimm.f32 $1.000000000e+00;
	v3 =	vor.u32 $0x1000, v0;
	s6 =	smax.u32 s31, $0x1;
	s3 =	sadd.s32 $0xA00, s4;
	s4 =	sadd.s32 $0x19200, s4  }
.LBB2_1:
0xd: {  	[tilespmem:$0xC400] =	vst v1  }
0xe: {  	[tilespmem:$0xC410] =	vst v1  }
0xf: {  	[tilespmem:$0xC420] =	vst v1  }
0x10: {  	[tilespmem:$0xC430] =	vst v1  }
0x11: {  	[tilespmem:$0xC440] =	vst v1  }
0x12: {  	[tilespmem:$0xC450] =	vst v1  }
0x13: {  	[tilespmem:$0xC460] =	vst v1  }
0x14: {  	[tilespmem:$0xC470] =	vst v1  }
0x15: {  	[tilespmem:$0xC480] =	vst v1  }
0x16: {  	[tilespmem:$0xC490] =	vst v1  }
0x17: {  	[tilespmem:$0xC4A0] =	vst v1  }
0x18: {  	[tilespmem:$0xC4B0] =	vst v1  }
0x19: {  	[tilespmem:$0xC4C0] =	vst v1  }
0x1a: {  	[tilespmem:$0xC4D0] =	vst v1  }
0x1b: {  	[tilespmem:$0xC4E0] =	vst v1  }
0x1c: {  	[tilespmem:$0xC4F0] =	vst v1  }
0x1d: {  	[tilespmem:$0xC500] =	vst v1  }
0x1e: {  	[tilespmem:$0xC510] =	vst v1  }
0x1f: {  	[tilespmem:$0xC520] =	vst v1  }
0x20: {  	[tilespmem:$0xC530] =	vst v1  }
0x21: {  	[tilespmem:$0xC540] =	vst v1  }
0x22: {  	[tilespmem:$0xC550] =	vst v1  }
0x23: {  	[tilespmem:$0xC560] =	vst v1  }
0x24: {  	[tilespmem:$0xC570] =	vst v1  }
0x25: {  	[tilespmem:$0xC580] =	vst v1  }
0x26: {  	[tilespmem:$0xC590] =	vst v1  }
0x27: {  	[tilespmem:$0xC5A0] =	vst v1  }
0x28: {  	[tilespmem:$0xC5B0] =	vst v1  }
0x29: {  	[tilespmem:$0xC5C0] =	vst v1  }
0x2a: {  	[tilespmem:$0xC5D0] =	vst v1  }
0x2b: {  	[tilespmem:$0xC5E0] =	vst v1  }
0x2c: {  	[tilespmem:$0xC5F0] =	vst v1  }
0x2d: {  	[tilespmem:$0xC600] =	vst v1  }
0x2e: {  	[tilespmem:$0xC610] =	vst v1  }
0x2f: {  	[tilespmem:$0xC620] =	vst v1  }
0x30: {  	[tilespmem:$0xC630] =	vst v1  }
0x31: {  	[tilespmem:$0xC640] =	vst v1  }
0x32: {  	[tilespmem:$0xC650] =	vst v1  }
0x33: {  	[tilespmem:$0xC660] =	vst v1  }
0x34: {  	[tilespmem:$0xC670] =	vst v1  }
0x35: {  	[tilespmem:$0xC680] =	vst v1  }
0x36: {  	[tilespmem:$0xC690] =	vst v1  }
0x37: {  	[tilespmem:$0xC6A0] =	vst v1  }
0x38: {  	[tilespmem:$0xC6B0] =	vst v1  }
0x39: {  	[tilespmem:$0xC6C0] =	vst v1  }
0x3a: {  	[tilespmem:$0xC6D0] =	vst v1  }
0x3b: {  	[tilespmem:$0xC6E0] =	vst v1  }
0x3c: {  	[tilespmem:$0xC6F0] =	vst v1  }
0x3d: {  	[tilespmem:$0xC700] =	vst v1  }
0x3e: {  	[tilespmem:$0xC710] =	vst v1  }
0x3f: {  	[tilespmem:$0xC720] =	vst v1  }
0x40: {  	[tilespmem:$0xC730] =	vst v1  }
0x41: {  	[tilespmem:$0xC740] =	vst v1  }
0x42: {  	[tilespmem:$0xC750] =	vst v1  }
0x43: {  	[tilespmem:$0xC760] =	vst v1  }
0x44: {  	[tilespmem:$0xC770] =	vst v1  }
0x45: {  	[tilespmem:$0xC780] =	vst v1  }
0x46: {  	[tilespmem:$0xC790] =	vst v1  }
0x47: {  	[tilespmem:$0xC7A0] =	vst v1  }
0x48: {  	[tilespmem:$0xC7B0] =	vst v1  }
0x49: {  	[tilespmem:$0xC7C0] =	vst v1  }
0x4a: {  	[tilespmem:$0xC7D0] =	vst v1  }
0x4b: {  	[tilespmem:$0xC7E0] =	vst v1  }
0x4c: {  	[tilespmem:$0xC7F0] =	vst v1  }
0x4d: {  	[tilespmem:$0xC800] =	vst v1  }
0x4e: {  	[tilespmem:$0xC810] =	vst v1  }
0x4f: {  	[tilespmem:$0xC820] =	vst v1  }
0x50: {  	[tilespmem:$0xC830] =	vst v1  }
0x51: {  	[tilespmem:$0xC840] =	vst v1  }
0x52: {  	[tilespmem:$0xC850] =	vst v1  }
0x53: {  	[tilespmem:$0xC860] =	vst v1  }
0x54: {  	[tilespmem:$0xC870] =	vst v1  }
0x55: {  	[tilespmem:$0xC880] =	vst v1  }
0x56: {  	[tilespmem:$0xC890] =	vst v1  }
0x57: {  	[tilespmem:$0xC8A0] =	vst v1  }
0x58: {  	[tilespmem:$0xC8B0] =	vst v1  }
0x59: {  	[tilespmem:$0xC8C0] =	vst v1  }
0x5a: {  	[tilespmem:$0xC8D0] =	vst v1  }
0x5b: {  	[tilespmem:$0xC8E0] =	vst v1  }
0x5c: {  	[tilespmem:$0xC8F0] =	vst v1  }
0x5d: {  	[tilespmem:$0xC900] =	vst v1  }
0x5e: {  	[tilespmem:$0xC910] =	vst v1  }
0x5f: {  	[tilespmem:$0xC920] =	vst v1  }
0x60: {  	[tilespmem:$0xC930] =	vst v1  }
0x61: {  	[tilespmem:$0xC940] =	vst v1  }
0x62: {  	[tilespmem:$0xC950] =	vst v1  }
0x63: {  	[tilespmem:$0xC960] =	vst v1  }
0x64: {  	[tilespmem:$0xC970] =	vst v1  }
0x65: {  	[tilespmem:$0xC980] =	vst v1  }
0x66: {  	[tilespmem:$0xC990] =	vst v1  }
0x67: {  	[tilespmem:$0xC9A0] =	vst v1  }
0x68: {  	[tilespmem:$0xC9B0] =	vst v1  }
0x69: {  	[tilespmem:$0xC9C0] =	vst v1  }
0x6a: {  	[tilespmem:$0xC9D0] =	vst v1  }
0x6b: {  	[tilespmem:$0xC9E0] =	vst v1  }
0x6c: {  	[tilespmem:$0xC9F0] =	vst v1  }
0x6d: {  	[tilespmem:$0xCA00] =	vst v1  }
0x6e: {  	[tilespmem:$0xCA10] =	vst v1  }
0x6f: {  	[tilespmem:$0xCA20] =	vst v1  }
0x70: {  	[tilespmem:$0xCA30] =	vst v1  }
0x71: {  	[tilespmem:$0xCA40] =	vst v1  }
0x72: {  	[tilespmem:$0xCA50] =	vst v1  }
0x73: {  	[tilespmem:$0xCA60] =	vst v1  }
0x74: {  	[tilespmem:$0xCA70] =	vst v1  }
0x75: {  	[tilespmem:$0xCA80] =	vst v1  }
0x76: {  	[tilespmem:$0xCA90] =	vst v1  }
0x77: {  	[tilespmem:$0xCAA0] =	vst v1  }
0x78: {  	[tilespmem:$0xCAB0] =	vst v1  }
0x79: {  	[tilespmem:$0xCAC0] =	vst v1  }
0x7a: {  	[tilespmem:$0xCAD0] =	vst v1  }
0x7b: {  	[tilespmem:$0xCAE0] =	vst v1  }
0x7c: {  	[tilespmem:$0xCAF0] =	vst v1  }
0x7d: {  	[tilespmem:$0xCB00] =	vst v1  }
0x7e: {  	[tilespmem:$0xCB10] =	vst v1  }
0x7f: {  	[tilespmem:$0xCB20] =	vst v1  }
0x80: {  	[tilespmem:$0xCB30] =	vst v1  }
0x81: {  	[tilespmem:$0xCB40] =	vst v1  }
0x82: {  	[tilespmem:$0xCB50] =	vst v1  }
0x83: {  	[tilespmem:$0xCB60] =	vst v1  }
0x84: {  	[tilespmem:$0xCB70] =	vst v1  }
0x85: {  	[tilespmem:$0xCB80] =	vst v1  }
0x86: {  	[tilespmem:$0xCB90] =	vst v1  }
0x87: {  	[tilespmem:$0xCBA0] =	vst v1  }
0x88: {  	[tilespmem:$0xCBB0] =	vst v1  }
0x89: {  	[tilespmem:$0xCBC0] =	vst v1  }
0x8a: {  	[tilespmem:$0xCBD0] =	vst v1  }
0x8b: {  	[tilespmem:$0xCBE0] =	vst v1  }
0x8c: {  	[tilespmem:$0xCBF0] =	vst v1  }
0x8d: {  	[tilespmem:$0xCC00] =	vst v1  }
0x8e: {  	[tilespmem:$0xCC10] =	vst v1  }
0x8f: {  	[tilespmem:$0xCC20] =	vst v1  }
0x90: {  	[tilespmem:$0xCC30] =	vst v1  }
0x91: {  	[tilespmem:$0xCC40] =	vst v1  }
0x92: {  	[tilespmem:$0xCC50] =	vst v1  }
0x93: {  	[tilespmem:$0xCC60] =	vst v1  }
0x94: {  	[tilespmem:$0xCC70] =	vst v1  }
0x95: {  	[tilespmem:$0xCC80] =	vst v1  }
0x96: {  	[tilespmem:$0xCC90] =	vst v1  }
0x97: {  	[tilespmem:$0xCCA0] =	vst v1  }
0x98: {  	[tilespmem:$0xCCB0] =	vst v1  }
0x99: {  	[tilespmem:$0xCCC0] =	vst v1  }
0x9a: {  	[tilespmem:$0xCCD0] =	vst v1  }
0x9b: {  	[tilespmem:$0xCCE0] =	vst v1  }
0x9c: {  	[tilespmem:$0xCCF0] =	vst v1  }
0x9d: {  	[tilespmem:$0xCD00] =	vst v1  }
0x9e: {  	[tilespmem:$0xCD10] =	vst v1  }
0x9f: {  	[tilespmem:$0xCD20] =	vst v1  }
0xa0: {  	[tilespmem:$0xCD30] =	vst v1  }
0xa1: {  	[tilespmem:$0xCD40] =	vst v1  }
0xa2: {  	[tilespmem:$0xCD50] =	vst v1  }
0xa3: {  	[tilespmem:$0xCD60] =	vst v1  }
0xa4: {  	[tilespmem:$0xCD70] =	vst v1  }
0xa5: {  	[tilespmem:$0xCD80] =	vst v1  }
0xa6: {  	[tilespmem:$0xCD90] =	vst v1  }
0xa7: {  	[tilespmem:$0xCDA0] =	vst v1  }
0xa8: {  	[tilespmem:$0xCDB0] =	vst v1  }
0xa9: {  	[tilespmem:$0xCDC0] =	vst v1  }
0xaa: {  	[tilespmem:$0xCDD0] =	vst v1  }
0xab: {  	[tilespmem:$0xCDE0] =	vst v1  }
0xac: {  	[tilespmem:$0xCDF0] =	vst v1  }
0xad: {  	[tilespmem:$0xCE00] =	vst v1  }
0xae: {  	[tilespmem:$0xCE10] =	vst v1  }
0xaf: {  	[tilespmem:$0xCE20] =	vst v1  }
0xb0: {  	[tilespmem:$0xCE30] =	vst v1  }
0xb1: {  	[tilespmem:$0xCE40] =	vst v1  }
0xb2: {  	[tilespmem:$0xCE50] =	vst v1  }
0xb3: {  	[tilespmem:$0xCE60] =	vst v1  }
0xb4: {  	[tilespmem:$0xCE70] =	vst v1  }
0xb5: {  	[tilespmem:$0xCE80] =	vst v1  }
0xb6: {  	[tilespmem:$0xCE90] =	vst v1  }
0xb7: {  	[tilespmem:$0xCEA0] =	vst v1  }
0xb8: {  	[tilespmem:$0xCEB0] =	vst v1  }
0xb9: {  	[tilespmem:$0xCEC0] =	vst v1  }
0xba: {  	[tilespmem:$0xCED0] =	vst v1  }
0xbb: {  	[tilespmem:$0xCEE0] =	vst v1  }
0xbc: {  	[tilespmem:$0xCEF0] =	vst v1  }
0xbd: {  	[tilespmem:$0xCF00] =	vst v1  }
0xbe: {  	[tilespmem:$0xCF10] =	vst v1  }
0xbf: {  	[tilespmem:$0xCF20] =	vst v1  }
0xc0: {  	[tilespmem:$0xCF30] =	vst v1  }
0xc1: {  	[tilespmem:$0xCF40] =	vst v1  }
0xc2: {  	[tilespmem:$0xCF50] =	vst v1  }
0xc3: {  	[tilespmem:$0xCF60] =	vst v1  }
0xc4: {  	[tilespmem:$0xCF70] =	vst v1  }
0xc5: {  	[tilespmem:$0xCF80] =	vst v1  }
0xc6: {  	[tilespmem:$0xCF90] =	vst v1  }
0xc7: {  	[tilespmem:$0xCFA0] =	vst v1  }
0xc8: {  	[tilespmem:$0xCFB0] =	vst v1  }
0xc9: {  	[tilespmem:$0xCFC0] =	vst v1  }
0xca: {  	[tilespmem:$0xCFD0] =	vst v1  }
0xcb: {  	[tilespmem:$0xCFE0] =	vst v1  }
0xcc: {  	[tilespmem:$0xCFF0] =	vst v1  }
0xcd: {  	[tilespmem:$0xD000] =	vst v1  }
0xce: {  	[tilespmem:$0xD010] =	vst v1  }
0xcf: {  	[tilespmem:$0xD020] =	vst v1  }
0xd0: {  	[tilespmem:$0xD030] =	vst v1  }
0xd1: {  	[tilespmem:$0xD040] =	vst v1  }
0xd2: {  	[tilespmem:$0xD050] =	vst v1  }
0xd3: {  	[tilespmem:$0xD060] =	vst v1  }
0xd4: {  	[tilespmem:$0xD070] =	vst v1  }
0xd5: {  	[tilespmem:$0xD080] =	vst v1  }
0xd6: {  	[tilespmem:$0xD090] =	vst v1  }
0xd7: {  	[tilespmem:$0xD0A0] =	vst v1  }
0xd8: {  	[tilespmem:$0xD0B0] =	vst v1  }
0xd9: {  	[tilespmem:$0xD0C0] =	vst v1  }
0xda: {  	[tilespmem:$0xD0D0] =	vst v1  }
0xdb: {  	[tilespmem:$0xD0E0] =	vst v1  }
0xdc: {  	[tilespmem:$0xD0F0] =	vst v1  }
0xdd: {  	[tilespmem:$0xD100] =	vst v1  }
0xde: {  	[tilespmem:$0xD110] =	vst v1  }
0xdf: {  	[tilespmem:$0xD120] =	vst v1  }
0xe0: {  	[tilespmem:$0xD130] =	vst v1  }
0xe1: {  	[tilespmem:$0xD140] =	vst v1  }
0xe2: {  	[tilespmem:$0xD150] =	vst v1  }
0xe3: {  	[tilespmem:$0xD160] =	vst v1  }
0xe4: {  	[tilespmem:$0xD170] =	vst v1  }
0xe5: {  	[tilespmem:$0xD180] =	vst v1  }
0xe6: {  	[tilespmem:$0xD190] =	vst v1  }
0xe7: {  	[tilespmem:$0xD1A0] =	vst v1  }
0xe8: {  	[tilespmem:$0xD1B0] =	vst v1  }
0xe9: {  	[tilespmem:$0xD1C0] =	vst v1  }
0xea: {  	[tilespmem:$0xD1D0] =	vst v1  }
0xeb: {  	[tilespmem:$0xD1E0] =	vst v1  }
0xec: {  	[tilespmem:$0xD1F0] =	vst v1  }
0xed: {  	[tilespmem:$0xD200] =	vst v1  }
0xee: {  	[tilespmem:$0xD210] =	vst v1  }
0xef: {  	[tilespmem:$0xD220] =	vst v1  }
0xf0: {  	[tilespmem:$0xD230] =	vst v1  }
0xf1: {  	[tilespmem:$0xD240] =	vst v1  }
0xf2: {  	[tilespmem:$0xD250] =	vst v1  }
0xf3: {  	[tilespmem:$0xD260] =	vst v1  }
0xf4: {  	[tilespmem:$0xD270] =	vst v1  }
0xf5: {  	[tilespmem:$0xD280] =	vst v1  }
0xf6: {  	[tilespmem:$0xD290] =	vst v1  }
0xf7: {  	[tilespmem:$0xD2A0] =	vst v1  }
0xf8: {  	[tilespmem:$0xD2B0] =	vst v1  }
0xf9: {  	[tilespmem:$0xD2C0] =	vst v1  }
0xfa: {  	[tilespmem:$0xD2D0] =	vst v1  }
0xfb: {  	[tilespmem:$0xD2E0] =	vst v1  }
0xfc: {  	[tilespmem:$0xD2F0] =	vst v1  }
0xfd: {  	[tilespmem:$0xD300] =	vst v1  }
0xfe: {  	[tilespmem:$0xD310] =	vst v1  }
0xff: {  	[tilespmem:$0xD320] =	vst v1  }
0x100: {  	[tilespmem:$0xD330] =	vst v1  }
0x101: {  	[tilespmem:$0xD340] =	vst v1  }
0x102: {  	[tilespmem:$0xD350] =	vst v1  }
0x103: {  	[tilespmem:$0xD360] =	vst v1  }
0x104: {  	[tilespmem:$0xD370] =	vst v1  }
0x105: {  	[tilespmem:$0xD380] =	vst v1  }
0x106: {  	[tilespmem:$0xD390] =	vst v1  }
0x107: {  	[tilespmem:$0xD3A0] =	vst v1  }
0x108: {  	[tilespmem:$0xD3B0] =	vst v1  }
0x109: {  	[tilespmem:$0xD3C0] =	vst v1  }
0x10a: {  	[tilespmem:$0xD3D0] =	vst v1  }
0x10b: {  	[tilespmem:$0xD3E0] =	vst v1  }
0x10c: {  	[tilespmem:$0xD3F0] =	vst v1  }
0x10d: {  	[tilespmem:$0xD400] =	vst v1  }
0x10e: {  	[tilespmem:$0xD410] =	vst v1  }
0x10f: {  	[tilespmem:$0xD420] =	vst v1  }
0x110: {  	[tilespmem:$0xD430] =	vst v1  }
0x111: {  	[tilespmem:$0xD440] =	vst v1  }
0x112: {  	[tilespmem:$0xD450] =	vst v1  }
0x113: {  	[tilespmem:$0xD460] =	vst v1  }
0x114: {  	[tilespmem:$0xD470] =	vst v1  }
0x115: {  	[tilespmem:$0xD480] =	vst v1  }
0x116: {  	[tilespmem:$0xD490] =	vst v1  }
0x117: {  	[tilespmem:$0xD4A0] =	vst v1  }
0x118: {  	[tilespmem:$0xD4B0] =	vst v1  }
0x119: {  	[tilespmem:$0xD4C0] =	vst v1  }
0x11a: {  	[tilespmem:$0xD4D0] =	vst v1  }
0x11b: {  	[tilespmem:$0xD4E0] =	vst v1  }
0x11c: {  	[tilespmem:$0xD4F0] =	vst v1  }
0x11d: {  	[tilespmem:$0xD500] =	vst v1  }
0x11e: {  	[tilespmem:$0xD510] =	vst v1  }
0x11f: {  	[tilespmem:$0xD520] =	vst v1  }
0x120: {  	[tilespmem:$0xD530] =	vst v1  }
0x121: {  	[tilespmem:$0xD540] =	vst v1  }
0x122: {  	[tilespmem:$0xD550] =	vst v1  }
0x123: {  	[tilespmem:$0xD560] =	vst v1  }
0x124: {  	[tilespmem:$0xD570] =	vst v1  }
0x125: {  	[tilespmem:$0xD580] =	vst v1  }
0x126: {  	[tilespmem:$0xD590] =	vst v1  }
0x127: {  	[tilespmem:$0xD5A0] =	vst v1  }
0x128: {  	[tilespmem:$0xD5B0] =	vst v1  }
0x129: {  	[tilespmem:$0xD5C0] =	vst v1  }
0x12a: {  	[tilespmem:$0xD5D0] =	vst v1  }
0x12b: {  	[tilespmem:$0xD5E0] =	vst v1  }
0x12c: {  	[tilespmem:$0xD5F0] =	vst v1  }
0x12d: {  	[tilespmem:$0xD600] =	vst v1  }
0x12e: {  	[tilespmem:$0xD610] =	vst v1  }
0x12f: {  	[tilespmem:$0xD620] =	vst v1  }
0x130: {  	[tilespmem:$0xD630] =	vst v1  }
0x131: {  	[tilespmem:$0xD640] =	vst v1  }
0x132: {  	[tilespmem:$0xD650] =	vst v1  }
0x133: {  	[tilespmem:$0xD660] =	vst v1  }
0x134: {  	[tilespmem:$0xD670] =	vst v1  }
0x135: {  	[tilespmem:$0xD680] =	vst v1  }
0x136: {  	[tilespmem:$0xD690] =	vst v1  }
0x137: {  	[tilespmem:$0xD6A0] =	vst v1  }
0x138: {  	[tilespmem:$0xD6B0] =	vst v1  }
0x139: {  	[tilespmem:$0xD6C0] =	vst v1  }
0x13a: {  	[tilespmem:$0xD6D0] =	vst v1  }
0x13b: {  	[tilespmem:$0xD6E0] =	vst v1  }
0x13c: {  	[tilespmem:$0xD6F0] =	vst v1  }
0x13d: {  	[tilespmem:$0xD700] =	vst v1  }
0x13e: {  	[tilespmem:$0xD710] =	vst v1  }
0x13f: {  	[tilespmem:$0xD720] =	vst v1  }
0x140: {  	[tilespmem:$0xD730] =	vst v1  }
0x141: {  	[tilespmem:$0xD740] =	vst v1  }
0x142: {  	[tilespmem:$0xD750] =	vst v1  }
0x143: {  	[tilespmem:$0xD760] =	vst v1  }
0x144: {  	[tilespmem:$0xD770] =	vst v1  }
0x145: {  	[tilespmem:$0xD780] =	vst v1  }
0x146: {  	[tilespmem:$0xD790] =	vst v1  }
0x147: {  	[tilespmem:$0xD7A0] =	vst v1  }
0x148: {  	[tilespmem:$0xD7B0] =	vst v1  }
0x149: {  	[tilespmem:$0xD7C0] =	vst v1  }
0x14a: {  	[tilespmem:$0xD7D0] =	vst v1  }
0x14b: {  	[tilespmem:$0xD7E0] =	vst v1  }
0x14c: {  	[tilespmem:$0xD7F0] =	vst v1  }
0x14d: {  	[tilespmem:$0xD800] =	vst v1  }
0x14e: {  	[tilespmem:$0xD810] =	vst v1  }
0x14f: {  	[tilespmem:$0xD820] =	vst v1  }
0x150: {  	[tilespmem:$0xD830] =	vst v1  }
0x151: {  	[tilespmem:$0xD840] =	vst v1  }
0x152: {  	[tilespmem:$0xD850] =	vst v1  }
0x153: {  	[tilespmem:$0xD860] =	vst v1  }
0x154: {  	[tilespmem:$0xD870] =	vst v1  }
0x155: {  	[tilespmem:$0xD880] =	vst v1  }
0x156: {  	[tilespmem:$0xD890] =	vst v1  }
0x157: {  	[tilespmem:$0xD8A0] =	vst v1  }
0x158: {  	[tilespmem:$0xD8B0] =	vst v1  }
0x159: {  	[tilespmem:$0xD8C0] =	vst v1  }
0x15a: {  	[tilespmem:$0xD8D0] =	vst v1  }
0x15b: {  	[tilespmem:$0xD8E0] =	vst v1  }
0x15c: {  	[tilespmem:$0xD8F0] =	vst v1  }
0x15d: {  	[tilespmem:$0xD900] =	vst v1  }
0x15e: {  	[tilespmem:$0xD910] =	vst v1  }
0x15f: {  	[tilespmem:$0xD920] =	vst v1  }
0x160: {  	[tilespmem:$0xD930] =	vst v1  }
0x161: {  	[tilespmem:$0xD940] =	vst v1  }
0x162: {  	[tilespmem:$0xD950] =	vst v1  }
0x163: {  	[tilespmem:$0xD960] =	vst v1  }
0x164: {  	[tilespmem:$0xD970] =	vst v1  }
0x165: {  	[tilespmem:$0xD980] =	vst v1  }
0x166: {  	[tilespmem:$0xD990] =	vst v1  }
0x167: {  	[tilespmem:$0xD9A0] =	vst v1  }
0x168: {  	[tilespmem:$0xD9B0] =	vst v1  }
0x169: {  	[tilespmem:$0xD9C0] =	vst v1  }
0x16a: {  	[tilespmem:$0xD9D0] =	vst v1  }
0x16b: {  	[tilespmem:$0xD9E0] =	vst v1  }
0x16c: {  	[tilespmem:$0xD9F0] =	vst v1  }
0x16d: {  	[tilespmem:$0xDA00] =	vst v1  }
0x16e: {  	[tilespmem:$0xDA10] =	vst v1  }
0x16f: {  	[tilespmem:$0xDA20] =	vst v1  }
0x170: {  	[tilespmem:$0xDA30] =	vst v1  }
0x171: {  	[tilespmem:$0xDA40] =	vst v1  }
0x172: {  	[tilespmem:$0xDA50] =	vst v1  }
0x173: {  	[tilespmem:$0xDA60] =	vst v1  }
0x174: {  	[tilespmem:$0xDA70] =	vst v1  }
0x175: {  	[tilespmem:$0xDA80] =	vst v1  }
0x176: {  	[tilespmem:$0xDA90] =	vst v1  }
0x177: {  	[tilespmem:$0xDAA0] =	vst v1  }
0x178: {  	[tilespmem:$0xDAB0] =	vst v1  }
0x179: {  	[tilespmem:$0xDAC0] =	vst v1  }
0x17a: {  	[tilespmem:$0xDAD0] =	vst v1  }
0x17b: {  	[tilespmem:$0xDAE0] =	vst v1  }
0x17c: {  	[tilespmem:$0xDAF0] =	vst v1  }
0x17d: {  	[tilespmem:$0xDB00] =	vst v1  }
0x17e: {  	[tilespmem:$0xDB10] =	vst v1  }
0x17f: {  	[tilespmem:$0xDB20] =	vst v1  }
0x180: {  	[tilespmem:$0xDB30] =	vst v1  }
0x181: {  	[tilespmem:$0xDB40] =	vst v1  }
0x182: {  	[tilespmem:$0xDB50] =	vst v1  }
0x183: {  	[tilespmem:$0xDB60] =	vst v1  }
0x184: {  	[tilespmem:$0xDB70] =	vst v1  }
0x185: {  	[tilespmem:$0xDB80] =	vst v1  }
0x186: {  	[tilespmem:$0xDB90] =	vst v1  }
0x187: {  	[tilespmem:$0xDBA0] =	vst v1  }
0x188: {  	[tilespmem:$0xDBB0] =	vst v1  }
0x189: {  	[tilespmem:$0xDBC0] =	vst v1  }
0x18a: {  	[tilespmem:$0xDBD0] =	vst v1  }
0x18b: {  	[tilespmem:$0xDBE0] =	vst v1  }
0x18c: {  	[tilespmem:$0xDBF0] =	vst v1  }
0x18d: {  	[tilespmem:$0xDC00] =	vst v1  }
0x18e: {  	[tilespmem:$0xDC10] =	vst v1  }
0x18f: {  	[tilespmem:$0xDC20] =	vst v1  }
0x190: {  	[tilespmem:$0xDC30] =	vst v1  }
0x191: {  	[tilespmem:$0xDC40] =	vst v1  }
0x192: {  	[tilespmem:$0xDC50] =	vst v1  }
0x193: {  	[tilespmem:$0xDC60] =	vst v1  }
0x194: {  	[tilespmem:$0xDC70] =	vst v1  }
0x195: {  	[tilespmem:$0xDC80] =	vst v1  }
0x196: {  	[tilespmem:$0xDC90] =	vst v1  }
0x197: {  	[tilespmem:$0xDCA0] =	vst v1  }
0x198: {  	[tilespmem:$0xDCB0] =	vst v1  }
0x199: {  	[tilespmem:$0xDCC0] =	vst v1  }
0x19a: {  	[tilespmem:$0xDCD0] =	vst v1  }
0x19b: {  	[tilespmem:$0xDCE0] =	vst v1  }
0x19c: {  	[tilespmem:$0xDCF0] =	vst v1  }
0x19d: {  	[tilespmem:$0xDD00] =	vst v1  }
0x19e: {  	[tilespmem:$0xDD10] =	vst v1  }
0x19f: {  	[tilespmem:$0xDD20] =	vst v1  }
0x1a0: {  	[tilespmem:$0xDD30] =	vst v1  }
0x1a1: {  	[tilespmem:$0xDD40] =	vst v1  }
0x1a2: {  	[tilespmem:$0xDD50] =	vst v1  }
0x1a3: {  	[tilespmem:$0xDD60] =	vst v1  }
0x1a4: {  	[tilespmem:$0xDD70] =	vst v1  }
0x1a5: {  	[tilespmem:$0xDD80] =	vst v1  }
0x1a6: {  	[tilespmem:$0xDD90] =	vst v1  }
0x1a7: {  	[tilespmem:$0xDDA0] =	vst v1  }
0x1a8: {  	[tilespmem:$0xDDB0] =	vst v1  }
0x1a9: {  	[tilespmem:$0xDDC0] =	vst v1  }
0x1aa: {  	[tilespmem:$0xDDD0] =	vst v1  }
0x1ab: {  	[tilespmem:$0xDDE0] =	vst v1  }
0x1ac: {  	[tilespmem:$0xDDF0] =	vst v1  }
0x1ad: {  	[tilespmem:$0xDE00] =	vst v1  }
0x1ae: {  	[tilespmem:$0xDE10] =	vst v1  }
0x1af: {  	[tilespmem:$0xDE20] =	vst v1  }
0x1b0: {  	[tilespmem:$0xDE30] =	vst v1  }
0x1b1: {  	[tilespmem:$0xDE40] =	vst v1  }
0x1b2: {  	[tilespmem:$0xDE50] =	vst v1  }
0x1b3: {  	[tilespmem:$0xDE60] =	vst v1  }
0x1b4: {  	[tilespmem:$0xDE70] =	vst v1  }
0x1b5: {  	[tilespmem:$0xDE80] =	vst v1  }
0x1b6: {  	[tilespmem:$0xDE90] =	vst v1  }
0x1b7: {  	[tilespmem:$0xDEA0] =	vst v1  }
0x1b8: {  	[tilespmem:$0xDEB0] =	vst v1  }
0x1b9: {  	[tilespmem:$0xDEC0] =	vst v1  }
0x1ba: {  	[tilespmem:$0xDED0] =	vst v1  }
0x1bb: {  	[tilespmem:$0xDEE0] =	vst v1  }
0x1bc: {  	[tilespmem:$0xDEF0] =	vst v1  }
0x1bd: {  	[tilespmem:$0xDF00] =	vst v1  }
0x1be: {  	[tilespmem:$0xDF10] =	vst v1  }
0x1bf: {  	[tilespmem:$0xDF20] =	vst v1  }
0x1c0: {  	[tilespmem:$0xDF30] =	vst v1  }
0x1c1: {  	[tilespmem:$0xDF40] =	vst v1  }
0x1c2: {  	[tilespmem:$0xDF50] =	vst v1  }
0x1c3: {  	[tilespmem:$0xDF60] =	vst v1  }
0x1c4: {  	[tilespmem:$0xDF70] =	vst v1  }
0x1c5: {  	[tilespmem:$0xDF80] =	vst v1  }
0x1c6: {  	[tilespmem:$0xDF90] =	vst v1  }
0x1c7: {  	[tilespmem:$0xDFA0] =	vst v1  }
0x1c8: {  	[tilespmem:$0xDFB0] =	vst v1  }
0x1c9: {  	[tilespmem:$0xDFC0] =	vst v1  }
0x1ca: {  	[tilespmem:$0xDFD0] =	vst v1  }
0x1cb: {  	[tilespmem:$0xDFE0] =	vst v1  }
0x1cc: {  	[tilespmem:$0xDFF0] =	vst v1  }
0x1cd: {  	[tilespmem:$0xE000] =	vst v1  }
0x1ce: {  	[tilespmem:$0xE010] =	vst v1  }
0x1cf: {  	[tilespmem:$0xE020] =	vst v1  }
0x1d0: {  	[tilespmem:$0xE030] =	vst v1  }
0x1d1: {  	[tilespmem:$0xE040] =	vst v1  }
0x1d2: {  	[tilespmem:$0xE050] =	vst v1  }
0x1d3: {  	[tilespmem:$0xE060] =	vst v1  }
0x1d4: {  	[tilespmem:$0xE070] =	vst v1  }
0x1d5: {  	[tilespmem:$0xE080] =	vst v1  }
0x1d6: {  	[tilespmem:$0xE090] =	vst v1  }
0x1d7: {  	[tilespmem:$0xE0A0] =	vst v1  }
0x1d8: {  	[tilespmem:$0xE0B0] =	vst v1  }
0x1d9: {  	[tilespmem:$0xE0C0] =	vst v1  }
0x1da: {  	[tilespmem:$0xE0D0] =	vst v1  }
0x1db: {  	[tilespmem:$0xE0E0] =	vst v1  }
0x1dc: {  	[tilespmem:$0xE0F0] =	vst v1  }
0x1dd: {  	[tilespmem:$0xE100] =	vst v1  }
0x1de: {  	[tilespmem:$0xE110] =	vst v1  }
0x1df: {  	[tilespmem:$0xE120] =	vst v1  }
0x1e0: {  	[tilespmem:$0xE130] =	vst v1  }
0x1e1: {  	[tilespmem:$0xE140] =	vst v1  }
0x1e2: {  	[tilespmem:$0xE150] =	vst v1  }
0x1e3: {  	[tilespmem:$0xE160] =	vst v1  }
0x1e4: {  	[tilespmem:$0xE170] =	vst v1  }
0x1e5: {  	[tilespmem:$0xE180] =	vst v1  }
0x1e6: {  	[tilespmem:$0xE190] =	vst v1  }
0x1e7: {  	[tilespmem:$0xE1A0] =	vst v1  }
0x1e8: {  	[tilespmem:$0xE1B0] =	vst v1  }
0x1e9: {  	[tilespmem:$0xE1C0] =	vst v1  }
0x1ea: {  	[tilespmem:$0xE1D0] =	vst v1  }
0x1eb: {  	[tilespmem:$0xE1E0] =	vst v1  }
0x1ec: {  	[tilespmem:$0xE1F0] =	vst v1  }
0x1ed: {  	[tilespmem:$0xE200] =	vst v1  }
0x1ee: {  	[tilespmem:$0xE210] =	vst v1  }
0x1ef: {  	[tilespmem:$0xE220] =	vst v1  }
0x1f0: {  	[tilespmem:$0xE230] =	vst v1  }
0x1f1: {  	[tilespmem:$0xE240] =	vst v1  }
0x1f2: {  	[tilespmem:$0xE250] =	vst v1  }
0x1f3: {  	[tilespmem:$0xE260] =	vst v1  }
0x1f4: {  	[tilespmem:$0xE270] =	vst v1  }
0x1f5: {  	[tilespmem:$0xE280] =	vst v1  }
0x1f6: {  	[tilespmem:$0xE290] =	vst v1  }
0x1f7: {  	[tilespmem:$0xE2A0] =	vst v1  }
0x1f8: {  	[tilespmem:$0xE2B0] =	vst v1  }
0x1f9: {  	[tilespmem:$0xE2C0] =	vst v1  }
0x1fa: {  	[tilespmem:$0xE2D0] =	vst v1  }
0x1fb: {  	[tilespmem:$0xE2E0] =	vst v1  }
0x1fc: {  	[tilespmem:$0xE2F0] =	vst v1  }
0x1fd: {  	[tilespmem:$0xE300] =	vst v1  }
0x1fe: {  	[tilespmem:$0xE310] =	vst v1  }
0x1ff: {  	[tilespmem:$0xE320] =	vst v1  }
0x200: {  	[tilespmem:$0xE330] =	vst v1  }
0x201: {  	[tilespmem:$0xE340] =	vst v1  }
0x202: {  	[tilespmem:$0xE350] =	vst v1  }
0x203: {  	[tilespmem:$0xE360] =	vst v1  }
0x204: {  	[tilespmem:$0xE370] =	vst v1  }
0x205: {  	[tilespmem:$0xE380] =	vst v1  }
0x206: {  	[tilespmem:$0xE390] =	vst v1  }
0x207: {  	[tilespmem:$0xE3A0] =	vst v1  }
0x208: {  	[tilespmem:$0xE3B0] =	vst v1  }
0x209: {  	[tilespmem:$0xE3C0] =	vst v1  }
0x20a: {  	[tilespmem:$0xE3D0] =	vst v1  }
0x20b: {  	[tilespmem:$0xE3E0] =	vst v1  }
0x20c: {  	[tilespmem:$0xE3F0] =	vst v1  }
0x20d: {  	[tilespmem:s2], [sflag:$0x1] =	stream.linear.gather [hbm4b:s3+s2], $0x6200, $0x38;
	[tilespmem:$0xE400] =	vst v63  }
0x20e: {  	_ = 	snop  }
0x20f: {  	[tilespmem:s7], [sflag:$0x2] =	stream.linear.gather [hbm4b:s4+s2], $0x6200, $0x38;
	[tilespmem:$0xE400] =	vst v63  }
0x210: {  	_ =	swait.ge [sflag:s8], $0x6200  }
0x211: {  	[sflag:s8] =	ssyncset.done $0x0  }
0x212: {  	s15 =	simm.s32 $0xFFFFFFF0;
	s16 =	simm.s32 $0x80;
	[sflag:s8] =	ssyncadd.s32 $0xFFFF9E00  }
.LBB2_2:
0x213: {  	v4 =	vld [tilespmem:s16+$0xFFFFFF80];
	_ =	sdelay $0x4  }
0x214: {  	v5 =	vmul.f32 $2.560000000e+02, v4;
	_ =	sdelay $0x1  }
0x215: {  	v5 =	vtrunc.f32 v5  }
0x216: {  	v5 =	vcvt.f32.s32 v5;
	_ =	sdelay $0x1  }
0x217: {  	vm0 =	vgt.s32 v5, $0x0  }
0x218: {  	v5 =	vnsel vm0, $0x0, v5  }
0x219: {  	v5 =	vmin.u32 v5, $0xFF  }
0x21a: {  	v5 =	vshll.u32 v5, $0x4  }
0x21b: {  	v6 =	vor.u32 v0, v5  }
0x21c: {  	v5 =	vor.u32 v3, v5;
	_ =	sdelay $0x3  }
0x21d: {  	[tilespmem:v6+s9+$0x0] =	vst.idx.add.f32.msk $0xffff, v2  }
0x21e: {  	[tilespmem:v5+s9+$0x0] =	vst.idx.add.f32.msk $0xffff, v4  }
0x21f: {  	v4 =	vld [tilespmem:s16+$0xFFFFFF90];
	_ =	sdelay $0x4  }
0x220: {  	v5 =	vmul.f32 $2.560000000e+02, v4;
	_ =	sdelay $0x1  }
0x221: {  	v5 =	vtrunc.f32 v5  }
0x222: {  	v5 =	vcvt.f32.s32 v5;
	_ =	sdelay $0x1  }
0x223: {  	vm13 =	vgt.s32 v5, $0x0  }
0x224: {  	v5 =	vnsel vm13, $0x0, v5  }
0x225: {  	v5 =	vmin.u32 v5, $0xFF  }
0x226: {  	v5 =	vshll.u32 v5, $0x4  }
0x227: {  	v49 =	vor.u32 v0, v5  }
0x228: {  	v5 =	vor.u32 v3, v5;
	_ =	sdelay $0x3  }
0x229: {  	[tilespmem:v49+s9+$0x0] =	vst.idx.add.f32.msk $0xffff, v2  }
0x22a: {  	[tilespmem:v5+s9+$0x0] =	vst.idx.add.f32.msk $0xffff, v4  }
0x22b: {  	v4 =	vld [tilespmem:s16+$0xFFFFFFA0];
	_ =	sdelay $0x4  }
0x22c: {  	v5 =	vmul.f32 $2.560000000e+02, v4;
	_ =	sdelay $0x1  }
0x22d: {  	v5 =	vtrunc.f32 v5  }
0x22e: {  	v5 =	vcvt.f32.s32 v5;
	_ =	sdelay $0x1  }
0x22f: {  	vm14 =	vgt.s32 v5, $0x0  }
0x230: {  	v5 =	vnsel vm14, $0x0, v5  }
0x231: {  	v5 =	vmin.u32 v5, $0xFF  }
0x232: {  	v5 =	vshll.u32 v5, $0x4  }
0x233: {  	v50 =	vor.u32 v0, v5  }
0x234: {  	v5 =	vor.u32 v3, v5;
	_ =	sdelay $0x3  }
0x235: {  	[tilespmem:v50+s9+$0x0] =	vst.idx.add.f32.msk $0xffff, v2  }
0x236: {  	[tilespmem:v5+s9+$0x0] =	vst.idx.add.f32.msk $0xffff, v4  }
0x237: {  	v4 =	vld [tilespmem:s16+$0xFFFFFFB0];
	_ =	sdelay $0x4  }
0x238: {  	v5 =	vmul.f32 $2.560000000e+02, v4;
	_ =	sdelay $0x1  }
0x239: {  	v5 =	vtrunc.f32 v5  }
0x23a: {  	v5 =	vcvt.f32.s32 v5;
	_ =	sdelay $0x1  }
0x23b: {  	vm15 =	vgt.s32 v5, $0x0  }
0x23c: {  	v5 =	vnsel vm15, $0x0, v5  }
0x23d: {  	v5 =	vmin.u32 v5, $0xFF  }
0x23e: {  	v5 =	vshll.u32 v5, $0x4  }
0x23f: {  	v51 =	vor.u32 v0, v5  }
0x240: {  	v5 =	vor.u32 v3, v5;
	_ =	sdelay $0x3  }
0x241: {  	[tilespmem:v51+s9+$0x0] =	vst.idx.add.f32.msk $0xffff, v2  }
0x242: {  	[tilespmem:v5+s9+$0x0] =	vst.idx.add.f32.msk $0xffff, v4  }
0x243: {  	v4 =	vld [tilespmem:s16+$0xFFFFFFC0];
	_ =	sdelay $0x4  }
0x244: {  	v5 =	vmul.f32 $2.560000000e+02, v4;
	_ =	sdelay $0x1  }
0x245: {  	v5 =	vtrunc.f32 v5  }
0x246: {  	v5 =	vcvt.f32.s32 v5;
	_ =	sdelay $0x1  }
0x247: {  	vm4 =	vgt.s32 v5, $0x0  }
0x248: {  	v5 =	vnsel vm4, $0x0, v5  }
0x249: {  	v5 =	vmin.u32 v5, $0xFF  }
0x24a: {  	v5 =	vshll.u32 v5, $0x4  }
0x24b: {  	v52 =	vor.u32 v0, v5  }
0x24c: {  	v5 =	vor.u32 v3, v5;
	_ =	sdelay $0x3  }
0x24d: {  	[tilespmem:v52+s9+$0x0] =	vst.idx.add.f32.msk $0xffff, v2  }
0x24e: {  	[tilespmem:v5+s9+$0x0] =	vst.idx.add.f32.msk $0xffff, v4  }
0x24f: {  	v4 =	vld [tilespmem:s16+$0xFFFFFFD0];
	_ =	sdelay $0x4  }
0x250: {  	v5 =	vmul.f32 $2.560000000e+02, v4;
	_ =	sdelay $0x1  }
0x251: {  	v5 =	vtrunc.f32 v5  }
0x252: {  	v5 =	vcvt.f32.s32 v5;
	_ =	sdelay $0x1  }
0x253: {  	vm5 =	vgt.s32 v5, $0x0  }
0x254: {  	v5 =	vnsel vm5, $0x0, v5  }
0x255: {  	v5 =	vmin.u32 v5, $0xFF  }
0x256: {  	v5 =	vshll.u32 v5, $0x4  }
0x257: {  	v53 =	vor.u32 v0, v5  }
0x258: {  	v5 =	vor.u32 v3, v5;
	_ =	sdelay $0x3  }
0x259: {  	[tilespmem:v53+s9+$0x0] =	vst.idx.add.f32.msk $0xffff, v2  }
0x25a: {  	[tilespmem:v5+s9+$0x0] =	vst.idx.add.f32.msk $0xffff, v4  }
0x25b: {  	v4 =	vld [tilespmem:s16+$0xFFFFFFE0];
	_ =	sdelay $0x4  }
0x25c: {  	v5 =	vmul.f32 $2.560000000e+02, v4;
	_ =	sdelay $0x1  }
0x25d: {  	v5 =	vtrunc.f32 v5  }
0x25e: {  	v5 =	vcvt.f32.s32 v5;
	_ =	sdelay $0x1  }
0x25f: {  	vm6 =	vgt.s32 v5, $0x0  }
0x260: {  	v5 =	vnsel vm6, $0x0, v5  }
0x261: {  	v5 =	vmin.u32 v5, $0xFF  }
0x262: {  	v5 =	vshll.u32 v5, $0x4  }
0x263: {  	v54 =	vor.u32 v0, v5  }
0x264: {  	v5 =	vor.u32 v3, v5;
	_ =	sdelay $0x3  }
0x265: {  	[tilespmem:v54+s9+$0x0] =	vst.idx.add.f32.msk $0xffff, v2  }
0x266: {  	[tilespmem:v5+s9+$0x0] =	vst.idx.add.f32.msk $0xffff, v4  }
0x267: {  	v4 =	vld [tilespmem:s16+$0xFFFFFFF0];
	_ =	sdelay $0x4  }
0x268: {  	v5 =	vmul.f32 $2.560000000e+02, v4;
	_ =	sdelay $0x1  }
0x269: {  	v5 =	vtrunc.f32 v5  }
0x26a: {  	v5 =	vcvt.f32.s32 v5;
	_ =	sdelay $0x1  }
0x26b: {  	vm7 =	vgt.s32 v5, $0x0  }
0x26c: {  	v5 =	vnsel vm7, $0x0, v5  }
0x26d: {  	v5 =	vmin.u32 v5, $0xFF  }
0x26e: {  	v5 =	vshll.u32 v5, $0x4  }
0x26f: {  	v55 =	vor.u32 v0, v5  }
0x270: {  	v5 =	vor.u32 v3, v5;
	_ =	sdelay $0x3  }
0x271: {  	[tilespmem:v55+s9+$0x0] =	vst.idx.add.f32.msk $0xffff, v2  }
0x272: {  	[tilespmem:v5+s9+$0x0] =	vst.idx.add.f32.msk $0xffff, v4  }
0x273: {  	v4 =	vld [tilespmem:s16+$0x0];
	_ =	sdelay $0x4  }
0x274: {  	v5 =	vmul.f32 $2.560000000e+02, v4;
	_ =	sdelay $0x1  }
0x275: {  	v5 =	vtrunc.f32 v5  }
0x276: {  	v5 =	vcvt.f32.s32 v5;
	_ =	sdelay $0x1  }
0x277: {  	vm8 =	vgt.s32 v5, $0x0  }
0x278: {  	v5 =	vnsel vm8, $0x0, v5  }
0x279: {  	v5 =	vmin.u32 v5, $0xFF  }
0x27a: {  	v5 =	vshll.u32 v5, $0x4  }
0x27b: {  	v56 =	vor.u32 v0, v5  }
0x27c: {  	v5 =	vor.u32 v3, v5;
	_ =	sdelay $0x3  }
0x27d: {  	[tilespmem:v56+s9+$0x0] =	vst.idx.add.f32.msk $0xffff, v2  }
0x27e: {  	[tilespmem:v5+s9+$0x0] =	vst.idx.add.f32.msk $0xffff, v4  }
0x27f: {  	v4 =	vld [tilespmem:s16+$0x10];
	_ =	sdelay $0x4  }
0x280: {  	v5 =	vmul.f32 $2.560000000e+02, v4;
	_ =	sdelay $0x1  }
0x281: {  	v5 =	vtrunc.f32 v5  }
0x282: {  	v5 =	vcvt.f32.s32 v5;
	_ =	sdelay $0x1  }
0x283: {  	vm9 =	vgt.s32 v5, $0x0  }
0x284: {  	v5 =	vnsel vm9, $0x0, v5  }
0x285: {  	v5 =	vmin.u32 v5, $0xFF  }
0x286: {  	v5 =	vshll.u32 v5, $0x4  }
0x287: {  	v57 =	vor.u32 v0, v5  }
0x288: {  	v5 =	vor.u32 v3, v5;
	_ =	sdelay $0x3  }
0x289: {  	[tilespmem:v57+s9+$0x0] =	vst.idx.add.f32.msk $0xffff, v2  }
0x28a: {  	[tilespmem:v5+s9+$0x0] =	vst.idx.add.f32.msk $0xffff, v4  }
0x28b: {  	v4 =	vld [tilespmem:s16+$0x20];
	_ =	sdelay $0x4  }
0x28c: {  	v5 =	vmul.f32 $2.560000000e+02, v4;
	_ =	sdelay $0x1  }
0x28d: {  	v5 =	vtrunc.f32 v5  }
0x28e: {  	v5 =	vcvt.f32.s32 v5;
	_ =	sdelay $0x1  }
0x28f: {  	vm10 =	vgt.s32 v5, $0x0  }
0x290: {  	v5 =	vnsel vm10, $0x0, v5  }
0x291: {  	v5 =	vmin.u32 v5, $0xFF  }
0x292: {  	v5 =	vshll.u32 v5, $0x4  }
0x293: {  	v58 =	vor.u32 v0, v5  }
0x294: {  	v5 =	vor.u32 v3, v5;
	_ =	sdelay $0x3  }
0x295: {  	[tilespmem:v58+s9+$0x0] =	vst.idx.add.f32.msk $0xffff, v2  }
0x296: {  	[tilespmem:v5+s9+$0x0] =	vst.idx.add.f32.msk $0xffff, v4  }
0x297: {  	v4 =	vld [tilespmem:s16+$0x30];
	_ =	sdelay $0x4  }
0x298: {  	v5 =	vmul.f32 $2.560000000e+02, v4;
	_ =	sdelay $0x1  }
0x299: {  	v5 =	vtrunc.f32 v5  }
0x29a: {  	v5 =	vcvt.f32.s32 v5;
	_ =	sdelay $0x1  }
0x29b: {  	vm11 =	vgt.s32 v5, $0x0  }
0x29c: {  	v5 =	vnsel vm11, $0x0, v5  }
0x29d: {  	v5 =	vmin.u32 v5, $0xFF  }
0x29e: {  	v5 =	vshll.u32 v5, $0x4  }
0x29f: {  	v59 =	vor.u32 v0, v5  }
0x2a0: {  	v5 =	vor.u32 v3, v5;
	_ =	sdelay $0x3  }
0x2a1: {  	[tilespmem:v59+s9+$0x0] =	vst.idx.add.f32.msk $0xffff, v2  }
0x2a2: {  	[tilespmem:v5+s9+$0x0] =	vst.idx.add.f32.msk $0xffff, v4  }
0x2a3: {  	v4 =	vld [tilespmem:s16+$0x40];
	_ =	sdelay $0x4  }
0x2a4: {  	v5 =	vmul.f32 $2.560000000e+02, v4;
	_ =	sdelay $0x1  }
0x2a5: {  	v5 =	vtrunc.f32 v5  }
0x2a6: {  	v5 =	vcvt.f32.s32 v5;
	_ =	sdelay $0x1  }
0x2a7: {  	vm12 =	vgt.s32 v5, $0x0  }
0x2a8: {  	v5 =	vnsel vm12, $0x0, v5  }
0x2a9: {  	v5 =	vmin.u32 v5, $0xFF  }
0x2aa: {  	v5 =	vshll.u32 v5, $0x4  }
0x2ab: {  	v60 =	vor.u32 v0, v5  }
0x2ac: {  	v5 =	vor.u32 v3, v5;
	_ =	sdelay $0x3  }
0x2ad: {  	[tilespmem:v60+s9+$0x0] =	vst.idx.add.f32.msk $0xffff, v2  }
0x2ae: {  	[tilespmem:v5+s9+$0x0] =	vst.idx.add.f32.msk $0xffff, v4  }
0x2af: {  	v4 =	vld [tilespmem:s16+$0x50];
	_ =	sdelay $0x4  }
0x2b0: {  	v5 =	vmul.f32 $2.560000000e+02, v4;
	_ =	sdelay $0x1  }
0x2b1: {  	v5 =	vtrunc.f32 v5  }
0x2b2: {  	v5 =	vcvt.f32.s32 v5;
	_ =	sdelay $0x1  }
0x2b3: {  	vm13 =	vgt.s32 v5, $0x0  }
0x2b4: {  	v5 =	vnsel vm13, $0x0, v5  }
0x2b5: {  	v5 =	vmin.u32 v5, $0xFF  }
0x2b6: {  	v5 =	vshll.u32 v5, $0x4  }
0x2b7: {  	v61 =	vor.u32 v0, v5  }
0x2b8: {  	v5 =	vor.u32 v3, v5;
	_ =	sdelay $0x3  }
0x2b9: {  	[tilespmem:v61+s9+$0x0] =	vst.idx.add.f32.msk $0xffff, v2  }
0x2ba: {  	[tilespmem:v5+s9+$0x0] =	vst.idx.add.f32.msk $0xffff, v4  }
0x2bb: {  	v4 =	vld [tilespmem:s16+$0x60];
	_ =	sdelay $0x4  }
0x2bc: {  	v5 =	vmul.f32 $2.560000000e+02, v4;
	_ =	sdelay $0x1  }
0x2bd: {  	v5 =	vtrunc.f32 v5  }
0x2be: {  	v5 =	vcvt.f32.s32 v5;
	_ =	sdelay $0x1  }
0x2bf: {  	vm14 =	vgt.s32 v5, $0x0  }
0x2c0: {  	v5 =	vnsel vm14, $0x0, v5  }
0x2c1: {  	v5 =	vmin.u32 v5, $0xFF  }
0x2c2: {  	v5 =	vshll.u32 v5, $0x4  }
0x2c3: {  	v62 =	vor.u32 v0, v5  }
0x2c4: {  	v5 =	vor.u32 v3, v5;
	_ =	sdelay $0x3  }
0x2c5: {  	[tilespmem:v62+s9+$0x0] =	vst.idx.add.f32.msk $0xffff, v2  }
0x2c6: {  	[tilespmem:v5+s9+$0x0] =	vst.idx.add.f32.msk $0xffff, v4  }
0x2c7: {  	v4 =	vld [tilespmem:s16+$0x70];
	_ =	sdelay $0x4  }
0x2c8: {  	v5 =	vmul.f32 $2.560000000e+02, v4;
	_ =	sdelay $0x1  }
0x2c9: {  	v5 =	vtrunc.f32 v5  }
0x2ca: {  	v5 =	vcvt.f32.s32 v5;
	_ =	sdelay $0x1  }
0x2cb: {  	vm15 =	vgt.s32 v5, $0x0  }
0x2cc: {  	v5 =	vnsel vm15, $0x0, v5  }
0x2cd: {  	v5 =	vmin.u32 v5, $0xFF  }
0x2ce: {  	v5 =	vshll.u32 v5, $0x4  }
0x2cf: {  	s15 =	sadd.s32 $0x10, s15;
	v63 =	vor.u32 v0, v5  }
0x2d0: {  	p0 =	slt.u32 s15, $0x610;
	v5 =	vor.u32 v3, v5  }
.Ltmp0:
0x2d1: {  	_ = 	snop;
	(pc) =	sbr.rel @p0 .LBB2_2-.Ltmp0, $3  }
0x2d2: {  	_ =	sdelay $0x1  }
0x2d3: {  	[tilespmem:v63+s9+$0x0] =	vst.idx.add.f32.msk $0xffff, v2  }
0x2d4: {  	s16 =	sadd.s32 $0x100, s16;
	[tilespmem:v5+s9+$0x0] =	vst.idx.add.f32.msk $0xffff, v4  }
0x2d5: {  	_ =	swait.ge [sflag:s10], $0x6200  }
0x2d6: {  	[sflag:s10] =	ssyncset.done $0x0  }
0x2d7: {  	s15 =	simm.s32 $0xFFFFFFF0;
	s16 =	simm.s32 $0x6280;
	[sflag:s10] =	ssyncadd.s32 $0xFFFF9E00  }
.LBB2_4:
0x2d8: {  	v4 =	vld [tilespmem:s16+$0xFFFFFF80];
	_ =	sdelay $0x4  }
0x2d9: {  	v5 =	vmul.f32 $2.560000000e+02, v4;
	_ =	sdelay $0x1  }
0x2da: {  	v5 =	vtrunc.f32 v5  }
0x2db: {  	v5 =	vcvt.f32.s32 v5;
	_ =	sdelay $0x1  }
0x2dc: {  	vm0 =	vgt.s32 v5, $0x0  }
0x2dd: {  	v5 =	vnsel vm0, $0x0, v5  }
0x2de: {  	v5 =	vmin.u32 v5, $0xFF  }
0x2df: {  	v5 =	vshll.u32 v5, $0x4  }
0x2e0: {  	v6 =	vor.u32 v0, v5  }
0x2e1: {  	v5 =	vor.u32 v3, v5;
	_ =	sdelay $0x3  }
0x2e2: {  	[tilespmem:v6+s9+$0x0] =	vst.idx.add.f32.msk $0xffff, v2  }
0x2e3: {  	[tilespmem:v5+s9+$0x0] =	vst.idx.add.f32.msk $0xffff, v4  }
0x2e4: {  	v4 =	vld [tilespmem:s16+$0xFFFFFF90];
	_ =	sdelay $0x4  }
0x2e5: {  	v5 =	vmul.f32 $2.560000000e+02, v4;
	_ =	sdelay $0x1  }
0x2e6: {  	v5 =	vtrunc.f32 v5  }
0x2e7: {  	v5 =	vcvt.f32.s32 v5;
	_ =	sdelay $0x1  }
0x2e8: {  	vm13 =	vgt.s32 v5, $0x0  }
0x2e9: {  	v5 =	vnsel vm13, $0x0, v5  }
0x2ea: {  	v5 =	vmin.u32 v5, $0xFF  }
0x2eb: {  	v5 =	vshll.u32 v5, $0x4  }
0x2ec: {  	v49 =	vor.u32 v0, v5  }
0x2ed: {  	v5 =	vor.u32 v3, v5;
	_ =	sdelay $0x3  }
0x2ee: {  	[tilespmem:v49+s9+$0x0] =	vst.idx.add.f32.msk $0xffff, v2  }
0x2ef: {  	[tilespmem:v5+s9+$0x0] =	vst.idx.add.f32.msk $0xffff, v4  }
0x2f0: {  	v4 =	vld [tilespmem:s16+$0xFFFFFFA0];
	_ =	sdelay $0x4  }
0x2f1: {  	v5 =	vmul.f32 $2.560000000e+02, v4;
	_ =	sdelay $0x1  }
0x2f2: {  	v5 =	vtrunc.f32 v5  }
0x2f3: {  	v5 =	vcvt.f32.s32 v5;
	_ =	sdelay $0x1  }
0x2f4: {  	vm14 =	vgt.s32 v5, $0x0  }
0x2f5: {  	v5 =	vnsel vm14, $0x0, v5  }
0x2f6: {  	v5 =	vmin.u32 v5, $0xFF  }
0x2f7: {  	v5 =	vshll.u32 v5, $0x4  }
0x2f8: {  	v50 =	vor.u32 v0, v5  }
0x2f9: {  	v5 =	vor.u32 v3, v5;
	_ =	sdelay $0x3  }
0x2fa: {  	[tilespmem:v50+s9+$0x0] =	vst.idx.add.f32.msk $0xffff, v2  }
0x2fb: {  	[tilespmem:v5+s9+$0x0] =	vst.idx.add.f32.msk $0xffff, v4  }
0x2fc: {  	v4 =	vld [tilespmem:s16+$0xFFFFFFB0];
	_ =	sdelay $0x4  }
0x2fd: {  	v5 =	vmul.f32 $2.560000000e+02, v4;
	_ =	sdelay $0x1  }
0x2fe: {  	v5 =	vtrunc.f32 v5  }
0x2ff: {  	v5 =	vcvt.f32.s32 v5;
	_ =	sdelay $0x1  }
0x300: {  	vm15 =	vgt.s32 v5, $0x0  }
0x301: {  	v5 =	vnsel vm15, $0x0, v5  }
0x302: {  	v5 =	vmin.u32 v5, $0xFF  }
0x303: {  	v5 =	vshll.u32 v5, $0x4  }
0x304: {  	v51 =	vor.u32 v0, v5  }
0x305: {  	v5 =	vor.u32 v3, v5;
	_ =	sdelay $0x3  }
0x306: {  	[tilespmem:v51+s9+$0x0] =	vst.idx.add.f32.msk $0xffff, v2  }
0x307: {  	[tilespmem:v5+s9+$0x0] =	vst.idx.add.f32.msk $0xffff, v4  }
0x308: {  	v4 =	vld [tilespmem:s16+$0xFFFFFFC0];
	_ =	sdelay $0x4  }
0x309: {  	v5 =	vmul.f32 $2.560000000e+02, v4;
	_ =	sdelay $0x1  }
0x30a: {  	v5 =	vtrunc.f32 v5  }
0x30b: {  	v5 =	vcvt.f32.s32 v5;
	_ =	sdelay $0x1  }
0x30c: {  	vm4 =	vgt.s32 v5, $0x0  }
0x30d: {  	v5 =	vnsel vm4, $0x0, v5  }
0x30e: {  	v5 =	vmin.u32 v5, $0xFF  }
0x30f: {  	v5 =	vshll.u32 v5, $0x4  }
0x310: {  	v52 =	vor.u32 v0, v5  }
0x311: {  	v5 =	vor.u32 v3, v5;
	_ =	sdelay $0x3  }
0x312: {  	[tilespmem:v52+s9+$0x0] =	vst.idx.add.f32.msk $0xffff, v2  }
0x313: {  	[tilespmem:v5+s9+$0x0] =	vst.idx.add.f32.msk $0xffff, v4  }
0x314: {  	v4 =	vld [tilespmem:s16+$0xFFFFFFD0];
	_ =	sdelay $0x4  }
0x315: {  	v5 =	vmul.f32 $2.560000000e+02, v4;
	_ =	sdelay $0x1  }
0x316: {  	v5 =	vtrunc.f32 v5  }
0x317: {  	v5 =	vcvt.f32.s32 v5;
	_ =	sdelay $0x1  }
0x318: {  	vm5 =	vgt.s32 v5, $0x0  }
0x319: {  	v5 =	vnsel vm5, $0x0, v5  }
0x31a: {  	v5 =	vmin.u32 v5, $0xFF  }
0x31b: {  	v5 =	vshll.u32 v5, $0x4  }
0x31c: {  	v53 =	vor.u32 v0, v5  }
0x31d: {  	v5 =	vor.u32 v3, v5;
	_ =	sdelay $0x3  }
0x31e: {  	[tilespmem:v53+s9+$0x0] =	vst.idx.add.f32.msk $0xffff, v2  }
0x31f: {  	[tilespmem:v5+s9+$0x0] =	vst.idx.add.f32.msk $0xffff, v4  }
0x320: {  	v4 =	vld [tilespmem:s16+$0xFFFFFFE0];
	_ =	sdelay $0x4  }
0x321: {  	v5 =	vmul.f32 $2.560000000e+02, v4;
	_ =	sdelay $0x1  }
0x322: {  	v5 =	vtrunc.f32 v5  }
0x323: {  	v5 =	vcvt.f32.s32 v5;
	_ =	sdelay $0x1  }
0x324: {  	vm6 =	vgt.s32 v5, $0x0  }
0x325: {  	v5 =	vnsel vm6, $0x0, v5  }
0x326: {  	v5 =	vmin.u32 v5, $0xFF  }
0x327: {  	v5 =	vshll.u32 v5, $0x4  }
0x328: {  	v54 =	vor.u32 v0, v5  }
0x329: {  	v5 =	vor.u32 v3, v5;
	_ =	sdelay $0x3  }
0x32a: {  	[tilespmem:v54+s9+$0x0] =	vst.idx.add.f32.msk $0xffff, v2  }
0x32b: {  	[tilespmem:v5+s9+$0x0] =	vst.idx.add.f32.msk $0xffff, v4  }
0x32c: {  	v4 =	vld [tilespmem:s16+$0xFFFFFFF0];
	_ =	sdelay $0x4  }
0x32d: {  	v5 =	vmul.f32 $2.560000000e+02, v4;
	_ =	sdelay $0x1  }
0x32e: {  	v5 =	vtrunc.f32 v5  }
0x32f: {  	v5 =	vcvt.f32.s32 v5;
	_ =	sdelay $0x1  }
0x330: {  	vm7 =	vgt.s32 v5, $0x0  }
0x331: {  	v5 =	vnsel vm7, $0x0, v5  }
0x332: {  	v5 =	vmin.u32 v5, $0xFF  }
0x333: {  	v5 =	vshll.u32 v5, $0x4  }
0x334: {  	v55 =	vor.u32 v0, v5  }
0x335: {  	v5 =	vor.u32 v3, v5;
	_ =	sdelay $0x3  }
0x336: {  	[tilespmem:v55+s9+$0x0] =	vst.idx.add.f32.msk $0xffff, v2  }
0x337: {  	[tilespmem:v5+s9+$0x0] =	vst.idx.add.f32.msk $0xffff, v4  }
0x338: {  	v4 =	vld [tilespmem:s16+$0x0];
	_ =	sdelay $0x4  }
0x339: {  	v5 =	vmul.f32 $2.560000000e+02, v4;
	_ =	sdelay $0x1  }
0x33a: {  	v5 =	vtrunc.f32 v5  }
0x33b: {  	v5 =	vcvt.f32.s32 v5;
	_ =	sdelay $0x1  }
0x33c: {  	vm8 =	vgt.s32 v5, $0x0  }
0x33d: {  	v5 =	vnsel vm8, $0x0, v5  }
0x33e: {  	v5 =	vmin.u32 v5, $0xFF  }
0x33f: {  	v5 =	vshll.u32 v5, $0x4  }
0x340: {  	v56 =	vor.u32 v0, v5  }
0x341: {  	v5 =	vor.u32 v3, v5;
	_ =	sdelay $0x3  }
0x342: {  	[tilespmem:v56+s9+$0x0] =	vst.idx.add.f32.msk $0xffff, v2  }
0x343: {  	[tilespmem:v5+s9+$0x0] =	vst.idx.add.f32.msk $0xffff, v4  }
0x344: {  	v4 =	vld [tilespmem:s16+$0x10];
	_ =	sdelay $0x4  }
0x345: {  	v5 =	vmul.f32 $2.560000000e+02, v4;
	_ =	sdelay $0x1  }
0x346: {  	v5 =	vtrunc.f32 v5  }
0x347: {  	v5 =	vcvt.f32.s32 v5;
	_ =	sdelay $0x1  }
0x348: {  	vm9 =	vgt.s32 v5, $0x0  }
0x349: {  	v5 =	vnsel vm9, $0x0, v5  }
0x34a: {  	v5 =	vmin.u32 v5, $0xFF  }
0x34b: {  	v5 =	vshll.u32 v5, $0x4  }
0x34c: {  	v57 =	vor.u32 v0, v5  }
0x34d: {  	v5 =	vor.u32 v3, v5;
	_ =	sdelay $0x3  }
0x34e: {  	[tilespmem:v57+s9+$0x0] =	vst.idx.add.f32.msk $0xffff, v2  }
0x34f: {  	[tilespmem:v5+s9+$0x0] =	vst.idx.add.f32.msk $0xffff, v4  }
0x350: {  	v4 =	vld [tilespmem:s16+$0x20];
	_ =	sdelay $0x4  }
0x351: {  	v5 =	vmul.f32 $2.560000000e+02, v4;
	_ =	sdelay $0x1  }
0x352: {  	v5 =	vtrunc.f32 v5  }
0x353: {  	v5 =	vcvt.f32.s32 v5;
	_ =	sdelay $0x1  }
0x354: {  	vm10 =	vgt.s32 v5, $0x0  }
0x355: {  	v5 =	vnsel vm10, $0x0, v5  }
0x356: {  	v5 =	vmin.u32 v5, $0xFF  }
0x357: {  	v5 =	vshll.u32 v5, $0x4  }
0x358: {  	v58 =	vor.u32 v0, v5  }
0x359: {  	v5 =	vor.u32 v3, v5;
	_ =	sdelay $0x3  }
0x35a: {  	[tilespmem:v58+s9+$0x0] =	vst.idx.add.f32.msk $0xffff, v2  }
0x35b: {  	[tilespmem:v5+s9+$0x0] =	vst.idx.add.f32.msk $0xffff, v4  }
0x35c: {  	v4 =	vld [tilespmem:s16+$0x30];
	_ =	sdelay $0x4  }
0x35d: {  	v5 =	vmul.f32 $2.560000000e+02, v4;
	_ =	sdelay $0x1  }
0x35e: {  	v5 =	vtrunc.f32 v5  }
0x35f: {  	v5 =	vcvt.f32.s32 v5;
	_ =	sdelay $0x1  }
0x360: {  	vm11 =	vgt.s32 v5, $0x0  }
0x361: {  	v5 =	vnsel vm11, $0x0, v5  }
0x362: {  	v5 =	vmin.u32 v5, $0xFF  }
0x363: {  	v5 =	vshll.u32 v5, $0x4  }
0x364: {  	v59 =	vor.u32 v0, v5  }
0x365: {  	v5 =	vor.u32 v3, v5;
	_ =	sdelay $0x3  }
0x366: {  	[tilespmem:v59+s9+$0x0] =	vst.idx.add.f32.msk $0xffff, v2  }
0x367: {  	[tilespmem:v5+s9+$0x0] =	vst.idx.add.f32.msk $0xffff, v4  }
0x368: {  	v4 =	vld [tilespmem:s16+$0x40];
	_ =	sdelay $0x4  }
0x369: {  	v5 =	vmul.f32 $2.560000000e+02, v4;
	_ =	sdelay $0x1  }
0x36a: {  	v5 =	vtrunc.f32 v5  }
0x36b: {  	v5 =	vcvt.f32.s32 v5;
	_ =	sdelay $0x1  }
0x36c: {  	vm12 =	vgt.s32 v5, $0x0  }
0x36d: {  	v5 =	vnsel vm12, $0x0, v5  }
0x36e: {  	v5 =	vmin.u32 v5, $0xFF  }
0x36f: {  	v5 =	vshll.u32 v5, $0x4  }
0x370: {  	v60 =	vor.u32 v0, v5  }
0x371: {  	v5 =	vor.u32 v3, v5;
	_ =	sdelay $0x3  }
0x372: {  	[tilespmem:v60+s9+$0x0] =	vst.idx.add.f32.msk $0xffff, v2  }
0x373: {  	[tilespmem:v5+s9+$0x0] =	vst.idx.add.f32.msk $0xffff, v4  }
0x374: {  	v4 =	vld [tilespmem:s16+$0x50];
	_ =	sdelay $0x4  }
0x375: {  	v5 =	vmul.f32 $2.560000000e+02, v4;
	_ =	sdelay $0x1  }
0x376: {  	v5 =	vtrunc.f32 v5  }
0x377: {  	v5 =	vcvt.f32.s32 v5;
	_ =	sdelay $0x1  }
0x378: {  	vm13 =	vgt.s32 v5, $0x0  }
0x379: {  	v5 =	vnsel vm13, $0x0, v5  }
0x37a: {  	v5 =	vmin.u32 v5, $0xFF  }
0x37b: {  	v5 =	vshll.u32 v5, $0x4  }
0x37c: {  	v61 =	vor.u32 v0, v5  }
0x37d: {  	v5 =	vor.u32 v3, v5;
	_ =	sdelay $0x3  }
0x37e: {  	[tilespmem:v61+s9+$0x0] =	vst.idx.add.f32.msk $0xffff, v2  }
0x37f: {  	[tilespmem:v5+s9+$0x0] =	vst.idx.add.f32.msk $0xffff, v4  }
0x380: {  	v4 =	vld [tilespmem:s16+$0x60];
	_ =	sdelay $0x4  }
0x381: {  	v5 =	vmul.f32 $2.560000000e+02, v4;
	_ =	sdelay $0x1  }
0x382: {  	v5 =	vtrunc.f32 v5  }
0x383: {  	v5 =	vcvt.f32.s32 v5;
	_ =	sdelay $0x1  }
0x384: {  	vm14 =	vgt.s32 v5, $0x0  }
0x385: {  	v5 =	vnsel vm14, $0x0, v5  }
0x386: {  	v5 =	vmin.u32 v5, $0xFF  }
0x387: {  	v5 =	vshll.u32 v5, $0x4  }
0x388: {  	v62 =	vor.u32 v0, v5  }
0x389: {  	v5 =	vor.u32 v3, v5;
	_ =	sdelay $0x3  }
0x38a: {  	[tilespmem:v62+s9+$0x0] =	vst.idx.add.f32.msk $0xffff, v2  }
0x38b: {  	[tilespmem:v5+s9+$0x0] =	vst.idx.add.f32.msk $0xffff, v4  }
0x38c: {  	v4 =	vld [tilespmem:s16+$0x70];
	_ =	sdelay $0x4  }
0x38d: {  	v5 =	vmul.f32 $2.560000000e+02, v4;
	_ =	sdelay $0x1  }
0x38e: {  	v5 =	vtrunc.f32 v5  }
0x38f: {  	v5 =	vcvt.f32.s32 v5;
	_ =	sdelay $0x1  }
0x390: {  	vm15 =	vgt.s32 v5, $0x0  }
0x391: {  	v5 =	vnsel vm15, $0x0, v5  }
0x392: {  	v5 =	vmin.u32 v5, $0xFF  }
0x393: {  	v5 =	vshll.u32 v5, $0x4  }
0x394: {  	s15 =	sadd.s32 $0x10, s15;
	v63 =	vor.u32 v0, v5  }
0x395: {  	p0 =	slt.u32 s15, $0x610;
	v5 =	vor.u32 v3, v5  }
.Ltmp1:
0x396: {  	_ = 	snop;
	(pc) =	sbr.rel @p0 .LBB2_4-.Ltmp1, $3  }
0x397: {  	_ =	sdelay $0x1  }
0x398: {  	[tilespmem:v63+s9+$0x0] =	vst.idx.add.f32.msk $0xffff, v2  }
0x399: {  	s16 =	sadd.s32 $0x100, s16;
	[tilespmem:v5+s9+$0x0] =	vst.idx.add.f32.msk $0xffff, v4  }
0x39a: {  	s14 =	sadd.s32 $0x1, s14  }
0x39b: {  	p0 =	sne.s32 s14, s6  }
.Ltmp2:
0x39c: {  	_ = 	snop;
	(pc) =	sbr.rel @p0 .LBB2_1-.Ltmp2, $4  }
0x39d: {  	[hbm4b:s5+s11] =	stream.strided.scatter [tilespmem:s9], [sflag:$0x3], $0x2000, s12, s11, $0x38;
	[tilespmem:$0xE400] =	vst v63  }
0x39e: {  	_ =	swait.ge [sflag:s13], $0x2000  }
0x39f: {  	[sflag:s13] =	ssyncset.done $0x0  }
0x3a0: {  	[sflag:s13] =	ssyncadd.s32 $0xFFFFE000  }
0x3a1: {  	_ =	sfence.sel $0x180000  }
0x3a2: {  	[bflag:$0x0] =	sbarrier.arrive $0xFFFF  }
0x3a3: {  	p0 =	sne.s32 s0, $0x0;
	_ =	strace $0x90000047  }
0x3a4: {  	s0 =	sadd.s32 @!p0 $0x100000, s1;
	[bflag:$0x2] =	sbarrier.arrive $0xFFFF  }
0x3a5: {  	[sflag:s0] =	ssyncadd.tile.s32 @!p0 $0x1;
	_ =	shalt  }
.Lfunc_end2:
_tile_overlayer_lowered:
.L_overlay_start_2:
0x3a6: {  	(tag) =	ssettag $0x2  }
0x3a7: {  	s0 =	rddreg [dreg:$0x0];
	s2 =	stileid.u32  }
0x3a8: {  	s1 =	rddreg [dreg:$0x1];
	p0 =	sne.s32 s2, $0x0  }
0x3a9: {  	s3 =	rddreg [dreg:$0x2];
	[bflag:$0x3] =	sbarrier.arrive $0xFFFF;
	s2 =	simm.s32 @!p0 $0x1C03  }
0x3aa: {  	[timem:s3], [sflag:s2] =	dma.local @!p0 [hbm:s0], s1  }
0x3ab: {  	s0 =	simm.s32 @!p0 $0x3  }
0x3ac: {  	_ =	swait.ge @!p0 [sflag:s0], s1  }
0x3ad: {  	s1 =	ssub.s32 @!p0 $0x0, s1;
	[sflag:s0] =	ssyncset.done @!p0 $0x0  }
0x3ae: {  	[sflag:s0] =	ssyncadd.s32 @!p0 s1  }
0x3af: {  	[bflag:$0x3] =	sbarrier.arrive $0xFFFF  }
0x3b0: {  	_ =	shalt  }

</sc_bundles>
